<compile_context>
chip_gen: v7x
topology: tpu7x:2x2x1
jax: 0.10.2.dev20260603
libtpu: 0.0.44.dev20260713+nightly
codegen_flags: <defaults>
</compile_context>

<pallas_src>
import functools

import jax
import jax.numpy as jnp
from jax import lax
from jax.experimental import pallas as pl
from jax.experimental.pallas import tpu as pltpu
from jax.experimental.pallas import tpu_sc as plsc

V = 10000
R = 10016
D = 128
DH = 64
E = 320000
RPT = R // 16

CH = 64
NBUF = 2
NCHT = 314
CHT = 64
NGRP = NCHT // NBUF

CHD = 128
NCHD = 80
EPADD = 32 * NCHD * CHD


def _deg_kernel(gidx3, sidx3, ones_rows, zeros16):
  mesh = plsc.VectorSubcoreMesh(core_axis_name="c", subcore_axis_name="s")

  @functools.partial(
      pl.kernel,
      mesh=mesh,
      out_type=jax.ShapeDtypeStruct((2, 2, R, 16), jnp.float32),
      compiler_params=pltpu.CompilerParams(use_tc_tiling_on_sc=False),
      scratch_types=[
          pltpu.VMEM((NCHD, CHD), jnp.int32),
          pltpu.VMEM((NCHD, CHD), jnp.int32),
          pltpu.VMEM((CHD, 16), jnp.float32),
          pltpu.VMEM_SHARED((R, 16), jnp.float32),
          pltpu.VMEM_SHARED((R, 16), jnp.float32),
      ] + [pltpu.SemaphoreType.DMA] * 4,
  )
  def k(gidx_hbm, sidx_hbm, ones_hbm, zeros_hbm, out_hbm,
        gi2, si2, ones_v, acce, accv, e0, e1, v0, v1):
    seme = [e0, e1]
    semv = [v0, v1]
    c = lax.axis_index("c")
    s = lax.axis_index("s")
    wid = s * 2 + c
    rslc = pl.ds(s * RPT, RPT)
    pltpu.sync_copy(zeros_hbm.at[rslc], acce.at[rslc])
    pltpu.sync_copy(zeros_hbm.at[rslc], accv.at[rslc])
    pltpu.sync_copy(ones_hbm, ones_v)
    pltpu.sync_copy(gidx_hbm.at[wid], gi2)
    pltpu.sync_copy(sidx_hbm.at[wid], si2)
    plsc.subcore_barrier()

    def estart(t, b):
      pltpu.async_copy(ones_v, acce.at[si2.at[t]], seme[b], add=True)

    def vstart(t, b):
      pltpu.async_copy(ones_v, accv.at[gi2.at[t]], semv[b], add=True)

    def ewait(t, b):
      pltpu.make_async_copy(ones_v, acce.at[si2.at[t]], seme[b]).wait()

    def vwait(t, b):
      pltpu.make_async_copy(ones_v, accv.at[gi2.at[t]], semv[b]).wait()

    for b in range(2):
      estart(b, b)
      vstart(b, b)

    def group(m, carry):
      t0 = 2 * m
      for b in range(2):
        ewait(t0 - 2 + b, b)
        vwait(t0 - 2 + b, b)
        estart(t0 + b, b)
        vstart(t0 + b, b)
      return carry

    lax.fori_loop(1, NCHD // 2, group, 0)
    for b in range(2):
      ewait(NCHD - 2 + b, b)
      vwait(NCHD - 2 + b, b)
    plsc.subcore_barrier()
    pltpu.sync_copy(acce.at[rslc], out_hbm.at[0, c, rslc])
    pltpu.sync_copy(accv.at[rslc], out_hbm.at[1, c, rslc])

  return k(gidx3, sidx3, ones_rows, zeros16)


def _sc_both_passes(table, gidx3, sidx3, zeros_half, dege):
  mesh = plsc.VectorSubcoreMesh(core_axis_name="c", subcore_axis_name="s")

  @functools.partial(
      pl.kernel,
      mesh=mesh,
      out_type=jax.ShapeDtypeStruct((2, R, DH), jnp.float32),
      compiler_params=pltpu.CompilerParams(use_tc_tiling_on_sc=False),
      scratch_types=[
          pltpu.VMEM((NCHT, CH), jnp.int32),
          pltpu.VMEM((NCHT, CH), jnp.int32),
      ] + [pltpu.VMEM((CH, DH), jnp.float32)] * NBUF
        + [pltpu.VMEM((CHT, 16), jnp.float32),
           pltpu.VMEM((CHT, 16), jnp.float32),
           pltpu.VMEM_SHARED((R, DH), jnp.float32),
           pltpu.VMEM_SHARED((R, DH), jnp.float32)]
        + [pltpu.SemaphoreType.DMA] * (2 * NBUF),
  )
  def k(table_hbm, gidx_hbm, sidx_hbm, zeros_hbm, dege_hbm, out_hbm,
        *scratch):
    gi2, si2 = scratch[0], scratch[1]
    rows = list(scratch[2:2 + NBUF])
    d0buf = scratch[2 + NBUF]
    d1buf = scratch[3 + NBUF]
    tbl = scratch[4 + NBUF]
    acc = scratch[5 + NBUF]
    gsem = list(scratch[6 + NBUF:6 + 2 * NBUF])
    ssem = list(scratch[6 + 2 * NBUF:6 + 3 * NBUF])
    c = lax.axis_index("c")
    s = lax.axis_index("s")
    rslc = pl.ds(s * RPT, RPT)
    pltpu.sync_copy(table_hbm.at[rslc, pl.ds(c * DH, DH)], tbl.at[rslc])
    pltpu.sync_copy(zeros_hbm.at[rslc], acc.at[rslc])
    pltpu.sync_copy(gidx_hbm.at[s], gi2)
    pltpu.sync_copy(sidx_hbm.at[s], si2)
    plsc.subcore_barrier()

    def run_pass(gidx, sidx):
      def gstart(t, b):
        return pltpu.async_copy(tbl.at[gidx.at[t]], rows[b], gsem[b])

      def sstart(t, b):
        return pltpu.async_copy(rows[b], acc.at[sidx.at[t]], ssem[b],
                                add=True)

      def swait(t, b):
        pltpu.make_async_copy(rows[b], acc.at[sidx.at[t]], ssem[b]).wait()

      gd = [gstart(b, b) for b in range(NBUF)]
      for b in range(NBUF):
        gd[b].wait()
        sstart(b, b)

      def group(g, carry):
        t0 = g * NBUF
        gd = []
        for b in range(NBUF):
          swait(t0 - NBUF + b, b)
          gd.append(gstart(t0 + b, b))
        for b in range(NBUF):
          gd[b].wait()
          sstart(t0 + b, b)
        return carry

      lax.fori_loop(1, NGRP, group, 0)
      for b in range(NBUF):
        swait((NGRP - 1) * NBUF + b, b)

    run_pass(gi2, si2)
    plsc.subcore_barrier()

    def transform(row0, n):
      pltpu.sync_copy(acc.at[pl.ds(row0, n)], rows[0].at[pl.ds(0, n)])
      pltpu.sync_copy(dege_hbm.at[0, pl.ds(row0, n)], d0buf.at[pl.ds(0, n)])
      pltpu.sync_copy(dege_hbm.at[1, pl.ds(row0, n)], d1buf.at[pl.ds(0, n)])

      def row_body(r, carry):
        dvec = d0buf[r, pl.ds(0, 16)] + d1buf[r, pl.ds(0, 16)]
        invvec = jnp.where(dvec > 0.0, 1.0 / dvec, 0.0)
        inv = invvec[0]
        for kcol in range(DH // 16):
          cs = pl.ds(kcol * 16, 16)
          rows[1][r, cs] = jnp.maximum(rows[0][r, cs] * inv, 0.0)
        return carry

      lax.fori_loop(0, n, row_body, 0)
      pltpu.sync_copy(rows[1].at[pl.ds(0, n)], tbl.at[pl.ds(row0, n)])

    base = s * RPT
    nfull = RPT // CHT
    for ci in range(nfull):
      transform(base + ci * CHT, CHT)
    tail = RPT - nfull * CHT
    if tail:
      transform(base + nfull * CHT, tail)
    pltpu.sync_copy(zeros_hbm.at[rslc], acc.at[rslc])
    plsc.subcore_barrier()

    run_pass(si2, gi2)
    plsc.subcore_barrier()
    pltpu.sync_copy(acc.at[rslc], out_hbm.at[c, rslc])

  return k(table, gidx3, sidx3, zeros_half, dege)


def _combine2(q0, q1, d0, d1):
  def body(q0_ref, q1_ref, d0_ref, d1_ref, o_ref):
    deg = d0_ref[...][:, :1] + d1_ref[...][:, :1]
    inv = jnp.where(deg > 0.0, 1.0 / deg, 0.0)
    y0 = jnp.maximum(q0_ref[...] * inv, 0.0)
    y1 = jnp.maximum(q1_ref[...] * inv, 0.0)
    n2 = jnp.sum(y0 * y0, axis=1, keepdims=True) + jnp.sum(
        y1 * y1, axis=1, keepdims=True)
    scale = 1.0 / jnp.maximum(jnp.sqrt(n2), 1e-12)
    o_ref[:, :DH] = y0 * scale
    o_ref[:, DH:] = y1 * scale

  grid = 25
  blk = V // grid
  return pl.pallas_call(
      body,
      grid=(grid,),
      in_specs=[pl.BlockSpec((blk, DH), lambda i: (i, 0)),
                pl.BlockSpec((blk, DH), lambda i: (i, 0)),
                pl.BlockSpec((blk, 16), lambda i: (i, 0)),
                pl.BlockSpec((blk, 16), lambda i: (i, 0))],
      out_specs=pl.BlockSpec((blk, D), lambda i: (i, 0)),
      out_shape=jax.ShapeDtypeStruct((V, D), jnp.float32),
  )(q0, q1, d0, d1)


def _tile_layout(idx):
  cap = 16 * NCHT * CH
  flat = jnp.concatenate([idx, jnp.full((cap - E,), V, jnp.int32)])
  return flat.reshape(16, NCHT, CH)


def kernel(x, edge):
  edge_j = edge[0]
  edge_i = edge[1]

  gj = _tile_layout(edge_j)
  si = _tile_layout(edge_i)

  npadd = EPADD - E
  shp = (32, NCHD, CHD)
  gd = jnp.concatenate([edge_j, jnp.full((npadd,), V, jnp.int32)]).reshape(shp)
  sd = jnp.concatenate([edge_i, jnp.full((npadd,), V, jnp.int32)]).reshape(shp)

  zeros_half = jnp.zeros((R, DH), jnp.float32)
  zeros16 = jnp.zeros((R, 16), jnp.float32)
  ones_rows = jnp.zeros((CHD, 16), jnp.float32).at[:, 0].set(1.0)
  xa = jnp.zeros((R, D), jnp.float32).at[:V].set(x)

  deg = _deg_kernel(gd, sd, ones_rows, zeros16)
  q = _sc_both_passes(xa, gj, si, zeros_half, deg[0])
  return _combine2(q[0], q[1], deg[1, 0], deg[1, 1])

# --- scband reference (transcript-rebuilt; emitter-appended) ---
"""Pipeline reference for scband-gcn-v2-e2-v-layer-66022237274402 (READ-ONLY COPY).

The authoritative reference and input builder live on the scoring server;
editing this copy changes nothing except your own understanding.
"""

import jax, jax.numpy as jnp
import numpy as np

SIZE_V = 10000
SIZE_E = 10000
E = 320000
D = 128


def setup_inputs(seed: int = 0) -> dict:
    key = jax.random.key(seed)
    k1, k2 = jax.random.split(key)
    x = jax.random.normal(k1, (SIZE_V, D), dtype=jnp.float32)
    edge = jax.random.randint(k2, (3, E), 0, SIZE_V, dtype=jnp.int32)
    return {"x": x, "edge": edge}


def reference(x, edge):
    # edge row 0: node index (edge_j), row 1: hyperedge index (edge_i), row 2: unused
    edge_j = edge[0]
    edge_i = edge[1]
    # v2e: m[edge_i, edge_j] = 1/deg_e[edge_i]; x_e = m @ x_v; relu
    deg_e = jnp.zeros((SIZE_E,), dtype=x.dtype).at[edge_i].add(1.0)
    w_e = (1.0 / deg_e)[edge_i]
    x_e = jnp.zeros((SIZE_E, x.shape[1]), dtype=x.dtype).at[edge_i].add(w_e[:, None] * x[edge_j])
    x_e = jax.nn.relu(x_e)
    # e2v: m[edge_j, edge_i] = 1/deg_v[edge_j]; x_v = m @ x_e; relu
    deg_v = jnp.zeros((SIZE_V,), dtype=x.dtype).at[edge_j].add(1.0)
    w_v = (1.0 / deg_v)[edge_j]
    x_v = jnp.zeros((SIZE_V, x_e.shape[1]), dtype=x.dtype).at[edge_j].add(w_v[:, None] * x_e[edge_i])
    x_v = jax.nn.relu(x_v)
    # F.normalize(x, dim=1, p=2): x / max(||x||_2, eps)
    norm = jnp.linalg.norm(x_v, ord=2, axis=1, keepdims=True)
    x_v = x_v / jnp.maximum(norm, 1e-12)
    return x_v

if __name__ == "__main__":
    import jax
    _d = setup_inputs()
    print(jax.jit(kernel)(*tuple(_d.values())))

</pallas_src>

<mosaic_0001>
#map = affine_map<(d0, d1) -> (0, 0)>
#map1 = affine_map<(d0, d1) -> (0, 0, 0)>
module attributes {stable_mosaic.version = 14 : i64} {
  func.func @k(%arg0: i32, %arg1: i32, %arg2: memref<10016x128xf32, #tpu.memory_space<hbm>>, %arg3: memref<16x314x64xi32, #tpu.memory_space<hbm>>, %arg4: memref<16x314x64xi32, #tpu.memory_space<hbm>>, %arg5: memref<10016x64xf32, #tpu.memory_space<hbm>>, %arg6: memref<2x10016x16xf32, #tpu.memory_space<hbm>>, %arg7: memref<2x10016x64xf32, #tpu.memory_space<hbm>>, %arg8: memref<314x64xi32, #tpu.memory_space<vmem>>, %arg9: memref<314x64xi32, #tpu.memory_space<vmem>>, %arg10: memref<64x64xf32, #tpu.memory_space<vmem>>, %arg11: memref<64x64xf32, #tpu.memory_space<vmem>>, %arg12: memref<64x16xf32, #tpu.memory_space<vmem>>, %arg13: memref<64x16xf32, #tpu.memory_space<vmem>>, %arg14: memref<10016x64xf32, #tpu.memory_space<vmem_shared>>, %arg15: memref<10016x64xf32, #tpu.memory_space<vmem_shared>>, %arg16: memref<!tpu.dma_semaphore, #tpu.memory_space<semaphore_mem>>, %arg17: memref<!tpu.dma_semaphore, #tpu.memory_space<semaphore_mem>>, %arg18: memref<!tpu.dma_semaphore, #tpu.memory_space<semaphore_mem>>, %arg19: memref<!tpu.dma_semaphore, #tpu.memory_space<semaphore_mem>>) attributes {dimension_semantics = [#tpu.dimension_semantics<core_parallel>, #tpu.dimension_semantics<subcore_parallel>], iteration_bounds = array<i64: 2, 16>, scalar_prefetch = 0 : i64, scratch_operands = 12 : i64, tpu.core_type = #tpu.core_type<sc_vector_subcore>, window_params = [{transform_indices = #map}, {transform_indices = #map1}, {transform_indices = #map1}, {transform_indices = #map}, {transform_indices = #map1}, {transform_indices = #map1}]} {
    %mul3A = arith.constant 626 : i32
    %mul3A_0 = arith.muli %arg1, %mul3A : i32
    %mul3A_1 = arith.constant 64 : i32
    %mul3A_2 = arith.muli %arg0, %mul3A_1 : i32
    "tpu.region"() ({
      %run_scoped3A_227 = tpu.sem_alloc : memref<!tpu.dma_semaphore, #tpu.memory_space<semaphore_mem>>
      %dma_start3A_228 = arith.constant 0 : i32
      %dma_start3A_229 = tpu.memref_slice %arg14[%mul3A_0, %dma_start3A_228] : memref<10016x64xf32, #tpu.memory_space<vmem_shared>> -> memref<626x64xf32, #tpu.memory_space<vmem_shared>>
      %dma_start3A_230 = tpu.memref_slice %arg2[%mul3A_0, %mul3A_2] : memref<10016x128xf32, #tpu.memory_space<hbm>> -> memref<626x64xf32, #tpu.memory_space<hbm>>
      tpu.enqueue_dma source(%dma_start3A_230 : memref<626x64xf32, #tpu.memory_space<hbm>>) target(%dma_start3A_229 : memref<626x64xf32, #tpu.memory_space<vmem_shared>>) target_semaphore(%run_scoped3A_227 : memref<!tpu.dma_semaphore, #tpu.memory_space<semaphore_mem>>)
      %dma_wait3A_231 = arith.constant 0 : i32
      %dma_wait3A_232 = tpu.memref_slice %arg14[%mul3A_0, %dma_wait3A_231] : memref<10016x64xf32, #tpu.memory_space<vmem_shared>> -> memref<626x64xf32, #tpu.memory_space<vmem_shared>>
      %dma_wait3A_233 = tpu.memref_slice %arg2[%mul3A_0, %mul3A_2] : memref<10016x128xf32, #tpu.memory_space<hbm>> -> memref<626x64xf32, #tpu.memory_space<hbm>>
      tpu.wait_dma2 semaphore(%run_scoped3A_227 : memref<!tpu.dma_semaphore, #tpu.memory_space<semaphore_mem>>) src(%dma_wait3A_233 : memref<626x64xf32, #tpu.memory_space<hbm>>) dst(%dma_wait3A_232 : memref<626x64xf32, #tpu.memory_space<vmem_shared>>)
      tpu.yield
    }) : () -> ()
    "tpu.region"() ({
      %run_scoped3A_227 = tpu.sem_alloc : memref<!tpu.dma_semaphore, #tpu.memory_space<semaphore_mem>>
      %dma_start3A_228 = arith.constant 0 : i32
      %dma_start3A_229 = tpu.memref_slice %arg15[%mul3A_0, %dma_start3A_228] : memref<10016x64xf32, #tpu.memory_space<vmem_shared>> -> memref<626x64xf32, #tpu.memory_space<vmem_shared>>
      %dma_start3A_230 = arith.constant 0 : i32
      %dma_start3A_231 = tpu.memref_slice %arg5[%mul3A_0, %dma_start3A_230] : memref<10016x64xf32, #tpu.memory_space<hbm>> -> memref<626x64xf32, #tpu.memory_space<hbm>>
      tpu.enqueue_dma source(%dma_start3A_231 : memref<626x64xf32, #tpu.memory_space<hbm>>) target(%dma_start3A_229 : memref<626x64xf32, #tpu.memory_space<vmem_shared>>) target_semaphore(%run_scoped3A_227 : memref<!tpu.dma_semaphore, #tpu.memory_space<semaphore_mem>>)
      %dma_wait3A_232 = arith.constant 0 : i32
      %dma_wait3A_233 = tpu.memref_slice %arg15[%mul3A_0, %dma_wait3A_232] : memref<10016x64xf32, #tpu.memory_space<vmem_shared>> -> memref<626x64xf32, #tpu.memory_space<vmem_shared>>
      %dma_wait3A_234 = arith.constant 0 : i32
      %dma_wait3A_235 = tpu.memref_slice %arg5[%mul3A_0, %dma_wait3A_234] : memref<10016x64xf32, #tpu.memory_space<hbm>> -> memref<626x64xf32, #tpu.memory_space<hbm>>
      tpu.wait_dma2 semaphore(%run_scoped3A_227 : memref<!tpu.dma_semaphore, #tpu.memory_space<semaphore_mem>>) src(%dma_wait3A_235 : memref<626x64xf32, #tpu.memory_space<hbm>>) dst(%dma_wait3A_233 : memref<626x64xf32, #tpu.memory_space<vmem_shared>>)
      tpu.yield
    }) : () -> ()
    "tpu.region"() ({
      %run_scoped3A_227 = tpu.sem_alloc : memref<!tpu.dma_semaphore, #tpu.memory_space<semaphore_mem>>
      %dma_start3A_228 = arith.constant 0 : i32
      %dma_start3A_229 = arith.constant 0 : i32
      %dma_start3A_230 = tpu.memref_slice %arg3[%arg1, %dma_start3A_228, %dma_start3A_229] : memref<16x314x64xi32, #tpu.memory_space<hbm>> -> memref<1x314x64xi32, #tpu.memory_space<hbm>>
      %dma_start3A_231 = tpu.memref_squeeze %dma_start3A_230 : memref<1x314x64xi32, #tpu.memory_space<hbm>> -> memref<314x64xi32, #tpu.memory_space<hbm>>
      %dma_start3A_232 = arith.constant 0 : i32
      %dma_start3A_233 = arith.constant 0 : i32
      %dma_start3A_234 = tpu.memref_slice %arg3[%arg1, %dma_start3A_232, %dma_start3A_233] : memref<16x314x64xi32, #tpu.memory_space<hbm>> -> memref<1x314x64xi32, #tpu.memory_space<hbm>>
      %dma_start3A_235 = tpu.memref_squeeze %dma_start3A_234 : memref<1x314x64xi32, #tpu.memory_space<hbm>> -> memref<314x64xi32, #tpu.memory_space<hbm>>
      tpu.enqueue_dma source(%dma_start3A_235 : memref<314x64xi32, #tpu.memory_space<hbm>>) target(%arg8 : memref<314x64xi32, #tpu.memory_space<vmem>>) target_semaphore(%run_scoped3A_227 : memref<!tpu.dma_semaphore, #tpu.memory_space<semaphore_mem>>)
      %dma_wait3A_236 = arith.constant 0 : i32
      %dma_wait3A_237 = arith.constant 0 : i32
      %dma_wait3A_238 = tpu.memref_slice %arg3[%arg1, %dma_wait3A_236, %dma_wait3A_237] : memref<16x314x64xi32, #tpu.memory_space<hbm>> -> memref<1x314x64xi32, #tpu.memory_space<hbm>>
      %dma_wait3A_239 = tpu.memref_squeeze %dma_wait3A_238 : memref<1x314x64xi32, #tpu.memory_space<hbm>> -> memref<314x64xi32, #tpu.memory_space<hbm>>
      %dma_wait3A_240 = arith.constant 0 : i32
      %dma_wait3A_241 = arith.constant 0 : i32
      %dma_wait3A_242 = tpu.memref_slice %arg3[%arg1, %dma_wait3A_240, %dma_wait3A_241] : memref<16x314x64xi32, #tpu.memory_space<hbm>> -> memref<1x314x64xi32, #tpu.memory_space<hbm>>
      %dma_wait3A_243 = tpu.memref_squeeze %dma_wait3A_242 : memref<1x314x64xi32, #tpu.memory_space<hbm>> -> memref<314x64xi32, #tpu.memory_space<hbm>>
      tpu.wait_dma2 semaphore(%run_scoped3A_227 : memref<!tpu.dma_semaphore, #tpu.memory_space<semaphore_mem>>) src(%dma_wait3A_243 : memref<314x64xi32, #tpu.memory_space<hbm>>) dst(%arg8 : memref<314x64xi32, #tpu.memory_space<vmem>>)
      tpu.yield
    }) : () -> ()
    "tpu.region"() ({
      %run_scoped3A_227 = tpu.sem_alloc : memref<!tpu.dma_semaphore, #tpu.memory_space<semaphore_mem>>
      %dma_start3A_228 = arith.constant 0 : i32
      %dma_start3A_229 = arith.constant 0 : i32
      %dma_start3A_230 = tpu.memref_slice %arg4[%arg1, %dma_start3A_228, %dma_start3A_229] : memref<16x314x64xi32, #tpu.memory_space<hbm>> -> memref<1x314x64xi32, #tpu.memory_space<hbm>>
      %dma_start3A_231 = tpu.memref_squeeze %dma_start3A_230 : memref<1x314x64xi32, #tpu.memory_space<hbm>> -> memref<314x64xi32, #tpu.memory_space<hbm>>
      %dma_start3A_232 = arith.constant 0 : i32
      %dma_start3A_233 = arith.constant 0 : i32
      %dma_start3A_234 = tpu.memref_slice %arg4[%arg1, %dma_start3A_232, %dma_start3A_233] : memref<16x314x64xi32, #tpu.memory_space<hbm>> -> memref<1x314x64xi32, #tpu.memory_space<hbm>>
      %dma_start3A_235 = tpu.memref_squeeze %dma_start3A_234 : memref<1x314x64xi32, #tpu.memory_space<hbm>> -> memref<314x64xi32, #tpu.memory_space<hbm>>
      tpu.enqueue_dma source(%dma_start3A_235 : memref<314x64xi32, #tpu.memory_space<hbm>>) target(%arg9 : memref<314x64xi32, #tpu.memory_space<vmem>>) target_semaphore(%run_scoped3A_227 : memref<!tpu.dma_semaphore, #tpu.memory_space<semaphore_mem>>)
      %dma_wait3A_236 = arith.constant 0 : i32
      %dma_wait3A_237 = arith.constant 0 : i32
      %dma_wait3A_238 = tpu.memref_slice %arg4[%arg1, %dma_wait3A_236, %dma_wait3A_237] : memref<16x314x64xi32, #tpu.memory_space<hbm>> -> memref<1x314x64xi32, #tpu.memory_space<hbm>>
      %dma_wait3A_239 = tpu.memref_squeeze %dma_wait3A_238 : memref<1x314x64xi32, #tpu.memory_space<hbm>> -> memref<314x64xi32, #tpu.memory_space<hbm>>
      %dma_wait3A_240 = arith.constant 0 : i32
      %dma_wait3A_241 = arith.constant 0 : i32
      %dma_wait3A_242 = tpu.memref_slice %arg4[%arg1, %dma_wait3A_240, %dma_wait3A_241] : memref<16x314x64xi32, #tpu.memory_space<hbm>> -> memref<1x314x64xi32, #tpu.memory_space<hbm>>
      %dma_wait3A_243 = tpu.memref_squeeze %dma_wait3A_242 : memref<1x314x64xi32, #tpu.memory_space<hbm>> -> memref<314x64xi32, #tpu.memory_space<hbm>>
      tpu.wait_dma2 semaphore(%run_scoped3A_227 : memref<!tpu.dma_semaphore, #tpu.memory_space<semaphore_mem>>) src(%dma_wait3A_243 : memref<314x64xi32, #tpu.memory_space<hbm>>) dst(%arg9 : memref<314x64xi32, #tpu.memory_space<vmem>>)
      tpu.yield
    }) : () -> ()
    %barrier3A = arith.constant 0 : index
    tpu.barrier barrier_id(%barrier3A)
    %dma_start3A = arith.constant 0 : i32
    %dma_start3A_3 = arith.constant 0 : i32
    %dma_start3A_4 = tpu.memref_slice %arg8[%dma_start3A, %dma_start3A_3] : memref<314x64xi32, #tpu.memory_space<vmem>> -> memref<1x64xi32, #tpu.memory_space<vmem>>
    %dma_start3A_5 = tpu.memref_squeeze %dma_start3A_4 : memref<1x64xi32, #tpu.memory_space<vmem>> -> memref<64xi32, #tpu.memory_space<vmem>>
    %dma_start3A_6 = arith.constant 0 : i32
    %dma_start3A_7 = arith.constant 0 : i32
    %dma_start3A_8 = tpu.memref_slice %arg14[%dma_start3A_6, %dma_start3A_7] : memref<10016x64xf32, #tpu.memory_space<vmem_shared>> -> memref<10016x64xf32, #tpu.memory_space<vmem_shared>>
    tpu.enqueue_indirect_dma source(%dma_start3A_8 : memref<10016x64xf32, #tpu.memory_space<vmem_shared>>) target(%arg10 : memref<64x64xf32, #tpu.memory_space<vmem>>) offsets(%dma_start3A_5 : memref<64xi32, #tpu.memory_space<vmem>>) semaphore(%arg16 : memref<!tpu.dma_semaphore, #tpu.memory_space<semaphore_mem>>)
    %dma_start3A_9 = arith.constant 1 : i32
    %dma_start3A_10 = arith.constant 0 : i32
    %dma_start3A_11 = tpu.memref_slice %arg8[%dma_start3A_9, %dma_start3A_10] : memref<314x64xi32, #tpu.memory_space<vmem>> -> memref<1x64xi32, #tpu.memory_space<vmem>>
    %dma_start3A_12 = tpu.memref_squeeze %dma_start3A_11 : memref<1x64xi32, #tpu.memory_space<vmem>> -> memref<64xi32, #tpu.memory_space<vmem>>
    %dma_start3A_13 = arith.constant 0 : i32
    %dma_start3A_14 = arith.constant 0 : i32
    %dma_start3A_15 = tpu.memref_slice %arg14[%dma_start3A_13, %dma_start3A_14] : memref<10016x64xf32, #tpu.memory_space<vmem_shared>> -> memref<10016x64xf32, #tpu.memory_space<vmem_shared>>
    tpu.enqueue_indirect_dma source(%dma_start3A_15 : memref<10016x64xf32, #tpu.memory_space<vmem_shared>>) target(%arg11 : memref<64x64xf32, #tpu.memory_space<vmem>>) offsets(%dma_start3A_12 : memref<64xi32, #tpu.memory_space<vmem>>) semaphore(%arg17 : memref<!tpu.dma_semaphore, #tpu.memory_space<semaphore_mem>>)
    %dma_wait3A = arith.constant 0 : i32
    %dma_wait3A_16 = arith.constant 0 : i32
    %dma_wait3A_17 = tpu.memref_slice %arg8[%dma_wait3A, %dma_wait3A_16] : memref<314x64xi32, #tpu.memory_space<vmem>> -> memref<1x64xi32, #tpu.memory_space<vmem>>
    %dma_wait3A_18 = tpu.memref_squeeze %dma_wait3A_17 : memref<1x64xi32, #tpu.memory_space<vmem>> -> memref<64xi32, #tpu.memory_space<vmem>>
    %dma_wait3A_19 = arith.constant 0 : i32
    %dma_wait3A_20 = arith.constant 0 : i32
    %dma_wait3A_21 = tpu.memref_slice %arg14[%dma_wait3A_19, %dma_wait3A_20] : memref<10016x64xf32, #tpu.memory_space<vmem_shared>> -> memref<10016x64xf32, #tpu.memory_space<vmem_shared>>
    tpu.wait_indirect_dma semaphore(%arg16 : memref<!tpu.dma_semaphore, #tpu.memory_space<semaphore_mem>>) src(%dma_wait3A_21 : memref<10016x64xf32, #tpu.memory_space<vmem_shared>>) dst(%arg10 : memref<64x64xf32, #tpu.memory_space<vmem>>)
    %dma_start3A_22 = arith.constant 0 : i32
    %dma_start3A_23 = arith.constant 0 : i32
    %dma_start3A_24 = tpu.memref_slice %arg9[%dma_start3A_22, %dma_start3A_23] : memref<314x64xi32, #tpu.memory_space<vmem>> -> memref<1x64xi32, #tpu.memory_space<vmem>>
    %dma_start3A_25 = tpu.memref_squeeze %dma_start3A_24 : memref<1x64xi32, #tpu.memory_space<vmem>> -> memref<64xi32, #tpu.memory_space<vmem>>
    %dma_start3A_26 = arith.constant 0 : i32
    %dma_start3A_27 = arith.constant 0 : i32
    %dma_start3A_28 = tpu.memref_slice %arg15[%dma_start3A_26, %dma_start3A_27] : memref<10016x64xf32, #tpu.memory_space<vmem_shared>> -> memref<10016x64xf32, #tpu.memory_space<vmem_shared>>
    tpu.enqueue_indirect_dma source(%arg10 : memref<64x64xf32, #tpu.memory_space<vmem>>) target(%dma_start3A_28 : memref<10016x64xf32, #tpu.memory_space<vmem_shared>>) offsets(%dma_start3A_25 : memref<64xi32, #tpu.memory_space<vmem>>) semaphore(%arg18 : memref<!tpu.dma_semaphore, #tpu.memory_space<semaphore_mem>>) {add = true}
    %dma_wait3A_29 = arith.constant 1 : i32
    %dma_wait3A_30 = arith.constant 0 : i32
    %dma_wait3A_31 = tpu.memref_slice %arg8[%dma_wait3A_29, %dma_wait3A_30] : memref<314x64xi32, #tpu.memory_space<vmem>> -> memref<1x64xi32, #tpu.memory_space<vmem>>
    %dma_wait3A_32 = tpu.memref_squeeze %dma_wait3A_31 : memref<1x64xi32, #tpu.memory_space<vmem>> -> memref<64xi32, #tpu.memory_space<vmem>>
    %dma_wait3A_33 = arith.constant 0 : i32
    %dma_wait3A_34 = arith.constant 0 : i32
    %dma_wait3A_35 = tpu.memref_slice %arg14[%dma_wait3A_33, %dma_wait3A_34] : memref<10016x64xf32, #tpu.memory_space<vmem_shared>> -> memref<10016x64xf32, #tpu.memory_space<vmem_shared>>
    tpu.wait_indirect_dma semaphore(%arg17 : memref<!tpu.dma_semaphore, #tpu.memory_space<semaphore_mem>>) src(%dma_wait3A_35 : memref<10016x64xf32, #tpu.memory_space<vmem_shared>>) dst(%arg11 : memref<64x64xf32, #tpu.memory_space<vmem>>)
    %dma_start3A_36 = arith.constant 1 : i32
    %dma_start3A_37 = arith.constant 0 : i32
    %dma_start3A_38 = tpu.memref_slice %arg9[%dma_start3A_36, %dma_start3A_37] : memref<314x64xi32, #tpu.memory_space<vmem>> -> memref<1x64xi32, #tpu.memory_space<vmem>>
    %dma_start3A_39 = tpu.memref_squeeze %dma_start3A_38 : memref<1x64xi32, #tpu.memory_space<vmem>> -> memref<64xi32, #tpu.memory_space<vmem>>
    %dma_start3A_40 = arith.constant 0 : i32
    %dma_start3A_41 = arith.constant 0 : i32
    %dma_start3A_42 = tpu.memref_slice %arg15[%dma_start3A_40, %dma_start3A_41] : memref<10016x64xf32, #tpu.memory_space<vmem_shared>> -> memref<10016x64xf32, #tpu.memory_space<vmem_shared>>
    tpu.enqueue_indirect_dma source(%arg11 : memref<64x64xf32, #tpu.memory_space<vmem>>) target(%dma_start3A_42 : memref<10016x64xf32, #tpu.memory_space<vmem_shared>>) offsets(%dma_start3A_39 : memref<64xi32, #tpu.memory_space<vmem>>) semaphore(%arg19 : memref<!tpu.dma_semaphore, #tpu.memory_space<semaphore_mem>>) {add = true}
    %scan3A = arith.constant 0 : i32
    %scan3A_43 = arith.constant 1 : i32
    %scan3A_44 = arith.constant 156 : i32
    %scan3A_45 = arith.addi %scan3A_43, %scan3A_44 : i32
    %scan3A_46 = arith.constant 1 : i32
    scf.for %scan3A_227 = %scan3A_43 to %scan3A_45 step %scan3A_46  : i32 {
      %mul3A_228 = arith.constant 2 : i32
      %mul3A_229 = arith.muli %scan3A_227, %mul3A_228 : i32
      %sub3A = arith.constant 2 : i32
      %sub3A_230 = arith.subi %mul3A_229, %sub3A : i32
      %add3A_231 = arith.constant 0 : i32
      %add3A_232 = arith.addi %sub3A_230, %add3A_231 : i32
      %dma_wait3A_233 = arith.constant 0 : i32
      %dma_wait3A_234 = tpu.memref_slice %arg9[%add3A_232, %dma_wait3A_233] : memref<314x64xi32, #tpu.memory_space<vmem>> -> memref<1x64xi32, #tpu.memory_space<vmem>>
      %dma_wait3A_235 = tpu.memref_squeeze %dma_wait3A_234 : memref<1x64xi32, #tpu.memory_space<vmem>> -> memref<64xi32, #tpu.memory_space<vmem>>
      %dma_wait3A_236 = arith.constant 0 : i32
      %dma_wait3A_237 = arith.constant 0 : i32
      %dma_wait3A_238 = tpu.memref_slice %arg15[%dma_wait3A_236, %dma_wait3A_237] : memref<10016x64xf32, #tpu.memory_space<vmem_shared>> -> memref<10016x64xf32, #tpu.memory_space<vmem_shared>>
      tpu.wait_indirect_dma semaphore(%arg18 : memref<!tpu.dma_semaphore, #tpu.memory_space<semaphore_mem>>) src(%arg10 : memref<64x64xf32, #tpu.memory_space<vmem>>) dst(%dma_wait3A_238 : memref<10016x64xf32, #tpu.memory_space<vmem_shared>>)
      %add3A_239 = arith.constant 0 : i32
      %add3A_240 = arith.addi %mul3A_229, %add3A_239 : i32
      %dma_start3A_241 = arith.constant 0 : i32
      %dma_start3A_242 = tpu.memref_slice %arg8[%add3A_240, %dma_start3A_241] : memref<314x64xi32, #tpu.memory_space<vmem>> -> memref<1x64xi32, #tpu.memory_space<vmem>>
      %dma_start3A_243 = tpu.memref_squeeze %dma_start3A_242 : memref<1x64xi32, #tpu.memory_space<vmem>> -> memref<64xi32, #tpu.memory_space<vmem>>
      %dma_start3A_244 = arith.constant 0 : i32
      %dma_start3A_245 = arith.constant 0 : i32
      %dma_start3A_246 = tpu.memref_slice %arg14[%dma_start3A_244, %dma_start3A_245] : memref<10016x64xf32, #tpu.memory_space<vmem_shared>> -> memref<10016x64xf32, #tpu.memory_space<vmem_shared>>
      tpu.enqueue_indirect_dma source(%dma_start3A_246 : memref<10016x64xf32, #tpu.memory_space<vmem_shared>>) target(%arg10 : memref<64x64xf32, #tpu.memory_space<vmem>>) offsets(%dma_start3A_243 : memref<64xi32, #tpu.memory_space<vmem>>) semaphore(%arg16 : memref<!tpu.dma_semaphore, #tpu.memory_space<semaphore_mem>>)
      %sub3A_247 = arith.constant 2 : i32
      %sub3A_248 = arith.subi %mul3A_229, %sub3A_247 : i32
      %add3A_249 = arith.constant 1 : i32
      %add3A_250 = arith.addi %sub3A_248, %add3A_249 : i32
      %dma_wait3A_251 = arith.constant 0 : i32
      %dma_wait3A_252 = tpu.memref_slice %arg9[%add3A_250, %dma_wait3A_251] : memref<314x64xi32, #tpu.memory_space<vmem>> -> memref<1x64xi32, #tpu.memory_space<vmem>>
      %dma_wait3A_253 = tpu.memref_squeeze %dma_wait3A_252 : memref<1x64xi32, #tpu.memory_space<vmem>> -> memref<64xi32, #tpu.memory_space<vmem>>
      %dma_wait3A_254 = arith.constant 0 : i32
      %dma_wait3A_255 = arith.constant 0 : i32
      %dma_wait3A_256 = tpu.memref_slice %arg15[%dma_wait3A_254, %dma_wait3A_255] : memref<10016x64xf32, #tpu.memory_space<vmem_shared>> -> memref<10016x64xf32, #tpu.memory_space<vmem_shared>>
      tpu.wait_indirect_dma semaphore(%arg19 : memref<!tpu.dma_semaphore, #tpu.memory_space<semaphore_mem>>) src(%arg11 : memref<64x64xf32, #tpu.memory_space<vmem>>) dst(%dma_wait3A_256 : memref<10016x64xf32, #tpu.memory_space<vmem_shared>>)
      %add3A_257 = arith.constant 1 : i32
      %add3A_258 = arith.addi %mul3A_229, %add3A_257 : i32
      %dma_start3A_259 = arith.constant 0 : i32
      %dma_start3A_260 = tpu.memref_slice %arg8[%add3A_258, %dma_start3A_259] : memref<314x64xi32, #tpu.memory_space<vmem>> -> memref<1x64xi32, #tpu.memory_space<vmem>>
      %dma_start3A_261 = tpu.memref_squeeze %dma_start3A_260 : memref<1x64xi32, #tpu.memory_space<vmem>> -> memref<64xi32, #tpu.memory_space<vmem>>
      %dma_start3A_262 = arith.constant 0 : i32
      %dma_start3A_263 = arith.constant 0 : i32
      %dma_start3A_264 = tpu.memref_slice %arg14[%dma_start3A_262, %dma_start3A_263] : memref<10016x64xf32, #tpu.memory_space<vmem_shared>> -> memref<10016x64xf32, #tpu.memory_space<vmem_shared>>
      tpu.enqueue_indirect_dma source(%dma_start3A_264 : memref<10016x64xf32, #tpu.memory_space<vmem_shared>>) target(%arg11 : memref<64x64xf32, #tpu.memory_space<vmem>>) offsets(%dma_start3A_261 : memref<64xi32, #tpu.memory_space<vmem>>) semaphore(%arg17 : memref<!tpu.dma_semaphore, #tpu.memory_space<semaphore_mem>>)
      %dma_wait3A_265 = arith.constant 0 : i32
      %dma_wait3A_266 = tpu.memref_slice %arg8[%add3A_240, %dma_wait3A_265] : memref<314x64xi32, #tpu.memory_space<vmem>> -> memref<1x64xi32, #tpu.memory_space<vmem>>
      %dma_wait3A_267 = tpu.memref_squeeze %dma_wait3A_266 : memref<1x64xi32, #tpu.memory_space<vmem>> -> memref<64xi32, #tpu.memory_space<vmem>>
      %dma_wait3A_268 = arith.constant 0 : i32
      %dma_wait3A_269 = arith.constant 0 : i32
      %dma_wait3A_270 = tpu.memref_slice %arg14[%dma_wait3A_268, %dma_wait3A_269] : memref<10016x64xf32, #tpu.memory_space<vmem_shared>> -> memref<10016x64xf32, #tpu.memory_space<vmem_shared>>
      tpu.wait_indirect_dma semaphore(%arg16 : memref<!tpu.dma_semaphore, #tpu.memory_space<semaphore_mem>>) src(%dma_wait3A_270 : memref<10016x64xf32, #tpu.memory_space<vmem_shared>>) dst(%arg10 : memref<64x64xf32, #tpu.memory_space<vmem>>)
      %add3A_271 = arith.constant 0 : i32
      %add3A_272 = arith.addi %mul3A_229, %add3A_271 : i32
      %dma_start3A_273 = arith.constant 0 : i32
      %dma_start3A_274 = tpu.memref_slice %arg9[%add3A_272, %dma_start3A_273] : memref<314x64xi32, #tpu.memory_space<vmem>> -> memref<1x64xi32, #tpu.memory_space<vmem>>
      %dma_start3A_275 = tpu.memref_squeeze %dma_start3A_274 : memref<1x64xi32, #tpu.memory_space<vmem>> -> memref<64xi32, #tpu.memory_space<vmem>>
      %dma_start3A_276 = arith.constant 0 : i32
      %dma_start3A_277 = arith.constant 0 : i32
      %dma_start3A_278 = tpu.memref_slice %arg15[%dma_start3A_276, %dma_start3A_277] : memref<10016x64xf32, #tpu.memory_space<vmem_shared>> -> memref<10016x64xf32, #tpu.memory_space<vmem_shared>>
      tpu.enqueue_indirect_dma source(%arg10 : memref<64x64xf32, #tpu.memory_space<vmem>>) target(%dma_start3A_278 : memref<10016x64xf32, #tpu.memory_space<vmem_shared>>) offsets(%dma_start3A_275 : memref<64xi32, #tpu.memory_space<vmem>>) semaphore(%arg18 : memref<!tpu.dma_semaphore, #tpu.memory_space<semaphore_mem>>) {add = true}
      %dma_wait3A_279 = arith.constant 0 : i32
      %dma_wait3A_280 = tpu.memref_slice %arg8[%add3A_258, %dma_wait3A_279] : memref<314x64xi32, #tpu.memory_space<vmem>> -> memref<1x64xi32, #tpu.memory_space<vmem>>
      %dma_wait3A_281 = tpu.memref_squeeze %dma_wait3A_280 : memref<1x64xi32, #tpu.memory_space<vmem>> -> memref<64xi32, #tpu.memory_space<vmem>>
      %dma_wait3A_282 = arith.constant 0 : i32
      %dma_wait3A_283 = arith.constant 0 : i32
      %dma_wait3A_284 = tpu.memref_slice %arg14[%dma_wait3A_282, %dma_wait3A_283] : memref<10016x64xf32, #tpu.memory_space<vmem_shared>> -> memref<10016x64xf32, #tpu.memory_space<vmem_shared>>
      tpu.wait_indirect_dma semaphore(%arg17 : memref<!tpu.dma_semaphore, #tpu.memory_space<semaphore_mem>>) src(%dma_wait3A_284 : memref<10016x64xf32, #tpu.memory_space<vmem_shared>>) dst(%arg11 : memref<64x64xf32, #tpu.memory_space<vmem>>)
      %add3A_285 = arith.constant 1 : i32
      %add3A_286 = arith.addi %mul3A_229, %add3A_285 : i32
      %dma_start3A_287 = arith.constant 0 : i32
      %dma_start3A_288 = tpu.memref_slice %arg9[%add3A_286, %dma_start3A_287] : memref<314x64xi32, #tpu.memory_space<vmem>> -> memref<1x64xi32, #tpu.memory_space<vmem>>
      %dma_start3A_289 = tpu.memref_squeeze %dma_start3A_288 : memref<1x64xi32, #tpu.memory_space<vmem>> -> memref<64xi32, #tpu.memory_space<vmem>>
      %dma_start3A_290 = arith.constant 0 : i32
      %dma_start3A_291 = arith.constant 0 : i32
      %dma_start3A_292 = tpu.memref_slice %arg15[%dma_start3A_290, %dma_start3A_291] : memref<10016x64xf32, #tpu.memory_space<vmem_shared>> -> memref<10016x64xf32, #tpu.memory_space<vmem_shared>>
      tpu.enqueue_indirect_dma source(%arg11 : memref<64x64xf32, #tpu.memory_space<vmem>>) target(%dma_start3A_292 : memref<10016x64xf32, #tpu.memory_space<vmem_shared>>) offsets(%dma_start3A_289 : memref<64xi32, #tpu.memory_space<vmem>>) semaphore(%arg19 : memref<!tpu.dma_semaphore, #tpu.memory_space<semaphore_mem>>) {add = true}
    }
    %scan3A_47 = arith.constant 156 : i32
    %dma_wait3A_48 = arith.constant 312 : i32
    %dma_wait3A_49 = arith.constant 0 : i32
    %dma_wait3A_50 = tpu.memref_slice %arg9[%dma_wait3A_48, %dma_wait3A_49] : memref<314x64xi32, #tpu.memory_space<vmem>> -> memref<1x64xi32, #tpu.memory_space<vmem>>
    %dma_wait3A_51 = tpu.memref_squeeze %dma_wait3A_50 : memref<1x64xi32, #tpu.memory_space<vmem>> -> memref<64xi32, #tpu.memory_space<vmem>>
    %dma_wait3A_52 = arith.constant 0 : i32
    %dma_wait3A_53 = arith.constant 0 : i32
    %dma_wait3A_54 = tpu.memref_slice %arg15[%dma_wait3A_52, %dma_wait3A_53] : memref<10016x64xf32, #tpu.memory_space<vmem_shared>> -> memref<10016x64xf32, #tpu.memory_space<vmem_shared>>
    tpu.wait_indirect_dma semaphore(%arg18 : memref<!tpu.dma_semaphore, #tpu.memory_space<semaphore_mem>>) src(%arg10 : memref<64x64xf32, #tpu.memory_space<vmem>>) dst(%dma_wait3A_54 : memref<10016x64xf32, #tpu.memory_space<vmem_shared>>)
    %dma_wait3A_55 = arith.constant 313 : i32
    %dma_wait3A_56 = arith.constant 0 : i32
    %dma_wait3A_57 = tpu.memref_slice %arg9[%dma_wait3A_55, %dma_wait3A_56] : memref<314x64xi32, #tpu.memory_space<vmem>> -> memref<1x64xi32, #tpu.memory_space<vmem>>
    %dma_wait3A_58 = tpu.memref_squeeze %dma_wait3A_57 : memref<1x64xi32, #tpu.memory_space<vmem>> -> memref<64xi32, #tpu.memory_space<vmem>>
    %dma_wait3A_59 = arith.constant 0 : i32
    %dma_wait3A_60 = arith.constant 0 : i32
    %dma_wait3A_61 = tpu.memref_slice %arg15[%dma_wait3A_59, %dma_wait3A_60] : memref<10016x64xf32, #tpu.memory_space<vmem_shared>> -> memref<10016x64xf32, #tpu.memory_space<vmem_shared>>
    tpu.wait_indirect_dma semaphore(%arg19 : memref<!tpu.dma_semaphore, #tpu.memory_space<semaphore_mem>>) src(%arg11 : memref<64x64xf32, #tpu.memory_space<vmem>>) dst(%dma_wait3A_61 : memref<10016x64xf32, #tpu.memory_space<vmem_shared>>)
    %barrier3A_62 = arith.constant 0 : index
    tpu.barrier barrier_id(%barrier3A_62)
    %mul3A_63 = arith.constant 626 : i32
    %mul3A_64 = arith.muli %arg1, %mul3A_63 : i32
    %add3A = arith.constant 0 : i32
    %add3A_65 = arith.addi %mul3A_64, %add3A : i32
    "tpu.region"() ({
      %run_scoped3A_227 = tpu.sem_alloc : memref<!tpu.dma_semaphore, #tpu.memory_space<semaphore_mem>>
      %dma_start3A_228 = arith.constant 0 : i32
      %dma_start3A_229 = arith.constant 0 : i32
      %dma_start3A_230 = tpu.memref_slice %arg10[%dma_start3A_228, %dma_start3A_229] : memref<64x64xf32, #tpu.memory_space<vmem>> -> memref<64x64xf32, #tpu.memory_space<vmem>>
      %dma_start3A_231 = arith.constant 0 : i32
      %dma_start3A_232 = tpu.memref_slice %arg15[%add3A_65, %dma_start3A_231] : memref<10016x64xf32, #tpu.memory_space<vmem_shared>> -> memref<64x64xf32, #tpu.memory_space<vmem_shared>>
      %dma_start3A_233 = arith.constant 0 : i32
      %dma_start3A_234 = arith.constant 0 : i32
      %dma_start3A_235 = tpu.memref_slice %arg10[%dma_start3A_233, %dma_start3A_234] : memref<64x64xf32, #tpu.memory_space<vmem>> -> memref<64x64xf32, #tpu.memory_space<vmem>>
      %dma_start3A_236 = arith.constant 0 : i32
      %dma_start3A_237 = tpu.memref_slice %arg15[%add3A_65, %dma_start3A_236] : memref<10016x64xf32, #tpu.memory_space<vmem_shared>> -> memref<64x64xf32, #tpu.memory_space<vmem_shared>>
      tpu.enqueue_dma source(%dma_start3A_237 : memref<64x64xf32, #tpu.memory_space<vmem_shared>>) target(%dma_start3A_235 : memref<64x64xf32, #tpu.memory_space<vmem>>) target_semaphore(%run_scoped3A_227 : memref<!tpu.dma_semaphore, #tpu.memory_space<semaphore_mem>>)
      %dma_wait3A_238 = arith.constant 0 : i32
      %dma_wait3A_239 = arith.constant 0 : i32
      %dma_wait3A_240 = tpu.memref_slice %arg10[%dma_wait3A_238, %dma_wait3A_239] : memref<64x64xf32, #tpu.memory_space<vmem>> -> memref<64x64xf32, #tpu.memory_space<vmem>>
      %dma_wait3A_241 = arith.constant 0 : i32
      %dma_wait3A_242 = tpu.memref_slice %arg15[%add3A_65, %dma_wait3A_241] : memref<10016x64xf32, #tpu.memory_space<vmem_shared>> -> memref<64x64xf32, #tpu.memory_space<vmem_shared>>
      %dma_wait3A_243 = arith.constant 0 : i32
      %dma_wait3A_244 = arith.constant 0 : i32
      %dma_wait3A_245 = tpu.memref_slice %arg10[%dma_wait3A_243, %dma_wait3A_244] : memref<64x64xf32, #tpu.memory_space<vmem>> -> memref<64x64xf32, #tpu.memory_space<vmem>>
      %dma_wait3A_246 = arith.constant 0 : i32
      %dma_wait3A_247 = tpu.memref_slice %arg15[%add3A_65, %dma_wait3A_246] : memref<10016x64xf32, #tpu.memory_space<vmem_shared>> -> memref<64x64xf32, #tpu.memory_space<vmem_shared>>
      tpu.wait_dma2 semaphore(%run_scoped3A_227 : memref<!tpu.dma_semaphore, #tpu.memory_space<semaphore_mem>>) src(%dma_wait3A_247 : memref<64x64xf32, #tpu.memory_space<vmem_shared>>) dst(%dma_wait3A_245 : memref<64x64xf32, #tpu.memory_space<vmem>>)
      tpu.yield
    }) : () -> ()
    %run_scoped3A = arith.constant 0 : i32
    "tpu.region"() ({
      %run_scoped3A_227 = tpu.sem_alloc : memref<!tpu.dma_semaphore, #tpu.memory_space<semaphore_mem>>
      %dma_start3A_228 = arith.constant 0 : i32
      %dma_start3A_229 = arith.constant 0 : i32
      %dma_start3A_230 = tpu.memref_slice %arg12[%dma_start3A_228, %dma_start3A_229] : memref<64x16xf32, #tpu.memory_space<vmem>> -> memref<64x16xf32, #tpu.memory_space<vmem>>
      %dma_start3A_231 = arith.constant 0 : i32
      %dma_start3A_232 = tpu.memref_slice %arg6[%run_scoped3A, %add3A_65, %dma_start3A_231] : memref<2x10016x16xf32, #tpu.memory_space<hbm>> -> memref<1x64x16xf32, #tpu.memory_space<hbm>>
      %dma_start3A_233 = tpu.memref_squeeze %dma_start3A_232 : memref<1x64x16xf32, #tpu.memory_space<hbm>> -> memref<64x16xf32, #tpu.memory_space<hbm>>
      %dma_start3A_234 = arith.constant 0 : i32
      %dma_start3A_235 = arith.constant 0 : i32
      %dma_start3A_236 = tpu.memref_slice %arg12[%dma_start3A_234, %dma_start3A_235] : memref<64x16xf32, #tpu.memory_space<vmem>> -> memref<64x16xf32, #tpu.memory_space<vmem>>
      %dma_start3A_237 = arith.constant 0 : i32
      %dma_start3A_238 = tpu.memref_slice %arg6[%run_scoped3A, %add3A_65, %dma_start3A_237] : memref<2x10016x16xf32, #tpu.memory_space<hbm>> -> memref<1x64x16xf32, #tpu.memory_space<hbm>>
      %dma_start3A_239 = tpu.memref_squeeze %dma_start3A_238 : memref<1x64x16xf32, #tpu.memory_space<hbm>> -> memref<64x16xf32, #tpu.memory_space<hbm>>
      tpu.enqueue_dma source(%dma_start3A_239 : memref<64x16xf32, #tpu.memory_space<hbm>>) target(%dma_start3A_236 : memref<64x16xf32, #tpu.memory_space<vmem>>) target_semaphore(%run_scoped3A_227 : memref<!tpu.dma_semaphore, #tpu.memory_space<semaphore_mem>>)
      %dma_wait3A_240 = arith.constant 0 : i32
      %dma_wait3A_241 = arith.constant 0 : i32
      %dma_wait3A_242 = tpu.memref_slice %arg12[%dma_wait3A_240, %dma_wait3A_241] : memref<64x16xf32, #tpu.memory_space<vmem>> -> memref<64x16xf32, #tpu.memory_space<vmem>>
      %dma_wait3A_243 = arith.constant 0 : i32
      %dma_wait3A_244 = tpu.memref_slice %arg6[%run_scoped3A, %add3A_65, %dma_wait3A_243] : memref<2x10016x16xf32, #tpu.memory_space<hbm>> -> memref<1x64x16xf32, #tpu.memory_space<hbm>>
      %dma_wait3A_245 = tpu.memref_squeeze %dma_wait3A_244 : memref<1x64x16xf32, #tpu.memory_space<hbm>> -> memref<64x16xf32, #tpu.memory_space<hbm>>
      %dma_wait3A_246 = arith.constant 0 : i32
      %dma_wait3A_247 = arith.constant 0 : i32
      %dma_wait3A_248 = tpu.memref_slice %arg12[%dma_wait3A_246, %dma_wait3A_247] : memref<64x16xf32, #tpu.memory_space<vmem>> -> memref<64x16xf32, #tpu.memory_space<vmem>>
      %dma_wait3A_249 = arith.constant 0 : i32
      %dma_wait3A_250 = tpu.memref_slice %arg6[%run_scoped3A, %add3A_65, %dma_wait3A_249] : memref<2x10016x16xf32, #tpu.memory_space<hbm>> -> memref<1x64x16xf32, #tpu.memory_space<hbm>>
      %dma_wait3A_251 = tpu.memref_squeeze %dma_wait3A_250 : memref<1x64x16xf32, #tpu.memory_space<hbm>> -> memref<64x16xf32, #tpu.memory_space<hbm>>
      tpu.wait_dma2 semaphore(%run_scoped3A_227 : memref<!tpu.dma_semaphore, #tpu.memory_space<semaphore_mem>>) src(%dma_wait3A_251 : memref<64x16xf32, #tpu.memory_space<hbm>>) dst(%dma_wait3A_248 : memref<64x16xf32, #tpu.memory_space<vmem>>)
      tpu.yield
    }) : () -> ()
    %run_scoped3A_66 = arith.constant 1 : i32
    "tpu.region"() ({
      %run_scoped3A_227 = tpu.sem_alloc : memref<!tpu.dma_semaphore, #tpu.memory_space<semaphore_mem>>
      %dma_start3A_228 = arith.constant 0 : i32
      %dma_start3A_229 = arith.constant 0 : i32
      %dma_start3A_230 = tpu.memref_slice %arg13[%dma_start3A_228, %dma_start3A_229] : memref<64x16xf32, #tpu.memory_space<vmem>> -> memref<64x16xf32, #tpu.memory_space<vmem>>
      %dma_start3A_231 = arith.constant 0 : i32
      %dma_start3A_232 = tpu.memref_slice %arg6[%run_scoped3A_66, %add3A_65, %dma_start3A_231] : memref<2x10016x16xf32, #tpu.memory_space<hbm>> -> memref<1x64x16xf32, #tpu.memory_space<hbm>>
      %dma_start3A_233 = tpu.memref_squeeze %dma_start3A_232 : memref<1x64x16xf32, #tpu.memory_space<hbm>> -> memref<64x16xf32, #tpu.memory_space<hbm>>
      %dma_start3A_234 = arith.constant 0 : i32
      %dma_start3A_235 = arith.constant 0 : i32
      %dma_start3A_236 = tpu.memref_slice %arg13[%dma_start3A_234, %dma_start3A_235] : memref<64x16xf32, #tpu.memory_space<vmem>> -> memref<64x16xf32, #tpu.memory_space<vmem>>
      %dma_start3A_237 = arith.constant 0 : i32
      %dma_start3A_238 = tpu.memref_slice %arg6[%run_scoped3A_66, %add3A_65, %dma_start3A_237] : memref<2x10016x16xf32, #tpu.memory_space<hbm>> -> memref<1x64x16xf32, #tpu.memory_space<hbm>>
      %dma_start3A_239 = tpu.memref_squeeze %dma_start3A_238 : memref<1x64x16xf32, #tpu.memory_space<hbm>> -> memref<64x16xf32, #tpu.memory_space<hbm>>
      tpu.enqueue_dma source(%dma_start3A_239 : memref<64x16xf32, #tpu.memory_space<hbm>>) target(%dma_start3A_236 : memref<64x16xf32, #tpu.memory_space<vmem>>) target_semaphore(%run_scoped3A_227 : memref<!tpu.dma_semaphore, #tpu.memory_space<semaphore_mem>>)
      %dma_wait3A_240 = arith.constant 0 : i32
      %dma_wait3A_241 = arith.constant 0 : i32
      %dma_wait3A_242 = tpu.memref_slice %arg13[%dma_wait3A_240, %dma_wait3A_241] : memref<64x16xf32, #tpu.memory_space<vmem>> -> memref<64x16xf32, #tpu.memory_space<vmem>>
      %dma_wait3A_243 = arith.constant 0 : i32
      %dma_wait3A_244 = tpu.memref_slice %arg6[%run_scoped3A_66, %add3A_65, %dma_wait3A_243] : memref<2x10016x16xf32, #tpu.memory_space<hbm>> -> memref<1x64x16xf32, #tpu.memory_space<hbm>>
      %dma_wait3A_245 = tpu.memref_squeeze %dma_wait3A_244 : memref<1x64x16xf32, #tpu.memory_space<hbm>> -> memref<64x16xf32, #tpu.memory_space<hbm>>
      %dma_wait3A_246 = arith.constant 0 : i32
      %dma_wait3A_247 = arith.constant 0 : i32
      %dma_wait3A_248 = tpu.memref_slice %arg13[%dma_wait3A_246, %dma_wait3A_247] : memref<64x16xf32, #tpu.memory_space<vmem>> -> memref<64x16xf32, #tpu.memory_space<vmem>>
      %dma_wait3A_249 = arith.constant 0 : i32
      %dma_wait3A_250 = tpu.memref_slice %arg6[%run_scoped3A_66, %add3A_65, %dma_wait3A_249] : memref<2x10016x16xf32, #tpu.memory_space<hbm>> -> memref<1x64x16xf32, #tpu.memory_space<hbm>>
      %dma_wait3A_251 = tpu.memref_squeeze %dma_wait3A_250 : memref<1x64x16xf32, #tpu.memory_space<hbm>> -> memref<64x16xf32, #tpu.memory_space<hbm>>
      tpu.wait_dma2 semaphore(%run_scoped3A_227 : memref<!tpu.dma_semaphore, #tpu.memory_space<semaphore_mem>>) src(%dma_wait3A_251 : memref<64x16xf32, #tpu.memory_space<hbm>>) dst(%dma_wait3A_248 : memref<64x16xf32, #tpu.memory_space<vmem>>)
      tpu.yield
    }) : () -> ()
    %scan3A_67 = arith.constant 0 : i32
    %scan3A_68 = arith.constant 0 : i32
    %scan3A_69 = arith.constant 64 : i32
    %scan3A_70 = arith.addi %scan3A_68, %scan3A_69 : i32
    %scan3A_71 = arith.constant 1 : i32
    scf.for %scan3A_227 = %scan3A_68 to %scan3A_70 step %scan3A_71  : i32 {
      %get3A = arith.index_cast %scan3A_227 : i32 to index
      %get3A_228 = arith.constant 0 : index
      %get3A_229 = tpu.vector_load %arg12[%get3A, %get3A_228] {strides = array<i32>} : memref<64x16xf32, #tpu.memory_space<vmem>>, vector<1x16xf32>,
      %get3A_230 = vector.shape_cast %get3A_229 : vector<1x16xf32> to vector<16xf32>
      %get3A_231 = arith.index_cast %scan3A_227 : i32 to index
      %get3A_232 = arith.constant 0 : index
      %get3A_233 = tpu.vector_load %arg13[%get3A_231, %get3A_232] {strides = array<i32>} : memref<64x16xf32, #tpu.memory_space<vmem>>, vector<1x16xf32>,
      %get3A_234 = vector.shape_cast %get3A_233 : vector<1x16xf32> to vector<16xf32>
      %add3A_235 = arith.addf %get3A_230, %get3A_234 : vector<16xf32>
      %gt3A = arith.constant 0.000000e+00 : f32
      %gt3A_236 = vector.broadcast %gt3A : f32 to vector<16xf32>
      %gt3A_237 = arith.cmpf ogt, %add3A_235, %gt3A_236 : vector<16xf32>
      %div3A = arith.constant 1.000000e+00 : f32
      %div3A_238 = vector.broadcast %div3A : f32 to vector<16xf32>
      %div3A_239 = arith.divf %div3A_238, %add3A_235 : vector<16xf32>
      %jit3A = arith.constant 0.000000e+00 : f32
      %broadcast_in_dim3A = vector.broadcast %jit3A : f32 to vector<16xf32>
      %select_n3A = arith.select %gt3A_237, %div3A_239, %broadcast_in_dim3A : vector<16xi1>, vector<16xf32>
      %slice3A = vector.extract_strided_slice %select_n3A {offsets = [0], sizes = [1], strides = [1]} : vector<16xf32> to vector<1xf32>
      %squeeze3A = vector.extract %slice3A[0] : f32 from vector<1xf32>
      %get3A_240 = arith.index_cast %scan3A_227 : i32 to index
      %get3A_241 = arith.constant 0 : index
      %get3A_242 = tpu.vector_load %arg10[%get3A_240, %get3A_241] {strides = array<i32>} : memref<64x64xf32, #tpu.memory_space<vmem>>, vector<1x16xf32>,
      %get3A_243 = vector.shape_cast %get3A_242 : vector<1x16xf32> to vector<16xf32>
      %mul3A_244 = vector.broadcast %squeeze3A : f32 to vector<16xf32>
      %mul3A_245 = arith.mulf %get3A_243, %mul3A_244 : vector<16xf32>
      %max3A = arith.constant 0.000000e+00 : f32
      %max3A_246 = vector.broadcast %max3A : f32 to vector<16xf32>
      %max3A_247 = arith.maximumf %mul3A_245, %max3A_246 : vector<16xf32>
      %swap3A = arith.index_cast %scan3A_227 : i32 to index
      %swap3A_248 = arith.constant 0 : index
      %swap3A_249 = tpu.vector_load %arg11[%swap3A, %swap3A_248] {strides = array<i32>} : memref<64x64xf32, #tpu.memory_space<vmem>>, vector<1x16xf32>,
      %swap3A_250 = vector.shape_cast %swap3A_249 : vector<1x16xf32> to vector<16xf32>
      %swap3A_251 = vector.shape_cast %max3A_247 : vector<16xf32> to vector<1x16xf32>
      tpu.vector_store %arg11[%swap3A, %swap3A_248], %swap3A_251 {strides = array<i32>} : memref<64x64xf32, #tpu.memory_space<vmem>>, vector<1x16xf32>,
      %get3A_252 = arith.index_cast %scan3A_227 : i32 to index
      %get3A_253 = arith.constant 16 : index
      %get3A_254 = tpu.vector_load %arg10[%get3A_252, %get3A_253] {strides = array<i32>} : memref<64x64xf32, #tpu.memory_space<vmem>>, vector<1x16xf32>,
      %get3A_255 = vector.shape_cast %get3A_254 : vector<1x16xf32> to vector<16xf32>
      %mul3A_256 = vector.broadcast %squeeze3A : f32 to vector<16xf32>
      %mul3A_257 = arith.mulf %get3A_255, %mul3A_256 : vector<16xf32>
      %max3A_258 = arith.constant 0.000000e+00 : f32
      %max3A_259 = vector.broadcast %max3A_258 : f32 to vector<16xf32>
      %max3A_260 = arith.maximumf %mul3A_257, %max3A_259 : vector<16xf32>
      %swap3A_261 = arith.index_cast %scan3A_227 : i32 to index
      %swap3A_262 = arith.constant 16 : index
      %swap3A_263 = tpu.vector_load %arg11[%swap3A_261, %swap3A_262] {strides = array<i32>} : memref<64x64xf32, #tpu.memory_space<vmem>>, vector<1x16xf32>,
      %swap3A_264 = vector.shape_cast %swap3A_263 : vector<1x16xf32> to vector<16xf32>
      %swap3A_265 = vector.shape_cast %max3A_260 : vector<16xf32> to vector<1x16xf32>
      tpu.vector_store %arg11[%swap3A_261, %swap3A_262], %swap3A_265 {strides = array<i32>} : memref<64x64xf32, #tpu.memory_space<vmem>>, vector<1x16xf32>,
      %get3A_266 = arith.index_cast %scan3A_227 : i32 to index
      %get3A_267 = arith.constant 32 : index
      %get3A_268 = tpu.vector_load %arg10[%get3A_266, %get3A_267] {strides = array<i32>} : memref<64x64xf32, #tpu.memory_space<vmem>>, vector<1x16xf32>,
      %get3A_269 = vector.shape_cast %get3A_268 : vector<1x16xf32> to vector<16xf32>
      %mul3A_270 = vector.broadcast %squeeze3A : f32 to vector<16xf32>
      %mul3A_271 = arith.mulf %get3A_269, %mul3A_270 : vector<16xf32>
      %max3A_272 = arith.constant 0.000000e+00 : f32
      %max3A_273 = vector.broadcast %max3A_272 : f32 to vector<16xf32>
      %max3A_274 = arith.maximumf %mul3A_271, %max3A_273 : vector<16xf32>
      %swap3A_275 = arith.index_cast %scan3A_227 : i32 to index
      %swap3A_276 = arith.constant 32 : index
      %swap3A_277 = tpu.vector_load %arg11[%swap3A_275, %swap3A_276] {strides = array<i32>} : memref<64x64xf32, #tpu.memory_space<vmem>>, vector<1x16xf32>,
      %swap3A_278 = vector.shape_cast %swap3A_277 : vector<1x16xf32> to vector<16xf32>
      %swap3A_279 = vector.shape_cast %max3A_274 : vector<16xf32> to vector<1x16xf32>
      tpu.vector_store %arg11[%swap3A_275, %swap3A_276], %swap3A_279 {strides = array<i32>} : memref<64x64xf32, #tpu.memory_space<vmem>>, vector<1x16xf32>,
      %get3A_280 = arith.index_cast %scan3A_227 : i32 to index
      %get3A_281 = arith.constant 48 : index
      %get3A_282 = tpu.vector_load %arg10[%get3A_280, %get3A_281] {strides = array<i32>} : memref<64x64xf32, #tpu.memory_space<vmem>>, vector<1x16xf32>,
      %get3A_283 = vector.shape_cast %get3A_282 : vector<1x16xf32> to vector<16xf32>
      %mul3A_284 = vector.broadcast %squeeze3A : f32 to vector<16xf32>
      %mul3A_285 = arith.mulf %get3A_283, %mul3A_284 : vector<16xf32>
      %max3A_286 = arith.constant 0.000000e+00 : f32
      %max3A_287 = vector.broadcast %max3A_286 : f32 to vector<16xf32>
      %max3A_288 = arith.maximumf %mul3A_285, %max3A_287 : vector<16xf32>
      %swap3A_289 = arith.index_cast %scan3A_227 : i32 to index
      %swap3A_290 = arith.constant 48 : index
      %swap3A_291 = tpu.vector_load %arg11[%swap3A_289, %swap3A_290] {strides = array<i32>} : memref<64x64xf32, #tpu.memory_space<vmem>>, vector<1x16xf32>,
      %swap3A_292 = vector.shape_cast %swap3A_291 : vector<1x16xf32> to vector<16xf32>
      %swap3A_293 = vector.shape_cast %max3A_288 : vector<16xf32> to vector<1x16xf32>
      tpu.vector_store %arg11[%swap3A_289, %swap3A_290], %swap3A_293 {strides = array<i32>} : memref<64x64xf32, #tpu.memory_space<vmem>>, vector<1x16xf32>,
    }
    %scan3A_72 = arith.constant 64 : i32
    "tpu.region"() ({
      %run_scoped3A_227 = tpu.sem_alloc : memref<!tpu.dma_semaphore, #tpu.memory_space<semaphore_mem>>
      %dma_start3A_228 = arith.constant 0 : i32
      %dma_start3A_229 = arith.constant 0 : i32
      %dma_start3A_230 = tpu.memref_slice %arg11[%dma_start3A_228, %dma_start3A_229] : memref<64x64xf32, #tpu.memory_space<vmem>> -> memref<64x64xf32, #tpu.memory_space<vmem>>
      %dma_start3A_231 = arith.constant 0 : i32
      %dma_start3A_232 = tpu.memref_slice %arg14[%add3A_65, %dma_start3A_231] : memref<10016x64xf32, #tpu.memory_space<vmem_shared>> -> memref<64x64xf32, #tpu.memory_space<vmem_shared>>
      %dma_start3A_233 = arith.constant 0 : i32
      %dma_start3A_234 = tpu.memref_slice %arg14[%add3A_65, %dma_start3A_233] : memref<10016x64xf32, #tpu.memory_space<vmem_shared>> -> memref<64x64xf32, #tpu.memory_space<vmem_shared>>
      %dma_start3A_235 = arith.constant 0 : i32
      %dma_start3A_236 = arith.constant 0 : i32
      %dma_start3A_237 = tpu.memref_slice %arg11[%dma_start3A_235, %dma_start3A_236] : memref<64x64xf32, #tpu.memory_space<vmem>> -> memref<64x64xf32, #tpu.memory_space<vmem>>
      tpu.enqueue_dma source(%dma_start3A_237 : memref<64x64xf32, #tpu.memory_space<vmem>>) target(%dma_start3A_234 : memref<64x64xf32, #tpu.memory_space<vmem_shared>>) target_semaphore(%run_scoped3A_227 : memref<!tpu.dma_semaphore, #tpu.memory_space<semaphore_mem>>)
      %dma_wait3A_238 = arith.constant 0 : i32
      %dma_wait3A_239 = arith.constant 0 : i32
      %dma_wait3A_240 = tpu.memref_slice %arg11[%dma_wait3A_238, %dma_wait3A_239] : memref<64x64xf32, #tpu.memory_space<vmem>> -> memref<64x64xf32, #tpu.memory_space<vmem>>
      %dma_wait3A_241 = arith.constant 0 : i32
      %dma_wait3A_242 = tpu.memref_slice %arg14[%add3A_65, %dma_wait3A_241] : memref<10016x64xf32, #tpu.memory_space<vmem_shared>> -> memref<64x64xf32, #tpu.memory_space<vmem_shared>>
      %dma_wait3A_243 = arith.constant 0 : i32
      %dma_wait3A_244 = tpu.memref_slice %arg14[%add3A_65, %dma_wait3A_243] : memref<10016x64xf32, #tpu.memory_space<vmem_shared>> -> memref<64x64xf32, #tpu.memory_space<vmem_shared>>
      %dma_wait3A_245 = arith.constant 0 : i32
      %dma_wait3A_246 = arith.constant 0 : i32
      %dma_wait3A_247 = tpu.memref_slice %arg11[%dma_wait3A_245, %dma_wait3A_246] : memref<64x64xf32, #tpu.memory_space<vmem>> -> memref<64x64xf32, #tpu.memory_space<vmem>>
      tpu.wait_dma2 semaphore(%run_scoped3A_227 : memref<!tpu.dma_semaphore, #tpu.memory_space<semaphore_mem>>) src(%dma_wait3A_247 : memref<64x64xf32, #tpu.memory_space<vmem>>) dst(%dma_wait3A_244 : memref<64x64xf32, #tpu.memory_space<vmem_shared>>)
      tpu.yield
    }) : () -> ()
    %add3A_73 = arith.constant 64 : i32
    %add3A_74 = arith.addi %mul3A_64, %add3A_73 : i32
    "tpu.region"() ({
      %run_scoped3A_227 = tpu.sem_alloc : memref<!tpu.dma_semaphore, #tpu.memory_space<semaphore_mem>>
      %dma_start3A_228 = arith.constant 0 : i32
      %dma_start3A_229 = arith.constant 0 : i32
      %dma_start3A_230 = tpu.memref_slice %arg10[%dma_start3A_228, %dma_start3A_229] : memref<64x64xf32, #tpu.memory_space<vmem>> -> memref<64x64xf32, #tpu.memory_space<vmem>>
      %dma_start3A_231 = arith.constant 0 : i32
      %dma_start3A_232 = tpu.memref_slice %arg15[%add3A_74, %dma_start3A_231] : memref<10016x64xf32, #tpu.memory_space<vmem_shared>> -> memref<64x64xf32, #tpu.memory_space<vmem_shared>>
      %dma_start3A_233 = arith.constant 0 : i32
      %dma_start3A_234 = arith.constant 0 : i32
      %dma_start3A_235 = tpu.memref_slice %arg10[%dma_start3A_233, %dma_start3A_234] : memref<64x64xf32, #tpu.memory_space<vmem>> -> memref<64x64xf32, #tpu.memory_space<vmem>>
      %dma_start3A_236 = arith.constant 0 : i32
      %dma_start3A_237 = tpu.memref_slice %arg15[%add3A_74, %dma_start3A_236] : memref<10016x64xf32, #tpu.memory_space<vmem_shared>> -> memref<64x64xf32, #tpu.memory_space<vmem_shared>>
      tpu.enqueue_dma source(%dma_start3A_237 : memref<64x64xf32, #tpu.memory_space<vmem_shared>>) target(%dma_start3A_235 : memref<64x64xf32, #tpu.memory_space<vmem>>) target_semaphore(%run_scoped3A_227 : memref<!tpu.dma_semaphore, #tpu.memory_space<semaphore_mem>>)
      %dma_wait3A_238 = arith.constant 0 : i32
      %dma_wait3A_239 = arith.constant 0 : i32
      %dma_wait3A_240 = tpu.memref_slice %arg10[%dma_wait3A_238, %dma_wait3A_239] : memref<64x64xf32, #tpu.memory_space<vmem>> -> memref<64x64xf32, #tpu.memory_space<vmem>>
      %dma_wait3A_241 = arith.constant 0 : i32
      %dma_wait3A_242 = tpu.memref_slice %arg15[%add3A_74, %dma_wait3A_241] : memref<10016x64xf32, #tpu.memory_space<vmem_shared>> -> memref<64x64xf32, #tpu.memory_space<vmem_shared>>
      %dma_wait3A_243 = arith.constant 0 : i32
      %dma_wait3A_244 = arith.constant 0 : i32
      %dma_wait3A_245 = tpu.memref_slice %arg10[%dma_wait3A_243, %dma_wait3A_244] : memref<64x64xf32, #tpu.memory_space<vmem>> -> memref<64x64xf32, #tpu.memory_space<vmem>>
      %dma_wait3A_246 = arith.constant 0 : i32
      %dma_wait3A_247 = tpu.memref_slice %arg15[%add3A_74, %dma_wait3A_246] : memref<10016x64xf32, #tpu.memory_space<vmem_shared>> -> memref<64x64xf32, #tpu.memory_space<vmem_shared>>
      tpu.wait_dma2 semaphore(%run_scoped3A_227 : memref<!tpu.dma_semaphore, #tpu.memory_space<semaphore_mem>>) src(%dma_wait3A_247 : memref<64x64xf32, #tpu.memory_space<vmem_shared>>) dst(%dma_wait3A_245 : memref<64x64xf32, #tpu.memory_space<vmem>>)
      tpu.yield
    }) : () -> ()
    %run_scoped3A_75 = arith.constant 0 : i32
    "tpu.region"() ({
      %run_scoped3A_227 = tpu.sem_alloc : memref<!tpu.dma_semaphore, #tpu.memory_space<semaphore_mem>>
      %dma_start3A_228 = arith.constant 0 : i32
      %dma_start3A_229 = arith.constant 0 : i32
      %dma_start3A_230 = tpu.memref_slice %arg12[%dma_start3A_228, %dma_start3A_229] : memref<64x16xf32, #tpu.memory_space<vmem>> -> memref<64x16xf32, #tpu.memory_space<vmem>>
      %dma_start3A_231 = arith.constant 0 : i32
      %dma_start3A_232 = tpu.memref_slice %arg6[%run_scoped3A_75, %add3A_74, %dma_start3A_231] : memref<2x10016x16xf32, #tpu.memory_space<hbm>> -> memref<1x64x16xf32, #tpu.memory_space<hbm>>
      %dma_start3A_233 = tpu.memref_squeeze %dma_start3A_232 : memref<1x64x16xf32, #tpu.memory_space<hbm>> -> memref<64x16xf32, #tpu.memory_space<hbm>>
      %dma_start3A_234 = arith.constant 0 : i32
      %dma_start3A_235 = arith.constant 0 : i32
      %dma_start3A_236 = tpu.memref_slice %arg12[%dma_start3A_234, %dma_start3A_235] : memref<64x16xf32, #tpu.memory_space<vmem>> -> memref<64x16xf32, #tpu.memory_space<vmem>>
      %dma_start3A_237 = arith.constant 0 : i32
      %dma_start3A_238 = tpu.memref_slice %arg6[%run_scoped3A_75, %add3A_74, %dma_start3A_237] : memref<2x10016x16xf32, #tpu.memory_space<hbm>> -> memref<1x64x16xf32, #tpu.memory_space<hbm>>
      %dma_start3A_239 = tpu.memref_squeeze %dma_start3A_238 : memref<1x64x16xf32, #tpu.memory_space<hbm>> -> memref<64x16xf32, #tpu.memory_space<hbm>>
      tpu.enqueue_dma source(%dma_start3A_239 : memref<64x16xf32, #tpu.memory_space<hbm>>) target(%dma_start3A_236 : memref<64x16xf32, #tpu.memory_space<vmem>>) target_semaphore(%run_scoped3A_227 : memref<!tpu.dma_semaphore, #tpu.memory_space<semaphore_mem>>)
      %dma_wait3A_240 = arith.constant 0 : i32
      %dma_wait3A_241 = arith.constant 0 : i32
      %dma_wait3A_242 = tpu.memref_slice %arg12[%dma_wait3A_240, %dma_wait3A_241] : memref<64x16xf32, #tpu.memory_space<vmem>> -> memref<64x16xf32, #tpu.memory_space<vmem>>
      %dma_wait3A_243 = arith.constant 0 : i32
      %dma_wait3A_244 = tpu.memref_slice %arg6[%run_scoped3A_75, %add3A_74, %dma_wait3A_243] : memref<2x10016x16xf32, #tpu.memory_space<hbm>> -> memref<1x64x16xf32, #tpu.memory_space<hbm>>
      %dma_wait3A_245 = tpu.memref_squeeze %dma_wait3A_244 : memref<1x64x16xf32, #tpu.memory_space<hbm>> -> memref<64x16xf32, #tpu.memory_space<hbm>>
      %dma_wait3A_246 = arith.constant 0 : i32
      %dma_wait3A_247 = arith.constant 0 : i32
      %dma_wait3A_248 = tpu.memref_slice %arg12[%dma_wait3A_246, %dma_wait3A_247] : memref<64x16xf32, #tpu.memory_space<vmem>> -> memref<64x16xf32, #tpu.memory_space<vmem>>
      %dma_wait3A_249 = arith.constant 0 : i32
      %dma_wait3A_250 = tpu.memref_slice %arg6[%run_scoped3A_75, %add3A_74, %dma_wait3A_249] : memref<2x10016x16xf32, #tpu.memory_space<hbm>> -> memref<1x64x16xf32, #tpu.memory_space<hbm>>
      %dma_wait3A_251 = tpu.memref_squeeze %dma_wait3A_250 : memref<1x64x16xf32, #tpu.memory_space<hbm>> -> memref<64x16xf32, #tpu.memory_space<hbm>>
      tpu.wait_dma2 semaphore(%run_scoped3A_227 : memref<!tpu.dma_semaphore, #tpu.memory_space<semaphore_mem>>) src(%dma_wait3A_251 : memref<64x16xf32, #tpu.memory_space<hbm>>) dst(%dma_wait3A_248 : memref<64x16xf32, #tpu.memory_space<vmem>>)
      tpu.yield
    }) : () -> ()
    %run_scoped3A_76 = arith.constant 1 : i32
    "tpu.region"() ({
      %run_scoped3A_227 = tpu.sem_alloc : memref<!tpu.dma_semaphore, #tpu.memory_space<semaphore_mem>>
      %dma_start3A_228 = arith.constant 0 : i32
      %dma_start3A_229 = arith.constant 0 : i32
      %dma_start3A_230 = tpu.memref_slice %arg13[%dma_start3A_228, %dma_start3A_229] : memref<64x16xf32, #tpu.memory_space<vmem>> -> memref<64x16xf32, #tpu.memory_space<vmem>>
      %dma_start3A_231 = arith.constant 0 : i32
      %dma_start3A_232 = tpu.memref_slice %arg6[%run_scoped3A_76, %add3A_74, %dma_start3A_231] : memref<2x10016x16xf32, #tpu.memory_space<hbm>> -> memref<1x64x16xf32, #tpu.memory_space<hbm>>
      %dma_start3A_233 = tpu.memref_squeeze %dma_start3A_232 : memref<1x64x16xf32, #tpu.memory_space<hbm>> -> memref<64x16xf32, #tpu.memory_space<hbm>>
      %dma_start3A_234 = arith.constant 0 : i32
      %dma_start3A_235 = arith.constant 0 : i32
      %dma_start3A_236 = tpu.memref_slice %arg13[%dma_start3A_234, %dma_start3A_235] : memref<64x16xf32, #tpu.memory_space<vmem>> -> memref<64x16xf32, #tpu.memory_space<vmem>>
      %dma_start3A_237 = arith.constant 0 : i32
      %dma_start3A_238 = tpu.memref_slice %arg6[%run_scoped3A_76, %add3A_74, %dma_start3A_237] : memref<2x10016x16xf32, #tpu.memory_space<hbm>> -> memref<1x64x16xf32, #tpu.memory_space<hbm>>
      %dma_start3A_239 = tpu.memref_squeeze %dma_start3A_238 : memref<1x64x16xf32, #tpu.memory_space<hbm>> -> memref<64x16xf32, #tpu.memory_space<hbm>>
      tpu.enqueue_dma source(%dma_start3A_239 : memref<64x16xf32, #tpu.memory_space<hbm>>) target(%dma_start3A_236 : memref<64x16xf32, #tpu.memory_space<vmem>>) target_semaphore(%run_scoped3A_227 : memref<!tpu.dma_semaphore, #tpu.memory_space<semaphore_mem>>)
      %dma_wait3A_240 = arith.constant 0 : i32
      %dma_wait3A_241 = arith.constant 0 : i32
      %dma_wait3A_242 = tpu.memref_slice %arg13[%dma_wait3A_240, %dma_wait3A_241] : memref<64x16xf32, #tpu.memory_space<vmem>> -> memref<64x16xf32, #tpu.memory_space<vmem>>
      %dma_wait3A_243 = arith.constant 0 : i32
      %dma_wait3A_244 = tpu.memref_slice %arg6[%run_scoped3A_76, %add3A_74, %dma_wait3A_243] : memref<2x10016x16xf32, #tpu.memory_space<hbm>> -> memref<1x64x16xf32, #tpu.memory_space<hbm>>
      %dma_wait3A_245 = tpu.memref_squeeze %dma_wait3A_244 : memref<1x64x16xf32, #tpu.memory_space<hbm>> -> memref<64x16xf32, #tpu.memory_space<hbm>>
      %dma_wait3A_246 = arith.constant 0 : i32
      %dma_wait3A_247 = arith.constant 0 : i32
      %dma_wait3A_248 = tpu.memref_slice %arg13[%dma_wait3A_246, %dma_wait3A_247] : memref<64x16xf32, #tpu.memory_space<vmem>> -> memref<64x16xf32, #tpu.memory_space<vmem>>
      %dma_wait3A_249 = arith.constant 0 : i32
      %dma_wait3A_250 = tpu.memref_slice %arg6[%run_scoped3A_76, %add3A_74, %dma_wait3A_249] : memref<2x10016x16xf32, #tpu.memory_space<hbm>> -> memref<1x64x16xf32, #tpu.memory_space<hbm>>
      %dma_wait3A_251 = tpu.memref_squeeze %dma_wait3A_250 : memref<1x64x16xf32, #tpu.memory_space<hbm>> -> memref<64x16xf32, #tpu.memory_space<hbm>>
      tpu.wait_dma2 semaphore(%run_scoped3A_227 : memref<!tpu.dma_semaphore, #tpu.memory_space<semaphore_mem>>) src(%dma_wait3A_251 : memref<64x16xf32, #tpu.memory_space<hbm>>) dst(%dma_wait3A_248 : memref<64x16xf32, #tpu.memory_space<vmem>>)
      tpu.yield
    }) : () -> ()
    %scan3A_77 = arith.constant 0 : i32
    %scan3A_78 = arith.constant 0 : i32
    %scan3A_79 = arith.constant 64 : i32
    %scan3A_80 = arith.addi %scan3A_78, %scan3A_79 : i32
    %scan3A_81 = arith.constant 1 : i32
    scf.for %scan3A_227 = %scan3A_78 to %scan3A_80 step %scan3A_81  : i32 {
      %get3A = arith.index_cast %scan3A_227 : i32 to index
      %get3A_228 = arith.constant 0 : index
      %get3A_229 = tpu.vector_load %arg12[%get3A, %get3A_228] {strides = array<i32>} : memref<64x16xf32, #tpu.memory_space<vmem>>, vector<1x16xf32>,
      %get3A_230 = vector.shape_cast %get3A_229 : vector<1x16xf32> to vector<16xf32>
      %get3A_231 = arith.index_cast %scan3A_227 : i32 to index
      %get3A_232 = arith.constant 0 : index
      %get3A_233 = tpu.vector_load %arg13[%get3A_231, %get3A_232] {strides = array<i32>} : memref<64x16xf32, #tpu.memory_space<vmem>>, vector<1x16xf32>,
      %get3A_234 = vector.shape_cast %get3A_233 : vector<1x16xf32> to vector<16xf32>
      %add3A_235 = arith.addf %get3A_230, %get3A_234 : vector<16xf32>
      %gt3A = arith.constant 0.000000e+00 : f32
      %gt3A_236 = vector.broadcast %gt3A : f32 to vector<16xf32>
      %gt3A_237 = arith.cmpf ogt, %add3A_235, %gt3A_236 : vector<16xf32>
      %div3A = arith.constant 1.000000e+00 : f32
      %div3A_238 = vector.broadcast %div3A : f32 to vector<16xf32>
      %div3A_239 = arith.divf %div3A_238, %add3A_235 : vector<16xf32>
      %jit3A = arith.constant 0.000000e+00 : f32
      %broadcast_in_dim3A = vector.broadcast %jit3A : f32 to vector<16xf32>
      %select_n3A = arith.select %gt3A_237, %div3A_239, %broadcast_in_dim3A : vector<16xi1>, vector<16xf32>
      %slice3A = vector.extract_strided_slice %select_n3A {offsets = [0], sizes = [1], strides = [1]} : vector<16xf32> to vector<1xf32>
      %squeeze3A = vector.extract %slice3A[0] : f32 from vector<1xf32>
      %get3A_240 = arith.index_cast %scan3A_227 : i32 to index
      %get3A_241 = arith.constant 0 : index
      %get3A_242 = tpu.vector_load %arg10[%get3A_240, %get3A_241] {strides = array<i32>} : memref<64x64xf32, #tpu.memory_space<vmem>>, vector<1x16xf32>,
      %get3A_243 = vector.shape_cast %get3A_242 : vector<1x16xf32> to vector<16xf32>
      %mul3A_244 = vector.broadcast %squeeze3A : f32 to vector<16xf32>
      %mul3A_245 = arith.mulf %get3A_243, %mul3A_244 : vector<16xf32>
      %max3A = arith.constant 0.000000e+00 : f32
      %max3A_246 = vector.broadcast %max3A : f32 to vector<16xf32>
      %max3A_247 = arith.maximumf %mul3A_245, %max3A_246 : vector<16xf32>
      %swap3A = arith.index_cast %scan3A_227 : i32 to index
      %swap3A_248 = arith.constant 0 : index
      %swap3A_249 = tpu.vector_load %arg11[%swap3A, %swap3A_248] {strides = array<i32>} : memref<64x64xf32, #tpu.memory_space<vmem>>, vector<1x16xf32>,
      %swap3A_250 = vector.shape_cast %swap3A_249 : vector<1x16xf32> to vector<16xf32>
      %swap3A_251 = vector.shape_cast %max3A_247 : vector<16xf32> to vector<1x16xf32>
      tpu.vector_store %arg11[%swap3A, %swap3A_248], %swap3A_251 {strides = array<i32>} : memref<64x64xf32, #tpu.memory_space<vmem>>, vector<1x16xf32>,
      %get3A_252 = arith.index_cast %scan3A_227 : i32 to index
      %get3A_253 = arith.constant 16 : index
      %get3A_254 = tpu.vector_load %arg10[%get3A_252, %get3A_253] {strides = array<i32>} : memref<64x64xf32, #tpu.memory_space<vmem>>, vector<1x16xf32>,
      %get3A_255 = vector.shape_cast %get3A_254 : vector<1x16xf32> to vector<16xf32>
      %mul3A_256 = vector.broadcast %squeeze3A : f32 to vector<16xf32>
      %mul3A_257 = arith.mulf %get3A_255, %mul3A_256 : vector<16xf32>
      %max3A_258 = arith.constant 0.000000e+00 : f32
      %max3A_259 = vector.broadcast %max3A_258 : f32 to vector<16xf32>
      %max3A_260 = arith.maximumf %mul3A_257, %max3A_259 : vector<16xf32>
      %swap3A_261 = arith.index_cast %scan3A_227 : i32 to index
      %swap3A_262 = arith.constant 16 : index
      %swap3A_263 = tpu.vector_load %arg11[%swap3A_261, %swap3A_262] {strides = array<i32>} : memref<64x64xf32, #tpu.memory_space<vmem>>, vector<1x16xf32>,
      %swap3A_264 = vector.shape_cast %swap3A_263 : vector<1x16xf32> to vector<16xf32>
      %swap3A_265 = vector.shape_cast %max3A_260 : vector<16xf32> to vector<1x16xf32>
      tpu.vector_store %arg11[%swap3A_261, %swap3A_262], %swap3A_265 {strides = array<i32>} : memref<64x64xf32, #tpu.memory_space<vmem>>, vector<1x16xf32>,
      %get3A_266 = arith.index_cast %scan3A_227 : i32 to index
      %get3A_267 = arith.constant 32 : index
      %get3A_268 = tpu.vector_load %arg10[%get3A_266, %get3A_267] {strides = array<i32>} : memref<64x64xf32, #tpu.memory_space<vmem>>, vector<1x16xf32>,
      %get3A_269 = vector.shape_cast %get3A_268 : vector<1x16xf32> to vector<16xf32>
      %mul3A_270 = vector.broadcast %squeeze3A : f32 to vector<16xf32>
      %mul3A_271 = arith.mulf %get3A_269, %mul3A_270 : vector<16xf32>
      %max3A_272 = arith.constant 0.000000e+00 : f32
      %max3A_273 = vector.broadcast %max3A_272 : f32 to vector<16xf32>
      %max3A_274 = arith.maximumf %mul3A_271, %max3A_273 : vector<16xf32>
      %swap3A_275 = arith.index_cast %scan3A_227 : i32 to index
      %swap3A_276 = arith.constant 32 : index
      %swap3A_277 = tpu.vector_load %arg11[%swap3A_275, %swap3A_276] {strides = array<i32>} : memref<64x64xf32, #tpu.memory_space<vmem>>, vector<1x16xf32>,
      %swap3A_278 = vector.shape_cast %swap3A_277 : vector<1x16xf32> to vector<16xf32>
      %swap3A_279 = vector.shape_cast %max3A_274 : vector<16xf32> to vector<1x16xf32>
      tpu.vector_store %arg11[%swap3A_275, %swap3A_276], %swap3A_279 {strides = array<i32>} : memref<64x64xf32, #tpu.memory_space<vmem>>, vector<1x16xf32>,
      %get3A_280 = arith.index_cast %scan3A_227 : i32 to index
      %get3A_281 = arith.constant 48 : index
      %get3A_282 = tpu.vector_load %arg10[%get3A_280, %get3A_281] {strides = array<i32>} : memref<64x64xf32, #tpu.memory_space<vmem>>, vector<1x16xf32>,
      %get3A_283 = vector.shape_cast %get3A_282 : vector<1x16xf32> to vector<16xf32>
      %mul3A_284 = vector.broadcast %squeeze3A : f32 to vector<16xf32>
      %mul3A_285 = arith.mulf %get3A_283, %mul3A_284 : vector<16xf32>
      %max3A_286 = arith.constant 0.000000e+00 : f32
      %max3A_287 = vector.broadcast %max3A_286 : f32 to vector<16xf32>
      %max3A_288 = arith.maximumf %mul3A_285, %max3A_287 : vector<16xf32>
      %swap3A_289 = arith.index_cast %scan3A_227 : i32 to index
      %swap3A_290 = arith.constant 48 : index
      %swap3A_291 = tpu.vector_load %arg11[%swap3A_289, %swap3A_290] {strides = array<i32>} : memref<64x64xf32, #tpu.memory_space<vmem>>, vector<1x16xf32>,
      %swap3A_292 = vector.shape_cast %swap3A_291 : vector<1x16xf32> to vector<16xf32>
      %swap3A_293 = vector.shape_cast %max3A_288 : vector<16xf32> to vector<1x16xf32>
      tpu.vector_store %arg11[%swap3A_289, %swap3A_290], %swap3A_293 {strides = array<i32>} : memref<64x64xf32, #tpu.memory_space<vmem>>, vector<1x16xf32>,
    }
    %scan3A_82 = arith.constant 64 : i32
    "tpu.region"() ({
      %run_scoped3A_227 = tpu.sem_alloc : memref<!tpu.dma_semaphore, #tpu.memory_space<semaphore_mem>>
      %dma_start3A_228 = arith.constant 0 : i32
      %dma_start3A_229 = arith.constant 0 : i32
      %dma_start3A_230 = tpu.memref_slice %arg11[%dma_start3A_228, %dma_start3A_229] : memref<64x64xf32, #tpu.memory_space<vmem>> -> memref<64x64xf32, #tpu.memory_space<vmem>>
      %dma_start3A_231 = arith.constant 0 : i32
      %dma_start3A_232 = tpu.memref_slice %arg14[%add3A_74, %dma_start3A_231] : memref<10016x64xf32, #tpu.memory_space<vmem_shared>> -> memref<64x64xf32, #tpu.memory_space<vmem_shared>>
      %dma_start3A_233 = arith.constant 0 : i32
      %dma_start3A_234 = tpu.memref_slice %arg14[%add3A_74, %dma_start3A_233] : memref<10016x64xf32, #tpu.memory_space<vmem_shared>> -> memref<64x64xf32, #tpu.memory_space<vmem_shared>>
      %dma_start3A_235 = arith.constant 0 : i32
      %dma_start3A_236 = arith.constant 0 : i32
      %dma_start3A_237 = tpu.memref_slice %arg11[%dma_start3A_235, %dma_start3A_236] : memref<64x64xf32, #tpu.memory_space<vmem>> -> memref<64x64xf32, #tpu.memory_space<vmem>>
      tpu.enqueue_dma source(%dma_start3A_237 : memref<64x64xf32, #tpu.memory_space<vmem>>) target(%dma_start3A_234 : memref<64x64xf32, #tpu.memory_space<vmem_shared>>) target_semaphore(%run_scoped3A_227 : memref<!tpu.dma_semaphore, #tpu.memory_space<semaphore_mem>>)
      %dma_wait3A_238 = arith.constant 0 : i32
      %dma_wait3A_239 = arith.constant 0 : i32
      %dma_wait3A_240 = tpu.memref_slice %arg11[%dma_wait3A_238, %dma_wait3A_239] : memref<64x64xf32, #tpu.memory_space<vmem>> -> memref<64x64xf32, #tpu.memory_space<vmem>>
      %dma_wait3A_241 = arith.constant 0 : i32
      %dma_wait3A_242 = tpu.memref_slice %arg14[%add3A_74, %dma_wait3A_241] : memref<10016x64xf32, #tpu.memory_space<vmem_shared>> -> memref<64x64xf32, #tpu.memory_space<vmem_shared>>
      %dma_wait3A_243 = arith.constant 0 : i32
      %dma_wait3A_244 = tpu.memref_slice %arg14[%add3A_74, %dma_wait3A_243] : memref<10016x64xf32, #tpu.memory_space<vmem_shared>> -> memref<64x64xf32, #tpu.memory_space<vmem_shared>>
      %dma_wait3A_245 = arith.constant 0 : i32
      %dma_wait3A_246 = arith.constant 0 : i32
      %dma_wait3A_247 = tpu.memref_slice %arg11[%dma_wait3A_245, %dma_wait3A_246] : memref<64x64xf32, #tpu.memory_space<vmem>> -> memref<64x64xf32, #tpu.memory_space<vmem>>
      tpu.wait_dma2 semaphore(%run_scoped3A_227 : memref<!tpu.dma_semaphore, #tpu.memory_space<semaphore_mem>>) src(%dma_wait3A_247 : memref<64x64xf32, #tpu.memory_space<vmem>>) dst(%dma_wait3A_244 : memref<64x64xf32, #tpu.memory_space<vmem_shared>>)
      tpu.yield
    }) : () -> ()
    %add3A_83 = arith.constant 128 : i32
    %add3A_84 = arith.addi %mul3A_64, %add3A_83 : i32
    "tpu.region"() ({
      %run_scoped3A_227 = tpu.sem_alloc : memref<!tpu.dma_semaphore, #tpu.memory_space<semaphore_mem>>
      %dma_start3A_228 = arith.constant 0 : i32
      %dma_start3A_229 = arith.constant 0 : i32
      %dma_start3A_230 = tpu.memref_slice %arg10[%dma_start3A_228, %dma_start3A_229] : memref<64x64xf32, #tpu.memory_space<vmem>> -> memref<64x64xf32, #tpu.memory_space<vmem>>
      %dma_start3A_231 = arith.constant 0 : i32
      %dma_start3A_232 = tpu.memref_slice %arg15[%add3A_84, %dma_start3A_231] : memref<10016x64xf32, #tpu.memory_space<vmem_shared>> -> memref<64x64xf32, #tpu.memory_space<vmem_shared>>
      %dma_start3A_233 = arith.constant 0 : i32
      %dma_start3A_234 = arith.constant 0 : i32
      %dma_start3A_235 = tpu.memref_slice %arg10[%dma_start3A_233, %dma_start3A_234] : memref<64x64xf32, #tpu.memory_space<vmem>> -> memref<64x64xf32, #tpu.memory_space<vmem>>
      %dma_start3A_236 = arith.constant 0 : i32
      %dma_start3A_237 = tpu.memref_slice %arg15[%add3A_84, %dma_start3A_236] : memref<10016x64xf32, #tpu.memory_space<vmem_shared>> -> memref<64x64xf32, #tpu.memory_space<vmem_shared>>
      tpu.enqueue_dma source(%dma_start3A_237 : memref<64x64xf32, #tpu.memory_space<vmem_shared>>) target(%dma_start3A_235 : memref<64x64xf32, #tpu.memory_space<vmem>>) target_semaphore(%run_scoped3A_227 : memref<!tpu.dma_semaphore, #tpu.memory_space<semaphore_mem>>)
      %dma_wait3A_238 = arith.constant 0 : i32
      %dma_wait3A_239 = arith.constant 0 : i32
      %dma_wait3A_240 = tpu.memref_slice %arg10[%dma_wait3A_238, %dma_wait3A_239] : memref<64x64xf32, #tpu.memory_space<vmem>> -> memref<64x64xf32, #tpu.memory_space<vmem>>
      %dma_wait3A_241 = arith.constant 0 : i32
      %dma_wait3A_242 = tpu.memref_slice %arg15[%add3A_84, %dma_wait3A_241] : memref<10016x64xf32, #tpu.memory_space<vmem_shared>> -> memref<64x64xf32, #tpu.memory_space<vmem_shared>>
      %dma_wait3A_243 = arith.constant 0 : i32
      %dma_wait3A_244 = arith.constant 0 : i32
      %dma_wait3A_245 = tpu.memref_slice %arg10[%dma_wait3A_243, %dma_wait3A_244] : memref<64x64xf32, #tpu.memory_space<vmem>> -> memref<64x64xf32, #tpu.memory_space<vmem>>
      %dma_wait3A_246 = arith.constant 0 : i32
      %dma_wait3A_247 = tpu.memref_slice %arg15[%add3A_84, %dma_wait3A_246] : memref<10016x64xf32, #tpu.memory_space<vmem_shared>> -> memref<64x64xf32, #tpu.memory_space<vmem_shared>>
      tpu.wait_dma2 semaphore(%run_scoped3A_227 : memref<!tpu.dma_semaphore, #tpu.memory_space<semaphore_mem>>) src(%dma_wait3A_247 : memref<64x64xf32, #tpu.memory_space<vmem_shared>>) dst(%dma_wait3A_245 : memref<64x64xf32, #tpu.memory_space<vmem>>)
      tpu.yield
    }) : () -> ()
    %run_scoped3A_85 = arith.constant 0 : i32
    "tpu.region"() ({
      %run_scoped3A_227 = tpu.sem_alloc : memref<!tpu.dma_semaphore, #tpu.memory_space<semaphore_mem>>
      %dma_start3A_228 = arith.constant 0 : i32
      %dma_start3A_229 = arith.constant 0 : i32
      %dma_start3A_230 = tpu.memref_slice %arg12[%dma_start3A_228, %dma_start3A_229] : memref<64x16xf32, #tpu.memory_space<vmem>> -> memref<64x16xf32, #tpu.memory_space<vmem>>
      %dma_start3A_231 = arith.constant 0 : i32
      %dma_start3A_232 = tpu.memref_slice %arg6[%run_scoped3A_85, %add3A_84, %dma_start3A_231] : memref<2x10016x16xf32, #tpu.memory_space<hbm>> -> memref<1x64x16xf32, #tpu.memory_space<hbm>>
      %dma_start3A_233 = tpu.memref_squeeze %dma_start3A_232 : memref<1x64x16xf32, #tpu.memory_space<hbm>> -> memref<64x16xf32, #tpu.memory_space<hbm>>
      %dma_start3A_234 = arith.constant 0 : i32
      %dma_start3A_235 = arith.constant 0 : i32
      %dma_start3A_236 = tpu.memref_slice %arg12[%dma_start3A_234, %dma_start3A_235] : memref<64x16xf32, #tpu.memory_space<vmem>> -> memref<64x16xf32, #tpu.memory_space<vmem>>
      %dma_start3A_237 = arith.constant 0 : i32
      %dma_start3A_238 = tpu.memref_slice %arg6[%run_scoped3A_85, %add3A_84, %dma_start3A_237] : memref<2x10016x16xf32, #tpu.memory_space<hbm>> -> memref<1x64x16xf32, #tpu.memory_space<hbm>>
      %dma_start3A_239 = tpu.memref_squeeze %dma_start3A_238 : memref<1x64x16xf32, #tpu.memory_space<hbm>> -> memref<64x16xf32, #tpu.memory_space<hbm>>
      tpu.enqueue_dma source(%dma_start3A_239 : memref<64x16xf32, #tpu.memory_space<hbm>>) target(%dma_start3A_236 : memref<64x16xf32, #tpu.memory_space<vmem>>) target_semaphore(%run_scoped3A_227 : memref<!tpu.dma_semaphore, #tpu.memory_space<semaphore_mem>>)
      %dma_wait3A_240 = arith.constant 0 : i32
      %dma_wait3A_241 = arith.constant 0 : i32
      %dma_wait3A_242 = tpu.memref_slice %arg12[%dma_wait3A_240, %dma_wait3A_241] : memref<64x16xf32, #tpu.memory_space<vmem>> -> memref<64x16xf32, #tpu.memory_space<vmem>>
      %dma_wait3A_243 = arith.constant 0 : i32
      %dma_wait3A_244 = tpu.memref_slice %arg6[%run_scoped3A_85, %add3A_84, %dma_wait3A_243] : memref<2x10016x16xf32, #tpu.memory_space<hbm>> -> memref<1x64x16xf32, #tpu.memory_space<hbm>>
      %dma_wait3A_245 = tpu.memref_squeeze %dma_wait3A_244 : memref<1x64x16xf32, #tpu.memory_space<hbm>> -> memref<64x16xf32, #tpu.memory_space<hbm>>
      %dma_wait3A_246 = arith.constant 0 : i32
      %dma_wait3A_247 = arith.constant 0 : i32
      %dma_wait3A_248 = tpu.memref_slice %arg12[%dma_wait3A_246, %dma_wait3A_247] : memref<64x16xf32, #tpu.memory_space<vmem>> -> memref<64x16xf32, #tpu.memory_space<vmem>>
      %dma_wait3A_249 = arith.constant 0 : i32
      %dma_wait3A_250 = tpu.memref_slice %arg6[%run_scoped3A_85, %add3A_84, %dma_wait3A_249] : memref<2x10016x16xf32, #tpu.memory_space<hbm>> -> memref<1x64x16xf32, #tpu.memory_space<hbm>>
      %dma_wait3A_251 = tpu.memref_squeeze %dma_wait3A_250 : memref<1x64x16xf32, #tpu.memory_space<hbm>> -> memref<64x16xf32, #tpu.memory_space<hbm>>
      tpu.wait_dma2 semaphore(%run_scoped3A_227 : memref<!tpu.dma_semaphore, #tpu.memory_space<semaphore_mem>>) src(%dma_wait3A_251 : memref<64x16xf32, #tpu.memory_space<hbm>>) dst(%dma_wait3A_248 : memref<64x16xf32, #tpu.memory_space<vmem>>)
      tpu.yield
    }) : () -> ()
    %run_scoped3A_86 = arith.constant 1 : i32
    "tpu.region"() ({
      %run_scoped3A_227 = tpu.sem_alloc : memref<!tpu.dma_semaphore, #tpu.memory_space<semaphore_mem>>
      %dma_start3A_228 = arith.constant 0 : i32
      %dma_start3A_229 = arith.constant 0 : i32
      %dma_start3A_230 = tpu.memref_slice %arg13[%dma_start3A_228, %dma_start3A_229] : memref<64x16xf32, #tpu.memory_space<vmem>> -> memref<64x16xf32, #tpu.memory_space<vmem>>
      %dma_start3A_231 = arith.constant 0 : i32
      %dma_start3A_232 = tpu.memref_slice %arg6[%run_scoped3A_86, %add3A_84, %dma_start3A_231] : memref<2x10016x16xf32, #tpu.memory_space<hbm>> -> memref<1x64x16xf32, #tpu.memory_space<hbm>>
      %dma_start3A_233 = tpu.memref_squeeze %dma_start3A_232 : memref<1x64x16xf32, #tpu.memory_space<hbm>> -> memref<64x16xf32, #tpu.memory_space<hbm>>
      %dma_start3A_234 = arith.constant 0 : i32
      %dma_start3A_235 = arith.constant 0 : i32
      %dma_start3A_236 = tpu.memref_slice %arg13[%dma_start3A_234, %dma_start3A_235] : memref<64x16xf32, #tpu.memory_space<vmem>> -> memref<64x16xf32, #tpu.memory_space<vmem>>
      %dma_start3A_237 = arith.constant 0 : i32
      %dma_start3A_238 = tpu.memref_slice %arg6[%run_scoped3A_86, %add3A_84, %dma_start3A_237] : memref<2x10016x16xf32, #tpu.memory_space<hbm>> -> memref<1x64x16xf32, #tpu.memory_space<hbm>>
      %dma_start3A_239 = tpu.memref_squeeze %dma_start3A_238 : memref<1x64x16xf32, #tpu.memory_space<hbm>> -> memref<64x16xf32, #tpu.memory_space<hbm>>
      tpu.enqueue_dma source(%dma_start3A_239 : memref<64x16xf32, #tpu.memory_space<hbm>>) target(%dma_start3A_236 : memref<64x16xf32, #tpu.memory_space<vmem>>) target_semaphore(%run_scoped3A_227 : memref<!tpu.dma_semaphore, #tpu.memory_space<semaphore_mem>>)
      %dma_wait3A_240 = arith.constant 0 : i32
      %dma_wait3A_241 = arith.constant 0 : i32
      %dma_wait3A_242 = tpu.memref_slice %arg13[%dma_wait3A_240, %dma_wait3A_241] : memref<64x16xf32, #tpu.memory_space<vmem>> -> memref<64x16xf32, #tpu.memory_space<vmem>>
      %dma_wait3A_243 = arith.constant 0 : i32
      %dma_wait3A_244 = tpu.memref_slice %arg6[%run_scoped3A_86, %add3A_84, %dma_wait3A_243] : memref<2x10016x16xf32, #tpu.memory_space<hbm>> -> memref<1x64x16xf32, #tpu.memory_space<hbm>>
      %dma_wait3A_245 = tpu.memref_squeeze %dma_wait3A_244 : memref<1x64x16xf32, #tpu.memory_space<hbm>> -> memref<64x16xf32, #tpu.memory_space<hbm>>
      %dma_wait3A_246 = arith.constant 0 : i32
      %dma_wait3A_247 = arith.constant 0 : i32
      %dma_wait3A_248 = tpu.memref_slice %arg13[%dma_wait3A_246, %dma_wait3A_247] : memref<64x16xf32, #tpu.memory_space<vmem>> -> memref<64x16xf32, #tpu.memory_space<vmem>>
      %dma_wait3A_249 = arith.constant 0 : i32
      %dma_wait3A_250 = tpu.memref_slice %arg6[%run_scoped3A_86, %add3A_84, %dma_wait3A_249] : memref<2x10016x16xf32, #tpu.memory_space<hbm>> -> memref<1x64x16xf32, #tpu.memory_space<hbm>>
      %dma_wait3A_251 = tpu.memref_squeeze %dma_wait3A_250 : memref<1x64x16xf32, #tpu.memory_space<hbm>> -> memref<64x16xf32, #tpu.memory_space<hbm>>
      tpu.wait_dma2 semaphore(%run_scoped3A_227 : memref<!tpu.dma_semaphore, #tpu.memory_space<semaphore_mem>>) src(%dma_wait3A_251 : memref<64x16xf32, #tpu.memory_space<hbm>>) dst(%dma_wait3A_248 : memref<64x16xf32, #tpu.memory_space<vmem>>)
      tpu.yield
    }) : () -> ()
    %scan3A_87 = arith.constant 0 : i32
    %scan3A_88 = arith.constant 0 : i32
    %scan3A_89 = arith.constant 64 : i32
    %scan3A_90 = arith.addi %scan3A_88, %scan3A_89 : i32
    %scan3A_91 = arith.constant 1 : i32
    scf.for %scan3A_227 = %scan3A_88 to %scan3A_90 step %scan3A_91  : i32 {
      %get3A = arith.index_cast %scan3A_227 : i32 to index
      %get3A_228 = arith.constant 0 : index
      %get3A_229 = tpu.vector_load %arg12[%get3A, %get3A_228] {strides = array<i32>} : memref<64x16xf32, #tpu.memory_space<vmem>>, vector<1x16xf32>,
      %get3A_230 = vector.shape_cast %get3A_229 : vector<1x16xf32> to vector<16xf32>
      %get3A_231 = arith.index_cast %scan3A_227 : i32 to index
      %get3A_232 = arith.constant 0 : index
      %get3A_233 = tpu.vector_load %arg13[%get3A_231, %get3A_232] {strides = array<i32>} : memref<64x16xf32, #tpu.memory_space<vmem>>, vector<1x16xf32>,
      %get3A_234 = vector.shape_cast %get3A_233 : vector<1x16xf32> to vector<16xf32>
      %add3A_235 = arith.addf %get3A_230, %get3A_234 : vector<16xf32>
      %gt3A = arith.constant 0.000000e+00 : f32
      %gt3A_236 = vector.broadcast %gt3A : f32 to vector<16xf32>
      %gt3A_237 = arith.cmpf ogt, %add3A_235, %gt3A_236 : vector<16xf32>
      %div3A = arith.constant 1.000000e+00 : f32
      %div3A_238 = vector.broadcast %div3A : f32 to vector<16xf32>
      %div3A_239 = arith.divf %div3A_238, %add3A_235 : vector<16xf32>
      %jit3A = arith.constant 0.000000e+00 : f32
      %broadcast_in_dim3A = vector.broadcast %jit3A : f32 to vector<16xf32>
      %select_n3A = arith.select %gt3A_237, %div3A_239, %broadcast_in_dim3A : vector<16xi1>, vector<16xf32>
      %slice3A = vector.extract_strided_slice %select_n3A {offsets = [0], sizes = [1], strides = [1]} : vector<16xf32> to vector<1xf32>
      %squeeze3A = vector.extract %slice3A[0] : f32 from vector<1xf32>
      %get3A_240 = arith.index_cast %scan3A_227 : i32 to index
      %get3A_241 = arith.constant 0 : index
      %get3A_242 = tpu.vector_load %arg10[%get3A_240, %get3A_241] {strides = array<i32>} : memref<64x64xf32, #tpu.memory_space<vmem>>, vector<1x16xf32>,
      %get3A_243 = vector.shape_cast %get3A_242 : vector<1x16xf32> to vector<16xf32>
      %mul3A_244 = vector.broadcast %squeeze3A : f32 to vector<16xf32>
      %mul3A_245 = arith.mulf %get3A_243, %mul3A_244 : vector<16xf32>
      %max3A = arith.constant 0.000000e+00 : f32
      %max3A_246 = vector.broadcast %max3A : f32 to vector<16xf32>
      %max3A_247 = arith.maximumf %mul3A_245, %max3A_246 : vector<16xf32>
      %swap3A = arith.index_cast %scan3A_227 : i32 to index
      %swap3A_248 = arith.constant 0 : index
      %swap3A_249 = tpu.vector_load %arg11[%swap3A, %swap3A_248] {strides = array<i32>} : memref<64x64xf32, #tpu.memory_space<vmem>>, vector<1x16xf32>,
      %swap3A_250 = vector.shape_cast %swap3A_249 : vector<1x16xf32> to vector<16xf32>
      %swap3A_251 = vector.shape_cast %max3A_247 : vector<16xf32> to vector<1x16xf32>
      tpu.vector_store %arg11[%swap3A, %swap3A_248], %swap3A_251 {strides = array<i32>} : memref<64x64xf32, #tpu.memory_space<vmem>>, vector<1x16xf32>,
      %get3A_252 = arith.index_cast %scan3A_227 : i32 to index
      %get3A_253 = arith.constant 16 : index
      %get3A_254 = tpu.vector_load %arg10[%get3A_252, %get3A_253] {strides = array<i32>} : memref<64x64xf32, #tpu.memory_space<vmem>>, vector<1x16xf32>,
      %get3A_255 = vector.shape_cast %get3A_254 : vector<1x16xf32> to vector<16xf32>
      %mul3A_256 = vector.broadcast %squeeze3A : f32 to vector<16xf32>
      %mul3A_257 = arith.mulf %get3A_255, %mul3A_256 : vector<16xf32>
      %max3A_258 = arith.constant 0.000000e+00 : f32
      %max3A_259 = vector.broadcast %max3A_258 : f32 to vector<16xf32>
      %max3A_260 = arith.maximumf %mul3A_257, %max3A_259 : vector<16xf32>
      %swap3A_261 = arith.index_cast %scan3A_227 : i32 to index
      %swap3A_262 = arith.constant 16 : index
      %swap3A_263 = tpu.vector_load %arg11[%swap3A_261, %swap3A_262] {strides = array<i32>} : memref<64x64xf32, #tpu.memory_space<vmem>>, vector<1x16xf32>,
      %swap3A_264 = vector.shape_cast %swap3A_263 : vector<1x16xf32> to vector<16xf32>
      %swap3A_265 = vector.shape_cast %max3A_260 : vector<16xf32> to vector<1x16xf32>
      tpu.vector_store %arg11[%swap3A_261, %swap3A_262], %swap3A_265 {strides = array<i32>} : memref<64x64xf32, #tpu.memory_space<vmem>>, vector<1x16xf32>,
      %get3A_266 = arith.index_cast %scan3A_227 : i32 to index
      %get3A_267 = arith.constant 32 : index
      %get3A_268 = tpu.vector_load %arg10[%get3A_266, %get3A_267] {strides = array<i32>} : memref<64x64xf32, #tpu.memory_space<vmem>>, vector<1x16xf32>,
      %get3A_269 = vector.shape_cast %get3A_268 : vector<1x16xf32> to vector<16xf32>
      %mul3A_270 = vector.broadcast %squeeze3A : f32 to vector<16xf32>
      %mul3A_271 = arith.mulf %get3A_269, %mul3A_270 : vector<16xf32>
      %max3A_272 = arith.constant 0.000000e+00 : f32
      %max3A_273 = vector.broadcast %max3A_272 : f32 to vector<16xf32>
      %max3A_274 = arith.maximumf %mul3A_271, %max3A_273 : vector<16xf32>
      %swap3A_275 = arith.index_cast %scan3A_227 : i32 to index
      %swap3A_276 = arith.constant 32 : index
      %swap3A_277 = tpu.vector_load %arg11[%swap3A_275, %swap3A_276] {strides = array<i32>} : memref<64x64xf32, #tpu.memory_space<vmem>>, vector<1x16xf32>,
      %swap3A_278 = vector.shape_cast %swap3A_277 : vector<1x16xf32> to vector<16xf32>
      %swap3A_279 = vector.shape_cast %max3A_274 : vector<16xf32> to vector<1x16xf32>
      tpu.vector_store %arg11[%swap3A_275, %swap3A_276], %swap3A_279 {strides = array<i32>} : memref<64x64xf32, #tpu.memory_space<vmem>>, vector<1x16xf32>,
      %get3A_280 = arith.index_cast %scan3A_227 : i32 to index
      %get3A_281 = arith.constant 48 : index
      %get3A_282 = tpu.vector_load %arg10[%get3A_280, %get3A_281] {strides = array<i32>} : memref<64x64xf32, #tpu.memory_space<vmem>>, vector<1x16xf32>,
      %get3A_283 = vector.shape_cast %get3A_282 : vector<1x16xf32> to vector<16xf32>
      %mul3A_284 = vector.broadcast %squeeze3A : f32 to vector<16xf32>
      %mul3A_285 = arith.mulf %get3A_283, %mul3A_284 : vector<16xf32>
      %max3A_286 = arith.constant 0.000000e+00 : f32
      %max3A_287 = vector.broadcast %max3A_286 : f32 to vector<16xf32>
      %max3A_288 = arith.maximumf %mul3A_285, %max3A_287 : vector<16xf32>
      %swap3A_289 = arith.index_cast %scan3A_227 : i32 to index
      %swap3A_290 = arith.constant 48 : index
      %swap3A_291 = tpu.vector_load %arg11[%swap3A_289, %swap3A_290] {strides = array<i32>} : memref<64x64xf32, #tpu.memory_space<vmem>>, vector<1x16xf32>,
      %swap3A_292 = vector.shape_cast %swap3A_291 : vector<1x16xf32> to vector<16xf32>
      %swap3A_293 = vector.shape_cast %max3A_288 : vector<16xf32> to vector<1x16xf32>
      tpu.vector_store %arg11[%swap3A_289, %swap3A_290], %swap3A_293 {strides = array<i32>} : memref<64x64xf32, #tpu.memory_space<vmem>>, vector<1x16xf32>,
    }
    %scan3A_92 = arith.constant 64 : i32
    "tpu.region"() ({
      %run_scoped3A_227 = tpu.sem_alloc : memref<!tpu.dma_semaphore, #tpu.memory_space<semaphore_mem>>
      %dma_start3A_228 = arith.constant 0 : i32
      %dma_start3A_229 = arith.constant 0 : i32
      %dma_start3A_230 = tpu.memref_slice %arg11[%dma_start3A_228, %dma_start3A_229] : memref<64x64xf32, #tpu.memory_space<vmem>> -> memref<64x64xf32, #tpu.memory_space<vmem>>
      %dma_start3A_231 = arith.constant 0 : i32
      %dma_start3A_232 = tpu.memref_slice %arg14[%add3A_84, %dma_start3A_231] : memref<10016x64xf32, #tpu.memory_space<vmem_shared>> -> memref<64x64xf32, #tpu.memory_space<vmem_shared>>
      %dma_start3A_233 = arith.constant 0 : i32
      %dma_start3A_234 = tpu.memref_slice %arg14[%add3A_84, %dma_start3A_233] : memref<10016x64xf32, #tpu.memory_space<vmem_shared>> -> memref<64x64xf32, #tpu.memory_space<vmem_shared>>
      %dma_start3A_235 = arith.constant 0 : i32
      %dma_start3A_236 = arith.constant 0 : i32
      %dma_start3A_237 = tpu.memref_slice %arg11[%dma_start3A_235, %dma_start3A_236] : memref<64x64xf32, #tpu.memory_space<vmem>> -> memref<64x64xf32, #tpu.memory_space<vmem>>
      tpu.enqueue_dma source(%dma_start3A_237 : memref<64x64xf32, #tpu.memory_space<vmem>>) target(%dma_start3A_234 : memref<64x64xf32, #tpu.memory_space<vmem_shared>>) target_semaphore(%run_scoped3A_227 : memref<!tpu.dma_semaphore, #tpu.memory_space<semaphore_mem>>)
      %dma_wait3A_238 = arith.constant 0 : i32
      %dma_wait3A_239 = arith.constant 0 : i32
      %dma_wait3A_240 = tpu.memref_slice %arg11[%dma_wait3A_238, %dma_wait3A_239] : memref<64x64xf32, #tpu.memory_space<vmem>> -> memref<64x64xf32, #tpu.memory_space<vmem>>
      %dma_wait3A_241 = arith.constant 0 : i32
      %dma_wait3A_242 = tpu.memref_slice %arg14[%add3A_84, %dma_wait3A_241] : memref<10016x64xf32, #tpu.memory_space<vmem_shared>> -> memref<64x64xf32, #tpu.memory_space<vmem_shared>>
      %dma_wait3A_243 = arith.constant 0 : i32
      %dma_wait3A_244 = tpu.memref_slice %arg14[%add3A_84, %dma_wait3A_243] : memref<10016x64xf32, #tpu.memory_space<vmem_shared>> -> memref<64x64xf32, #tpu.memory_space<vmem_shared>>
      %dma_wait3A_245 = arith.constant 0 : i32
      %dma_wait3A_246 = arith.constant 0 : i32
      %dma_wait3A_247 = tpu.memref_slice %arg11[%dma_wait3A_245, %dma_wait3A_246] : memref<64x64xf32, #tpu.memory_space<vmem>> -> memref<64x64xf32, #tpu.memory_space<vmem>>
      tpu.wait_dma2 semaphore(%run_scoped3A_227 : memref<!tpu.dma_semaphore, #tpu.memory_space<semaphore_mem>>) src(%dma_wait3A_247 : memref<64x64xf32, #tpu.memory_space<vmem>>) dst(%dma_wait3A_244 : memref<64x64xf32, #tpu.memory_space<vmem_shared>>)
      tpu.yield
    }) : () -> ()
    %add3A_93 = arith.constant 192 : i32
    %add3A_94 = arith.addi %mul3A_64, %add3A_93 : i32
    "tpu.region"() ({
      %run_scoped3A_227 = tpu.sem_alloc : memref<!tpu.dma_semaphore, #tpu.memory_space<semaphore_mem>>
      %dma_start3A_228 = arith.constant 0 : i32
      %dma_start3A_229 = arith.constant 0 : i32
      %dma_start3A_230 = tpu.memref_slice %arg10[%dma_start3A_228, %dma_start3A_229] : memref<64x64xf32, #tpu.memory_space<vmem>> -> memref<64x64xf32, #tpu.memory_space<vmem>>
      %dma_start3A_231 = arith.constant 0 : i32
      %dma_start3A_232 = tpu.memref_slice %arg15[%add3A_94, %dma_start3A_231] : memref<10016x64xf32, #tpu.memory_space<vmem_shared>> -> memref<64x64xf32, #tpu.memory_space<vmem_shared>>
      %dma_start3A_233 = arith.constant 0 : i32
      %dma_start3A_234 = arith.constant 0 : i32
      %dma_start3A_235 = tpu.memref_slice %arg10[%dma_start3A_233, %dma_start3A_234] : memref<64x64xf32, #tpu.memory_space<vmem>> -> memref<64x64xf32, #tpu.memory_space<vmem>>
      %dma_start3A_236 = arith.constant 0 : i32
      %dma_start3A_237 = tpu.memref_slice %arg15[%add3A_94, %dma_start3A_236] : memref<10016x64xf32, #tpu.memory_space<vmem_shared>> -> memref<64x64xf32, #tpu.memory_space<vmem_shared>>
      tpu.enqueue_dma source(%dma_start3A_237 : memref<64x64xf32, #tpu.memory_space<vmem_shared>>) target(%dma_start3A_235 : memref<64x64xf32, #tpu.memory_space<vmem>>) target_semaphore(%run_scoped3A_227 : memref<!tpu.dma_semaphore, #tpu.memory_space<semaphore_mem>>)
      %dma_wait3A_238 = arith.constant 0 : i32
      %dma_wait3A_239 = arith.constant 0 : i32
      %dma_wait3A_240 = tpu.memref_slice %arg10[%dma_wait3A_238, %dma_wait3A_239] : memref<64x64xf32, #tpu.memory_space<vmem>> -> memref<64x64xf32, #tpu.memory_space<vmem>>
      %dma_wait3A_241 = arith.constant 0 : i32
      %dma_wait3A_242 = tpu.memref_slice %arg15[%add3A_94, %dma_wait3A_241] : memref<10016x64xf32, #tpu.memory_space<vmem_shared>> -> memref<64x64xf32, #tpu.memory_space<vmem_shared>>
      %dma_wait3A_243 = arith.constant 0 : i32
      %dma_wait3A_244 = arith.constant 0 : i32
      %dma_wait3A_245 = tpu.memref_slice %arg10[%dma_wait3A_243, %dma_wait3A_244] : memref<64x64xf32, #tpu.memory_space<vmem>> -> memref<64x64xf32, #tpu.memory_space<vmem>>
      %dma_wait3A_246 = arith.constant 0 : i32
      %dma_wait3A_247 = tpu.memref_slice %arg15[%add3A_94, %dma_wait3A_246] : memref<10016x64xf32, #tpu.memory_space<vmem_shared>> -> memref<64x64xf32, #tpu.memory_space<vmem_shared>>
      tpu.wait_dma2 semaphore(%run_scoped3A_227 : memref<!tpu.dma_semaphore, #tpu.memory_space<semaphore_mem>>) src(%dma_wait3A_247 : memref<64x64xf32, #tpu.memory_space<vmem_shared>>) dst(%dma_wait3A_245 : memref<64x64xf32, #tpu.memory_space<vmem>>)
      tpu.yield
    }) : () -> ()
    %run_scoped3A_95 = arith.constant 0 : i32
    "tpu.region"() ({
      %run_scoped3A_227 = tpu.sem_alloc : memref<!tpu.dma_semaphore, #tpu.memory_space<semaphore_mem>>
      %dma_start3A_228 = arith.constant 0 : i32
      %dma_start3A_229 = arith.constant 0 : i32
      %dma_start3A_230 = tpu.memref_slice %arg12[%dma_start3A_228, %dma_start3A_229] : memref<64x16xf32, #tpu.memory_space<vmem>> -> memref<64x16xf32, #tpu.memory_space<vmem>>
      %dma_start3A_231 = arith.constant 0 : i32
      %dma_start3A_232 = tpu.memref_slice %arg6[%run_scoped3A_95, %add3A_94, %dma_start3A_231] : memref<2x10016x16xf32, #tpu.memory_space<hbm>> -> memref<1x64x16xf32, #tpu.memory_space<hbm>>
      %dma_start3A_233 = tpu.memref_squeeze %dma_start3A_232 : memref<1x64x16xf32, #tpu.memory_space<hbm>> -> memref<64x16xf32, #tpu.memory_space<hbm>>
      %dma_start3A_234 = arith.constant 0 : i32
      %dma_start3A_235 = arith.constant 0 : i32
      %dma_start3A_236 = tpu.memref_slice %arg12[%dma_start3A_234, %dma_start3A_235] : memref<64x16xf32, #tpu.memory_space<vmem>> -> memref<64x16xf32, #tpu.memory_space<vmem>>
      %dma_start3A_237 = arith.constant 0 : i32
      %dma_start3A_238 = tpu.memref_slice %arg6[%run_scoped3A_95, %add3A_94, %dma_start3A_237] : memref<2x10016x16xf32, #tpu.memory_space<hbm>> -> memref<1x64x16xf32, #tpu.memory_space<hbm>>
      %dma_start3A_239 = tpu.memref_squeeze %dma_start3A_238 : memref<1x64x16xf32, #tpu.memory_space<hbm>> -> memref<64x16xf32, #tpu.memory_space<hbm>>
      tpu.enqueue_dma source(%dma_start3A_239 : memref<64x16xf32, #tpu.memory_space<hbm>>) target(%dma_start3A_236 : memref<64x16xf32, #tpu.memory_space<vmem>>) target_semaphore(%run_scoped3A_227 : memref<!tpu.dma_semaphore, #tpu.memory_space<semaphore_mem>>)
      %dma_wait3A_240 = arith.constant 0 : i32
      %dma_wait3A_241 = arith.constant 0 : i32
      %dma_wait3A_242 = tpu.memref_slice %arg12[%dma_wait3A_240, %dma_wait3A_241] : memref<64x16xf32, #tpu.memory_space<vmem>> -> memref<64x16xf32, #tpu.memory_space<vmem>>
      %dma_wait3A_243 = arith.constant 0 : i32
      %dma_wait3A_244 = tpu.memref_slice %arg6[%run_scoped3A_95, %add3A_94, %dma_wait3A_243] : memref<2x10016x16xf32, #tpu.memory_space<hbm>> -> memref<1x64x16xf32, #tpu.memory_space<hbm>>
      %dma_wait3A_245 = tpu.memref_squeeze %dma_wait3A_244 : memref<1x64x16xf32, #tpu.memory_space<hbm>> -> memref<64x16xf32, #tpu.memory_space<hbm>>
      %dma_wait3A_246 = arith.constant 0 : i32
      %dma_wait3A_247 = arith.constant 0 : i32
      %dma_wait3A_248 = tpu.memref_slice %arg12[%dma_wait3A_246, %dma_wait3A_247] : memref<64x16xf32, #tpu.memory_space<vmem>> -> memref<64x16xf32, #tpu.memory_space<vmem>>
      %dma_wait3A_249 = arith.constant 0 : i32
      %dma_wait3A_250 = tpu.memref_slice %arg6[%run_scoped3A_95, %add3A_94, %dma_wait3A_249] : memref<2x10016x16xf32, #tpu.memory_space<hbm>> -> memref<1x64x16xf32, #tpu.memory_space<hbm>>
      %dma_wait3A_251 = tpu.memref_squeeze %dma_wait3A_250 : memref<1x64x16xf32, #tpu.memory_space<hbm>> -> memref<64x16xf32, #tpu.memory_space<hbm>>
      tpu.wait_dma2 semaphore(%run_scoped3A_227 : memref<!tpu.dma_semaphore, #tpu.memory_space<semaphore_mem>>) src(%dma_wait3A_251 : memref<64x16xf32, #tpu.memory_space<hbm>>) dst(%dma_wait3A_248 : memref<64x16xf32, #tpu.memory_space<vmem>>)
      tpu.yield
    }) : () -> ()
    %run_scoped3A_96 = arith.constant 1 : i32
    "tpu.region"() ({
      %run_scoped3A_227 = tpu.sem_alloc : memref<!tpu.dma_semaphore, #tpu.memory_space<semaphore_mem>>
      %dma_start3A_228 = arith.constant 0 : i32
      %dma_start3A_229 = arith.constant 0 : i32
      %dma_start3A_230 = tpu.memref_slice %arg13[%dma_start3A_228, %dma_start3A_229] : memref<64x16xf32, #tpu.memory_space<vmem>> -> memref<64x16xf32, #tpu.memory_space<vmem>>
      %dma_start3A_231 = arith.constant 0 : i32
      %dma_start3A_232 = tpu.memref_slice %arg6[%run_scoped3A_96, %add3A_94, %dma_start3A_231] : memref<2x10016x16xf32, #tpu.memory_space<hbm>> -> memref<1x64x16xf32, #tpu.memory_space<hbm>>
      %dma_start3A_233 = tpu.memref_squeeze %dma_start3A_232 : memref<1x64x16xf32, #tpu.memory_space<hbm>> -> memref<64x16xf32, #tpu.memory_space<hbm>>
      %dma_start3A_234 = arith.constant 0 : i32
      %dma_start3A_235 = arith.constant 0 : i32
      %dma_start3A_236 = tpu.memref_slice %arg13[%dma_start3A_234, %dma_start3A_235] : memref<64x16xf32, #tpu.memory_space<vmem>> -> memref<64x16xf32, #tpu.memory_space<vmem>>
      %dma_start3A_237 = arith.constant 0 : i32
      %dma_start3A_238 = tpu.memref_slice %arg6[%run_scoped3A_96, %add3A_94, %dma_start3A_237] : memref<2x10016x16xf32, #tpu.memory_space<hbm>> -> memref<1x64x16xf32, #tpu.memory_space<hbm>>
      %dma_start3A_239 = tpu.memref_squeeze %dma_start3A_238 : memref<1x64x16xf32, #tpu.memory_space<hbm>> -> memref<64x16xf32, #tpu.memory_space<hbm>>
      tpu.enqueue_dma source(%dma_start3A_239 : memref<64x16xf32, #tpu.memory_space<hbm>>) target(%dma_start3A_236 : memref<64x16xf32, #tpu.memory_space<vmem>>) target_semaphore(%run_scoped3A_227 : memref<!tpu.dma_semaphore, #tpu.memory_space<semaphore_mem>>)
      %dma_wait3A_240 = arith.constant 0 : i32
      %dma_wait3A_241 = arith.constant 0 : i32
      %dma_wait3A_242 = tpu.memref_slice %arg13[%dma_wait3A_240, %dma_wait3A_241] : memref<64x16xf32, #tpu.memory_space<vmem>> -> memref<64x16xf32, #tpu.memory_space<vmem>>
      %dma_wait3A_243 = arith.constant 0 : i32
      %dma_wait3A_244 = tpu.memref_slice %arg6[%run_scoped3A_96, %add3A_94, %dma_wait3A_243] : memref<2x10016x16xf32, #tpu.memory_space<hbm>> -> memref<1x64x16xf32, #tpu.memory_space<hbm>>
      %dma_wait3A_245 = tpu.memref_squeeze %dma_wait3A_244 : memref<1x64x16xf32, #tpu.memory_space<hbm>> -> memref<64x16xf32, #tpu.memory_space<hbm>>
      %dma_wait3A_246 = arith.constant 0 : i32
      %dma_wait3A_247 = arith.constant 0 : i32
      %dma_wait3A_248 = tpu.memref_slice %arg13[%dma_wait3A_246, %dma_wait3A_247] : memref<64x16xf32, #tpu.memory_space<vmem>> -> memref<64x16xf32, #tpu.memory_space<vmem>>
      %dma_wait3A_249 = arith.constant 0 : i32
      %dma_wait3A_250 = tpu.memref_slice %arg6[%run_scoped3A_96, %add3A_94, %dma_wait3A_249] : memref<2x10016x16xf32, #tpu.memory_space<hbm>> -> memref<1x64x16xf32, #tpu.memory_space<hbm>>
      %dma_wait3A_251 = tpu.memref_squeeze %dma_wait3A_250 : memref<1x64x16xf32, #tpu.memory_space<hbm>> -> memref<64x16xf32, #tpu.memory_space<hbm>>
      tpu.wait_dma2 semaphore(%run_scoped3A_227 : memref<!tpu.dma_semaphore, #tpu.memory_space<semaphore_mem>>) src(%dma_wait3A_251 : memref<64x16xf32, #tpu.memory_space<hbm>>) dst(%dma_wait3A_248 : memref<64x16xf32, #tpu.memory_space<vmem>>)
      tpu.yield
    }) : () -> ()
    %scan3A_97 = arith.constant 0 : i32
    %scan3A_98 = arith.constant 0 : i32
    %scan3A_99 = arith.constant 64 : i32
    %scan3A_100 = arith.addi %scan3A_98, %scan3A_99 : i32
    %scan3A_101 = arith.constant 1 : i32
    scf.for %scan3A_227 = %scan3A_98 to %scan3A_100 step %scan3A_101  : i32 {
      %get3A = arith.index_cast %scan3A_227 : i32 to index
      %get3A_228 = arith.constant 0 : index
      %get3A_229 = tpu.vector_load %arg12[%get3A, %get3A_228] {strides = array<i32>} : memref<64x16xf32, #tpu.memory_space<vmem>>, vector<1x16xf32>,
      %get3A_230 = vector.shape_cast %get3A_229 : vector<1x16xf32> to vector<16xf32>
      %get3A_231 = arith.index_cast %scan3A_227 : i32 to index
      %get3A_232 = arith.constant 0 : index
      %get3A_233 = tpu.vector_load %arg13[%get3A_231, %get3A_232] {strides = array<i32>} : memref<64x16xf32, #tpu.memory_space<vmem>>, vector<1x16xf32>,
      %get3A_234 = vector.shape_cast %get3A_233 : vector<1x16xf32> to vector<16xf32>
      %add3A_235 = arith.addf %get3A_230, %get3A_234 : vector<16xf32>
      %gt3A = arith.constant 0.000000e+00 : f32
      %gt3A_236 = vector.broadcast %gt3A : f32 to vector<16xf32>
      %gt3A_237 = arith.cmpf ogt, %add3A_235, %gt3A_236 : vector<16xf32>
      %div3A = arith.constant 1.000000e+00 : f32
      %div3A_238 = vector.broadcast %div3A : f32 to vector<16xf32>
      %div3A_239 = arith.divf %div3A_238, %add3A_235 : vector<16xf32>
      %jit3A = arith.constant 0.000000e+00 : f32
      %broadcast_in_dim3A = vector.broadcast %jit3A : f32 to vector<16xf32>
      %select_n3A = arith.select %gt3A_237, %div3A_239, %broadcast_in_dim3A : vector<16xi1>, vector<16xf32>
      %slice3A = vector.extract_strided_slice %select_n3A {offsets = [0], sizes = [1], strides = [1]} : vector<16xf32> to vector<1xf32>
      %squeeze3A = vector.extract %slice3A[0] : f32 from vector<1xf32>
      %get3A_240 = arith.index_cast %scan3A_227 : i32 to index
      %get3A_241 = arith.constant 0 : index
      %get3A_242 = tpu.vector_load %arg10[%get3A_240, %get3A_241] {strides = array<i32>} : memref<64x64xf32, #tpu.memory_space<vmem>>, vector<1x16xf32>,
      %get3A_243 = vector.shape_cast %get3A_242 : vector<1x16xf32> to vector<16xf32>
      %mul3A_244 = vector.broadcast %squeeze3A : f32 to vector<16xf32>
      %mul3A_245 = arith.mulf %get3A_243, %mul3A_244 : vector<16xf32>
      %max3A = arith.constant 0.000000e+00 : f32
      %max3A_246 = vector.broadcast %max3A : f32 to vector<16xf32>
      %max3A_247 = arith.maximumf %mul3A_245, %max3A_246 : vector<16xf32>
      %swap3A = arith.index_cast %scan3A_227 : i32 to index
      %swap3A_248 = arith.constant 0 : index
      %swap3A_249 = tpu.vector_load %arg11[%swap3A, %swap3A_248] {strides = array<i32>} : memref<64x64xf32, #tpu.memory_space<vmem>>, vector<1x16xf32>,
      %swap3A_250 = vector.shape_cast %swap3A_249 : vector<1x16xf32> to vector<16xf32>
      %swap3A_251 = vector.shape_cast %max3A_247 : vector<16xf32> to vector<1x16xf32>
      tpu.vector_store %arg11[%swap3A, %swap3A_248], %swap3A_251 {strides = array<i32>} : memref<64x64xf32, #tpu.memory_space<vmem>>, vector<1x16xf32>,
      %get3A_252 = arith.index_cast %scan3A_227 : i32 to index
      %get3A_253 = arith.constant 16 : index
      %get3A_254 = tpu.vector_load %arg10[%get3A_252, %get3A_253] {strides = array<i32>} : memref<64x64xf32, #tpu.memory_space<vmem>>, vector<1x16xf32>,
      %get3A_255 = vector.shape_cast %get3A_254 : vector<1x16xf32> to vector<16xf32>
      %mul3A_256 = vector.broadcast %squeeze3A : f32 to vector<16xf32>
      %mul3A_257 = arith.mulf %get3A_255, %mul3A_256 : vector<16xf32>
      %max3A_258 = arith.constant 0.000000e+00 : f32
      %max3A_259 = vector.broadcast %max3A_258 : f32 to vector<16xf32>
      %max3A_260 = arith.maximumf %mul3A_257, %max3A_259 : vector<16xf32>
      %swap3A_261 = arith.index_cast %scan3A_227 : i32 to index
      %swap3A_262 = arith.constant 16 : index
      %swap3A_263 = tpu.vector_load %arg11[%swap3A_261, %swap3A_262] {strides = array<i32>} : memref<64x64xf32, #tpu.memory_space<vmem>>, vector<1x16xf32>,
      %swap3A_264 = vector.shape_cast %swap3A_263 : vector<1x16xf32> to vector<16xf32>
      %swap3A_265 = vector.shape_cast %max3A_260 : vector<16xf32> to vector<1x16xf32>
      tpu.vector_store %arg11[%swap3A_261, %swap3A_262], %swap3A_265 {strides = array<i32>} : memref<64x64xf32, #tpu.memory_space<vmem>>, vector<1x16xf32>,
      %get3A_266 = arith.index_cast %scan3A_227 : i32 to index
      %get3A_267 = arith.constant 32 : index
      %get3A_268 = tpu.vector_load %arg10[%get3A_266, %get3A_267] {strides = array<i32>} : memref<64x64xf32, #tpu.memory_space<vmem>>, vector<1x16xf32>,
      %get3A_269 = vector.shape_cast %get3A_268 : vector<1x16xf32> to vector<16xf32>
      %mul3A_270 = vector.broadcast %squeeze3A : f32 to vector<16xf32>
      %mul3A_271 = arith.mulf %get3A_269, %mul3A_270 : vector<16xf32>
      %max3A_272 = arith.constant 0.000000e+00 : f32
      %max3A_273 = vector.broadcast %max3A_272 : f32 to vector<16xf32>
      %max3A_274 = arith.maximumf %mul3A_271, %max3A_273 : vector<16xf32>
      %swap3A_275 = arith.index_cast %scan3A_227 : i32 to index
      %swap3A_276 = arith.constant 32 : index
      %swap3A_277 = tpu.vector_load %arg11[%swap3A_275, %swap3A_276] {strides = array<i32>} : memref<64x64xf32, #tpu.memory_space<vmem>>, vector<1x16xf32>,
      %swap3A_278 = vector.shape_cast %swap3A_277 : vector<1x16xf32> to vector<16xf32>
      %swap3A_279 = vector.shape_cast %max3A_274 : vector<16xf32> to vector<1x16xf32>
      tpu.vector_store %arg11[%swap3A_275, %swap3A_276], %swap3A_279 {strides = array<i32>} : memref<64x64xf32, #tpu.memory_space<vmem>>, vector<1x16xf32>,
      %get3A_280 = arith.index_cast %scan3A_227 : i32 to index
      %get3A_281 = arith.constant 48 : index
      %get3A_282 = tpu.vector_load %arg10[%get3A_280, %get3A_281] {strides = array<i32>} : memref<64x64xf32, #tpu.memory_space<vmem>>, vector<1x16xf32>,
      %get3A_283 = vector.shape_cast %get3A_282 : vector<1x16xf32> to vector<16xf32>
      %mul3A_284 = vector.broadcast %squeeze3A : f32 to vector<16xf32>
      %mul3A_285 = arith.mulf %get3A_283, %mul3A_284 : vector<16xf32>
      %max3A_286 = arith.constant 0.000000e+00 : f32
      %max3A_287 = vector.broadcast %max3A_286 : f32 to vector<16xf32>
      %max3A_288 = arith.maximumf %mul3A_285, %max3A_287 : vector<16xf32>
      %swap3A_289 = arith.index_cast %scan3A_227 : i32 to index
      %swap3A_290 = arith.constant 48 : index
      %swap3A_291 = tpu.vector_load %arg11[%swap3A_289, %swap3A_290] {strides = array<i32>} : memref<64x64xf32, #tpu.memory_space<vmem>>, vector<1x16xf32>,
      %swap3A_292 = vector.shape_cast %swap3A_291 : vector<1x16xf32> to vector<16xf32>
      %swap3A_293 = vector.shape_cast %max3A_288 : vector<16xf32> to vector<1x16xf32>
      tpu.vector_store %arg11[%swap3A_289, %swap3A_290], %swap3A_293 {strides = array<i32>} : memref<64x64xf32, #tpu.memory_space<vmem>>, vector<1x16xf32>,
    }
    %scan3A_102 = arith.constant 64 : i32
    "tpu.region"() ({
      %run_scoped3A_227 = tpu.sem_alloc : memref<!tpu.dma_semaphore, #tpu.memory_space<semaphore_mem>>
      %dma_start3A_228 = arith.constant 0 : i32
      %dma_start3A_229 = arith.constant 0 : i32
      %dma_start3A_230 = tpu.memref_slice %arg11[%dma_start3A_228, %dma_start3A_229] : memref<64x64xf32, #tpu.memory_space<vmem>> -> memref<64x64xf32, #tpu.memory_space<vmem>>
      %dma_start3A_231 = arith.constant 0 : i32
      %dma_start3A_232 = tpu.memref_slice %arg14[%add3A_94, %dma_start3A_231] : memref<10016x64xf32, #tpu.memory_space<vmem_shared>> -> memref<64x64xf32, #tpu.memory_space<vmem_shared>>
      %dma_start3A_233 = arith.constant 0 : i32
      %dma_start3A_234 = tpu.memref_slice %arg14[%add3A_94, %dma_start3A_233] : memref<10016x64xf32, #tpu.memory_space<vmem_shared>> -> memref<64x64xf32, #tpu.memory_space<vmem_shared>>
      %dma_start3A_235 = arith.constant 0 : i32
      %dma_start3A_236 = arith.constant 0 : i32
      %dma_start3A_237 = tpu.memref_slice %arg11[%dma_start3A_235, %dma_start3A_236] : memref<64x64xf32, #tpu.memory_space<vmem>> -> memref<64x64xf32, #tpu.memory_space<vmem>>
      tpu.enqueue_dma source(%dma_start3A_237 : memref<64x64xf32, #tpu.memory_space<vmem>>) target(%dma_start3A_234 : memref<64x64xf32, #tpu.memory_space<vmem_shared>>) target_semaphore(%run_scoped3A_227 : memref<!tpu.dma_semaphore, #tpu.memory_space<semaphore_mem>>)
      %dma_wait3A_238 = arith.constant 0 : i32
      %dma_wait3A_239 = arith.constant 0 : i32
      %dma_wait3A_240 = tpu.memref_slice %arg11[%dma_wait3A_238, %dma_wait3A_239] : memref<64x64xf32, #tpu.memory_space<vmem>> -> memref<64x64xf32, #tpu.memory_space<vmem>>
      %dma_wait3A_241 = arith.constant 0 : i32
      %dma_wait3A_242 = tpu.memref_slice %arg14[%add3A_94, %dma_wait3A_241] : memref<10016x64xf32, #tpu.memory_space<vmem_shared>> -> memref<64x64xf32, #tpu.memory_space<vmem_shared>>
      %dma_wait3A_243 = arith.constant 0 : i32
      %dma_wait3A_244 = tpu.memref_slice %arg14[%add3A_94, %dma_wait3A_243] : memref<10016x64xf32, #tpu.memory_space<vmem_shared>> -> memref<64x64xf32, #tpu.memory_space<vmem_shared>>
      %dma_wait3A_245 = arith.constant 0 : i32
      %dma_wait3A_246 = arith.constant 0 : i32
      %dma_wait3A_247 = tpu.memref_slice %arg11[%dma_wait3A_245, %dma_wait3A_246] : memref<64x64xf32, #tpu.memory_space<vmem>> -> memref<64x64xf32, #tpu.memory_space<vmem>>
      tpu.wait_dma2 semaphore(%run_scoped3A_227 : memref<!tpu.dma_semaphore, #tpu.memory_space<semaphore_mem>>) src(%dma_wait3A_247 : memref<64x64xf32, #tpu.memory_space<vmem>>) dst(%dma_wait3A_244 : memref<64x64xf32, #tpu.memory_space<vmem_shared>>)
      tpu.yield
    }) : () -> ()
    %add3A_103 = arith.constant 256 : i32
    %add3A_104 = arith.addi %mul3A_64, %add3A_103 : i32
    "tpu.region"() ({
      %run_scoped3A_227 = tpu.sem_alloc : memref<!tpu.dma_semaphore, #tpu.memory_space<semaphore_mem>>
      %dma_start3A_228 = arith.constant 0 : i32
      %dma_start3A_229 = arith.constant 0 : i32
      %dma_start3A_230 = tpu.memref_slice %arg10[%dma_start3A_228, %dma_start3A_229] : memref<64x64xf32, #tpu.memory_space<vmem>> -> memref<64x64xf32, #tpu.memory_space<vmem>>
      %dma_start3A_231 = arith.constant 0 : i32
      %dma_start3A_232 = tpu.memref_slice %arg15[%add3A_104, %dma_start3A_231] : memref<10016x64xf32, #tpu.memory_space<vmem_shared>> -> memref<64x64xf32, #tpu.memory_space<vmem_shared>>
      %dma_start3A_233 = arith.constant 0 : i32
      %dma_start3A_234 = arith.constant 0 : i32
      %dma_start3A_235 = tpu.memref_slice %arg10[%dma_start3A_233, %dma_start3A_234] : memref<64x64xf32, #tpu.memory_space<vmem>> -> memref<64x64xf32, #tpu.memory_space<vmem>>
      %dma_start3A_236 = arith.constant 0 : i32
      %dma_start3A_237 = tpu.memref_slice %arg15[%add3A_104, %dma_start3A_236] : memref<10016x64xf32, #tpu.memory_space<vmem_shared>> -> memref<64x64xf32, #tpu.memory_space<vmem_shared>>
      tpu.enqueue_dma source(%dma_start3A_237 : memref<64x64xf32, #tpu.memory_space<vmem_shared>>) target(%dma_start3A_235 : memref<64x64xf32, #tpu.memory_space<vmem>>) target_semaphore(%run_scoped3A_227 : memref<!tpu.dma_semaphore, #tpu.memory_space<semaphore_mem>>)
      %dma_wait3A_238 = arith.constant 0 : i32
      %dma_wait3A_239 = arith.constant 0 : i32
      %dma_wait3A_240 = tpu.memref_slice %arg10[%dma_wait3A_238, %dma_wait3A_239] : memref<64x64xf32, #tpu.memory_space<vmem>> -> memref<64x64xf32, #tpu.memory_space<vmem>>
      %dma_wait3A_241 = arith.constant 0 : i32
      %dma_wait3A_242 = tpu.memref_slice %arg15[%add3A_104, %dma_wait3A_241] : memref<10016x64xf32, #tpu.memory_space<vmem_shared>> -> memref<64x64xf32, #tpu.memory_space<vmem_shared>>
      %dma_wait3A_243 = arith.constant 0 : i32
      %dma_wait3A_244 = arith.constant 0 : i32
      %dma_wait3A_245 = tpu.memref_slice %arg10[%dma_wait3A_243, %dma_wait3A_244] : memref<64x64xf32, #tpu.memory_space<vmem>> -> memref<64x64xf32, #tpu.memory_space<vmem>>
      %dma_wait3A_246 = arith.constant 0 : i32
      %dma_wait3A_247 = tpu.memref_slice %arg15[%add3A_104, %dma_wait3A_246] : memref<10016x64xf32, #tpu.memory_space<vmem_shared>> -> memref<64x64xf32, #tpu.memory_space<vmem_shared>>
      tpu.wait_dma2 semaphore(%run_scoped3A_227 : memref<!tpu.dma_semaphore, #tpu.memory_space<semaphore_mem>>) src(%dma_wait3A_247 : memref<64x64xf32, #tpu.memory_space<vmem_shared>>) dst(%dma_wait3A_245 : memref<64x64xf32, #tpu.memory_space<vmem>>)
      tpu.yield
    }) : () -> ()
    %run_scoped3A_105 = arith.constant 0 : i32
    "tpu.region"() ({
      %run_scoped3A_227 = tpu.sem_alloc : memref<!tpu.dma_semaphore, #tpu.memory_space<semaphore_mem>>
      %dma_start3A_228 = arith.constant 0 : i32
      %dma_start3A_229 = arith.constant 0 : i32
      %dma_start3A_230 = tpu.memref_slice %arg12[%dma_start3A_228, %dma_start3A_229] : memref<64x16xf32, #tpu.memory_space<vmem>> -> memref<64x16xf32, #tpu.memory_space<vmem>>
      %dma_start3A_231 = arith.constant 0 : i32
      %dma_start3A_232 = tpu.memref_slice %arg6[%run_scoped3A_105, %add3A_104, %dma_start3A_231] : memref<2x10016x16xf32, #tpu.memory_space<hbm>> -> memref<1x64x16xf32, #tpu.memory_space<hbm>>
      %dma_start3A_233 = tpu.memref_squeeze %dma_start3A_232 : memref<1x64x16xf32, #tpu.memory_space<hbm>> -> memref<64x16xf32, #tpu.memory_space<hbm>>
      %dma_start3A_234 = arith.constant 0 : i32
      %dma_start3A_235 = arith.constant 0 : i32
      %dma_start3A_236 = tpu.memref_slice %arg12[%dma_start3A_234, %dma_start3A_235] : memref<64x16xf32, #tpu.memory_space<vmem>> -> memref<64x16xf32, #tpu.memory_space<vmem>>
      %dma_start3A_237 = arith.constant 0 : i32
      %dma_start3A_238 = tpu.memref_slice %arg6[%run_scoped3A_105, %add3A_104, %dma_start3A_237] : memref<2x10016x16xf32, #tpu.memory_space<hbm>> -> memref<1x64x16xf32, #tpu.memory_space<hbm>>
      %dma_start3A_239 = tpu.memref_squeeze %dma_start3A_238 : memref<1x64x16xf32, #tpu.memory_space<hbm>> -> memref<64x16xf32, #tpu.memory_space<hbm>>
      tpu.enqueue_dma source(%dma_start3A_239 : memref<64x16xf32, #tpu.memory_space<hbm>>) target(%dma_start3A_236 : memref<64x16xf32, #tpu.memory_space<vmem>>) target_semaphore(%run_scoped3A_227 : memref<!tpu.dma_semaphore, #tpu.memory_space<semaphore_mem>>)
      %dma_wait3A_240 = arith.constant 0 : i32
      %dma_wait3A_241 = arith.constant 0 : i32
      %dma_wait3A_242 = tpu.memref_slice %arg12[%dma_wait3A_240, %dma_wait3A_241] : memref<64x16xf32, #tpu.memory_space<vmem>> -> memref<64x16xf32, #tpu.memory_space<vmem>>
      %dma_wait3A_243 = arith.constant 0 : i32
      %dma_wait3A_244 = tpu.memref_slice %arg6[%run_scoped3A_105, %add3A_104, %dma_wait3A_243] : memref<2x10016x16xf32, #tpu.memory_space<hbm>> -> memref<1x64x16xf32, #tpu.memory_space<hbm>>
      %dma_wait3A_245 = tpu.memref_squeeze %dma_wait3A_244 : memref<1x64x16xf32, #tpu.memory_space<hbm>> -> memref<64x16xf32, #tpu.memory_space<hbm>>
      %dma_wait3A_246 = arith.constant 0 : i32
      %dma_wait3A_247 = arith.constant 0 : i32
      %dma_wait3A_248 = tpu.memref_slice %arg12[%dma_wait3A_246, %dma_wait3A_247] : memref<64x16xf32, #tpu.memory_space<vmem>> -> memref<64x16xf32, #tpu.memory_space<vmem>>
      %dma_wait3A_249 = arith.constant 0 : i32
      %dma_wait3A_250 = tpu.memref_slice %arg6[%run_scoped3A_105, %add3A_104, %dma_wait3A_249] : memref<2x10016x16xf32, #tpu.memory_space<hbm>> -> memref<1x64x16xf32, #tpu.memory_space<hbm>>
      %dma_wait3A_251 = tpu.memref_squeeze %dma_wait3A_250 : memref<1x64x16xf32, #tpu.memory_space<hbm>> -> memref<64x16xf32, #tpu.memory_space<hbm>>
      tpu.wait_dma2 semaphore(%run_scoped3A_227 : memref<!tpu.dma_semaphore, #tpu.memory_space<semaphore_mem>>) src(%dma_wait3A_251 : memref<64x16xf32, #tpu.memory_space<hbm>>) dst(%dma_wait3A_248 : memref<64x16xf32, #tpu.memory_space<vmem>>)
      tpu.yield
    }) : () -> ()
    %run_scoped3A_106 = arith.constant 1 : i32
    "tpu.region"() ({
      %run_scoped3A_227 = tpu.sem_alloc : memref<!tpu.dma_semaphore, #tpu.memory_space<semaphore_mem>>
      %dma_start3A_228 = arith.constant 0 : i32
      %dma_start3A_229 = arith.constant 0 : i32
      %dma_start3A_230 = tpu.memref_slice %arg13[%dma_start3A_228, %dma_start3A_229] : memref<64x16xf32, #tpu.memory_space<vmem>> -> memref<64x16xf32, #tpu.memory_space<vmem>>
      %dma_start3A_231 = arith.constant 0 : i32
      %dma_start3A_232 = tpu.memref_slice %arg6[%run_scoped3A_106, %add3A_104, %dma_start3A_231] : memref<2x10016x16xf32, #tpu.memory_space<hbm>> -> memref<1x64x16xf32, #tpu.memory_space<hbm>>
      %dma_start3A_233 = tpu.memref_squeeze %dma_start3A_232 : memref<1x64x16xf32, #tpu.memory_space<hbm>> -> memref<64x16xf32, #tpu.memory_space<hbm>>
      %dma_start3A_234 = arith.constant 0 : i32
      %dma_start3A_235 = arith.constant 0 : i32
      %dma_start3A_236 = tpu.memref_slice %arg13[%dma_start3A_234, %dma_start3A_235] : memref<64x16xf32, #tpu.memory_space<vmem>> -> memref<64x16xf32, #tpu.memory_space<vmem>>
      %dma_start3A_237 = arith.constant 0 : i32
      %dma_start3A_238 = tpu.memref_slice %arg6[%run_scoped3A_106, %add3A_104, %dma_start3A_237] : memref<2x10016x16xf32, #tpu.memory_space<hbm>> -> memref<1x64x16xf32, #tpu.memory_space<hbm>>
      %dma_start3A_239 = tpu.memref_squeeze %dma_start3A_238 : memref<1x64x16xf32, #tpu.memory_space<hbm>> -> memref<64x16xf32, #tpu.memory_space<hbm>>
      tpu.enqueue_dma source(%dma_start3A_239 : memref<64x16xf32, #tpu.memory_space<hbm>>) target(%dma_start3A_236 : memref<64x16xf32, #tpu.memory_space<vmem>>) target_semaphore(%run_scoped3A_227 : memref<!tpu.dma_semaphore, #tpu.memory_space<semaphore_mem>>)
      %dma_wait3A_240 = arith.constant 0 : i32
      %dma_wait3A_241 = arith.constant 0 : i32
      %dma_wait3A_242 = tpu.memref_slice %arg13[%dma_wait3A_240, %dma_wait3A_241] : memref<64x16xf32, #tpu.memory_space<vmem>> -> memref<64x16xf32, #tpu.memory_space<vmem>>
      %dma_wait3A_243 = arith.constant 0 : i32
      %dma_wait3A_244 = tpu.memref_slice %arg6[%run_scoped3A_106, %add3A_104, %dma_wait3A_243] : memref<2x10016x16xf32, #tpu.memory_space<hbm>> -> memref<1x64x16xf32, #tpu.memory_space<hbm>>
      %dma_wait3A_245 = tpu.memref_squeeze %dma_wait3A_244 : memref<1x64x16xf32, #tpu.memory_space<hbm>> -> memref<64x16xf32, #tpu.memory_space<hbm>>
      %dma_wait3A_246 = arith.constant 0 : i32
      %dma_wait3A_247 = arith.constant 0 : i32
      %dma_wait3A_248 = tpu.memref_slice %arg13[%dma_wait3A_246, %dma_wait3A_247] : memref<64x16xf32, #tpu.memory_space<vmem>> -> memref<64x16xf32, #tpu.memory_space<vmem>>
      %dma_wait3A_249 = arith.constant 0 : i32
      %dma_wait3A_250 = tpu.memref_slice %arg6[%run_scoped3A_106, %add3A_104, %dma_wait3A_249] : memref<2x10016x16xf32, #tpu.memory_space<hbm>> -> memref<1x64x16xf32, #tpu.memory_space<hbm>>
      %dma_wait3A_251 = tpu.memref_squeeze %dma_wait3A_250 : memref<1x64x16xf32, #tpu.memory_space<hbm>> -> memref<64x16xf32, #tpu.memory_space<hbm>>
      tpu.wait_dma2 semaphore(%run_scoped3A_227 : memref<!tpu.dma_semaphore, #tpu.memory_space<semaphore_mem>>) src(%dma_wait3A_251 : memref<64x16xf32, #tpu.memory_space<hbm>>) dst(%dma_wait3A_248 : memref<64x16xf32, #tpu.memory_space<vmem>>)
      tpu.yield
    }) : () -> ()
    %scan3A_107 = arith.constant 0 : i32
    %scan3A_108 = arith.constant 0 : i32
    %scan3A_109 = arith.constant 64 : i32
    %scan3A_110 = arith.addi %scan3A_108, %scan3A_109 : i32
    %scan3A_111 = arith.constant 1 : i32
    scf.for %scan3A_227 = %scan3A_108 to %scan3A_110 step %scan3A_111  : i32 {
      %get3A = arith.index_cast %scan3A_227 : i32 to index
      %get3A_228 = arith.constant 0 : index
      %get3A_229 = tpu.vector_load %arg12[%get3A, %get3A_228] {strides = array<i32>} : memref<64x16xf32, #tpu.memory_space<vmem>>, vector<1x16xf32>,
      %get3A_230 = vector.shape_cast %get3A_229 : vector<1x16xf32> to vector<16xf32>
      %get3A_231 = arith.index_cast %scan3A_227 : i32 to index
      %get3A_232 = arith.constant 0 : index
      %get3A_233 = tpu.vector_load %arg13[%get3A_231, %get3A_232] {strides = array<i32>} : memref<64x16xf32, #tpu.memory_space<vmem>>, vector<1x16xf32>,
      %get3A_234 = vector.shape_cast %get3A_233 : vector<1x16xf32> to vector<16xf32>
      %add3A_235 = arith.addf %get3A_230, %get3A_234 : vector<16xf32>
      %gt3A = arith.constant 0.000000e+00 : f32
      %gt3A_236 = vector.broadcast %gt3A : f32 to vector<16xf32>
      %gt3A_237 = arith.cmpf ogt, %add3A_235, %gt3A_236 : vector<16xf32>
      %div3A = arith.constant 1.000000e+00 : f32
      %div3A_238 = vector.broadcast %div3A : f32 to vector<16xf32>
      %div3A_239 = arith.divf %div3A_238, %add3A_235 : vector<16xf32>
      %jit3A = arith.constant 0.000000e+00 : f32
      %broadcast_in_dim3A = vector.broadcast %jit3A : f32 to vector<16xf32>
      %select_n3A = arith.select %gt3A_237, %div3A_239, %broadcast_in_dim3A : vector<16xi1>, vector<16xf32>
      %slice3A = vector.extract_strided_slice %select_n3A {offsets = [0], sizes = [1], strides = [1]} : vector<16xf32> to vector<1xf32>
      %squeeze3A = vector.extract %slice3A[0] : f32 from vector<1xf32>
      %get3A_240 = arith.index_cast %scan3A_227 : i32 to index
      %get3A_241 = arith.constant 0 : index
      %get3A_242 = tpu.vector_load %arg10[%get3A_240, %get3A_241] {strides = array<i32>} : memref<64x64xf32, #tpu.memory_space<vmem>>, vector<1x16xf32>,
      %get3A_243 = vector.shape_cast %get3A_242 : vector<1x16xf32> to vector<16xf32>
      %mul3A_244 = vector.broadcast %squeeze3A : f32 to vector<16xf32>
      %mul3A_245 = arith.mulf %get3A_243, %mul3A_244 : vector<16xf32>
      %max3A = arith.constant 0.000000e+00 : f32
      %max3A_246 = vector.broadcast %max3A : f32 to vector<16xf32>
      %max3A_247 = arith.maximumf %mul3A_245, %max3A_246 : vector<16xf32>
      %swap3A = arith.index_cast %scan3A_227 : i32 to index
      %swap3A_248 = arith.constant 0 : index
      %swap3A_249 = tpu.vector_load %arg11[%swap3A, %swap3A_248] {strides = array<i32>} : memref<64x64xf32, #tpu.memory_space<vmem>>, vector<1x16xf32>,
      %swap3A_250 = vector.shape_cast %swap3A_249 : vector<1x16xf32> to vector<16xf32>
      %swap3A_251 = vector.shape_cast %max3A_247 : vector<16xf32> to vector<1x16xf32>
      tpu.vector_store %arg11[%swap3A, %swap3A_248], %swap3A_251 {strides = array<i32>} : memref<64x64xf32, #tpu.memory_space<vmem>>, vector<1x16xf32>,
      %get3A_252 = arith.index_cast %scan3A_227 : i32 to index
      %get3A_253 = arith.constant 16 : index
      %get3A_254 = tpu.vector_load %arg10[%get3A_252, %get3A_253] {strides = array<i32>} : memref<64x64xf32, #tpu.memory_space<vmem>>, vector<1x16xf32>,
      %get3A_255 = vector.shape_cast %get3A_254 : vector<1x16xf32> to vector<16xf32>
      %mul3A_256 = vector.broadcast %squeeze3A : f32 to vector<16xf32>
      %mul3A_257 = arith.mulf %get3A_255, %mul3A_256 : vector<16xf32>
      %max3A_258 = arith.constant 0.000000e+00 : f32
      %max3A_259 = vector.broadcast %max3A_258 : f32 to vector<16xf32>
      %max3A_260 = arith.maximumf %mul3A_257, %max3A_259 : vector<16xf32>
      %swap3A_261 = arith.index_cast %scan3A_227 : i32 to index
      %swap3A_262 = arith.constant 16 : index
      %swap3A_263 = tpu.vector_load %arg11[%swap3A_261, %swap3A_262] {strides = array<i32>} : memref<64x64xf32, #tpu.memory_space<vmem>>, vector<1x16xf32>,
      %swap3A_264 = vector.shape_cast %swap3A_263 : vector<1x16xf32> to vector<16xf32>
      %swap3A_265 = vector.shape_cast %max3A_260 : vector<16xf32> to vector<1x16xf32>
      tpu.vector_store %arg11[%swap3A_261, %swap3A_262], %swap3A_265 {strides = array<i32>} : memref<64x64xf32, #tpu.memory_space<vmem>>, vector<1x16xf32>,
      %get3A_266 = arith.index_cast %scan3A_227 : i32 to index
      %get3A_267 = arith.constant 32 : index
      %get3A_268 = tpu.vector_load %arg10[%get3A_266, %get3A_267] {strides = array<i32>} : memref<64x64xf32, #tpu.memory_space<vmem>>, vector<1x16xf32>,
      %get3A_269 = vector.shape_cast %get3A_268 : vector<1x16xf32> to vector<16xf32>
      %mul3A_270 = vector.broadcast %squeeze3A : f32 to vector<16xf32>
      %mul3A_271 = arith.mulf %get3A_269, %mul3A_270 : vector<16xf32>
      %max3A_272 = arith.constant 0.000000e+00 : f32
      %max3A_273 = vector.broadcast %max3A_272 : f32 to vector<16xf32>
      %max3A_274 = arith.maximumf %mul3A_271, %max3A_273 : vector<16xf32>
      %swap3A_275 = arith.index_cast %scan3A_227 : i32 to index
      %swap3A_276 = arith.constant 32 : index
      %swap3A_277 = tpu.vector_load %arg11[%swap3A_275, %swap3A_276] {strides = array<i32>} : memref<64x64xf32, #tpu.memory_space<vmem>>, vector<1x16xf32>,
      %swap3A_278 = vector.shape_cast %swap3A_277 : vector<1x16xf32> to vector<16xf32>
      %swap3A_279 = vector.shape_cast %max3A_274 : vector<16xf32> to vector<1x16xf32>
      tpu.vector_store %arg11[%swap3A_275, %swap3A_276], %swap3A_279 {strides = array<i32>} : memref<64x64xf32, #tpu.memory_space<vmem>>, vector<1x16xf32>,
      %get3A_280 = arith.index_cast %scan3A_227 : i32 to index
      %get3A_281 = arith.constant 48 : index
      %get3A_282 = tpu.vector_load %arg10[%get3A_280, %get3A_281] {strides = array<i32>} : memref<64x64xf32, #tpu.memory_space<vmem>>, vector<1x16xf32>,
      %get3A_283 = vector.shape_cast %get3A_282 : vector<1x16xf32> to vector<16xf32>
      %mul3A_284 = vector.broadcast %squeeze3A : f32 to vector<16xf32>
      %mul3A_285 = arith.mulf %get3A_283, %mul3A_284 : vector<16xf32>
      %max3A_286 = arith.constant 0.000000e+00 : f32
      %max3A_287 = vector.broadcast %max3A_286 : f32 to vector<16xf32>
      %max3A_288 = arith.maximumf %mul3A_285, %max3A_287 : vector<16xf32>
      %swap3A_289 = arith.index_cast %scan3A_227 : i32 to index
      %swap3A_290 = arith.constant 48 : index
      %swap3A_291 = tpu.vector_load %arg11[%swap3A_289, %swap3A_290] {strides = array<i32>} : memref<64x64xf32, #tpu.memory_space<vmem>>, vector<1x16xf32>,
      %swap3A_292 = vector.shape_cast %swap3A_291 : vector<1x16xf32> to vector<16xf32>
      %swap3A_293 = vector.shape_cast %max3A_288 : vector<16xf32> to vector<1x16xf32>
      tpu.vector_store %arg11[%swap3A_289, %swap3A_290], %swap3A_293 {strides = array<i32>} : memref<64x64xf32, #tpu.memory_space<vmem>>, vector<1x16xf32>,
    }
    %scan3A_112 = arith.constant 64 : i32
    "tpu.region"() ({
      %run_scoped3A_227 = tpu.sem_alloc : memref<!tpu.dma_semaphore, #tpu.memory_space<semaphore_mem>>
      %dma_start3A_228 = arith.constant 0 : i32
      %dma_start3A_229 = arith.constant 0 : i32
      %dma_start3A_230 = tpu.memref_slice %arg11[%dma_start3A_228, %dma_start3A_229] : memref<64x64xf32, #tpu.memory_space<vmem>> -> memref<64x64xf32, #tpu.memory_space<vmem>>
      %dma_start3A_231 = arith.constant 0 : i32
      %dma_start3A_232 = tpu.memref_slice %arg14[%add3A_104, %dma_start3A_231] : memref<10016x64xf32, #tpu.memory_space<vmem_shared>> -> memref<64x64xf32, #tpu.memory_space<vmem_shared>>
      %dma_start3A_233 = arith.constant 0 : i32
      %dma_start3A_234 = tpu.memref_slice %arg14[%add3A_104, %dma_start3A_233] : memref<10016x64xf32, #tpu.memory_space<vmem_shared>> -> memref<64x64xf32, #tpu.memory_space<vmem_shared>>
      %dma_start3A_235 = arith.constant 0 : i32
      %dma_start3A_236 = arith.constant 0 : i32
      %dma_start3A_237 = tpu.memref_slice %arg11[%dma_start3A_235, %dma_start3A_236] : memref<64x64xf32, #tpu.memory_space<vmem>> -> memref<64x64xf32, #tpu.memory_space<vmem>>
      tpu.enqueue_dma source(%dma_start3A_237 : memref<64x64xf32, #tpu.memory_space<vmem>>) target(%dma_start3A_234 : memref<64x64xf32, #tpu.memory_space<vmem_shared>>) target_semaphore(%run_scoped3A_227 : memref<!tpu.dma_semaphore, #tpu.memory_space<semaphore_mem>>)
      %dma_wait3A_238 = arith.constant 0 : i32
      %dma_wait3A_239 = arith.constant 0 : i32
      %dma_wait3A_240 = tpu.memref_slice %arg11[%dma_wait3A_238, %dma_wait3A_239] : memref<64x64xf32, #tpu.memory_space<vmem>> -> memref<64x64xf32, #tpu.memory_space<vmem>>
      %dma_wait3A_241 = arith.constant 0 : i32
      %dma_wait3A_242 = tpu.memref_slice %arg14[%add3A_104, %dma_wait3A_241] : memref<10016x64xf32, #tpu.memory_space<vmem_shared>> -> memref<64x64xf32, #tpu.memory_space<vmem_shared>>
      %dma_wait3A_243 = arith.constant 0 : i32
      %dma_wait3A_244 = tpu.memref_slice %arg14[%add3A_104, %dma_wait3A_243] : memref<10016x64xf32, #tpu.memory_space<vmem_shared>> -> memref<64x64xf32, #tpu.memory_space<vmem_shared>>
      %dma_wait3A_245 = arith.constant 0 : i32
      %dma_wait3A_246 = arith.constant 0 : i32
      %dma_wait3A_247 = tpu.memref_slice %arg11[%dma_wait3A_245, %dma_wait3A_246] : memref<64x64xf32, #tpu.memory_space<vmem>> -> memref<64x64xf32, #tpu.memory_space<vmem>>
      tpu.wait_dma2 semaphore(%run_scoped3A_227 : memref<!tpu.dma_semaphore, #tpu.memory_space<semaphore_mem>>) src(%dma_wait3A_247 : memref<64x64xf32, #tpu.memory_space<vmem>>) dst(%dma_wait3A_244 : memref<64x64xf32, #tpu.memory_space<vmem_shared>>)
      tpu.yield
    }) : () -> ()
    %add3A_113 = arith.constant 320 : i32
    %add3A_114 = arith.addi %mul3A_64, %add3A_113 : i32
    "tpu.region"() ({
      %run_scoped3A_227 = tpu.sem_alloc : memref<!tpu.dma_semaphore, #tpu.memory_space<semaphore_mem>>
      %dma_start3A_228 = arith.constant 0 : i32
      %dma_start3A_229 = arith.constant 0 : i32
      %dma_start3A_230 = tpu.memref_slice %arg10[%dma_start3A_228, %dma_start3A_229] : memref<64x64xf32, #tpu.memory_space<vmem>> -> memref<64x64xf32, #tpu.memory_space<vmem>>
      %dma_start3A_231 = arith.constant 0 : i32
      %dma_start3A_232 = tpu.memref_slice %arg15[%add3A_114, %dma_start3A_231] : memref<10016x64xf32, #tpu.memory_space<vmem_shared>> -> memref<64x64xf32, #tpu.memory_space<vmem_shared>>
      %dma_start3A_233 = arith.constant 0 : i32
      %dma_start3A_234 = arith.constant 0 : i32
      %dma_start3A_235 = tpu.memref_slice %arg10[%dma_start3A_233, %dma_start3A_234] : memref<64x64xf32, #tpu.memory_space<vmem>> -> memref<64x64xf32, #tpu.memory_space<vmem>>
      %dma_start3A_236 = arith.constant 0 : i32
      %dma_start3A_237 = tpu.memref_slice %arg15[%add3A_114, %dma_start3A_236] : memref<10016x64xf32, #tpu.memory_space<vmem_shared>> -> memref<64x64xf32, #tpu.memory_space<vmem_shared>>
      tpu.enqueue_dma source(%dma_start3A_237 : memref<64x64xf32, #tpu.memory_space<vmem_shared>>) target(%dma_start3A_235 : memref<64x64xf32, #tpu.memory_space<vmem>>) target_semaphore(%run_scoped3A_227 : memref<!tpu.dma_semaphore, #tpu.memory_space<semaphore_mem>>)
      %dma_wait3A_238 = arith.constant 0 : i32
      %dma_wait3A_239 = arith.constant 0 : i32
      %dma_wait3A_240 = tpu.memref_slice %arg10[%dma_wait3A_238, %dma_wait3A_239] : memref<64x64xf32, #tpu.memory_space<vmem>> -> memref<64x64xf32, #tpu.memory_space<vmem>>
      %dma_wait3A_241 = arith.constant 0 : i32
      %dma_wait3A_242 = tpu.memref_slice %arg15[%add3A_114, %dma_wait3A_241] : memref<10016x64xf32, #tpu.memory_space<vmem_shared>> -> memref<64x64xf32, #tpu.memory_space<vmem_shared>>
      %dma_wait3A_243 = arith.constant 0 : i32
      %dma_wait3A_244 = arith.constant 0 : i32
      %dma_wait3A_245 = tpu.memref_slice %arg10[%dma_wait3A_243, %dma_wait3A_244] : memref<64x64xf32, #tpu.memory_space<vmem>> -> memref<64x64xf32, #tpu.memory_space<vmem>>
      %dma_wait3A_246 = arith.constant 0 : i32
      %dma_wait3A_247 = tpu.memref_slice %arg15[%add3A_114, %dma_wait3A_246] : memref<10016x64xf32, #tpu.memory_space<vmem_shared>> -> memref<64x64xf32, #tpu.memory_space<vmem_shared>>
      tpu.wait_dma2 semaphore(%run_scoped3A_227 : memref<!tpu.dma_semaphore, #tpu.memory_space<semaphore_mem>>) src(%dma_wait3A_247 : memref<64x64xf32, #tpu.memory_space<vmem_shared>>) dst(%dma_wait3A_245 : memref<64x64xf32, #tpu.memory_space<vmem>>)
      tpu.yield
    }) : () -> ()
    %run_scoped3A_115 = arith.constant 0 : i32
    "tpu.region"() ({
      %run_scoped3A_227 = tpu.sem_alloc : memref<!tpu.dma_semaphore, #tpu.memory_space<semaphore_mem>>
      %dma_start3A_228 = arith.constant 0 : i32
      %dma_start3A_229 = arith.constant 0 : i32
      %dma_start3A_230 = tpu.memref_slice %arg12[%dma_start3A_228, %dma_start3A_229] : memref<64x16xf32, #tpu.memory_space<vmem>> -> memref<64x16xf32, #tpu.memory_space<vmem>>
      %dma_start3A_231 = arith.constant 0 : i32
      %dma_start3A_232 = tpu.memref_slice %arg6[%run_scoped3A_115, %add3A_114, %dma_start3A_231] : memref<2x10016x16xf32, #tpu.memory_space<hbm>> -> memref<1x64x16xf32, #tpu.memory_space<hbm>>
      %dma_start3A_233 = tpu.memref_squeeze %dma_start3A_232 : memref<1x64x16xf32, #tpu.memory_space<hbm>> -> memref<64x16xf32, #tpu.memory_space<hbm>>
      %dma_start3A_234 = arith.constant 0 : i32
      %dma_start3A_235 = arith.constant 0 : i32
      %dma_start3A_236 = tpu.memref_slice %arg12[%dma_start3A_234, %dma_start3A_235] : memref<64x16xf32, #tpu.memory_space<vmem>> -> memref<64x16xf32, #tpu.memory_space<vmem>>
      %dma_start3A_237 = arith.constant 0 : i32
      %dma_start3A_238 = tpu.memref_slice %arg6[%run_scoped3A_115, %add3A_114, %dma_start3A_237] : memref<2x10016x16xf32, #tpu.memory_space<hbm>> -> memref<1x64x16xf32, #tpu.memory_space<hbm>>
      %dma_start3A_239 = tpu.memref_squeeze %dma_start3A_238 : memref<1x64x16xf32, #tpu.memory_space<hbm>> -> memref<64x16xf32, #tpu.memory_space<hbm>>
      tpu.enqueue_dma source(%dma_start3A_239 : memref<64x16xf32, #tpu.memory_space<hbm>>) target(%dma_start3A_236 : memref<64x16xf32, #tpu.memory_space<vmem>>) target_semaphore(%run_scoped3A_227 : memref<!tpu.dma_semaphore, #tpu.memory_space<semaphore_mem>>)
      %dma_wait3A_240 = arith.constant 0 : i32
      %dma_wait3A_241 = arith.constant 0 : i32
      %dma_wait3A_242 = tpu.memref_slice %arg12[%dma_wait3A_240, %dma_wait3A_241] : memref<64x16xf32, #tpu.memory_space<vmem>> -> memref<64x16xf32, #tpu.memory_space<vmem>>
      %dma_wait3A_243 = arith.constant 0 : i32
      %dma_wait3A_244 = tpu.memref_slice %arg6[%run_scoped3A_115, %add3A_114, %dma_wait3A_243] : memref<2x10016x16xf32, #tpu.memory_space<hbm>> -> memref<1x64x16xf32, #tpu.memory_space<hbm>>
      %dma_wait3A_245 = tpu.memref_squeeze %dma_wait3A_244 : memref<1x64x16xf32, #tpu.memory_space<hbm>> -> memref<64x16xf32, #tpu.memory_space<hbm>>
      %dma_wait3A_246 = arith.constant 0 : i32
      %dma_wait3A_247 = arith.constant 0 : i32
      %dma_wait3A_248 = tpu.memref_slice %arg12[%dma_wait3A_246, %dma_wait3A_247] : memref<64x16xf32, #tpu.memory_space<vmem>> -> memref<64x16xf32, #tpu.memory_space<vmem>>
      %dma_wait3A_249 = arith.constant 0 : i32
      %dma_wait3A_250 = tpu.memref_slice %arg6[%run_scoped3A_115, %add3A_114, %dma_wait3A_249] : memref<2x10016x16xf32, #tpu.memory_space<hbm>> -> memref<1x64x16xf32, #tpu.memory_space<hbm>>
      %dma_wait3A_251 = tpu.memref_squeeze %dma_wait3A_250 : memref<1x64x16xf32, #tpu.memory_space<hbm>> -> memref<64x16xf32, #tpu.memory_space<hbm>>
      tpu.wait_dma2 semaphore(%run_scoped3A_227 : memref<!tpu.dma_semaphore, #tpu.memory_space<semaphore_mem>>) src(%dma_wait3A_251 : memref<64x16xf32, #tpu.memory_space<hbm>>) dst(%dma_wait3A_248 : memref<64x16xf32, #tpu.memory_space<vmem>>)
      tpu.yield
    }) : () -> ()
    %run_scoped3A_116 = arith.constant 1 : i32
    "tpu.region"() ({
      %run_scoped3A_227 = tpu.sem_alloc : memref<!tpu.dma_semaphore, #tpu.memory_space<semaphore_mem>>
      %dma_start3A_228 = arith.constant 0 : i32
      %dma_start3A_229 = arith.constant 0 : i32
      %dma_start3A_230 = tpu.memref_slice %arg13[%dma_start3A_228, %dma_start3A_229] : memref<64x16xf32, #tpu.memory_space<vmem>> -> memref<64x16xf32, #tpu.memory_space<vmem>>
      %dma_start3A_231 = arith.constant 0 : i32
      %dma_start3A_232 = tpu.memref_slice %arg6[%run_scoped3A_116, %add3A_114, %dma_start3A_231] : memref<2x10016x16xf32, #tpu.memory_space<hbm>> -> memref<1x64x16xf32, #tpu.memory_space<hbm>>
      %dma_start3A_233 = tpu.memref_squeeze %dma_start3A_232 : memref<1x64x16xf32, #tpu.memory_space<hbm>> -> memref<64x16xf32, #tpu.memory_space<hbm>>
      %dma_start3A_234 = arith.constant 0 : i32
      %dma_start3A_235 = arith.constant 0 : i32
      %dma_start3A_236 = tpu.memref_slice %arg13[%dma_start3A_234, %dma_start3A_235] : memref<64x16xf32, #tpu.memory_space<vmem>> -> memref<64x16xf32, #tpu.memory_space<vmem>>
      %dma_start3A_237 = arith.constant 0 : i32
      %dma_start3A_238 = tpu.memref_slice %arg6[%run_scoped3A_116, %add3A_114, %dma_start3A_237] : memref<2x10016x16xf32, #tpu.memory_space<hbm>> -> memref<1x64x16xf32, #tpu.memory_space<hbm>>
      %dma_start3A_239 = tpu.memref_squeeze %dma_start3A_238 : memref<1x64x16xf32, #tpu.memory_space<hbm>> -> memref<64x16xf32, #tpu.memory_space<hbm>>
      tpu.enqueue_dma source(%dma_start3A_239 : memref<64x16xf32, #tpu.memory_space<hbm>>) target(%dma_start3A_236 : memref<64x16xf32, #tpu.memory_space<vmem>>) target_semaphore(%run_scoped3A_227 : memref<!tpu.dma_semaphore, #tpu.memory_space<semaphore_mem>>)
      %dma_wait3A_240 = arith.constant 0 : i32
      %dma_wait3A_241 = arith.constant 0 : i32
      %dma_wait3A_242 = tpu.memref_slice %arg13[%dma_wait3A_240, %dma_wait3A_241] : memref<64x16xf32, #tpu.memory_space<vmem>> -> memref<64x16xf32, #tpu.memory_space<vmem>>
      %dma_wait3A_243 = arith.constant 0 : i32
      %dma_wait3A_244 = tpu.memref_slice %arg6[%run_scoped3A_116, %add3A_114, %dma_wait3A_243] : memref<2x10016x16xf32, #tpu.memory_space<hbm>> -> memref<1x64x16xf32, #tpu.memory_space<hbm>>
      %dma_wait3A_245 = tpu.memref_squeeze %dma_wait3A_244 : memref<1x64x16xf32, #tpu.memory_space<hbm>> -> memref<64x16xf32, #tpu.memory_space<hbm>>
      %dma_wait3A_246 = arith.constant 0 : i32
      %dma_wait3A_247 = arith.constant 0 : i32
      %dma_wait3A_248 = tpu.memref_slice %arg13[%dma_wait3A_246, %dma_wait3A_247] : memref<64x16xf32, #tpu.memory_space<vmem>> -> memref<64x16xf32, #tpu.memory_space<vmem>>
      %dma_wait3A_249 = arith.constant 0 : i32
      %dma_wait3A_250 = tpu.memref_slice %arg6[%run_scoped3A_116, %add3A_114, %dma_wait3A_249] : memref<2x10016x16xf32, #tpu.memory_space<hbm>> -> memref<1x64x16xf32, #tpu.memory_space<hbm>>
      %dma_wait3A_251 = tpu.memref_squeeze %dma_wait3A_250 : memref<1x64x16xf32, #tpu.memory_space<hbm>> -> memref<64x16xf32, #tpu.memory_space<hbm>>
      tpu.wait_dma2 semaphore(%run_scoped3A_227 : memref<!tpu.dma_semaphore, #tpu.memory_space<semaphore_mem>>) src(%dma_wait3A_251 : memref<64x16xf32, #tpu.memory_space<hbm>>) dst(%dma_wait3A_248 : memref<64x16xf32, #tpu.memory_space<vmem>>)
      tpu.yield
    }) : () -> ()
    %scan3A_117 = arith.constant 0 : i32
    %scan3A_118 = arith.constant 0 : i32
    %scan3A_119 = arith.constant 64 : i32
    %scan3A_120 = arith.addi %scan3A_118, %scan3A_119 : i32
    %scan3A_121 = arith.constant 1 : i32
    scf.for %scan3A_227 = %scan3A_118 to %scan3A_120 step %scan3A_121  : i32 {
      %get3A = arith.index_cast %scan3A_227 : i32 to index
      %get3A_228 = arith.constant 0 : index
      %get3A_229 = tpu.vector_load %arg12[%get3A, %get3A_228] {strides = array<i32>} : memref<64x16xf32, #tpu.memory_space<vmem>>, vector<1x16xf32>,
      %get3A_230 = vector.shape_cast %get3A_229 : vector<1x16xf32> to vector<16xf32>
      %get3A_231 = arith.index_cast %scan3A_227 : i32 to index
      %get3A_232 = arith.constant 0 : index
      %get3A_233 = tpu.vector_load %arg13[%get3A_231, %get3A_232] {strides = array<i32>} : memref<64x16xf32, #tpu.memory_space<vmem>>, vector<1x16xf32>,
      %get3A_234 = vector.shape_cast %get3A_233 : vector<1x16xf32> to vector<16xf32>
      %add3A_235 = arith.addf %get3A_230, %get3A_234 : vector<16xf32>
      %gt3A = arith.constant 0.000000e+00 : f32
      %gt3A_236 = vector.broadcast %gt3A : f32 to vector<16xf32>
      %gt3A_237 = arith.cmpf ogt, %add3A_235, %gt3A_236 : vector<16xf32>
      %div3A = arith.constant 1.000000e+00 : f32
      %div3A_238 = vector.broadcast %div3A : f32 to vector<16xf32>
      %div3A_239 = arith.divf %div3A_238, %add3A_235 : vector<16xf32>
      %jit3A = arith.constant 0.000000e+00 : f32
      %broadcast_in_dim3A = vector.broadcast %jit3A : f32 to vector<16xf32>
      %select_n3A = arith.select %gt3A_237, %div3A_239, %broadcast_in_dim3A : vector<16xi1>, vector<16xf32>
      %slice3A = vector.extract_strided_slice %select_n3A {offsets = [0], sizes = [1], strides = [1]} : vector<16xf32> to vector<1xf32>
      %squeeze3A = vector.extract %slice3A[0] : f32 from vector<1xf32>
      %get3A_240 = arith.index_cast %scan3A_227 : i32 to index
      %get3A_241 = arith.constant 0 : index
      %get3A_242 = tpu.vector_load %arg10[%get3A_240, %get3A_241] {strides = array<i32>} : memref<64x64xf32, #tpu.memory_space<vmem>>, vector<1x16xf32>,
      %get3A_243 = vector.shape_cast %get3A_242 : vector<1x16xf32> to vector<16xf32>
      %mul3A_244 = vector.broadcast %squeeze3A : f32 to vector<16xf32>
      %mul3A_245 = arith.mulf %get3A_243, %mul3A_244 : vector<16xf32>
      %max3A = arith.constant 0.000000e+00 : f32
      %max3A_246 = vector.broadcast %max3A : f32 to vector<16xf32>
      %max3A_247 = arith.maximumf %mul3A_245, %max3A_246 : vector<16xf32>
      %swap3A = arith.index_cast %scan3A_227 : i32 to index
      %swap3A_248 = arith.constant 0 : index
      %swap3A_249 = tpu.vector_load %arg11[%swap3A, %swap3A_248] {strides = array<i32>} : memref<64x64xf32, #tpu.memory_space<vmem>>, vector<1x16xf32>,
      %swap3A_250 = vector.shape_cast %swap3A_249 : vector<1x16xf32> to vector<16xf32>
      %swap3A_251 = vector.shape_cast %max3A_247 : vector<16xf32> to vector<1x16xf32>
      tpu.vector_store %arg11[%swap3A, %swap3A_248], %swap3A_251 {strides = array<i32>} : memref<64x64xf32, #tpu.memory_space<vmem>>, vector<1x16xf32>,
      %get3A_252 = arith.index_cast %scan3A_227 : i32 to index
      %get3A_253 = arith.constant 16 : index
      %get3A_254 = tpu.vector_load %arg10[%get3A_252, %get3A_253] {strides = array<i32>} : memref<64x64xf32, #tpu.memory_space<vmem>>, vector<1x16xf32>,
      %get3A_255 = vector.shape_cast %get3A_254 : vector<1x16xf32> to vector<16xf32>
      %mul3A_256 = vector.broadcast %squeeze3A : f32 to vector<16xf32>
      %mul3A_257 = arith.mulf %get3A_255, %mul3A_256 : vector<16xf32>
      %max3A_258 = arith.constant 0.000000e+00 : f32
      %max3A_259 = vector.broadcast %max3A_258 : f32 to vector<16xf32>
      %max3A_260 = arith.maximumf %mul3A_257, %max3A_259 : vector<16xf32>
      %swap3A_261 = arith.index_cast %scan3A_227 : i32 to index
      %swap3A_262 = arith.constant 16 : index
      %swap3A_263 = tpu.vector_load %arg11[%swap3A_261, %swap3A_262] {strides = array<i32>} : memref<64x64xf32, #tpu.memory_space<vmem>>, vector<1x16xf32>,
      %swap3A_264 = vector.shape_cast %swap3A_263 : vector<1x16xf32> to vector<16xf32>
      %swap3A_265 = vector.shape_cast %max3A_260 : vector<16xf32> to vector<1x16xf32>
      tpu.vector_store %arg11[%swap3A_261, %swap3A_262], %swap3A_265 {strides = array<i32>} : memref<64x64xf32, #tpu.memory_space<vmem>>, vector<1x16xf32>,
      %get3A_266 = arith.index_cast %scan3A_227 : i32 to index
      %get3A_267 = arith.constant 32 : index
      %get3A_268 = tpu.vector_load %arg10[%get3A_266, %get3A_267] {strides = array<i32>} : memref<64x64xf32, #tpu.memory_space<vmem>>, vector<1x16xf32>,
      %get3A_269 = vector.shape_cast %get3A_268 : vector<1x16xf32> to vector<16xf32>
      %mul3A_270 = vector.broadcast %squeeze3A : f32 to vector<16xf32>
      %mul3A_271 = arith.mulf %get3A_269, %mul3A_270 : vector<16xf32>
      %max3A_272 = arith.constant 0.000000e+00 : f32
      %max3A_273 = vector.broadcast %max3A_272 : f32 to vector<16xf32>
      %max3A_274 = arith.maximumf %mul3A_271, %max3A_273 : vector<16xf32>
      %swap3A_275 = arith.index_cast %scan3A_227 : i32 to index
      %swap3A_276 = arith.constant 32 : index
      %swap3A_277 = tpu.vector_load %arg11[%swap3A_275, %swap3A_276] {strides = array<i32>} : memref<64x64xf32, #tpu.memory_space<vmem>>, vector<1x16xf32>,
      %swap3A_278 = vector.shape_cast %swap3A_277 : vector<1x16xf32> to vector<16xf32>
      %swap3A_279 = vector.shape_cast %max3A_274 : vector<16xf32> to vector<1x16xf32>
      tpu.vector_store %arg11[%swap3A_275, %swap3A_276], %swap3A_279 {strides = array<i32>} : memref<64x64xf32, #tpu.memory_space<vmem>>, vector<1x16xf32>,
      %get3A_280 = arith.index_cast %scan3A_227 : i32 to index
      %get3A_281 = arith.constant 48 : index
      %get3A_282 = tpu.vector_load %arg10[%get3A_280, %get3A_281] {strides = array<i32>} : memref<64x64xf32, #tpu.memory_space<vmem>>, vector<1x16xf32>,
      %get3A_283 = vector.shape_cast %get3A_282 : vector<1x16xf32> to vector<16xf32>
      %mul3A_284 = vector.broadcast %squeeze3A : f32 to vector<16xf32>
      %mul3A_285 = arith.mulf %get3A_283, %mul3A_284 : vector<16xf32>
      %max3A_286 = arith.constant 0.000000e+00 : f32
      %max3A_287 = vector.broadcast %max3A_286 : f32 to vector<16xf32>
      %max3A_288 = arith.maximumf %mul3A_285, %max3A_287 : vector<16xf32>
      %swap3A_289 = arith.index_cast %scan3A_227 : i32 to index
      %swap3A_290 = arith.constant 48 : index
      %swap3A_291 = tpu.vector_load %arg11[%swap3A_289, %swap3A_290] {strides = array<i32>} : memref<64x64xf32, #tpu.memory_space<vmem>>, vector<1x16xf32>,
      %swap3A_292 = vector.shape_cast %swap3A_291 : vector<1x16xf32> to vector<16xf32>
      %swap3A_293 = vector.shape_cast %max3A_288 : vector<16xf32> to vector<1x16xf32>
      tpu.vector_store %arg11[%swap3A_289, %swap3A_290], %swap3A_293 {strides = array<i32>} : memref<64x64xf32, #tpu.memory_space<vmem>>, vector<1x16xf32>,
    }
    %scan3A_122 = arith.constant 64 : i32
    "tpu.region"() ({
      %run_scoped3A_227 = tpu.sem_alloc : memref<!tpu.dma_semaphore, #tpu.memory_space<semaphore_mem>>
      %dma_start3A_228 = arith.constant 0 : i32
      %dma_start3A_229 = arith.constant 0 : i32
      %dma_start3A_230 = tpu.memref_slice %arg11[%dma_start3A_228, %dma_start3A_229] : memref<64x64xf32, #tpu.memory_space<vmem>> -> memref<64x64xf32, #tpu.memory_space<vmem>>
      %dma_start3A_231 = arith.constant 0 : i32
      %dma_start3A_232 = tpu.memref_slice %arg14[%add3A_114, %dma_start3A_231] : memref<10016x64xf32, #tpu.memory_space<vmem_shared>> -> memref<64x64xf32, #tpu.memory_space<vmem_shared>>
      %dma_start3A_233 = arith.constant 0 : i32
      %dma_start3A_234 = tpu.memref_slice %arg14[%add3A_114, %dma_start3A_233] : memref<10016x64xf32, #tpu.memory_space<vmem_shared>> -> memref<64x64xf32, #tpu.memory_space<vmem_shared>>
      %dma_start3A_235 = arith.constant 0 : i32
      %dma_start3A_236 = arith.constant 0 : i32
      %dma_start3A_237 = tpu.memref_slice %arg11[%dma_start3A_235, %dma_start3A_236] : memref<64x64xf32, #tpu.memory_space<vmem>> -> memref<64x64xf32, #tpu.memory_space<vmem>>
      tpu.enqueue_dma source(%dma_start3A_237 : memref<64x64xf32, #tpu.memory_space<vmem>>) target(%dma_start3A_234 : memref<64x64xf32, #tpu.memory_space<vmem_shared>>) target_semaphore(%run_scoped3A_227 : memref<!tpu.dma_semaphore, #tpu.memory_space<semaphore_mem>>)
      %dma_wait3A_238 = arith.constant 0 : i32
      %dma_wait3A_239 = arith.constant 0 : i32
      %dma_wait3A_240 = tpu.memref_slice %arg11[%dma_wait3A_238, %dma_wait3A_239] : memref<64x64xf32, #tpu.memory_space<vmem>> -> memref<64x64xf32, #tpu.memory_space<vmem>>
      %dma_wait3A_241 = arith.constant 0 : i32
      %dma_wait3A_242 = tpu.memref_slice %arg14[%add3A_114, %dma_wait3A_241] : memref<10016x64xf32, #tpu.memory_space<vmem_shared>> -> memref<64x64xf32, #tpu.memory_space<vmem_shared>>
      %dma_wait3A_243 = arith.constant 0 : i32
      %dma_wait3A_244 = tpu.memref_slice %arg14[%add3A_114, %dma_wait3A_243] : memref<10016x64xf32, #tpu.memory_space<vmem_shared>> -> memref<64x64xf32, #tpu.memory_space<vmem_shared>>
      %dma_wait3A_245 = arith.constant 0 : i32
      %dma_wait3A_246 = arith.constant 0 : i32
      %dma_wait3A_247 = tpu.memref_slice %arg11[%dma_wait3A_245, %dma_wait3A_246] : memref<64x64xf32, #tpu.memory_space<vmem>> -> memref<64x64xf32, #tpu.memory_space<vmem>>
      tpu.wait_dma2 semaphore(%run_scoped3A_227 : memref<!tpu.dma_semaphore, #tpu.memory_space<semaphore_mem>>) src(%dma_wait3A_247 : memref<64x64xf32, #tpu.memory_space<vmem>>) dst(%dma_wait3A_244 : memref<64x64xf32, #tpu.memory_space<vmem_shared>>)
      tpu.yield
    }) : () -> ()
    %add3A_123 = arith.constant 384 : i32
    %add3A_124 = arith.addi %mul3A_64, %add3A_123 : i32
    "tpu.region"() ({
      %run_scoped3A_227 = tpu.sem_alloc : memref<!tpu.dma_semaphore, #tpu.memory_space<semaphore_mem>>
      %dma_start3A_228 = arith.constant 0 : i32
      %dma_start3A_229 = arith.constant 0 : i32
      %dma_start3A_230 = tpu.memref_slice %arg10[%dma_start3A_228, %dma_start3A_229] : memref<64x64xf32, #tpu.memory_space<vmem>> -> memref<64x64xf32, #tpu.memory_space<vmem>>
      %dma_start3A_231 = arith.constant 0 : i32
      %dma_start3A_232 = tpu.memref_slice %arg15[%add3A_124, %dma_start3A_231] : memref<10016x64xf32, #tpu.memory_space<vmem_shared>> -> memref<64x64xf32, #tpu.memory_space<vmem_shared>>
      %dma_start3A_233 = arith.constant 0 : i32
      %dma_start3A_234 = arith.constant 0 : i32
      %dma_start3A_235 = tpu.memref_slice %arg10[%dma_start3A_233, %dma_start3A_234] : memref<64x64xf32, #tpu.memory_space<vmem>> -> memref<64x64xf32, #tpu.memory_space<vmem>>
      %dma_start3A_236 = arith.constant 0 : i32
      %dma_start3A_237 = tpu.memref_slice %arg15[%add3A_124, %dma_start3A_236] : memref<10016x64xf32, #tpu.memory_space<vmem_shared>> -> memref<64x64xf32, #tpu.memory_space<vmem_shared>>
      tpu.enqueue_dma source(%dma_start3A_237 : memref<64x64xf32, #tpu.memory_space<vmem_shared>>) target(%dma_start3A_235 : memref<64x64xf32, #tpu.memory_space<vmem>>) target_semaphore(%run_scoped3A_227 : memref<!tpu.dma_semaphore, #tpu.memory_space<semaphore_mem>>)
      %dma_wait3A_238 = arith.constant 0 : i32
      %dma_wait3A_239 = arith.constant 0 : i32
      %dma_wait3A_240 = tpu.memref_slice %arg10[%dma_wait3A_238, %dma_wait3A_239] : memref<64x64xf32, #tpu.memory_space<vmem>> -> memref<64x64xf32, #tpu.memory_space<vmem>>
      %dma_wait3A_241 = arith.constant 0 : i32
      %dma_wait3A_242 = tpu.memref_slice %arg15[%add3A_124, %dma_wait3A_241] : memref<10016x64xf32, #tpu.memory_space<vmem_shared>> -> memref<64x64xf32, #tpu.memory_space<vmem_shared>>
      %dma_wait3A_243 = arith.constant 0 : i32
      %dma_wait3A_244 = arith.constant 0 : i32
      %dma_wait3A_245 = tpu.memref_slice %arg10[%dma_wait3A_243, %dma_wait3A_244] : memref<64x64xf32, #tpu.memory_space<vmem>> -> memref<64x64xf32, #tpu.memory_space<vmem>>
      %dma_wait3A_246 = arith.constant 0 : i32
      %dma_wait3A_247 = tpu.memref_slice %arg15[%add3A_124, %dma_wait3A_246] : memref<10016x64xf32, #tpu.memory_space<vmem_shared>> -> memref<64x64xf32, #tpu.memory_space<vmem_shared>>
      tpu.wait_dma2 semaphore(%run_scoped3A_227 : memref<!tpu.dma_semaphore, #tpu.memory_space<semaphore_mem>>) src(%dma_wait3A_247 : memref<64x64xf32, #tpu.memory_space<vmem_shared>>) dst(%dma_wait3A_245 : memref<64x64xf32, #tpu.memory_space<vmem>>)
      tpu.yield
    }) : () -> ()
    %run_scoped3A_125 = arith.constant 0 : i32
    "tpu.region"() ({
      %run_scoped3A_227 = tpu.sem_alloc : memref<!tpu.dma_semaphore, #tpu.memory_space<semaphore_mem>>
      %dma_start3A_228 = arith.constant 0 : i32
      %dma_start3A_229 = arith.constant 0 : i32
      %dma_start3A_230 = tpu.memref_slice %arg12[%dma_start3A_228, %dma_start3A_229] : memref<64x16xf32, #tpu.memory_space<vmem>> -> memref<64x16xf32, #tpu.memory_space<vmem>>
      %dma_start3A_231 = arith.constant 0 : i32
      %dma_start3A_232 = tpu.memref_slice %arg6[%run_scoped3A_125, %add3A_124, %dma_start3A_231] : memref<2x10016x16xf32, #tpu.memory_space<hbm>> -> memref<1x64x16xf32, #tpu.memory_space<hbm>>
      %dma_start3A_233 = tpu.memref_squeeze %dma_start3A_232 : memref<1x64x16xf32, #tpu.memory_space<hbm>> -> memref<64x16xf32, #tpu.memory_space<hbm>>
      %dma_start3A_234 = arith.constant 0 : i32
      %dma_start3A_235 = arith.constant 0 : i32
      %dma_start3A_236 = tpu.memref_slice %arg12[%dma_start3A_234, %dma_start3A_235] : memref<64x16xf32, #tpu.memory_space<vmem>> -> memref<64x16xf32, #tpu.memory_space<vmem>>
      %dma_start3A_237 = arith.constant 0 : i32
      %dma_start3A_238 = tpu.memref_slice %arg6[%run_scoped3A_125, %add3A_124, %dma_start3A_237] : memref<2x10016x16xf32, #tpu.memory_space<hbm>> -> memref<1x64x16xf32, #tpu.memory_space<hbm>>
      %dma_start3A_239 = tpu.memref_squeeze %dma_start3A_238 : memref<1x64x16xf32, #tpu.memory_space<hbm>> -> memref<64x16xf32, #tpu.memory_space<hbm>>
      tpu.enqueue_dma source(%dma_start3A_239 : memref<64x16xf32, #tpu.memory_space<hbm>>) target(%dma_start3A_236 : memref<64x16xf32, #tpu.memory_space<vmem>>) target_semaphore(%run_scoped3A_227 : memref<!tpu.dma_semaphore, #tpu.memory_space<semaphore_mem>>)
      %dma_wait3A_240 = arith.constant 0 : i32
      %dma_wait3A_241 = arith.constant 0 : i32
      %dma_wait3A_242 = tpu.memref_slice %arg12[%dma_wait3A_240, %dma_wait3A_241] : memref<64x16xf32, #tpu.memory_space<vmem>> -> memref<64x16xf32, #tpu.memory_space<vmem>>
      %dma_wait3A_243 = arith.constant 0 : i32
      %dma_wait3A_244 = tpu.memref_slice %arg6[%run_scoped3A_125, %add3A_124, %dma_wait3A_243] : memref<2x10016x16xf32, #tpu.memory_space<hbm>> -> memref<1x64x16xf32, #tpu.memory_space<hbm>>
      %dma_wait3A_245 = tpu.memref_squeeze %dma_wait3A_244 : memref<1x64x16xf32, #tpu.memory_space<hbm>> -> memref<64x16xf32, #tpu.memory_space<hbm>>
      %dma_wait3A_246 = arith.constant 0 : i32
      %dma_wait3A_247 = arith.constant 0 : i32
      %dma_wait3A_248 = tpu.memref_slice %arg12[%dma_wait3A_246, %dma_wait3A_247] : memref<64x16xf32, #tpu.memory_space<vmem>> -> memref<64x16xf32, #tpu.memory_space<vmem>>
      %dma_wait3A_249 = arith.constant 0 : i32
      %dma_wait3A_250 = tpu.memref_slice %arg6[%run_scoped3A_125, %add3A_124, %dma_wait3A_249] : memref<2x10016x16xf32, #tpu.memory_space<hbm>> -> memref<1x64x16xf32, #tpu.memory_space<hbm>>
      %dma_wait3A_251 = tpu.memref_squeeze %dma_wait3A_250 : memref<1x64x16xf32, #tpu.memory_space<hbm>> -> memref<64x16xf32, #tpu.memory_space<hbm>>
      tpu.wait_dma2 semaphore(%run_scoped3A_227 : memref<!tpu.dma_semaphore, #tpu.memory_space<semaphore_mem>>) src(%dma_wait3A_251 : memref<64x16xf32, #tpu.memory_space<hbm>>) dst(%dma_wait3A_248 : memref<64x16xf32, #tpu.memory_space<vmem>>)
      tpu.yield
    }) : () -> ()
    %run_scoped3A_126 = arith.constant 1 : i32
    "tpu.region"() ({
      %run_scoped3A_227 = tpu.sem_alloc : memref<!tpu.dma_semaphore, #tpu.memory_space<semaphore_mem>>
      %dma_start3A_228 = arith.constant 0 : i32
      %dma_start3A_229 = arith.constant 0 : i32
      %dma_start3A_230 = tpu.memref_slice %arg13[%dma_start3A_228, %dma_start3A_229] : memref<64x16xf32, #tpu.memory_space<vmem>> -> memref<64x16xf32, #tpu.memory_space<vmem>>
      %dma_start3A_231 = arith.constant 0 : i32
      %dma_start3A_232 = tpu.memref_slice %arg6[%run_scoped3A_126, %add3A_124, %dma_start3A_231] : memref<2x10016x16xf32, #tpu.memory_space<hbm>> -> memref<1x64x16xf32, #tpu.memory_space<hbm>>
      %dma_start3A_233 = tpu.memref_squeeze %dma_start3A_232 : memref<1x64x16xf32, #tpu.memory_space<hbm>> -> memref<64x16xf32, #tpu.memory_space<hbm>>
      %dma_start3A_234 = arith.constant 0 : i32
      %dma_start3A_235 = arith.constant 0 : i32
      %dma_start3A_236 = tpu.memref_slice %arg13[%dma_start3A_234, %dma_start3A_235] : memref<64x16xf32, #tpu.memory_space<vmem>> -> memref<64x16xf32, #tpu.memory_space<vmem>>
      %dma_start3A_237 = arith.constant 0 : i32
      %dma_start3A_238 = tpu.memref_slice %arg6[%run_scoped3A_126, %add3A_124, %dma_start3A_237] : memref<2x10016x16xf32, #tpu.memory_space<hbm>> -> memref<1x64x16xf32, #tpu.memory_space<hbm>>
      %dma_start3A_239 = tpu.memref_squeeze %dma_start3A_238 : memref<1x64x16xf32, #tpu.memory_space<hbm>> -> memref<64x16xf32, #tpu.memory_space<hbm>>
      tpu.enqueue_dma source(%dma_start3A_239 : memref<64x16xf32, #tpu.memory_space<hbm>>) target(%dma_start3A_236 : memref<64x16xf32, #tpu.memory_space<vmem>>) target_semaphore(%run_scoped3A_227 : memref<!tpu.dma_semaphore, #tpu.memory_space<semaphore_mem>>)
      %dma_wait3A_240 = arith.constant 0 : i32
      %dma_wait3A_241 = arith.constant 0 : i32
      %dma_wait3A_242 = tpu.memref_slice %arg13[%dma_wait3A_240, %dma_wait3A_241] : memref<64x16xf32, #tpu.memory_space<vmem>> -> memref<64x16xf32, #tpu.memory_space<vmem>>
      %dma_wait3A_243 = arith.constant 0 : i32
      %dma_wait3A_244 = tpu.memref_slice %arg6[%run_scoped3A_126, %add3A_124, %dma_wait3A_243] : memref<2x10016x16xf32, #tpu.memory_space<hbm>> -> memref<1x64x16xf32, #tpu.memory_space<hbm>>
      %dma_wait3A_245 = tpu.memref_squeeze %dma_wait3A_244 : memref<1x64x16xf32, #tpu.memory_space<hbm>> -> memref<64x16xf32, #tpu.memory_space<hbm>>
      %dma_wait3A_246 = arith.constant 0 : i32
      %dma_wait3A_247 = arith.constant 0 : i32
      %dma_wait3A_248 = tpu.memref_slice %arg13[%dma_wait3A_246, %dma_wait3A_247] : memref<64x16xf32, #tpu.memory_space<vmem>> -> memref<64x16xf32, #tpu.memory_space<vmem>>
      %dma_wait3A_249 = arith.constant 0 : i32
      %dma_wait3A_250 = tpu.memref_slice %arg6[%run_scoped3A_126, %add3A_124, %dma_wait3A_249] : memref<2x10016x16xf32, #tpu.memory_space<hbm>> -> memref<1x64x16xf32, #tpu.memory_space<hbm>>
      %dma_wait3A_251 = tpu.memref_squeeze %dma_wait3A_250 : memref<1x64x16xf32, #tpu.memory_space<hbm>> -> memref<64x16xf32, #tpu.memory_space<hbm>>
      tpu.wait_dma2 semaphore(%run_scoped3A_227 : memref<!tpu.dma_semaphore, #tpu.memory_space<semaphore_mem>>) src(%dma_wait3A_251 : memref<64x16xf32, #tpu.memory_space<hbm>>) dst(%dma_wait3A_248 : memref<64x16xf32, #tpu.memory_space<vmem>>)
      tpu.yield
    }) : () -> ()
    %scan3A_127 = arith.constant 0 : i32
    %scan3A_128 = arith.constant 0 : i32
    %scan3A_129 = arith.constant 64 : i32
    %scan3A_130 = arith.addi %scan3A_128, %scan3A_129 : i32
    %scan3A_131 = arith.constant 1 : i32
    scf.for %scan3A_227 = %scan3A_128 to %scan3A_130 step %scan3A_131  : i32 {
      %get3A = arith.index_cast %scan3A_227 : i32 to index
      %get3A_228 = arith.constant 0 : index
      %get3A_229 = tpu.vector_load %arg12[%get3A, %get3A_228] {strides = array<i32>} : memref<64x16xf32, #tpu.memory_space<vmem>>, vector<1x16xf32>,
      %get3A_230 = vector.shape_cast %get3A_229 : vector<1x16xf32> to vector<16xf32>
      %get3A_231 = arith.index_cast %scan3A_227 : i32 to index
      %get3A_232 = arith.constant 0 : index
      %get3A_233 = tpu.vector_load %arg13[%get3A_231, %get3A_232] {strides = array<i32>} : memref<64x16xf32, #tpu.memory_space<vmem>>, vector<1x16xf32>,
      %get3A_234 = vector.shape_cast %get3A_233 : vector<1x16xf32> to vector<16xf32>
      %add3A_235 = arith.addf %get3A_230, %get3A_234 : vector<16xf32>
      %gt3A = arith.constant 0.000000e+00 : f32
      %gt3A_236 = vector.broadcast %gt3A : f32 to vector<16xf32>
      %gt3A_237 = arith.cmpf ogt, %add3A_235, %gt3A_236 : vector<16xf32>
      %div3A = arith.constant 1.000000e+00 : f32
      %div3A_238 = vector.broadcast %div3A : f32 to vector<16xf32>
      %div3A_239 = arith.divf %div3A_238, %add3A_235 : vector<16xf32>
      %jit3A = arith.constant 0.000000e+00 : f32
      %broadcast_in_dim3A = vector.broadcast %jit3A : f32 to vector<16xf32>
      %select_n3A = arith.select %gt3A_237, %div3A_239, %broadcast_in_dim3A : vector<16xi1>, vector<16xf32>
      %slice3A = vector.extract_strided_slice %select_n3A {offsets = [0], sizes = [1], strides = [1]} : vector<16xf32> to vector<1xf32>
      %squeeze3A = vector.extract %slice3A[0] : f32 from vector<1xf32>
      %get3A_240 = arith.index_cast %scan3A_227 : i32 to index
      %get3A_241 = arith.constant 0 : index
      %get3A_242 = tpu.vector_load %arg10[%get3A_240, %get3A_241] {strides = array<i32>} : memref<64x64xf32, #tpu.memory_space<vmem>>, vector<1x16xf32>,
      %get3A_243 = vector.shape_cast %get3A_242 : vector<1x16xf32> to vector<16xf32>
      %mul3A_244 = vector.broadcast %squeeze3A : f32 to vector<16xf32>
      %mul3A_245 = arith.mulf %get3A_243, %mul3A_244 : vector<16xf32>
      %max3A = arith.constant 0.000000e+00 : f32
      %max3A_246 = vector.broadcast %max3A : f32 to vector<16xf32>
      %max3A_247 = arith.maximumf %mul3A_245, %max3A_246 : vector<16xf32>
      %swap3A = arith.index_cast %scan3A_227 : i32 to index
      %swap3A_248 = arith.constant 0 : index
      %swap3A_249 = tpu.vector_load %arg11[%swap3A, %swap3A_248] {strides = array<i32>} : memref<64x64xf32, #tpu.memory_space<vmem>>, vector<1x16xf32>,
      %swap3A_250 = vector.shape_cast %swap3A_249 : vector<1x16xf32> to vector<16xf32>
      %swap3A_251 = vector.shape_cast %max3A_247 : vector<16xf32> to vector<1x16xf32>
      tpu.vector_store %arg11[%swap3A, %swap3A_248], %swap3A_251 {strides = array<i32>} : memref<64x64xf32, #tpu.memory_space<vmem>>, vector<1x16xf32>,
      %get3A_252 = arith.index_cast %scan3A_227 : i32 to index
      %get3A_253 = arith.constant 16 : index
      %get3A_254 = tpu.vector_load %arg10[%get3A_252, %get3A_253] {strides = array<i32>} : memref<64x64xf32, #tpu.memory_space<vmem>>, vector<1x16xf32>,
      %get3A_255 = vector.shape_cast %get3A_254 : vector<1x16xf32> to vector<16xf32>
      %mul3A_256 = vector.broadcast %squeeze3A : f32 to vector<16xf32>
      %mul3A_257 = arith.mulf %get3A_255, %mul3A_256 : vector<16xf32>
      %max3A_258 = arith.constant 0.000000e+00 : f32
      %max3A_259 = vector.broadcast %max3A_258 : f32 to vector<16xf32>
      %max3A_260 = arith.maximumf %mul3A_257, %max3A_259 : vector<16xf32>
      %swap3A_261 = arith.index_cast %scan3A_227 : i32 to index
      %swap3A_262 = arith.constant 16 : index
      %swap3A_263 = tpu.vector_load %arg11[%swap3A_261, %swap3A_262] {strides = array<i32>} : memref<64x64xf32, #tpu.memory_space<vmem>>, vector<1x16xf32>,
      %swap3A_264 = vector.shape_cast %swap3A_263 : vector<1x16xf32> to vector<16xf32>
      %swap3A_265 = vector.shape_cast %max3A_260 : vector<16xf32> to vector<1x16xf32>
      tpu.vector_store %arg11[%swap3A_261, %swap3A_262], %swap3A_265 {strides = array<i32>} : memref<64x64xf32, #tpu.memory_space<vmem>>, vector<1x16xf32>,
      %get3A_266 = arith.index_cast %scan3A_227 : i32 to index
      %get3A_267 = arith.constant 32 : index
      %get3A_268 = tpu.vector_load %arg10[%get3A_266, %get3A_267] {strides = array<i32>} : memref<64x64xf32, #tpu.memory_space<vmem>>, vector<1x16xf32>,
      %get3A_269 = vector.shape_cast %get3A_268 : vector<1x16xf32> to vector<16xf32>
      %mul3A_270 = vector.broadcast %squeeze3A : f32 to vector<16xf32>
      %mul3A_271 = arith.mulf %get3A_269, %mul3A_270 : vector<16xf32>
      %max3A_272 = arith.constant 0.000000e+00 : f32
      %max3A_273 = vector.broadcast %max3A_272 : f32 to vector<16xf32>
      %max3A_274 = arith.maximumf %mul3A_271, %max3A_273 : vector<16xf32>
      %swap3A_275 = arith.index_cast %scan3A_227 : i32 to index
      %swap3A_276 = arith.constant 32 : index
      %swap3A_277 = tpu.vector_load %arg11[%swap3A_275, %swap3A_276] {strides = array<i32>} : memref<64x64xf32, #tpu.memory_space<vmem>>, vector<1x16xf32>,
      %swap3A_278 = vector.shape_cast %swap3A_277 : vector<1x16xf32> to vector<16xf32>
      %swap3A_279 = vector.shape_cast %max3A_274 : vector<16xf32> to vector<1x16xf32>
      tpu.vector_store %arg11[%swap3A_275, %swap3A_276], %swap3A_279 {strides = array<i32>} : memref<64x64xf32, #tpu.memory_space<vmem>>, vector<1x16xf32>,
      %get3A_280 = arith.index_cast %scan3A_227 : i32 to index
      %get3A_281 = arith.constant 48 : index
      %get3A_282 = tpu.vector_load %arg10[%get3A_280, %get3A_281] {strides = array<i32>} : memref<64x64xf32, #tpu.memory_space<vmem>>, vector<1x16xf32>,
      %get3A_283 = vector.shape_cast %get3A_282 : vector<1x16xf32> to vector<16xf32>
      %mul3A_284 = vector.broadcast %squeeze3A : f32 to vector<16xf32>
      %mul3A_285 = arith.mulf %get3A_283, %mul3A_284 : vector<16xf32>
      %max3A_286 = arith.constant 0.000000e+00 : f32
      %max3A_287 = vector.broadcast %max3A_286 : f32 to vector<16xf32>
      %max3A_288 = arith.maximumf %mul3A_285, %max3A_287 : vector<16xf32>
      %swap3A_289 = arith.index_cast %scan3A_227 : i32 to index
      %swap3A_290 = arith.constant 48 : index
      %swap3A_291 = tpu.vector_load %arg11[%swap3A_289, %swap3A_290] {strides = array<i32>} : memref<64x64xf32, #tpu.memory_space<vmem>>, vector<1x16xf32>,
      %swap3A_292 = vector.shape_cast %swap3A_291 : vector<1x16xf32> to vector<16xf32>
      %swap3A_293 = vector.shape_cast %max3A_288 : vector<16xf32> to vector<1x16xf32>
      tpu.vector_store %arg11[%swap3A_289, %swap3A_290], %swap3A_293 {strides = array<i32>} : memref<64x64xf32, #tpu.memory_space<vmem>>, vector<1x16xf32>,
    }
    %scan3A_132 = arith.constant 64 : i32
    "tpu.region"() ({
      %run_scoped3A_227 = tpu.sem_alloc : memref<!tpu.dma_semaphore, #tpu.memory_space<semaphore_mem>>
      %dma_start3A_228 = arith.constant 0 : i32
      %dma_start3A_229 = arith.constant 0 : i32
      %dma_start3A_230 = tpu.memref_slice %arg11[%dma_start3A_228, %dma_start3A_229] : memref<64x64xf32, #tpu.memory_space<vmem>> -> memref<64x64xf32, #tpu.memory_space<vmem>>
      %dma_start3A_231 = arith.constant 0 : i32
      %dma_start3A_232 = tpu.memref_slice %arg14[%add3A_124, %dma_start3A_231] : memref<10016x64xf32, #tpu.memory_space<vmem_shared>> -> memref<64x64xf32, #tpu.memory_space<vmem_shared>>
      %dma_start3A_233 = arith.constant 0 : i32
      %dma_start3A_234 = tpu.memref_slice %arg14[%add3A_124, %dma_start3A_233] : memref<10016x64xf32, #tpu.memory_space<vmem_shared>> -> memref<64x64xf32, #tpu.memory_space<vmem_shared>>
      %dma_start3A_235 = arith.constant 0 : i32
      %dma_start3A_236 = arith.constant 0 : i32
      %dma_start3A_237 = tpu.memref_slice %arg11[%dma_start3A_235, %dma_start3A_236] : memref<64x64xf32, #tpu.memory_space<vmem>> -> memref<64x64xf32, #tpu.memory_space<vmem>>
      tpu.enqueue_dma source(%dma_start3A_237 : memref<64x64xf32, #tpu.memory_space<vmem>>) target(%dma_start3A_234 : memref<64x64xf32, #tpu.memory_space<vmem_shared>>) target_semaphore(%run_scoped3A_227 : memref<!tpu.dma_semaphore, #tpu.memory_space<semaphore_mem>>)
      %dma_wait3A_238 = arith.constant 0 : i32
      %dma_wait3A_239 = arith.constant 0 : i32
      %dma_wait3A_240 = tpu.memref_slice %arg11[%dma_wait3A_238, %dma_wait3A_239] : memref<64x64xf32, #tpu.memory_space<vmem>> -> memref<64x64xf32, #tpu.memory_space<vmem>>
      %dma_wait3A_241 = arith.constant 0 : i32
      %dma_wait3A_242 = tpu.memref_slice %arg14[%add3A_124, %dma_wait3A_241] : memref<10016x64xf32, #tpu.memory_space<vmem_shared>> -> memref<64x64xf32, #tpu.memory_space<vmem_shared>>
      %dma_wait3A_243 = arith.constant 0 : i32
      %dma_wait3A_244 = tpu.memref_slice %arg14[%add3A_124, %dma_wait3A_243] : memref<10016x64xf32, #tpu.memory_space<vmem_shared>> -> memref<64x64xf32, #tpu.memory_space<vmem_shared>>
      %dma_wait3A_245 = arith.constant 0 : i32
      %dma_wait3A_246 = arith.constant 0 : i32
      %dma_wait3A_247 = tpu.memref_slice %arg11[%dma_wait3A_245, %dma_wait3A_246] : memref<64x64xf32, #tpu.memory_space<vmem>> -> memref<64x64xf32, #tpu.memory_space<vmem>>
      tpu.wait_dma2 semaphore(%run_scoped3A_227 : memref<!tpu.dma_semaphore, #tpu.memory_space<semaphore_mem>>) src(%dma_wait3A_247 : memref<64x64xf32, #tpu.memory_space<vmem>>) dst(%dma_wait3A_244 : memref<64x64xf32, #tpu.memory_space<vmem_shared>>)
      tpu.yield
    }) : () -> ()
    %add3A_133 = arith.constant 448 : i32
    %add3A_134 = arith.addi %mul3A_64, %add3A_133 : i32
    "tpu.region"() ({
      %run_scoped3A_227 = tpu.sem_alloc : memref<!tpu.dma_semaphore, #tpu.memory_space<semaphore_mem>>
      %dma_start3A_228 = arith.constant 0 : i32
      %dma_start3A_229 = arith.constant 0 : i32
      %dma_start3A_230 = tpu.memref_slice %arg10[%dma_start3A_228, %dma_start3A_229] : memref<64x64xf32, #tpu.memory_space<vmem>> -> memref<64x64xf32, #tpu.memory_space<vmem>>
      %dma_start3A_231 = arith.constant 0 : i32
      %dma_start3A_232 = tpu.memref_slice %arg15[%add3A_134, %dma_start3A_231] : memref<10016x64xf32, #tpu.memory_space<vmem_shared>> -> memref<64x64xf32, #tpu.memory_space<vmem_shared>>
      %dma_start3A_233 = arith.constant 0 : i32
      %dma_start3A_234 = arith.constant 0 : i32
      %dma_start3A_235 = tpu.memref_slice %arg10[%dma_start3A_233, %dma_start3A_234] : memref<64x64xf32, #tpu.memory_space<vmem>> -> memref<64x64xf32, #tpu.memory_space<vmem>>
      %dma_start3A_236 = arith.constant 0 : i32
      %dma_start3A_237 = tpu.memref_slice %arg15[%add3A_134, %dma_start3A_236] : memref<10016x64xf32, #tpu.memory_space<vmem_shared>> -> memref<64x64xf32, #tpu.memory_space<vmem_shared>>
      tpu.enqueue_dma source(%dma_start3A_237 : memref<64x64xf32, #tpu.memory_space<vmem_shared>>) target(%dma_start3A_235 : memref<64x64xf32, #tpu.memory_space<vmem>>) target_semaphore(%run_scoped3A_227 : memref<!tpu.dma_semaphore, #tpu.memory_space<semaphore_mem>>)
      %dma_wait3A_238 = arith.constant 0 : i32
      %dma_wait3A_239 = arith.constant 0 : i32
      %dma_wait3A_240 = tpu.memref_slice %arg10[%dma_wait3A_238, %dma_wait3A_239] : memref<64x64xf32, #tpu.memory_space<vmem>> -> memref<64x64xf32, #tpu.memory_space<vmem>>
      %dma_wait3A_241 = arith.constant 0 : i32
      %dma_wait3A_242 = tpu.memref_slice %arg15[%add3A_134, %dma_wait3A_241] : memref<10016x64xf32, #tpu.memory_space<vmem_shared>> -> memref<64x64xf32, #tpu.memory_space<vmem_shared>>
      %dma_wait3A_243 = arith.constant 0 : i32
      %dma_wait3A_244 = arith.constant 0 : i32
      %dma_wait3A_245 = tpu.memref_slice %arg10[%dma_wait3A_243, %dma_wait3A_244] : memref<64x64xf32, #tpu.memory_space<vmem>> -> memref<64x64xf32, #tpu.memory_space<vmem>>
      %dma_wait3A_246 = arith.constant 0 : i32
      %dma_wait3A_247 = tpu.memref_slice %arg15[%add3A_134, %dma_wait3A_246] : memref<10016x64xf32, #tpu.memory_space<vmem_shared>> -> memref<64x64xf32, #tpu.memory_space<vmem_shared>>
      tpu.wait_dma2 semaphore(%run_scoped3A_227 : memref<!tpu.dma_semaphore, #tpu.memory_space<semaphore_mem>>) src(%dma_wait3A_247 : memref<64x64xf32, #tpu.memory_space<vmem_shared>>) dst(%dma_wait3A_245 : memref<64x64xf32, #tpu.memory_space<vmem>>)
      tpu.yield
    }) : () -> ()
    %run_scoped3A_135 = arith.constant 0 : i32
    "tpu.region"() ({
      %run_scoped3A_227 = tpu.sem_alloc : memref<!tpu.dma_semaphore, #tpu.memory_space<semaphore_mem>>
      %dma_start3A_228 = arith.constant 0 : i32
      %dma_start3A_229 = arith.constant 0 : i32
      %dma_start3A_230 = tpu.memref_slice %arg12[%dma_start3A_228, %dma_start3A_229] : memref<64x16xf32, #tpu.memory_space<vmem>> -> memref<64x16xf32, #tpu.memory_space<vmem>>
      %dma_start3A_231 = arith.constant 0 : i32
      %dma_start3A_232 = tpu.memref_slice %arg6[%run_scoped3A_135, %add3A_134, %dma_start3A_231] : memref<2x10016x16xf32, #tpu.memory_space<hbm>> -> memref<1x64x16xf32, #tpu.memory_space<hbm>>
      %dma_start3A_233 = tpu.memref_squeeze %dma_start3A_232 : memref<1x64x16xf32, #tpu.memory_space<hbm>> -> memref<64x16xf32, #tpu.memory_space<hbm>>
      %dma_start3A_234 = arith.constant 0 : i32
      %dma_start3A_235 = arith.constant 0 : i32
      %dma_start3A_236 = tpu.memref_slice %arg12[%dma_start3A_234, %dma_start3A_235] : memref<64x16xf32, #tpu.memory_space<vmem>> -> memref<64x16xf32, #tpu.memory_space<vmem>>
      %dma_start3A_237 = arith.constant 0 : i32
      %dma_start3A_238 = tpu.memref_slice %arg6[%run_scoped3A_135, %add3A_134, %dma_start3A_237] : memref<2x10016x16xf32, #tpu.memory_space<hbm>> -> memref<1x64x16xf32, #tpu.memory_space<hbm>>
      %dma_start3A_239 = tpu.memref_squeeze %dma_start3A_238 : memref<1x64x16xf32, #tpu.memory_space<hbm>> -> memref<64x16xf32, #tpu.memory_space<hbm>>
      tpu.enqueue_dma source(%dma_start3A_239 : memref<64x16xf32, #tpu.memory_space<hbm>>) target(%dma_start3A_236 : memref<64x16xf32, #tpu.memory_space<vmem>>) target_semaphore(%run_scoped3A_227 : memref<!tpu.dma_semaphore, #tpu.memory_space<semaphore_mem>>)
      %dma_wait3A_240 = arith.constant 0 : i32
      %dma_wait3A_241 = arith.constant 0 : i32
      %dma_wait3A_242 = tpu.memref_slice %arg12[%dma_wait3A_240, %dma_wait3A_241] : memref<64x16xf32, #tpu.memory_space<vmem>> -> memref<64x16xf32, #tpu.memory_space<vmem>>
      %dma_wait3A_243 = arith.constant 0 : i32
      %dma_wait3A_244 = tpu.memref_slice %arg6[%run_scoped3A_135, %add3A_134, %dma_wait3A_243] : memref<2x10016x16xf32, #tpu.memory_space<hbm>> -> memref<1x64x16xf32, #tpu.memory_space<hbm>>
      %dma_wait3A_245 = tpu.memref_squeeze %dma_wait3A_244 : memref<1x64x16xf32, #tpu.memory_space<hbm>> -> memref<64x16xf32, #tpu.memory_space<hbm>>
      %dma_wait3A_246 = arith.constant 0 : i32
      %dma_wait3A_247 = arith.constant 0 : i32
      %dma_wait3A_248 = tpu.memref_slice %arg12[%dma_wait3A_246, %dma_wait3A_247] : memref<64x16xf32, #tpu.memory_space<vmem>> -> memref<64x16xf32, #tpu.memory_space<vmem>>
      %dma_wait3A_249 = arith.constant 0 : i32
      %dma_wait3A_250 = tpu.memref_slice %arg6[%run_scoped3A_135, %add3A_134, %dma_wait3A_249] : memref<2x10016x16xf32, #tpu.memory_space<hbm>> -> memref<1x64x16xf32, #tpu.memory_space<hbm>>
      %dma_wait3A_251 = tpu.memref_squeeze %dma_wait3A_250 : memref<1x64x16xf32, #tpu.memory_space<hbm>> -> memref<64x16xf32, #tpu.memory_space<hbm>>
      tpu.wait_dma2 semaphore(%run_scoped3A_227 : memref<!tpu.dma_semaphore, #tpu.memory_space<semaphore_mem>>) src(%dma_wait3A_251 : memref<64x16xf32, #tpu.memory_space<hbm>>) dst(%dma_wait3A_248 : memref<64x16xf32, #tpu.memory_space<vmem>>)
      tpu.yield
    }) : () -> ()
    %run_scoped3A_136 = arith.constant 1 : i32
    "tpu.region"() ({
      %run_scoped3A_227 = tpu.sem_alloc : memref<!tpu.dma_semaphore, #tpu.memory_space<semaphore_mem>>
      %dma_start3A_228 = arith.constant 0 : i32
      %dma_start3A_229 = arith.constant 0 : i32
      %dma_start3A_230 = tpu.memref_slice %arg13[%dma_start3A_228, %dma_start3A_229] : memref<64x16xf32, #tpu.memory_space<vmem>> -> memref<64x16xf32, #tpu.memory_space<vmem>>
      %dma_start3A_231 = arith.constant 0 : i32
      %dma_start3A_232 = tpu.memref_slice %arg6[%run_scoped3A_136, %add3A_134, %dma_start3A_231] : memref<2x10016x16xf32, #tpu.memory_space<hbm>> -> memref<1x64x16xf32, #tpu.memory_space<hbm>>
      %dma_start3A_233 = tpu.memref_squeeze %dma_start3A_232 : memref<1x64x16xf32, #tpu.memory_space<hbm>> -> memref<64x16xf32, #tpu.memory_space<hbm>>
      %dma_start3A_234 = arith.constant 0 : i32
      %dma_start3A_235 = arith.constant 0 : i32
      %dma_start3A_236 = tpu.memref_slice %arg13[%dma_start3A_234, %dma_start3A_235] : memref<64x16xf32, #tpu.memory_space<vmem>> -> memref<64x16xf32, #tpu.memory_space<vmem>>
      %dma_start3A_237 = arith.constant 0 : i32
      %dma_start3A_238 = tpu.memref_slice %arg6[%run_scoped3A_136, %add3A_134, %dma_start3A_237] : memref<2x10016x16xf32, #tpu.memory_space<hbm>> -> memref<1x64x16xf32, #tpu.memory_space<hbm>>
      %dma_start3A_239 = tpu.memref_squeeze %dma_start3A_238 : memref<1x64x16xf32, #tpu.memory_space<hbm>> -> memref<64x16xf32, #tpu.memory_space<hbm>>
      tpu.enqueue_dma source(%dma_start3A_239 : memref<64x16xf32, #tpu.memory_space<hbm>>) target(%dma_start3A_236 : memref<64x16xf32, #tpu.memory_space<vmem>>) target_semaphore(%run_scoped3A_227 : memref<!tpu.dma_semaphore, #tpu.memory_space<semaphore_mem>>)
      %dma_wait3A_240 = arith.constant 0 : i32
      %dma_wait3A_241 = arith.constant 0 : i32
      %dma_wait3A_242 = tpu.memref_slice %arg13[%dma_wait3A_240, %dma_wait3A_241] : memref<64x16xf32, #tpu.memory_space<vmem>> -> memref<64x16xf32, #tpu.memory_space<vmem>>
      %dma_wait3A_243 = arith.constant 0 : i32
      %dma_wait3A_244 = tpu.memref_slice %arg6[%run_scoped3A_136, %add3A_134, %dma_wait3A_243] : memref<2x10016x16xf32, #tpu.memory_space<hbm>> -> memref<1x64x16xf32, #tpu.memory_space<hbm>>
      %dma_wait3A_245 = tpu.memref_squeeze %dma_wait3A_244 : memref<1x64x16xf32, #tpu.memory_space<hbm>> -> memref<64x16xf32, #tpu.memory_space<hbm>>
      %dma_wait3A_246 = arith.constant 0 : i32
      %dma_wait3A_247 = arith.constant 0 : i32
      %dma_wait3A_248 = tpu.memref_slice %arg13[%dma_wait3A_246, %dma_wait3A_247] : memref<64x16xf32, #tpu.memory_space<vmem>> -> memref<64x16xf32, #tpu.memory_space<vmem>>
      %dma_wait3A_249 = arith.constant 0 : i32
      %dma_wait3A_250 = tpu.memref_slice %arg6[%run_scoped3A_136, %add3A_134, %dma_wait3A_249] : memref<2x10016x16xf32, #tpu.memory_space<hbm>> -> memref<1x64x16xf32, #tpu.memory_space<hbm>>
      %dma_wait3A_251 = tpu.memref_squeeze %dma_wait3A_250 : memref<1x64x16xf32, #tpu.memory_space<hbm>> -> memref<64x16xf32, #tpu.memory_space<hbm>>
      tpu.wait_dma2 semaphore(%run_scoped3A_227 : memref<!tpu.dma_semaphore, #tpu.memory_space<semaphore_mem>>) src(%dma_wait3A_251 : memref<64x16xf32, #tpu.memory_space<hbm>>) dst(%dma_wait3A_248 : memref<64x16xf32, #tpu.memory_space<vmem>>)
      tpu.yield
    }) : () -> ()
    %scan3A_137 = arith.constant 0 : i32
    %scan3A_138 = arith.constant 0 : i32
    %scan3A_139 = arith.constant 64 : i32
    %scan3A_140 = arith.addi %scan3A_138, %scan3A_139 : i32
    %scan3A_141 = arith.constant 1 : i32
    scf.for %scan3A_227 = %scan3A_138 to %scan3A_140 step %scan3A_141  : i32 {
      %get3A = arith.index_cast %scan3A_227 : i32 to index
      %get3A_228 = arith.constant 0 : index
      %get3A_229 = tpu.vector_load %arg12[%get3A, %get3A_228] {strides = array<i32>} : memref<64x16xf32, #tpu.memory_space<vmem>>, vector<1x16xf32>,
      %get3A_230 = vector.shape_cast %get3A_229 : vector<1x16xf32> to vector<16xf32>
      %get3A_231 = arith.index_cast %scan3A_227 : i32 to index
      %get3A_232 = arith.constant 0 : index
      %get3A_233 = tpu.vector_load %arg13[%get3A_231, %get3A_232] {strides = array<i32>} : memref<64x16xf32, #tpu.memory_space<vmem>>, vector<1x16xf32>,
      %get3A_234 = vector.shape_cast %get3A_233 : vector<1x16xf32> to vector<16xf32>
      %add3A_235 = arith.addf %get3A_230, %get3A_234 : vector<16xf32>
      %gt3A = arith.constant 0.000000e+00 : f32
      %gt3A_236 = vector.broadcast %gt3A : f32 to vector<16xf32>
      %gt3A_237 = arith.cmpf ogt, %add3A_235, %gt3A_236 : vector<16xf32>
      %div3A = arith.constant 1.000000e+00 : f32
      %div3A_238 = vector.broadcast %div3A : f32 to vector<16xf32>
      %div3A_239 = arith.divf %div3A_238, %add3A_235 : vector<16xf32>
      %jit3A = arith.constant 0.000000e+00 : f32
      %broadcast_in_dim3A = vector.broadcast %jit3A : f32 to vector<16xf32>
      %select_n3A = arith.select %gt3A_237, %div3A_239, %broadcast_in_dim3A : vector<16xi1>, vector<16xf32>
      %slice3A = vector.extract_strided_slice %select_n3A {offsets = [0], sizes = [1], strides = [1]} : vector<16xf32> to vector<1xf32>
      %squeeze3A = vector.extract %slice3A[0] : f32 from vector<1xf32>
      %get3A_240 = arith.index_cast %scan3A_227 : i32 to index
      %get3A_241 = arith.constant 0 : index
      %get3A_242 = tpu.vector_load %arg10[%get3A_240, %get3A_241] {strides = array<i32>} : memref<64x64xf32, #tpu.memory_space<vmem>>, vector<1x16xf32>,
      %get3A_243 = vector.shape_cast %get3A_242 : vector<1x16xf32> to vector<16xf32>
      %mul3A_244 = vector.broadcast %squeeze3A : f32 to vector<16xf32>
      %mul3A_245 = arith.mulf %get3A_243, %mul3A_244 : vector<16xf32>
      %max3A = arith.constant 0.000000e+00 : f32
      %max3A_246 = vector.broadcast %max3A : f32 to vector<16xf32>
      %max3A_247 = arith.maximumf %mul3A_245, %max3A_246 : vector<16xf32>
      %swap3A = arith.index_cast %scan3A_227 : i32 to index
      %swap3A_248 = arith.constant 0 : index
      %swap3A_249 = tpu.vector_load %arg11[%swap3A, %swap3A_248] {strides = array<i32>} : memref<64x64xf32, #tpu.memory_space<vmem>>, vector<1x16xf32>,
      %swap3A_250 = vector.shape_cast %swap3A_249 : vector<1x16xf32> to vector<16xf32>
      %swap3A_251 = vector.shape_cast %max3A_247 : vector<16xf32> to vector<1x16xf32>
      tpu.vector_store %arg11[%swap3A, %swap3A_248], %swap3A_251 {strides = array<i32>} : memref<64x64xf32, #tpu.memory_space<vmem>>, vector<1x16xf32>,
      %get3A_252 = arith.index_cast %scan3A_227 : i32 to index
      %get3A_253 = arith.constant 16 : index
      %get3A_254 = tpu.vector_load %arg10[%get3A_252, %get3A_253] {strides = array<i32>} : memref<64x64xf32, #tpu.memory_space<vmem>>, vector<1x16xf32>,
      %get3A_255 = vector.shape_cast %get3A_254 : vector<1x16xf32> to vector<16xf32>
      %mul3A_256 = vector.broadcast %squeeze3A : f32 to vector<16xf32>
      %mul3A_257 = arith.mulf %get3A_255, %mul3A_256 : vector<16xf32>
      %max3A_258 = arith.constant 0.000000e+00 : f32
      %max3A_259 = vector.broadcast %max3A_258 : f32 to vector<16xf32>
      %max3A_260 = arith.maximumf %mul3A_257, %max3A_259 : vector<16xf32>
      %swap3A_261 = arith.index_cast %scan3A_227 : i32 to index
      %swap3A_262 = arith.constant 16 : index
      %swap3A_263 = tpu.vector_load %arg11[%swap3A_261, %swap3A_262] {strides = array<i32>} : memref<64x64xf32, #tpu.memory_space<vmem>>, vector<1x16xf32>,
      %swap3A_264 = vector.shape_cast %swap3A_263 : vector<1x16xf32> to vector<16xf32>
      %swap3A_265 = vector.shape_cast %max3A_260 : vector<16xf32> to vector<1x16xf32>
      tpu.vector_store %arg11[%swap3A_261, %swap3A_262], %swap3A_265 {strides = array<i32>} : memref<64x64xf32, #tpu.memory_space<vmem>>, vector<1x16xf32>,
      %get3A_266 = arith.index_cast %scan3A_227 : i32 to index
      %get3A_267 = arith.constant 32 : index
      %get3A_268 = tpu.vector_load %arg10[%get3A_266, %get3A_267] {strides = array<i32>} : memref<64x64xf32, #tpu.memory_space<vmem>>, vector<1x16xf32>,
      %get3A_269 = vector.shape_cast %get3A_268 : vector<1x16xf32> to vector<16xf32>
      %mul3A_270 = vector.broadcast %squeeze3A : f32 to vector<16xf32>
      %mul3A_271 = arith.mulf %get3A_269, %mul3A_270 : vector<16xf32>
      %max3A_272 = arith.constant 0.000000e+00 : f32
      %max3A_273 = vector.broadcast %max3A_272 : f32 to vector<16xf32>
      %max3A_274 = arith.maximumf %mul3A_271, %max3A_273 : vector<16xf32>
      %swap3A_275 = arith.index_cast %scan3A_227 : i32 to index
      %swap3A_276 = arith.constant 32 : index
      %swap3A_277 = tpu.vector_load %arg11[%swap3A_275, %swap3A_276] {strides = array<i32>} : memref<64x64xf32, #tpu.memory_space<vmem>>, vector<1x16xf32>,
      %swap3A_278 = vector.shape_cast %swap3A_277 : vector<1x16xf32> to vector<16xf32>
      %swap3A_279 = vector.shape_cast %max3A_274 : vector<16xf32> to vector<1x16xf32>
      tpu.vector_store %arg11[%swap3A_275, %swap3A_276], %swap3A_279 {strides = array<i32>} : memref<64x64xf32, #tpu.memory_space<vmem>>, vector<1x16xf32>,
      %get3A_280 = arith.index_cast %scan3A_227 : i32 to index
      %get3A_281 = arith.constant 48 : index
      %get3A_282 = tpu.vector_load %arg10[%get3A_280, %get3A_281] {strides = array<i32>} : memref<64x64xf32, #tpu.memory_space<vmem>>, vector<1x16xf32>,
      %get3A_283 = vector.shape_cast %get3A_282 : vector<1x16xf32> to vector<16xf32>
      %mul3A_284 = vector.broadcast %squeeze3A : f32 to vector<16xf32>
      %mul3A_285 = arith.mulf %get3A_283, %mul3A_284 : vector<16xf32>
      %max3A_286 = arith.constant 0.000000e+00 : f32
      %max3A_287 = vector.broadcast %max3A_286 : f32 to vector<16xf32>
      %max3A_288 = arith.maximumf %mul3A_285, %max3A_287 : vector<16xf32>
      %swap3A_289 = arith.index_cast %scan3A_227 : i32 to index
      %swap3A_290 = arith.constant 48 : index
      %swap3A_291 = tpu.vector_load %arg11[%swap3A_289, %swap3A_290] {strides = array<i32>} : memref<64x64xf32, #tpu.memory_space<vmem>>, vector<1x16xf32>,
      %swap3A_292 = vector.shape_cast %swap3A_291 : vector<1x16xf32> to vector<16xf32>
      %swap3A_293 = vector.shape_cast %max3A_288 : vector<16xf32> to vector<1x16xf32>
      tpu.vector_store %arg11[%swap3A_289, %swap3A_290], %swap3A_293 {strides = array<i32>} : memref<64x64xf32, #tpu.memory_space<vmem>>, vector<1x16xf32>,
    }
    %scan3A_142 = arith.constant 64 : i32
    "tpu.region"() ({
      %run_scoped3A_227 = tpu.sem_alloc : memref<!tpu.dma_semaphore, #tpu.memory_space<semaphore_mem>>
      %dma_start3A_228 = arith.constant 0 : i32
      %dma_start3A_229 = arith.constant 0 : i32
      %dma_start3A_230 = tpu.memref_slice %arg11[%dma_start3A_228, %dma_start3A_229] : memref<64x64xf32, #tpu.memory_space<vmem>> -> memref<64x64xf32, #tpu.memory_space<vmem>>
      %dma_start3A_231 = arith.constant 0 : i32
      %dma_start3A_232 = tpu.memref_slice %arg14[%add3A_134, %dma_start3A_231] : memref<10016x64xf32, #tpu.memory_space<vmem_shared>> -> memref<64x64xf32, #tpu.memory_space<vmem_shared>>
      %dma_start3A_233 = arith.constant 0 : i32
      %dma_start3A_234 = tpu.memref_slice %arg14[%add3A_134, %dma_start3A_233] : memref<10016x64xf32, #tpu.memory_space<vmem_shared>> -> memref<64x64xf32, #tpu.memory_space<vmem_shared>>
      %dma_start3A_235 = arith.constant 0 : i32
      %dma_start3A_236 = arith.constant 0 : i32
      %dma_start3A_237 = tpu.memref_slice %arg11[%dma_start3A_235, %dma_start3A_236] : memref<64x64xf32, #tpu.memory_space<vmem>> -> memref<64x64xf32, #tpu.memory_space<vmem>>
      tpu.enqueue_dma source(%dma_start3A_237 : memref<64x64xf32, #tpu.memory_space<vmem>>) target(%dma_start3A_234 : memref<64x64xf32, #tpu.memory_space<vmem_shared>>) target_semaphore(%run_scoped3A_227 : memref<!tpu.dma_semaphore, #tpu.memory_space<semaphore_mem>>)
      %dma_wait3A_238 = arith.constant 0 : i32
      %dma_wait3A_239 = arith.constant 0 : i32
      %dma_wait3A_240 = tpu.memref_slice %arg11[%dma_wait3A_238, %dma_wait3A_239] : memref<64x64xf32, #tpu.memory_space<vmem>> -> memref<64x64xf32, #tpu.memory_space<vmem>>
      %dma_wait3A_241 = arith.constant 0 : i32
      %dma_wait3A_242 = tpu.memref_slice %arg14[%add3A_134, %dma_wait3A_241] : memref<10016x64xf32, #tpu.memory_space<vmem_shared>> -> memref<64x64xf32, #tpu.memory_space<vmem_shared>>
      %dma_wait3A_243 = arith.constant 0 : i32
      %dma_wait3A_244 = tpu.memref_slice %arg14[%add3A_134, %dma_wait3A_243] : memref<10016x64xf32, #tpu.memory_space<vmem_shared>> -> memref<64x64xf32, #tpu.memory_space<vmem_shared>>
      %dma_wait3A_245 = arith.constant 0 : i32
      %dma_wait3A_246 = arith.constant 0 : i32
      %dma_wait3A_247 = tpu.memref_slice %arg11[%dma_wait3A_245, %dma_wait3A_246] : memref<64x64xf32, #tpu.memory_space<vmem>> -> memref<64x64xf32, #tpu.memory_space<vmem>>
      tpu.wait_dma2 semaphore(%run_scoped3A_227 : memref<!tpu.dma_semaphore, #tpu.memory_space<semaphore_mem>>) src(%dma_wait3A_247 : memref<64x64xf32, #tpu.memory_space<vmem>>) dst(%dma_wait3A_244 : memref<64x64xf32, #tpu.memory_space<vmem_shared>>)
      tpu.yield
    }) : () -> ()
    %add3A_143 = arith.constant 512 : i32
    %add3A_144 = arith.addi %mul3A_64, %add3A_143 : i32
    "tpu.region"() ({
      %run_scoped3A_227 = tpu.sem_alloc : memref<!tpu.dma_semaphore, #tpu.memory_space<semaphore_mem>>
      %dma_start3A_228 = arith.constant 0 : i32
      %dma_start3A_229 = arith.constant 0 : i32
      %dma_start3A_230 = tpu.memref_slice %arg10[%dma_start3A_228, %dma_start3A_229] : memref<64x64xf32, #tpu.memory_space<vmem>> -> memref<64x64xf32, #tpu.memory_space<vmem>>
      %dma_start3A_231 = arith.constant 0 : i32
      %dma_start3A_232 = tpu.memref_slice %arg15[%add3A_144, %dma_start3A_231] : memref<10016x64xf32, #tpu.memory_space<vmem_shared>> -> memref<64x64xf32, #tpu.memory_space<vmem_shared>>
      %dma_start3A_233 = arith.constant 0 : i32
      %dma_start3A_234 = arith.constant 0 : i32
      %dma_start3A_235 = tpu.memref_slice %arg10[%dma_start3A_233, %dma_start3A_234] : memref<64x64xf32, #tpu.memory_space<vmem>> -> memref<64x64xf32, #tpu.memory_space<vmem>>
      %dma_start3A_236 = arith.constant 0 : i32
      %dma_start3A_237 = tpu.memref_slice %arg15[%add3A_144, %dma_start3A_236] : memref<10016x64xf32, #tpu.memory_space<vmem_shared>> -> memref<64x64xf32, #tpu.memory_space<vmem_shared>>
      tpu.enqueue_dma source(%dma_start3A_237 : memref<64x64xf32, #tpu.memory_space<vmem_shared>>) target(%dma_start3A_235 : memref<64x64xf32, #tpu.memory_space<vmem>>) target_semaphore(%run_scoped3A_227 : memref<!tpu.dma_semaphore, #tpu.memory_space<semaphore_mem>>)
      %dma_wait3A_238 = arith.constant 0 : i32
      %dma_wait3A_239 = arith.constant 0 : i32
      %dma_wait3A_240 = tpu.memref_slice %arg10[%dma_wait3A_238, %dma_wait3A_239] : memref<64x64xf32, #tpu.memory_space<vmem>> -> memref<64x64xf32, #tpu.memory_space<vmem>>
      %dma_wait3A_241 = arith.constant 0 : i32
      %dma_wait3A_242 = tpu.memref_slice %arg15[%add3A_144, %dma_wait3A_241] : memref<10016x64xf32, #tpu.memory_space<vmem_shared>> -> memref<64x64xf32, #tpu.memory_space<vmem_shared>>
      %dma_wait3A_243 = arith.constant 0 : i32
      %dma_wait3A_244 = arith.constant 0 : i32
      %dma_wait3A_245 = tpu.memref_slice %arg10[%dma_wait3A_243, %dma_wait3A_244] : memref<64x64xf32, #tpu.memory_space<vmem>> -> memref<64x64xf32, #tpu.memory_space<vmem>>
      %dma_wait3A_246 = arith.constant 0 : i32
      %dma_wait3A_247 = tpu.memref_slice %arg15[%add3A_144, %dma_wait3A_246] : memref<10016x64xf32, #tpu.memory_space<vmem_shared>> -> memref<64x64xf32, #tpu.memory_space<vmem_shared>>
      tpu.wait_dma2 semaphore(%run_scoped3A_227 : memref<!tpu.dma_semaphore, #tpu.memory_space<semaphore_mem>>) src(%dma_wait3A_247 : memref<64x64xf32, #tpu.memory_space<vmem_shared>>) dst(%dma_wait3A_245 : memref<64x64xf32, #tpu.memory_space<vmem>>)
      tpu.yield
    }) : () -> ()
    %run_scoped3A_145 = arith.constant 0 : i32
    "tpu.region"() ({
      %run_scoped3A_227 = tpu.sem_alloc : memref<!tpu.dma_semaphore, #tpu.memory_space<semaphore_mem>>
      %dma_start3A_228 = arith.constant 0 : i32
      %dma_start3A_229 = arith.constant 0 : i32
      %dma_start3A_230 = tpu.memref_slice %arg12[%dma_start3A_228, %dma_start3A_229] : memref<64x16xf32, #tpu.memory_space<vmem>> -> memref<64x16xf32, #tpu.memory_space<vmem>>
      %dma_start3A_231 = arith.constant 0 : i32
      %dma_start3A_232 = tpu.memref_slice %arg6[%run_scoped3A_145, %add3A_144, %dma_start3A_231] : memref<2x10016x16xf32, #tpu.memory_space<hbm>> -> memref<1x64x16xf32, #tpu.memory_space<hbm>>
      %dma_start3A_233 = tpu.memref_squeeze %dma_start3A_232 : memref<1x64x16xf32, #tpu.memory_space<hbm>> -> memref<64x16xf32, #tpu.memory_space<hbm>>
      %dma_start3A_234 = arith.constant 0 : i32
      %dma_start3A_235 = arith.constant 0 : i32
      %dma_start3A_236 = tpu.memref_slice %arg12[%dma_start3A_234, %dma_start3A_235] : memref<64x16xf32, #tpu.memory_space<vmem>> -> memref<64x16xf32, #tpu.memory_space<vmem>>
      %dma_start3A_237 = arith.constant 0 : i32
      %dma_start3A_238 = tpu.memref_slice %arg6[%run_scoped3A_145, %add3A_144, %dma_start3A_237] : memref<2x10016x16xf32, #tpu.memory_space<hbm>> -> memref<1x64x16xf32, #tpu.memory_space<hbm>>
      %dma_start3A_239 = tpu.memref_squeeze %dma_start3A_238 : memref<1x64x16xf32, #tpu.memory_space<hbm>> -> memref<64x16xf32, #tpu.memory_space<hbm>>
      tpu.enqueue_dma source(%dma_start3A_239 : memref<64x16xf32, #tpu.memory_space<hbm>>) target(%dma_start3A_236 : memref<64x16xf32, #tpu.memory_space<vmem>>) target_semaphore(%run_scoped3A_227 : memref<!tpu.dma_semaphore, #tpu.memory_space<semaphore_mem>>)
      %dma_wait3A_240 = arith.constant 0 : i32
      %dma_wait3A_241 = arith.constant 0 : i32
      %dma_wait3A_242 = tpu.memref_slice %arg12[%dma_wait3A_240, %dma_wait3A_241] : memref<64x16xf32, #tpu.memory_space<vmem>> -> memref<64x16xf32, #tpu.memory_space<vmem>>
      %dma_wait3A_243 = arith.constant 0 : i32
      %dma_wait3A_244 = tpu.memref_slice %arg6[%run_scoped3A_145, %add3A_144, %dma_wait3A_243] : memref<2x10016x16xf32, #tpu.memory_space<hbm>> -> memref<1x64x16xf32, #tpu.memory_space<hbm>>
      %dma_wait3A_245 = tpu.memref_squeeze %dma_wait3A_244 : memref<1x64x16xf32, #tpu.memory_space<hbm>> -> memref<64x16xf32, #tpu.memory_space<hbm>>
      %dma_wait3A_246 = arith.constant 0 : i32
      %dma_wait3A_247 = arith.constant 0 : i32
      %dma_wait3A_248 = tpu.memref_slice %arg12[%dma_wait3A_246, %dma_wait3A_247] : memref<64x16xf32, #tpu.memory_space<vmem>> -> memref<64x16xf32, #tpu.memory_space<vmem>>
      %dma_wait3A_249 = arith.constant 0 : i32
      %dma_wait3A_250 = tpu.memref_slice %arg6[%run_scoped3A_145, %add3A_144, %dma_wait3A_249] : memref<2x10016x16xf32, #tpu.memory_space<hbm>> -> memref<1x64x16xf32, #tpu.memory_space<hbm>>
      %dma_wait3A_251 = tpu.memref_squeeze %dma_wait3A_250 : memref<1x64x16xf32, #tpu.memory_space<hbm>> -> memref<64x16xf32, #tpu.memory_space<hbm>>
      tpu.wait_dma2 semaphore(%run_scoped3A_227 : memref<!tpu.dma_semaphore, #tpu.memory_space<semaphore_mem>>) src(%dma_wait3A_251 : memref<64x16xf32, #tpu.memory_space<hbm>>) dst(%dma_wait3A_248 : memref<64x16xf32, #tpu.memory_space<vmem>>)
      tpu.yield
    }) : () -> ()
    %run_scoped3A_146 = arith.constant 1 : i32
    "tpu.region"() ({
      %run_scoped3A_227 = tpu.sem_alloc : memref<!tpu.dma_semaphore, #tpu.memory_space<semaphore_mem>>
      %dma_start3A_228 = arith.constant 0 : i32
      %dma_start3A_229 = arith.constant 0 : i32
      %dma_start3A_230 = tpu.memref_slice %arg13[%dma_start3A_228, %dma_start3A_229] : memref<64x16xf32, #tpu.memory_space<vmem>> -> memref<64x16xf32, #tpu.memory_space<vmem>>
      %dma_start3A_231 = arith.constant 0 : i32
      %dma_start3A_232 = tpu.memref_slice %arg6[%run_scoped3A_146, %add3A_144, %dma_start3A_231] : memref<2x10016x16xf32, #tpu.memory_space<hbm>> -> memref<1x64x16xf32, #tpu.memory_space<hbm>>
      %dma_start3A_233 = tpu.memref_squeeze %dma_start3A_232 : memref<1x64x16xf32, #tpu.memory_space<hbm>> -> memref<64x16xf32, #tpu.memory_space<hbm>>
      %dma_start3A_234 = arith.constant 0 : i32
      %dma_start3A_235 = arith.constant 0 : i32
      %dma_start3A_236 = tpu.memref_slice %arg13[%dma_start3A_234, %dma_start3A_235] : memref<64x16xf32, #tpu.memory_space<vmem>> -> memref<64x16xf32, #tpu.memory_space<vmem>>
      %dma_start3A_237 = arith.constant 0 : i32
      %dma_start3A_238 = tpu.memref_slice %arg6[%run_scoped3A_146, %add3A_144, %dma_start3A_237] : memref<2x10016x16xf32, #tpu.memory_space<hbm>> -> memref<1x64x16xf32, #tpu.memory_space<hbm>>
      %dma_start3A_239 = tpu.memref_squeeze %dma_start3A_238 : memref<1x64x16xf32, #tpu.memory_space<hbm>> -> memref<64x16xf32, #tpu.memory_space<hbm>>
      tpu.enqueue_dma source(%dma_start3A_239 : memref<64x16xf32, #tpu.memory_space<hbm>>) target(%dma_start3A_236 : memref<64x16xf32, #tpu.memory_space<vmem>>) target_semaphore(%run_scoped3A_227 : memref<!tpu.dma_semaphore, #tpu.memory_space<semaphore_mem>>)
      %dma_wait3A_240 = arith.constant 0 : i32
      %dma_wait3A_241 = arith.constant 0 : i32
      %dma_wait3A_242 = tpu.memref_slice %arg13[%dma_wait3A_240, %dma_wait3A_241] : memref<64x16xf32, #tpu.memory_space<vmem>> -> memref<64x16xf32, #tpu.memory_space<vmem>>
      %dma_wait3A_243 = arith.constant 0 : i32
      %dma_wait3A_244 = tpu.memref_slice %arg6[%run_scoped3A_146, %add3A_144, %dma_wait3A_243] : memref<2x10016x16xf32, #tpu.memory_space<hbm>> -> memref<1x64x16xf32, #tpu.memory_space<hbm>>
      %dma_wait3A_245 = tpu.memref_squeeze %dma_wait3A_244 : memref<1x64x16xf32, #tpu.memory_space<hbm>> -> memref<64x16xf32, #tpu.memory_space<hbm>>
      %dma_wait3A_246 = arith.constant 0 : i32
      %dma_wait3A_247 = arith.constant 0 : i32
      %dma_wait3A_248 = tpu.memref_slice %arg13[%dma_wait3A_246, %dma_wait3A_247] : memref<64x16xf32, #tpu.memory_space<vmem>> -> memref<64x16xf32, #tpu.memory_space<vmem>>
      %dma_wait3A_249 = arith.constant 0 : i32
      %dma_wait3A_250 = tpu.memref_slice %arg6[%run_scoped3A_146, %add3A_144, %dma_wait3A_249] : memref<2x10016x16xf32, #tpu.memory_space<hbm>> -> memref<1x64x16xf32, #tpu.memory_space<hbm>>
      %dma_wait3A_251 = tpu.memref_squeeze %dma_wait3A_250 : memref<1x64x16xf32, #tpu.memory_space<hbm>> -> memref<64x16xf32, #tpu.memory_space<hbm>>
      tpu.wait_dma2 semaphore(%run_scoped3A_227 : memref<!tpu.dma_semaphore, #tpu.memory_space<semaphore_mem>>) src(%dma_wait3A_251 : memref<64x16xf32, #tpu.memory_space<hbm>>) dst(%dma_wait3A_248 : memref<64x16xf32, #tpu.memory_space<vmem>>)
      tpu.yield
    }) : () -> ()
    %scan3A_147 = arith.constant 0 : i32
    %scan3A_148 = arith.constant 0 : i32
    %scan3A_149 = arith.constant 64 : i32
    %scan3A_150 = arith.addi %scan3A_148, %scan3A_149 : i32
    %scan3A_151 = arith.constant 1 : i32
    scf.for %scan3A_227 = %scan3A_148 to %scan3A_150 step %scan3A_151  : i32 {
      %get3A = arith.index_cast %scan3A_227 : i32 to index
      %get3A_228 = arith.constant 0 : index
      %get3A_229 = tpu.vector_load %arg12[%get3A, %get3A_228] {strides = array<i32>} : memref<64x16xf32, #tpu.memory_space<vmem>>, vector<1x16xf32>,
      %get3A_230 = vector.shape_cast %get3A_229 : vector<1x16xf32> to vector<16xf32>
      %get3A_231 = arith.index_cast %scan3A_227 : i32 to index
      %get3A_232 = arith.constant 0 : index
      %get3A_233 = tpu.vector_load %arg13[%get3A_231, %get3A_232] {strides = array<i32>} : memref<64x16xf32, #tpu.memory_space<vmem>>, vector<1x16xf32>,
      %get3A_234 = vector.shape_cast %get3A_233 : vector<1x16xf32> to vector<16xf32>
      %add3A_235 = arith.addf %get3A_230, %get3A_234 : vector<16xf32>
      %gt3A = arith.constant 0.000000e+00 : f32
      %gt3A_236 = vector.broadcast %gt3A : f32 to vector<16xf32>
      %gt3A_237 = arith.cmpf ogt, %add3A_235, %gt3A_236 : vector<16xf32>
      %div3A = arith.constant 1.000000e+00 : f32
      %div3A_238 = vector.broadcast %div3A : f32 to vector<16xf32>
      %div3A_239 = arith.divf %div3A_238, %add3A_235 : vector<16xf32>
      %jit3A = arith.constant 0.000000e+00 : f32
      %broadcast_in_dim3A = vector.broadcast %jit3A : f32 to vector<16xf32>
      %select_n3A = arith.select %gt3A_237, %div3A_239, %broadcast_in_dim3A : vector<16xi1>, vector<16xf32>
      %slice3A = vector.extract_strided_slice %select_n3A {offsets = [0], sizes = [1], strides = [1]} : vector<16xf32> to vector<1xf32>
      %squeeze3A = vector.extract %slice3A[0] : f32 from vector<1xf32>
      %get3A_240 = arith.index_cast %scan3A_227 : i32 to index
      %get3A_241 = arith.constant 0 : index
      %get3A_242 = tpu.vector_load %arg10[%get3A_240, %get3A_241] {strides = array<i32>} : memref<64x64xf32, #tpu.memory_space<vmem>>, vector<1x16xf32>,
      %get3A_243 = vector.shape_cast %get3A_242 : vector<1x16xf32> to vector<16xf32>
      %mul3A_244 = vector.broadcast %squeeze3A : f32 to vector<16xf32>
      %mul3A_245 = arith.mulf %get3A_243, %mul3A_244 : vector<16xf32>
      %max3A = arith.constant 0.000000e+00 : f32
      %max3A_246 = vector.broadcast %max3A : f32 to vector<16xf32>
      %max3A_247 = arith.maximumf %mul3A_245, %max3A_246 : vector<16xf32>
      %swap3A = arith.index_cast %scan3A_227 : i32 to index
      %swap3A_248 = arith.constant 0 : index
      %swap3A_249 = tpu.vector_load %arg11[%swap3A, %swap3A_248] {strides = array<i32>} : memref<64x64xf32, #tpu.memory_space<vmem>>, vector<1x16xf32>,
      %swap3A_250 = vector.shape_cast %swap3A_249 : vector<1x16xf32> to vector<16xf32>
      %swap3A_251 = vector.shape_cast %max3A_247 : vector<16xf32> to vector<1x16xf32>
      tpu.vector_store %arg11[%swap3A, %swap3A_248], %swap3A_251 {strides = array<i32>} : memref<64x64xf32, #tpu.memory_space<vmem>>, vector<1x16xf32>,
      %get3A_252 = arith.index_cast %scan3A_227 : i32 to index
      %get3A_253 = arith.constant 16 : index
      %get3A_254 = tpu.vector_load %arg10[%get3A_252, %get3A_253] {strides = array<i32>} : memref<64x64xf32, #tpu.memory_space<vmem>>, vector<1x16xf32>,
      %get3A_255 = vector.shape_cast %get3A_254 : vector<1x16xf32> to vector<16xf32>
      %mul3A_256 = vector.broadcast %squeeze3A : f32 to vector<16xf32>
      %mul3A_257 = arith.mulf %get3A_255, %mul3A_256 : vector<16xf32>
      %max3A_258 = arith.constant 0.000000e+00 : f32
      %max3A_259 = vector.broadcast %max3A_258 : f32 to vector<16xf32>
      %max3A_260 = arith.maximumf %mul3A_257, %max3A_259 : vector<16xf32>
      %swap3A_261 = arith.index_cast %scan3A_227 : i32 to index
      %swap3A_262 = arith.constant 16 : index
      %swap3A_263 = tpu.vector_load %arg11[%swap3A_261, %swap3A_262] {strides = array<i32>} : memref<64x64xf32, #tpu.memory_space<vmem>>, vector<1x16xf32>,
      %swap3A_264 = vector.shape_cast %swap3A_263 : vector<1x16xf32> to vector<16xf32>
      %swap3A_265 = vector.shape_cast %max3A_260 : vector<16xf32> to vector<1x16xf32>
      tpu.vector_store %arg11[%swap3A_261, %swap3A_262], %swap3A_265 {strides = array<i32>} : memref<64x64xf32, #tpu.memory_space<vmem>>, vector<1x16xf32>,
      %get3A_266 = arith.index_cast %scan3A_227 : i32 to index
      %get3A_267 = arith.constant 32 : index
      %get3A_268 = tpu.vector_load %arg10[%get3A_266, %get3A_267] {strides = array<i32>} : memref<64x64xf32, #tpu.memory_space<vmem>>, vector<1x16xf32>,
      %get3A_269 = vector.shape_cast %get3A_268 : vector<1x16xf32> to vector<16xf32>
      %mul3A_270 = vector.broadcast %squeeze3A : f32 to vector<16xf32>
      %mul3A_271 = arith.mulf %get3A_269, %mul3A_270 : vector<16xf32>
      %max3A_272 = arith.constant 0.000000e+00 : f32
      %max3A_273 = vector.broadcast %max3A_272 : f32 to vector<16xf32>
      %max3A_274 = arith.maximumf %mul3A_271, %max3A_273 : vector<16xf32>
      %swap3A_275 = arith.index_cast %scan3A_227 : i32 to index
      %swap3A_276 = arith.constant 32 : index
      %swap3A_277 = tpu.vector_load %arg11[%swap3A_275, %swap3A_276] {strides = array<i32>} : memref<64x64xf32, #tpu.memory_space<vmem>>, vector<1x16xf32>,
      %swap3A_278 = vector.shape_cast %swap3A_277 : vector<1x16xf32> to vector<16xf32>
      %swap3A_279 = vector.shape_cast %max3A_274 : vector<16xf32> to vector<1x16xf32>
      tpu.vector_store %arg11[%swap3A_275, %swap3A_276], %swap3A_279 {strides = array<i32>} : memref<64x64xf32, #tpu.memory_space<vmem>>, vector<1x16xf32>,
      %get3A_280 = arith.index_cast %scan3A_227 : i32 to index
      %get3A_281 = arith.constant 48 : index
      %get3A_282 = tpu.vector_load %arg10[%get3A_280, %get3A_281] {strides = array<i32>} : memref<64x64xf32, #tpu.memory_space<vmem>>, vector<1x16xf32>,
      %get3A_283 = vector.shape_cast %get3A_282 : vector<1x16xf32> to vector<16xf32>
      %mul3A_284 = vector.broadcast %squeeze3A : f32 to vector<16xf32>
      %mul3A_285 = arith.mulf %get3A_283, %mul3A_284 : vector<16xf32>
      %max3A_286 = arith.constant 0.000000e+00 : f32
      %max3A_287 = vector.broadcast %max3A_286 : f32 to vector<16xf32>
      %max3A_288 = arith.maximumf %mul3A_285, %max3A_287 : vector<16xf32>
      %swap3A_289 = arith.index_cast %scan3A_227 : i32 to index
      %swap3A_290 = arith.constant 48 : index
      %swap3A_291 = tpu.vector_load %arg11[%swap3A_289, %swap3A_290] {strides = array<i32>} : memref<64x64xf32, #tpu.memory_space<vmem>>, vector<1x16xf32>,
      %swap3A_292 = vector.shape_cast %swap3A_291 : vector<1x16xf32> to vector<16xf32>
      %swap3A_293 = vector.shape_cast %max3A_288 : vector<16xf32> to vector<1x16xf32>
      tpu.vector_store %arg11[%swap3A_289, %swap3A_290], %swap3A_293 {strides = array<i32>} : memref<64x64xf32, #tpu.memory_space<vmem>>, vector<1x16xf32>,
    }
    %scan3A_152 = arith.constant 64 : i32
    "tpu.region"() ({
      %run_scoped3A_227 = tpu.sem_alloc : memref<!tpu.dma_semaphore, #tpu.memory_space<semaphore_mem>>
      %dma_start3A_228 = arith.constant 0 : i32
      %dma_start3A_229 = arith.constant 0 : i32
      %dma_start3A_230 = tpu.memref_slice %arg11[%dma_start3A_228, %dma_start3A_229] : memref<64x64xf32, #tpu.memory_space<vmem>> -> memref<64x64xf32, #tpu.memory_space<vmem>>
      %dma_start3A_231 = arith.constant 0 : i32
      %dma_start3A_232 = tpu.memref_slice %arg14[%add3A_144, %dma_start3A_231] : memref<10016x64xf32, #tpu.memory_space<vmem_shared>> -> memref<64x64xf32, #tpu.memory_space<vmem_shared>>
      %dma_start3A_233 = arith.constant 0 : i32
      %dma_start3A_234 = tpu.memref_slice %arg14[%add3A_144, %dma_start3A_233] : memref<10016x64xf32, #tpu.memory_space<vmem_shared>> -> memref<64x64xf32, #tpu.memory_space<vmem_shared>>
      %dma_start3A_235 = arith.constant 0 : i32
      %dma_start3A_236 = arith.constant 0 : i32
      %dma_start3A_237 = tpu.memref_slice %arg11[%dma_start3A_235, %dma_start3A_236] : memref<64x64xf32, #tpu.memory_space<vmem>> -> memref<64x64xf32, #tpu.memory_space<vmem>>
      tpu.enqueue_dma source(%dma_start3A_237 : memref<64x64xf32, #tpu.memory_space<vmem>>) target(%dma_start3A_234 : memref<64x64xf32, #tpu.memory_space<vmem_shared>>) target_semaphore(%run_scoped3A_227 : memref<!tpu.dma_semaphore, #tpu.memory_space<semaphore_mem>>)
      %dma_wait3A_238 = arith.constant 0 : i32
      %dma_wait3A_239 = arith.constant 0 : i32
      %dma_wait3A_240 = tpu.memref_slice %arg11[%dma_wait3A_238, %dma_wait3A_239] : memref<64x64xf32, #tpu.memory_space<vmem>> -> memref<64x64xf32, #tpu.memory_space<vmem>>
      %dma_wait3A_241 = arith.constant 0 : i32
      %dma_wait3A_242 = tpu.memref_slice %arg14[%add3A_144, %dma_wait3A_241] : memref<10016x64xf32, #tpu.memory_space<vmem_shared>> -> memref<64x64xf32, #tpu.memory_space<vmem_shared>>
      %dma_wait3A_243 = arith.constant 0 : i32
      %dma_wait3A_244 = tpu.memref_slice %arg14[%add3A_144, %dma_wait3A_243] : memref<10016x64xf32, #tpu.memory_space<vmem_shared>> -> memref<64x64xf32, #tpu.memory_space<vmem_shared>>
      %dma_wait3A_245 = arith.constant 0 : i32
      %dma_wait3A_246 = arith.constant 0 : i32
      %dma_wait3A_247 = tpu.memref_slice %arg11[%dma_wait3A_245, %dma_wait3A_246] : memref<64x64xf32, #tpu.memory_space<vmem>> -> memref<64x64xf32, #tpu.memory_space<vmem>>
      tpu.wait_dma2 semaphore(%run_scoped3A_227 : memref<!tpu.dma_semaphore, #tpu.memory_space<semaphore_mem>>) src(%dma_wait3A_247 : memref<64x64xf32, #tpu.memory_space<vmem>>) dst(%dma_wait3A_244 : memref<64x64xf32, #tpu.memory_space<vmem_shared>>)
      tpu.yield
    }) : () -> ()
    %add3A_153 = arith.constant 576 : i32
    %add3A_154 = arith.addi %mul3A_64, %add3A_153 : i32
    "tpu.region"() ({
      %run_scoped3A_227 = tpu.sem_alloc : memref<!tpu.dma_semaphore, #tpu.memory_space<semaphore_mem>>
      %dma_start3A_228 = arith.constant 0 : i32
      %dma_start3A_229 = arith.constant 0 : i32
      %dma_start3A_230 = tpu.memref_slice %arg10[%dma_start3A_228, %dma_start3A_229] : memref<64x64xf32, #tpu.memory_space<vmem>> -> memref<50x64xf32, #tpu.memory_space<vmem>>
      %dma_start3A_231 = arith.constant 0 : i32
      %dma_start3A_232 = tpu.memref_slice %arg15[%add3A_154, %dma_start3A_231] : memref<10016x64xf32, #tpu.memory_space<vmem_shared>> -> memref<50x64xf32, #tpu.memory_space<vmem_shared>>
      %dma_start3A_233 = arith.constant 0 : i32
      %dma_start3A_234 = arith.constant 0 : i32
      %dma_start3A_235 = tpu.memref_slice %arg10[%dma_start3A_233, %dma_start3A_234] : memref<64x64xf32, #tpu.memory_space<vmem>> -> memref<50x64xf32, #tpu.memory_space<vmem>>
      %dma_start3A_236 = arith.constant 0 : i32
      %dma_start3A_237 = tpu.memref_slice %arg15[%add3A_154, %dma_start3A_236] : memref<10016x64xf32, #tpu.memory_space<vmem_shared>> -> memref<50x64xf32, #tpu.memory_space<vmem_shared>>
      tpu.enqueue_dma source(%dma_start3A_237 : memref<50x64xf32, #tpu.memory_space<vmem_shared>>) target(%dma_start3A_235 : memref<50x64xf32, #tpu.memory_space<vmem>>) target_semaphore(%run_scoped3A_227 : memref<!tpu.dma_semaphore, #tpu.memory_space<semaphore_mem>>)
      %dma_wait3A_238 = arith.constant 0 : i32
      %dma_wait3A_239 = arith.constant 0 : i32
      %dma_wait3A_240 = tpu.memref_slice %arg10[%dma_wait3A_238, %dma_wait3A_239] : memref<64x64xf32, #tpu.memory_space<vmem>> -> memref<50x64xf32, #tpu.memory_space<vmem>>
      %dma_wait3A_241 = arith.constant 0 : i32
      %dma_wait3A_242 = tpu.memref_slice %arg15[%add3A_154, %dma_wait3A_241] : memref<10016x64xf32, #tpu.memory_space<vmem_shared>> -> memref<50x64xf32, #tpu.memory_space<vmem_shared>>
      %dma_wait3A_243 = arith.constant 0 : i32
      %dma_wait3A_244 = arith.constant 0 : i32
      %dma_wait3A_245 = tpu.memref_slice %arg10[%dma_wait3A_243, %dma_wait3A_244] : memref<64x64xf32, #tpu.memory_space<vmem>> -> memref<50x64xf32, #tpu.memory_space<vmem>>
      %dma_wait3A_246 = arith.constant 0 : i32
      %dma_wait3A_247 = tpu.memref_slice %arg15[%add3A_154, %dma_wait3A_246] : memref<10016x64xf32, #tpu.memory_space<vmem_shared>> -> memref<50x64xf32, #tpu.memory_space<vmem_shared>>
      tpu.wait_dma2 semaphore(%run_scoped3A_227 : memref<!tpu.dma_semaphore, #tpu.memory_space<semaphore_mem>>) src(%dma_wait3A_247 : memref<50x64xf32, #tpu.memory_space<vmem_shared>>) dst(%dma_wait3A_245 : memref<50x64xf32, #tpu.memory_space<vmem>>)
      tpu.yield
    }) : () -> ()
    %run_scoped3A_155 = arith.constant 0 : i32
    "tpu.region"() ({
      %run_scoped3A_227 = tpu.sem_alloc : memref<!tpu.dma_semaphore, #tpu.memory_space<semaphore_mem>>
      %dma_start3A_228 = arith.constant 0 : i32
      %dma_start3A_229 = arith.constant 0 : i32
      %dma_start3A_230 = tpu.memref_slice %arg12[%dma_start3A_228, %dma_start3A_229] : memref<64x16xf32, #tpu.memory_space<vmem>> -> memref<50x16xf32, #tpu.memory_space<vmem>>
      %dma_start3A_231 = arith.constant 0 : i32
      %dma_start3A_232 = tpu.memref_slice %arg6[%run_scoped3A_155, %add3A_154, %dma_start3A_231] : memref<2x10016x16xf32, #tpu.memory_space<hbm>> -> memref<1x50x16xf32, #tpu.memory_space<hbm>>
      %dma_start3A_233 = tpu.memref_squeeze %dma_start3A_232 : memref<1x50x16xf32, #tpu.memory_space<hbm>> -> memref<50x16xf32, #tpu.memory_space<hbm>>
      %dma_start3A_234 = arith.constant 0 : i32
      %dma_start3A_235 = arith.constant 0 : i32
      %dma_start3A_236 = tpu.memref_slice %arg12[%dma_start3A_234, %dma_start3A_235] : memref<64x16xf32, #tpu.memory_space<vmem>> -> memref<50x16xf32, #tpu.memory_space<vmem>>
      %dma_start3A_237 = arith.constant 0 : i32
      %dma_start3A_238 = tpu.memref_slice %arg6[%run_scoped3A_155, %add3A_154, %dma_start3A_237] : memref<2x10016x16xf32, #tpu.memory_space<hbm>> -> memref<1x50x16xf32, #tpu.memory_space<hbm>>
      %dma_start3A_239 = tpu.memref_squeeze %dma_start3A_238 : memref<1x50x16xf32, #tpu.memory_space<hbm>> -> memref<50x16xf32, #tpu.memory_space<hbm>>
      tpu.enqueue_dma source(%dma_start3A_239 : memref<50x16xf32, #tpu.memory_space<hbm>>) target(%dma_start3A_236 : memref<50x16xf32, #tpu.memory_space<vmem>>) target_semaphore(%run_scoped3A_227 : memref<!tpu.dma_semaphore, #tpu.memory_space<semaphore_mem>>)
      %dma_wait3A_240 = arith.constant 0 : i32
      %dma_wait3A_241 = arith.constant 0 : i32
      %dma_wait3A_242 = tpu.memref_slice %arg12[%dma_wait3A_240, %dma_wait3A_241] : memref<64x16xf32, #tpu.memory_space<vmem>> -> memref<50x16xf32, #tpu.memory_space<vmem>>
      %dma_wait3A_243 = arith.constant 0 : i32
      %dma_wait3A_244 = tpu.memref_slice %arg6[%run_scoped3A_155, %add3A_154, %dma_wait3A_243] : memref<2x10016x16xf32, #tpu.memory_space<hbm>> -> memref<1x50x16xf32, #tpu.memory_space<hbm>>
      %dma_wait3A_245 = tpu.memref_squeeze %dma_wait3A_244 : memref<1x50x16xf32, #tpu.memory_space<hbm>> -> memref<50x16xf32, #tpu.memory_space<hbm>>
      %dma_wait3A_246 = arith.constant 0 : i32
      %dma_wait3A_247 = arith.constant 0 : i32
      %dma_wait3A_248 = tpu.memref_slice %arg12[%dma_wait3A_246, %dma_wait3A_247] : memref<64x16xf32, #tpu.memory_space<vmem>> -> memref<50x16xf32, #tpu.memory_space<vmem>>
      %dma_wait3A_249 = arith.constant 0 : i32
      %dma_wait3A_250 = tpu.memref_slice %arg6[%run_scoped3A_155, %add3A_154, %dma_wait3A_249] : memref<2x10016x16xf32, #tpu.memory_space<hbm>> -> memref<1x50x16xf32, #tpu.memory_space<hbm>>
      %dma_wait3A_251 = tpu.memref_squeeze %dma_wait3A_250 : memref<1x50x16xf32, #tpu.memory_space<hbm>> -> memref<50x16xf32, #tpu.memory_space<hbm>>
      tpu.wait_dma2 semaphore(%run_scoped3A_227 : memref<!tpu.dma_semaphore, #tpu.memory_space<semaphore_mem>>) src(%dma_wait3A_251 : memref<50x16xf32, #tpu.memory_space<hbm>>) dst(%dma_wait3A_248 : memref<50x16xf32, #tpu.memory_space<vmem>>)
      tpu.yield
    }) : () -> ()
    %run_scoped3A_156 = arith.constant 1 : i32
    "tpu.region"() ({
      %run_scoped3A_227 = tpu.sem_alloc : memref<!tpu.dma_semaphore, #tpu.memory_space<semaphore_mem>>
      %dma_start3A_228 = arith.constant 0 : i32
      %dma_start3A_229 = arith.constant 0 : i32
      %dma_start3A_230 = tpu.memref_slice %arg13[%dma_start3A_228, %dma_start3A_229] : memref<64x16xf32, #tpu.memory_space<vmem>> -> memref<50x16xf32, #tpu.memory_space<vmem>>
      %dma_start3A_231 = arith.constant 0 : i32
      %dma_start3A_232 = tpu.memref_slice %arg6[%run_scoped3A_156, %add3A_154, %dma_start3A_231] : memref<2x10016x16xf32, #tpu.memory_space<hbm>> -> memref<1x50x16xf32, #tpu.memory_space<hbm>>
      %dma_start3A_233 = tpu.memref_squeeze %dma_start3A_232 : memref<1x50x16xf32, #tpu.memory_space<hbm>> -> memref<50x16xf32, #tpu.memory_space<hbm>>
      %dma_start3A_234 = arith.constant 0 : i32
      %dma_start3A_235 = arith.constant 0 : i32
      %dma_start3A_236 = tpu.memref_slice %arg13[%dma_start3A_234, %dma_start3A_235] : memref<64x16xf32, #tpu.memory_space<vmem>> -> memref<50x16xf32, #tpu.memory_space<vmem>>
      %dma_start3A_237 = arith.constant 0 : i32
      %dma_start3A_238 = tpu.memref_slice %arg6[%run_scoped3A_156, %add3A_154, %dma_start3A_237] : memref<2x10016x16xf32, #tpu.memory_space<hbm>> -> memref<1x50x16xf32, #tpu.memory_space<hbm>>
      %dma_start3A_239 = tpu.memref_squeeze %dma_start3A_238 : memref<1x50x16xf32, #tpu.memory_space<hbm>> -> memref<50x16xf32, #tpu.memory_space<hbm>>
      tpu.enqueue_dma source(%dma_start3A_239 : memref<50x16xf32, #tpu.memory_space<hbm>>) target(%dma_start3A_236 : memref<50x16xf32, #tpu.memory_space<vmem>>) target_semaphore(%run_scoped3A_227 : memref<!tpu.dma_semaphore, #tpu.memory_space<semaphore_mem>>)
      %dma_wait3A_240 = arith.constant 0 : i32
      %dma_wait3A_241 = arith.constant 0 : i32
      %dma_wait3A_242 = tpu.memref_slice %arg13[%dma_wait3A_240, %dma_wait3A_241] : memref<64x16xf32, #tpu.memory_space<vmem>> -> memref<50x16xf32, #tpu.memory_space<vmem>>
      %dma_wait3A_243 = arith.constant 0 : i32
      %dma_wait3A_244 = tpu.memref_slice %arg6[%run_scoped3A_156, %add3A_154, %dma_wait3A_243] : memref<2x10016x16xf32, #tpu.memory_space<hbm>> -> memref<1x50x16xf32, #tpu.memory_space<hbm>>
      %dma_wait3A_245 = tpu.memref_squeeze %dma_wait3A_244 : memref<1x50x16xf32, #tpu.memory_space<hbm>> -> memref<50x16xf32, #tpu.memory_space<hbm>>
      %dma_wait3A_246 = arith.constant 0 : i32
      %dma_wait3A_247 = arith.constant 0 : i32
      %dma_wait3A_248 = tpu.memref_slice %arg13[%dma_wait3A_246, %dma_wait3A_247] : memref<64x16xf32, #tpu.memory_space<vmem>> -> memref<50x16xf32, #tpu.memory_space<vmem>>
      %dma_wait3A_249 = arith.constant 0 : i32
      %dma_wait3A_250 = tpu.memref_slice %arg6[%run_scoped3A_156, %add3A_154, %dma_wait3A_249] : memref<2x10016x16xf32, #tpu.memory_space<hbm>> -> memref<1x50x16xf32, #tpu.memory_space<hbm>>
      %dma_wait3A_251 = tpu.memref_squeeze %dma_wait3A_250 : memref<1x50x16xf32, #tpu.memory_space<hbm>> -> memref<50x16xf32, #tpu.memory_space<hbm>>
      tpu.wait_dma2 semaphore(%run_scoped3A_227 : memref<!tpu.dma_semaphore, #tpu.memory_space<semaphore_mem>>) src(%dma_wait3A_251 : memref<50x16xf32, #tpu.memory_space<hbm>>) dst(%dma_wait3A_248 : memref<50x16xf32, #tpu.memory_space<vmem>>)
      tpu.yield
    }) : () -> ()
    %scan3A_157 = arith.constant 0 : i32
    %scan3A_158 = arith.constant 0 : i32
    %scan3A_159 = arith.constant 50 : i32
    %scan3A_160 = arith.addi %scan3A_158, %scan3A_159 : i32
    %scan3A_161 = arith.constant 1 : i32
    scf.for %scan3A_227 = %scan3A_158 to %scan3A_160 step %scan3A_161  : i32 {
      %get3A = arith.index_cast %scan3A_227 : i32 to index
      %get3A_228 = arith.constant 0 : index
      %get3A_229 = tpu.vector_load %arg12[%get3A, %get3A_228] {strides = array<i32>} : memref<64x16xf32, #tpu.memory_space<vmem>>, vector<1x16xf32>,
      %get3A_230 = vector.shape_cast %get3A_229 : vector<1x16xf32> to vector<16xf32>
      %get3A_231 = arith.index_cast %scan3A_227 : i32 to index
      %get3A_232 = arith.constant 0 : index
      %get3A_233 = tpu.vector_load %arg13[%get3A_231, %get3A_232] {strides = array<i32>} : memref<64x16xf32, #tpu.memory_space<vmem>>, vector<1x16xf32>,
      %get3A_234 = vector.shape_cast %get3A_233 : vector<1x16xf32> to vector<16xf32>
      %add3A_235 = arith.addf %get3A_230, %get3A_234 : vector<16xf32>
      %gt3A = arith.constant 0.000000e+00 : f32
      %gt3A_236 = vector.broadcast %gt3A : f32 to vector<16xf32>
      %gt3A_237 = arith.cmpf ogt, %add3A_235, %gt3A_236 : vector<16xf32>
      %div3A = arith.constant 1.000000e+00 : f32
      %div3A_238 = vector.broadcast %div3A : f32 to vector<16xf32>
      %div3A_239 = arith.divf %div3A_238, %add3A_235 : vector<16xf32>
      %jit3A = arith.constant 0.000000e+00 : f32
      %broadcast_in_dim3A = vector.broadcast %jit3A : f32 to vector<16xf32>
      %select_n3A = arith.select %gt3A_237, %div3A_239, %broadcast_in_dim3A : vector<16xi1>, vector<16xf32>
      %slice3A = vector.extract_strided_slice %select_n3A {offsets = [0], sizes = [1], strides = [1]} : vector<16xf32> to vector<1xf32>
      %squeeze3A = vector.extract %slice3A[0] : f32 from vector<1xf32>
      %get3A_240 = arith.index_cast %scan3A_227 : i32 to index
      %get3A_241 = arith.constant 0 : index
      %get3A_242 = tpu.vector_load %arg10[%get3A_240, %get3A_241] {strides = array<i32>} : memref<64x64xf32, #tpu.memory_space<vmem>>, vector<1x16xf32>,
      %get3A_243 = vector.shape_cast %get3A_242 : vector<1x16xf32> to vector<16xf32>
      %mul3A_244 = vector.broadcast %squeeze3A : f32 to vector<16xf32>
      %mul3A_245 = arith.mulf %get3A_243, %mul3A_244 : vector<16xf32>
      %max3A = arith.constant 0.000000e+00 : f32
      %max3A_246 = vector.broadcast %max3A : f32 to vector<16xf32>
      %max3A_247 = arith.maximumf %mul3A_245, %max3A_246 : vector<16xf32>
      %swap3A = arith.index_cast %scan3A_227 : i32 to index
      %swap3A_248 = arith.constant 0 : index
      %swap3A_249 = tpu.vector_load %arg11[%swap3A, %swap3A_248] {strides = array<i32>} : memref<64x64xf32, #tpu.memory_space<vmem>>, vector<1x16xf32>,
      %swap3A_250 = vector.shape_cast %swap3A_249 : vector<1x16xf32> to vector<16xf32>
      %swap3A_251 = vector.shape_cast %max3A_247 : vector<16xf32> to vector<1x16xf32>
      tpu.vector_store %arg11[%swap3A, %swap3A_248], %swap3A_251 {strides = array<i32>} : memref<64x64xf32, #tpu.memory_space<vmem>>, vector<1x16xf32>,
      %get3A_252 = arith.index_cast %scan3A_227 : i32 to index
      %get3A_253 = arith.constant 16 : index
      %get3A_254 = tpu.vector_load %arg10[%get3A_252, %get3A_253] {strides = array<i32>} : memref<64x64xf32, #tpu.memory_space<vmem>>, vector<1x16xf32>,
      %get3A_255 = vector.shape_cast %get3A_254 : vector<1x16xf32> to vector<16xf32>
      %mul3A_256 = vector.broadcast %squeeze3A : f32 to vector<16xf32>
      %mul3A_257 = arith.mulf %get3A_255, %mul3A_256 : vector<16xf32>
      %max3A_258 = arith.constant 0.000000e+00 : f32
      %max3A_259 = vector.broadcast %max3A_258 : f32 to vector<16xf32>
      %max3A_260 = arith.maximumf %mul3A_257, %max3A_259 : vector<16xf32>
      %swap3A_261 = arith.index_cast %scan3A_227 : i32 to index
      %swap3A_262 = arith.constant 16 : index
      %swap3A_263 = tpu.vector_load %arg11[%swap3A_261, %swap3A_262] {strides = array<i32>} : memref<64x64xf32, #tpu.memory_space<vmem>>, vector<1x16xf32>,
      %swap3A_264 = vector.shape_cast %swap3A_263 : vector<1x16xf32> to vector<16xf32>
      %swap3A_265 = vector.shape_cast %max3A_260 : vector<16xf32> to vector<1x16xf32>
      tpu.vector_store %arg11[%swap3A_261, %swap3A_262], %swap3A_265 {strides = array<i32>} : memref<64x64xf32, #tpu.memory_space<vmem>>, vector<1x16xf32>,
      %get3A_266 = arith.index_cast %scan3A_227 : i32 to index
      %get3A_267 = arith.constant 32 : index
      %get3A_268 = tpu.vector_load %arg10[%get3A_266, %get3A_267] {strides = array<i32>} : memref<64x64xf32, #tpu.memory_space<vmem>>, vector<1x16xf32>,
      %get3A_269 = vector.shape_cast %get3A_268 : vector<1x16xf32> to vector<16xf32>
      %mul3A_270 = vector.broadcast %squeeze3A : f32 to vector<16xf32>
      %mul3A_271 = arith.mulf %get3A_269, %mul3A_270 : vector<16xf32>
      %max3A_272 = arith.constant 0.000000e+00 : f32
      %max3A_273 = vector.broadcast %max3A_272 : f32 to vector<16xf32>
      %max3A_274 = arith.maximumf %mul3A_271, %max3A_273 : vector<16xf32>
      %swap3A_275 = arith.index_cast %scan3A_227 : i32 to index
      %swap3A_276 = arith.constant 32 : index
      %swap3A_277 = tpu.vector_load %arg11[%swap3A_275, %swap3A_276] {strides = array<i32>} : memref<64x64xf32, #tpu.memory_space<vmem>>, vector<1x16xf32>,
      %swap3A_278 = vector.shape_cast %swap3A_277 : vector<1x16xf32> to vector<16xf32>
      %swap3A_279 = vector.shape_cast %max3A_274 : vector<16xf32> to vector<1x16xf32>
      tpu.vector_store %arg11[%swap3A_275, %swap3A_276], %swap3A_279 {strides = array<i32>} : memref<64x64xf32, #tpu.memory_space<vmem>>, vector<1x16xf32>,
      %get3A_280 = arith.index_cast %scan3A_227 : i32 to index
      %get3A_281 = arith.constant 48 : index
      %get3A_282 = tpu.vector_load %arg10[%get3A_280, %get3A_281] {strides = array<i32>} : memref<64x64xf32, #tpu.memory_space<vmem>>, vector<1x16xf32>,
      %get3A_283 = vector.shape_cast %get3A_282 : vector<1x16xf32> to vector<16xf32>
      %mul3A_284 = vector.broadcast %squeeze3A : f32 to vector<16xf32>
      %mul3A_285 = arith.mulf %get3A_283, %mul3A_284 : vector<16xf32>
      %max3A_286 = arith.constant 0.000000e+00 : f32
      %max3A_287 = vector.broadcast %max3A_286 : f32 to vector<16xf32>
      %max3A_288 = arith.maximumf %mul3A_285, %max3A_287 : vector<16xf32>
      %swap3A_289 = arith.index_cast %scan3A_227 : i32 to index
      %swap3A_290 = arith.constant 48 : index
      %swap3A_291 = tpu.vector_load %arg11[%swap3A_289, %swap3A_290] {strides = array<i32>} : memref<64x64xf32, #tpu.memory_space<vmem>>, vector<1x16xf32>,
      %swap3A_292 = vector.shape_cast %swap3A_291 : vector<1x16xf32> to vector<16xf32>
      %swap3A_293 = vector.shape_cast %max3A_288 : vector<16xf32> to vector<1x16xf32>
      tpu.vector_store %arg11[%swap3A_289, %swap3A_290], %swap3A_293 {strides = array<i32>} : memref<64x64xf32, #tpu.memory_space<vmem>>, vector<1x16xf32>,
    }
    %scan3A_162 = arith.constant 50 : i32
    "tpu.region"() ({
      %run_scoped3A_227 = tpu.sem_alloc : memref<!tpu.dma_semaphore, #tpu.memory_space<semaphore_mem>>
      %dma_start3A_228 = arith.constant 0 : i32
      %dma_start3A_229 = arith.constant 0 : i32
      %dma_start3A_230 = tpu.memref_slice %arg11[%dma_start3A_228, %dma_start3A_229] : memref<64x64xf32, #tpu.memory_space<vmem>> -> memref<50x64xf32, #tpu.memory_space<vmem>>
      %dma_start3A_231 = arith.constant 0 : i32
      %dma_start3A_232 = tpu.memref_slice %arg14[%add3A_154, %dma_start3A_231] : memref<10016x64xf32, #tpu.memory_space<vmem_shared>> -> memref<50x64xf32, #tpu.memory_space<vmem_shared>>
      %dma_start3A_233 = arith.constant 0 : i32
      %dma_start3A_234 = tpu.memref_slice %arg14[%add3A_154, %dma_start3A_233] : memref<10016x64xf32, #tpu.memory_space<vmem_shared>> -> memref<50x64xf32, #tpu.memory_space<vmem_shared>>
      %dma_start3A_235 = arith.constant 0 : i32
      %dma_start3A_236 = arith.constant 0 : i32
      %dma_start3A_237 = tpu.memref_slice %arg11[%dma_start3A_235, %dma_start3A_236] : memref<64x64xf32, #tpu.memory_space<vmem>> -> memref<50x64xf32, #tpu.memory_space<vmem>>
      tpu.enqueue_dma source(%dma_start3A_237 : memref<50x64xf32, #tpu.memory_space<vmem>>) target(%dma_start3A_234 : memref<50x64xf32, #tpu.memory_space<vmem_shared>>) target_semaphore(%run_scoped3A_227 : memref<!tpu.dma_semaphore, #tpu.memory_space<semaphore_mem>>)
      %dma_wait3A_238 = arith.constant 0 : i32
      %dma_wait3A_239 = arith.constant 0 : i32
      %dma_wait3A_240 = tpu.memref_slice %arg11[%dma_wait3A_238, %dma_wait3A_239] : memref<64x64xf32, #tpu.memory_space<vmem>> -> memref<50x64xf32, #tpu.memory_space<vmem>>
      %dma_wait3A_241 = arith.constant 0 : i32
      %dma_wait3A_242 = tpu.memref_slice %arg14[%add3A_154, %dma_wait3A_241] : memref<10016x64xf32, #tpu.memory_space<vmem_shared>> -> memref<50x64xf32, #tpu.memory_space<vmem_shared>>
      %dma_wait3A_243 = arith.constant 0 : i32
      %dma_wait3A_244 = tpu.memref_slice %arg14[%add3A_154, %dma_wait3A_243] : memref<10016x64xf32, #tpu.memory_space<vmem_shared>> -> memref<50x64xf32, #tpu.memory_space<vmem_shared>>
      %dma_wait3A_245 = arith.constant 0 : i32
      %dma_wait3A_246 = arith.constant 0 : i32
      %dma_wait3A_247 = tpu.memref_slice %arg11[%dma_wait3A_245, %dma_wait3A_246] : memref<64x64xf32, #tpu.memory_space<vmem>> -> memref<50x64xf32, #tpu.memory_space<vmem>>
      tpu.wait_dma2 semaphore(%run_scoped3A_227 : memref<!tpu.dma_semaphore, #tpu.memory_space<semaphore_mem>>) src(%dma_wait3A_247 : memref<50x64xf32, #tpu.memory_space<vmem>>) dst(%dma_wait3A_244 : memref<50x64xf32, #tpu.memory_space<vmem_shared>>)
      tpu.yield
    }) : () -> ()
    "tpu.region"() ({
      %run_scoped3A_227 = tpu.sem_alloc : memref<!tpu.dma_semaphore, #tpu.memory_space<semaphore_mem>>
      %dma_start3A_228 = arith.constant 0 : i32
      %dma_start3A_229 = tpu.memref_slice %arg15[%mul3A_0, %dma_start3A_228] : memref<10016x64xf32, #tpu.memory_space<vmem_shared>> -> memref<626x64xf32, #tpu.memory_space<vmem_shared>>
      %dma_start3A_230 = arith.constant 0 : i32
      %dma_start3A_231 = tpu.memref_slice %arg5[%mul3A_0, %dma_start3A_230] : memref<10016x64xf32, #tpu.memory_space<hbm>> -> memref<626x64xf32, #tpu.memory_space<hbm>>
      tpu.enqueue_dma source(%dma_start3A_231 : memref<626x64xf32, #tpu.memory_space<hbm>>) target(%dma_start3A_229 : memref<626x64xf32, #tpu.memory_space<vmem_shared>>) target_semaphore(%run_scoped3A_227 : memref<!tpu.dma_semaphore, #tpu.memory_space<semaphore_mem>>)
      %dma_wait3A_232 = arith.constant 0 : i32
      %dma_wait3A_233 = tpu.memref_slice %arg15[%mul3A_0, %dma_wait3A_232] : memref<10016x64xf32, #tpu.memory_space<vmem_shared>> -> memref<626x64xf32, #tpu.memory_space<vmem_shared>>
      %dma_wait3A_234 = arith.constant 0 : i32
      %dma_wait3A_235 = tpu.memref_slice %arg5[%mul3A_0, %dma_wait3A_234] : memref<10016x64xf32, #tpu.memory_space<hbm>> -> memref<626x64xf32, #tpu.memory_space<hbm>>
      tpu.wait_dma2 semaphore(%run_scoped3A_227 : memref<!tpu.dma_semaphore, #tpu.memory_space<semaphore_mem>>) src(%dma_wait3A_235 : memref<626x64xf32, #tpu.memory_space<hbm>>) dst(%dma_wait3A_233 : memref<626x64xf32, #tpu.memory_space<vmem_shared>>)
      tpu.yield
    }) : () -> ()
    %barrier3A_163 = arith.constant 0 : index
    tpu.barrier barrier_id(%barrier3A_163)
    %dma_start3A_164 = arith.constant 0 : i32
    %dma_start3A_165 = arith.constant 0 : i32
    %dma_start3A_166 = tpu.memref_slice %arg9[%dma_start3A_164, %dma_start3A_165] : memref<314x64xi32, #tpu.memory_space<vmem>> -> memref<1x64xi32, #tpu.memory_space<vmem>>
    %dma_start3A_167 = tpu.memref_squeeze %dma_start3A_166 : memref<1x64xi32, #tpu.memory_space<vmem>> -> memref<64xi32, #tpu.memory_space<vmem>>
    %dma_start3A_168 = arith.constant 0 : i32
    %dma_start3A_169 = arith.constant 0 : i32
    %dma_start3A_170 = tpu.memref_slice %arg14[%dma_start3A_168, %dma_start3A_169] : memref<10016x64xf32, #tpu.memory_space<vmem_shared>> -> memref<10016x64xf32, #tpu.memory_space<vmem_shared>>
    tpu.enqueue_indirect_dma source(%dma_start3A_170 : memref<10016x64xf32, #tpu.memory_space<vmem_shared>>) target(%arg10 : memref<64x64xf32, #tpu.memory_space<vmem>>) offsets(%dma_start3A_167 : memref<64xi32, #tpu.memory_space<vmem>>) semaphore(%arg16 : memref<!tpu.dma_semaphore, #tpu.memory_space<semaphore_mem>>)
    %dma_start3A_171 = arith.constant 1 : i32
    %dma_start3A_172 = arith.constant 0 : i32
    %dma_start3A_173 = tpu.memref_slice %arg9[%dma_start3A_171, %dma_start3A_172] : memref<314x64xi32, #tpu.memory_space<vmem>> -> memref<1x64xi32, #tpu.memory_space<vmem>>
    %dma_start3A_174 = tpu.memref_squeeze %dma_start3A_173 : memref<1x64xi32, #tpu.memory_space<vmem>> -> memref<64xi32, #tpu.memory_space<vmem>>
    %dma_start3A_175 = arith.constant 0 : i32
    %dma_start3A_176 = arith.constant 0 : i32
    %dma_start3A_177 = tpu.memref_slice %arg14[%dma_start3A_175, %dma_start3A_176] : memref<10016x64xf32, #tpu.memory_space<vmem_shared>> -> memref<10016x64xf32, #tpu.memory_space<vmem_shared>>
    tpu.enqueue_indirect_dma source(%dma_start3A_177 : memref<10016x64xf32, #tpu.memory_space<vmem_shared>>) target(%arg11 : memref<64x64xf32, #tpu.memory_space<vmem>>) offsets(%dma_start3A_174 : memref<64xi32, #tpu.memory_space<vmem>>) semaphore(%arg17 : memref<!tpu.dma_semaphore, #tpu.memory_space<semaphore_mem>>)
    %dma_wait3A_178 = arith.constant 0 : i32
    %dma_wait3A_179 = arith.constant 0 : i32
    %dma_wait3A_180 = tpu.memref_slice %arg9[%dma_wait3A_178, %dma_wait3A_179] : memref<314x64xi32, #tpu.memory_space<vmem>> -> memref<1x64xi32, #tpu.memory_space<vmem>>
    %dma_wait3A_181 = tpu.memref_squeeze %dma_wait3A_180 : memref<1x64xi32, #tpu.memory_space<vmem>> -> memref<64xi32, #tpu.memory_space<vmem>>
    %dma_wait3A_182 = arith.constant 0 : i32
    %dma_wait3A_183 = arith.constant 0 : i32
    %dma_wait3A_184 = tpu.memref_slice %arg14[%dma_wait3A_182, %dma_wait3A_183] : memref<10016x64xf32, #tpu.memory_space<vmem_shared>> -> memref<10016x64xf32, #tpu.memory_space<vmem_shared>>
    tpu.wait_indirect_dma semaphore(%arg16 : memref<!tpu.dma_semaphore, #tpu.memory_space<semaphore_mem>>) src(%dma_wait3A_184 : memref<10016x64xf32, #tpu.memory_space<vmem_shared>>) dst(%arg10 : memref<64x64xf32, #tpu.memory_space<vmem>>)
    %dma_start3A_185 = arith.constant 0 : i32
    %dma_start3A_186 = arith.constant 0 : i32
    %dma_start3A_187 = tpu.memref_slice %arg8[%dma_start3A_185, %dma_start3A_186] : memref<314x64xi32, #tpu.memory_space<vmem>> -> memref<1x64xi32, #tpu.memory_space<vmem>>
    %dma_start3A_188 = tpu.memref_squeeze %dma_start3A_187 : memref<1x64xi32, #tpu.memory_space<vmem>> -> memref<64xi32, #tpu.memory_space<vmem>>
    %dma_start3A_189 = arith.constant 0 : i32
    %dma_start3A_190 = arith.constant 0 : i32
    %dma_start3A_191 = tpu.memref_slice %arg15[%dma_start3A_189, %dma_start3A_190] : memref<10016x64xf32, #tpu.memory_space<vmem_shared>> -> memref<10016x64xf32, #tpu.memory_space<vmem_shared>>
    tpu.enqueue_indirect_dma source(%arg10 : memref<64x64xf32, #tpu.memory_space<vmem>>) target(%dma_start3A_191 : memref<10016x64xf32, #tpu.memory_space<vmem_shared>>) offsets(%dma_start3A_188 : memref<64xi32, #tpu.memory_space<vmem>>) semaphore(%arg18 : memref<!tpu.dma_semaphore, #tpu.memory_space<semaphore_mem>>) {add = true}
    %dma_wait3A_192 = arith.constant 1 : i32
    %dma_wait3A_193 = arith.constant 0 : i32
    %dma_wait3A_194 = tpu.memref_slice %arg9[%dma_wait3A_192, %dma_wait3A_193] : memref<314x64xi32, #tpu.memory_space<vmem>> -> memref<1x64xi32, #tpu.memory_space<vmem>>
    %dma_wait3A_195 = tpu.memref_squeeze %dma_wait3A_194 : memref<1x64xi32, #tpu.memory_space<vmem>> -> memref<64xi32, #tpu.memory_space<vmem>>
    %dma_wait3A_196 = arith.constant 0 : i32
    %dma_wait3A_197 = arith.constant 0 : i32
    %dma_wait3A_198 = tpu.memref_slice %arg14[%dma_wait3A_196, %dma_wait3A_197] : memref<10016x64xf32, #tpu.memory_space<vmem_shared>> -> memref<10016x64xf32, #tpu.memory_space<vmem_shared>>
    tpu.wait_indirect_dma semaphore(%arg17 : memref<!tpu.dma_semaphore, #tpu.memory_space<semaphore_mem>>) src(%dma_wait3A_198 : memref<10016x64xf32, #tpu.memory_space<vmem_shared>>) dst(%arg11 : memref<64x64xf32, #tpu.memory_space<vmem>>)
    %dma_start3A_199 = arith.constant 1 : i32
    %dma_start3A_200 = arith.constant 0 : i32
    %dma_start3A_201 = tpu.memref_slice %arg8[%dma_start3A_199, %dma_start3A_200] : memref<314x64xi32, #tpu.memory_space<vmem>> -> memref<1x64xi32, #tpu.memory_space<vmem>>
    %dma_start3A_202 = tpu.memref_squeeze %dma_start3A_201 : memref<1x64xi32, #tpu.memory_space<vmem>> -> memref<64xi32, #tpu.memory_space<vmem>>
    %dma_start3A_203 = arith.constant 0 : i32
    %dma_start3A_204 = arith.constant 0 : i32
    %dma_start3A_205 = tpu.memref_slice %arg15[%dma_start3A_203, %dma_start3A_204] : memref<10016x64xf32, #tpu.memory_space<vmem_shared>> -> memref<10016x64xf32, #tpu.memory_space<vmem_shared>>
    tpu.enqueue_indirect_dma source(%arg11 : memref<64x64xf32, #tpu.memory_space<vmem>>) target(%dma_start3A_205 : memref<10016x64xf32, #tpu.memory_space<vmem_shared>>) offsets(%dma_start3A_202 : memref<64xi32, #tpu.memory_space<vmem>>) semaphore(%arg19 : memref<!tpu.dma_semaphore, #tpu.memory_space<semaphore_mem>>) {add = true}
    %scan3A_206 = arith.constant 0 : i32
    %scan3A_207 = arith.constant 1 : i32
    %scan3A_208 = arith.constant 156 : i32
    %scan3A_209 = arith.addi %scan3A_207, %scan3A_208 : i32
    %scan3A_210 = arith.constant 1 : i32
    scf.for %scan3A_227 = %scan3A_207 to %scan3A_209 step %scan3A_210  : i32 {
      %mul3A_228 = arith.constant 2 : i32
      %mul3A_229 = arith.muli %scan3A_227, %mul3A_228 : i32
      %sub3A = arith.constant 2 : i32
      %sub3A_230 = arith.subi %mul3A_229, %sub3A : i32
      %add3A_231 = arith.constant 0 : i32
      %add3A_232 = arith.addi %sub3A_230, %add3A_231 : i32
      %dma_wait3A_233 = arith.constant 0 : i32
      %dma_wait3A_234 = tpu.memref_slice %arg8[%add3A_232, %dma_wait3A_233] : memref<314x64xi32, #tpu.memory_space<vmem>> -> memref<1x64xi32, #tpu.memory_space<vmem>>
      %dma_wait3A_235 = tpu.memref_squeeze %dma_wait3A_234 : memref<1x64xi32, #tpu.memory_space<vmem>> -> memref<64xi32, #tpu.memory_space<vmem>>
      %dma_wait3A_236 = arith.constant 0 : i32
      %dma_wait3A_237 = arith.constant 0 : i32
      %dma_wait3A_238 = tpu.memref_slice %arg15[%dma_wait3A_236, %dma_wait3A_237] : memref<10016x64xf32, #tpu.memory_space<vmem_shared>> -> memref<10016x64xf32, #tpu.memory_space<vmem_shared>>
      tpu.wait_indirect_dma semaphore(%arg18 : memref<!tpu.dma_semaphore, #tpu.memory_space<semaphore_mem>>) src(%arg10 : memref<64x64xf32, #tpu.memory_space<vmem>>) dst(%dma_wait3A_238 : memref<10016x64xf32, #tpu.memory_space<vmem_shared>>)
      %add3A_239 = arith.constant 0 : i32
      %add3A_240 = arith.addi %mul3A_229, %add3A_239 : i32
      %dma_start3A_241 = arith.constant 0 : i32
      %dma_start3A_242 = tpu.memref_slice %arg9[%add3A_240, %dma_start3A_241] : memref<314x64xi32, #tpu.memory_space<vmem>> -> memref<1x64xi32, #tpu.memory_space<vmem>>
      %dma_start3A_243 = tpu.memref_squeeze %dma_start3A_242 : memref<1x64xi32, #tpu.memory_space<vmem>> -> memref<64xi32, #tpu.memory_space<vmem>>
      %dma_start3A_244 = arith.constant 0 : i32
      %dma_start3A_245 = arith.constant 0 : i32
      %dma_start3A_246 = tpu.memref_slice %arg14[%dma_start3A_244, %dma_start3A_245] : memref<10016x64xf32, #tpu.memory_space<vmem_shared>> -> memref<10016x64xf32, #tpu.memory_space<vmem_shared>>
      tpu.enqueue_indirect_dma source(%dma_start3A_246 : memref<10016x64xf32, #tpu.memory_space<vmem_shared>>) target(%arg10 : memref<64x64xf32, #tpu.memory_space<vmem>>) offsets(%dma_start3A_243 : memref<64xi32, #tpu.memory_space<vmem>>) semaphore(%arg16 : memref<!tpu.dma_semaphore, #tpu.memory_space<semaphore_mem>>)
      %sub3A_247 = arith.constant 2 : i32
      %sub3A_248 = arith.subi %mul3A_229, %sub3A_247 : i32
      %add3A_249 = arith.constant 1 : i32
      %add3A_250 = arith.addi %sub3A_248, %add3A_249 : i32
      %dma_wait3A_251 = arith.constant 0 : i32
      %dma_wait3A_252 = tpu.memref_slice %arg8[%add3A_250, %dma_wait3A_251] : memref<314x64xi32, #tpu.memory_space<vmem>> -> memref<1x64xi32, #tpu.memory_space<vmem>>
      %dma_wait3A_253 = tpu.memref_squeeze %dma_wait3A_252 : memref<1x64xi32, #tpu.memory_space<vmem>> -> memref<64xi32, #tpu.memory_space<vmem>>
      %dma_wait3A_254 = arith.constant 0 : i32
      %dma_wait3A_255 = arith.constant 0 : i32
      %dma_wait3A_256 = tpu.memref_slice %arg15[%dma_wait3A_254, %dma_wait3A_255] : memref<10016x64xf32, #tpu.memory_space<vmem_shared>> -> memref<10016x64xf32, #tpu.memory_space<vmem_shared>>
      tpu.wait_indirect_dma semaphore(%arg19 : memref<!tpu.dma_semaphore, #tpu.memory_space<semaphore_mem>>) src(%arg11 : memref<64x64xf32, #tpu.memory_space<vmem>>) dst(%dma_wait3A_256 : memref<10016x64xf32, #tpu.memory_space<vmem_shared>>)
      %add3A_257 = arith.constant 1 : i32
      %add3A_258 = arith.addi %mul3A_229, %add3A_257 : i32
      %dma_start3A_259 = arith.constant 0 : i32
      %dma_start3A_260 = tpu.memref_slice %arg9[%add3A_258, %dma_start3A_259] : memref<314x64xi32, #tpu.memory_space<vmem>> -> memref<1x64xi32, #tpu.memory_space<vmem>>
      %dma_start3A_261 = tpu.memref_squeeze %dma_start3A_260 : memref<1x64xi32, #tpu.memory_space<vmem>> -> memref<64xi32, #tpu.memory_space<vmem>>
      %dma_start3A_262 = arith.constant 0 : i32
      %dma_start3A_263 = arith.constant 0 : i32
      %dma_start3A_264 = tpu.memref_slice %arg14[%dma_start3A_262, %dma_start3A_263] : memref<10016x64xf32, #tpu.memory_space<vmem_shared>> -> memref<10016x64xf32, #tpu.memory_space<vmem_shared>>
      tpu.enqueue_indirect_dma source(%dma_start3A_264 : memref<10016x64xf32, #tpu.memory_space<vmem_shared>>) target(%arg11 : memref<64x64xf32, #tpu.memory_space<vmem>>) offsets(%dma_start3A_261 : memref<64xi32, #tpu.memory_space<vmem>>) semaphore(%arg17 : memref<!tpu.dma_semaphore, #tpu.memory_space<semaphore_mem>>)
      %dma_wait3A_265 = arith.constant 0 : i32
      %dma_wait3A_266 = tpu.memref_slice %arg9[%add3A_240, %dma_wait3A_265] : memref<314x64xi32, #tpu.memory_space<vmem>> -> memref<1x64xi32, #tpu.memory_space<vmem>>
      %dma_wait3A_267 = tpu.memref_squeeze %dma_wait3A_266 : memref<1x64xi32, #tpu.memory_space<vmem>> -> memref<64xi32, #tpu.memory_space<vmem>>
      %dma_wait3A_268 = arith.constant 0 : i32
      %dma_wait3A_269 = arith.constant 0 : i32
      %dma_wait3A_270 = tpu.memref_slice %arg14[%dma_wait3A_268, %dma_wait3A_269] : memref<10016x64xf32, #tpu.memory_space<vmem_shared>> -> memref<10016x64xf32, #tpu.memory_space<vmem_shared>>
      tpu.wait_indirect_dma semaphore(%arg16 : memref<!tpu.dma_semaphore, #tpu.memory_space<semaphore_mem>>) src(%dma_wait3A_270 : memref<10016x64xf32, #tpu.memory_space<vmem_shared>>) dst(%arg10 : memref<64x64xf32, #tpu.memory_space<vmem>>)
      %add3A_271 = arith.constant 0 : i32
      %add3A_272 = arith.addi %mul3A_229, %add3A_271 : i32
      %dma_start3A_273 = arith.constant 0 : i32
      %dma_start3A_274 = tpu.memref_slice %arg8[%add3A_272, %dma_start3A_273] : memref<314x64xi32, #tpu.memory_space<vmem>> -> memref<1x64xi32, #tpu.memory_space<vmem>>
      %dma_start3A_275 = tpu.memref_squeeze %dma_start3A_274 : memref<1x64xi32, #tpu.memory_space<vmem>> -> memref<64xi32, #tpu.memory_space<vmem>>
      %dma_start3A_276 = arith.constant 0 : i32
      %dma_start3A_277 = arith.constant 0 : i32
      %dma_start3A_278 = tpu.memref_slice %arg15[%dma_start3A_276, %dma_start3A_277] : memref<10016x64xf32, #tpu.memory_space<vmem_shared>> -> memref<10016x64xf32, #tpu.memory_space<vmem_shared>>
      tpu.enqueue_indirect_dma source(%arg10 : memref<64x64xf32, #tpu.memory_space<vmem>>) target(%dma_start3A_278 : memref<10016x64xf32, #tpu.memory_space<vmem_shared>>) offsets(%dma_start3A_275 : memref<64xi32, #tpu.memory_space<vmem>>) semaphore(%arg18 : memref<!tpu.dma_semaphore, #tpu.memory_space<semaphore_mem>>) {add = true}
      %dma_wait3A_279 = arith.constant 0 : i32
      %dma_wait3A_280 = tpu.memref_slice %arg9[%add3A_258, %dma_wait3A_279] : memref<314x64xi32, #tpu.memory_space<vmem>> -> memref<1x64xi32, #tpu.memory_space<vmem>>
      %dma_wait3A_281 = tpu.memref_squeeze %dma_wait3A_280 : memref<1x64xi32, #tpu.memory_space<vmem>> -> memref<64xi32, #tpu.memory_space<vmem>>
      %dma_wait3A_282 = arith.constant 0 : i32
      %dma_wait3A_283 = arith.constant 0 : i32
      %dma_wait3A_284 = tpu.memref_slice %arg14[%dma_wait3A_282, %dma_wait3A_283] : memref<10016x64xf32, #tpu.memory_space<vmem_shared>> -> memref<10016x64xf32, #tpu.memory_space<vmem_shared>>
      tpu.wait_indirect_dma semaphore(%arg17 : memref<!tpu.dma_semaphore, #tpu.memory_space<semaphore_mem>>) src(%dma_wait3A_284 : memref<10016x64xf32, #tpu.memory_space<vmem_shared>>) dst(%arg11 : memref<64x64xf32, #tpu.memory_space<vmem>>)
      %add3A_285 = arith.constant 1 : i32
      %add3A_286 = arith.addi %mul3A_229, %add3A_285 : i32
      %dma_start3A_287 = arith.constant 0 : i32
      %dma_start3A_288 = tpu.memref_slice %arg8[%add3A_286, %dma_start3A_287] : memref<314x64xi32, #tpu.memory_space<vmem>> -> memref<1x64xi32, #tpu.memory_space<vmem>>
      %dma_start3A_289 = tpu.memref_squeeze %dma_start3A_288 : memref<1x64xi32, #tpu.memory_space<vmem>> -> memref<64xi32, #tpu.memory_space<vmem>>
      %dma_start3A_290 = arith.constant 0 : i32
      %dma_start3A_291 = arith.constant 0 : i32
      %dma_start3A_292 = tpu.memref_slice %arg15[%dma_start3A_290, %dma_start3A_291] : memref<10016x64xf32, #tpu.memory_space<vmem_shared>> -> memref<10016x64xf32, #tpu.memory_space<vmem_shared>>
      tpu.enqueue_indirect_dma source(%arg11 : memref<64x64xf32, #tpu.memory_space<vmem>>) target(%dma_start3A_292 : memref<10016x64xf32, #tpu.memory_space<vmem_shared>>) offsets(%dma_start3A_289 : memref<64xi32, #tpu.memory_space<vmem>>) semaphore(%arg19 : memref<!tpu.dma_semaphore, #tpu.memory_space<semaphore_mem>>) {add = true}
    }
    %scan3A_211 = arith.constant 156 : i32
    %dma_wait3A_212 = arith.constant 312 : i32
    %dma_wait3A_213 = arith.constant 0 : i32
    %dma_wait3A_214 = tpu.memref_slice %arg8[%dma_wait3A_212, %dma_wait3A_213] : memref<314x64xi32, #tpu.memory_space<vmem>> -> memref<1x64xi32, #tpu.memory_space<vmem>>
    %dma_wait3A_215 = tpu.memref_squeeze %dma_wait3A_214 : memref<1x64xi32, #tpu.memory_space<vmem>> -> memref<64xi32, #tpu.memory_space<vmem>>
    %dma_wait3A_216 = arith.constant 0 : i32
    %dma_wait3A_217 = arith.constant 0 : i32
    %dma_wait3A_218 = tpu.memref_slice %arg15[%dma_wait3A_216, %dma_wait3A_217] : memref<10016x64xf32, #tpu.memory_space<vmem_shared>> -> memref<10016x64xf32, #tpu.memory_space<vmem_shared>>
    tpu.wait_indirect_dma semaphore(%arg18 : memref<!tpu.dma_semaphore, #tpu.memory_space<semaphore_mem>>) src(%arg10 : memref<64x64xf32, #tpu.memory_space<vmem>>) dst(%dma_wait3A_218 : memref<10016x64xf32, #tpu.memory_space<vmem_shared>>)
    %dma_wait3A_219 = arith.constant 313 : i32
    %dma_wait3A_220 = arith.constant 0 : i32
    %dma_wait3A_221 = tpu.memref_slice %arg8[%dma_wait3A_219, %dma_wait3A_220] : memref<314x64xi32, #tpu.memory_space<vmem>> -> memref<1x64xi32, #tpu.memory_space<vmem>>
    %dma_wait3A_222 = tpu.memref_squeeze %dma_wait3A_221 : memref<1x64xi32, #tpu.memory_space<vmem>> -> memref<64xi32, #tpu.memory_space<vmem>>
    %dma_wait3A_223 = arith.constant 0 : i32
    %dma_wait3A_224 = arith.constant 0 : i32
    %dma_wait3A_225 = tpu.memref_slice %arg15[%dma_wait3A_223, %dma_wait3A_224] : memref<10016x64xf32, #tpu.memory_space<vmem_shared>> -> memref<10016x64xf32, #tpu.memory_space<vmem_shared>>
    tpu.wait_indirect_dma semaphore(%arg19 : memref<!tpu.dma_semaphore, #tpu.memory_space<semaphore_mem>>) src(%arg11 : memref<64x64xf32, #tpu.memory_space<vmem>>) dst(%dma_wait3A_225 : memref<10016x64xf32, #tpu.memory_space<vmem_shared>>)
    %barrier3A_226 = arith.constant 0 : index
    tpu.barrier barrier_id(%barrier3A_226)
    "tpu.region"() ({
      %run_scoped3A_227 = tpu.sem_alloc : memref<!tpu.dma_semaphore, #tpu.memory_space<semaphore_mem>>
      %dma_start3A_228 = arith.constant 0 : i32
      %dma_start3A_229 = tpu.memref_slice %arg7[%arg0, %mul3A_0, %dma_start3A_228] : memref<2x10016x64xf32, #tpu.memory_space<hbm>> -> memref<1x626x64xf32, #tpu.memory_space<hbm>>
      %dma_start3A_230 = tpu.memref_squeeze %dma_start3A_229 : memref<1x626x64xf32, #tpu.memory_space<hbm>> -> memref<626x64xf32, #tpu.memory_space<hbm>>
      %dma_start3A_231 = arith.constant 0 : i32
      %dma_start3A_232 = tpu.memref_slice %arg15[%mul3A_0, %dma_start3A_231] : memref<10016x64xf32, #tpu.memory_space<vmem_shared>> -> memref<626x64xf32, #tpu.memory_space<vmem_shared>>
      tpu.enqueue_dma source(%dma_start3A_232 : memref<626x64xf32, #tpu.memory_space<vmem_shared>>) target(%dma_start3A_230 : memref<626x64xf32, #tpu.memory_space<hbm>>) target_semaphore(%run_scoped3A_227 : memref<!tpu.dma_semaphore, #tpu.memory_space<semaphore_mem>>)
      %dma_wait3A_233 = arith.constant 0 : i32
      %dma_wait3A_234 = tpu.memref_slice %arg7[%arg0, %mul3A_0, %dma_wait3A_233] : memref<2x10016x64xf32, #tpu.memory_space<hbm>> -> memref<1x626x64xf32, #tpu.memory_space<hbm>>
      %dma_wait3A_235 = tpu.memref_squeeze %dma_wait3A_234 : memref<1x626x64xf32, #tpu.memory_space<hbm>> -> memref<626x64xf32, #tpu.memory_space<hbm>>
      %dma_wait3A_236 = arith.constant 0 : i32
      %dma_wait3A_237 = tpu.memref_slice %arg15[%mul3A_0, %dma_wait3A_236] : memref<10016x64xf32, #tpu.memory_space<vmem_shared>> -> memref<626x64xf32, #tpu.memory_space<vmem_shared>>
      tpu.wait_dma2 semaphore(%run_scoped3A_227 : memref<!tpu.dma_semaphore, #tpu.memory_space<semaphore_mem>>) src(%dma_wait3A_237 : memref<626x64xf32, #tpu.memory_space<vmem_shared>>) dst(%dma_wait3A_235 : memref<626x64xf32, #tpu.memory_space<hbm>>)
      tpu.yield
    }) : () -> ()
    return
  }
}

#map = affine_map<(d0, d1) -> (0, 0, 0)>
#map1 = affine_map<(d0, d1) -> (0, 0)>
#map2 = affine_map<(d0, d1) -> (0, 0, 0, 0)>
module attributes {stable_mosaic.version = 14 : i64} {
  func.func @k(%arg0: i32, %arg1: i32, %arg2: memref<32x80x128xi32, #tpu.memory_space<hbm>>, %arg3: memref<32x80x128xi32, #tpu.memory_space<hbm>>, %arg4: memref<128x16xf32, #tpu.memory_space<hbm>>, %arg5: memref<10016x16xf32, #tpu.memory_space<hbm>>, %arg6: memref<2x2x10016x16xf32, #tpu.memory_space<hbm>>, %arg7: memref<80x128xi32, #tpu.memory_space<vmem>>, %arg8: memref<80x128xi32, #tpu.memory_space<vmem>>, %arg9: memref<128x16xf32, #tpu.memory_space<vmem>>, %arg10: memref<10016x16xf32, #tpu.memory_space<vmem_shared>>, %arg11: memref<10016x16xf32, #tpu.memory_space<vmem_shared>>, %arg12: memref<!tpu.dma_semaphore, #tpu.memory_space<semaphore_mem>>, %arg13: memref<!tpu.dma_semaphore, #tpu.memory_space<semaphore_mem>>, %arg14: memref<!tpu.dma_semaphore, #tpu.memory_space<semaphore_mem>>, %arg15: memref<!tpu.dma_semaphore, #tpu.memory_space<semaphore_mem>>) attributes {dimension_semantics = [#tpu.dimension_semantics<core_parallel>, #tpu.dimension_semantics<subcore_parallel>], iteration_bounds = array<i64: 2, 16>, scalar_prefetch = 0 : i64, scratch_operands = 9 : i64, tpu.core_type = #tpu.core_type<sc_vector_subcore>, window_params = [{transform_indices = #map}, {transform_indices = #map}, {transform_indices = #map1}, {transform_indices = #map1}, {transform_indices = #map2}]} {
    %mul3A = arith.constant 2 : i32
    %mul3A_0 = arith.muli %arg1, %mul3A : i32
    %add3A = arith.addi %mul3A_0, %arg0 : i32
    %mul3A_1 = arith.constant 626 : i32
    %mul3A_2 = arith.muli %arg1, %mul3A_1 : i32
    "tpu.region"() ({
      %run_scoped3A_64 = tpu.sem_alloc : memref<!tpu.dma_semaphore, #tpu.memory_space<semaphore_mem>>
      %dma_start3A_65 = arith.constant 0 : i32
      %dma_start3A_66 = tpu.memref_slice %arg10[%mul3A_2, %dma_start3A_65] : memref<10016x16xf32, #tpu.memory_space<vmem_shared>> -> memref<626x16xf32, #tpu.memory_space<vmem_shared>>
      %dma_start3A_67 = arith.constant 0 : i32
      %dma_start3A_68 = tpu.memref_slice %arg5[%mul3A_2, %dma_start3A_67] : memref<10016x16xf32, #tpu.memory_space<hbm>> -> memref<626x16xf32, #tpu.memory_space<hbm>>
      tpu.enqueue_dma source(%dma_start3A_68 : memref<626x16xf32, #tpu.memory_space<hbm>>) target(%dma_start3A_66 : memref<626x16xf32, #tpu.memory_space<vmem_shared>>) target_semaphore(%run_scoped3A_64 : memref<!tpu.dma_semaphore, #tpu.memory_space<semaphore_mem>>)
      %dma_wait3A_69 = arith.constant 0 : i32
      %dma_wait3A_70 = tpu.memref_slice %arg10[%mul3A_2, %dma_wait3A_69] : memref<10016x16xf32, #tpu.memory_space<vmem_shared>> -> memref<626x16xf32, #tpu.memory_space<vmem_shared>>
      %dma_wait3A_71 = arith.constant 0 : i32
      %dma_wait3A_72 = tpu.memref_slice %arg5[%mul3A_2, %dma_wait3A_71] : memref<10016x16xf32, #tpu.memory_space<hbm>> -> memref<626x16xf32, #tpu.memory_space<hbm>>
      tpu.wait_dma2 semaphore(%run_scoped3A_64 : memref<!tpu.dma_semaphore, #tpu.memory_space<semaphore_mem>>) src(%dma_wait3A_72 : memref<626x16xf32, #tpu.memory_space<hbm>>) dst(%dma_wait3A_70 : memref<626x16xf32, #tpu.memory_space<vmem_shared>>)
      tpu.yield
    }) : () -> ()
    "tpu.region"() ({
      %run_scoped3A_64 = tpu.sem_alloc : memref<!tpu.dma_semaphore, #tpu.memory_space<semaphore_mem>>
      %dma_start3A_65 = arith.constant 0 : i32
      %dma_start3A_66 = tpu.memref_slice %arg11[%mul3A_2, %dma_start3A_65] : memref<10016x16xf32, #tpu.memory_space<vmem_shared>> -> memref<626x16xf32, #tpu.memory_space<vmem_shared>>
      %dma_start3A_67 = arith.constant 0 : i32
      %dma_start3A_68 = tpu.memref_slice %arg5[%mul3A_2, %dma_start3A_67] : memref<10016x16xf32, #tpu.memory_space<hbm>> -> memref<626x16xf32, #tpu.memory_space<hbm>>
      tpu.enqueue_dma source(%dma_start3A_68 : memref<626x16xf32, #tpu.memory_space<hbm>>) target(%dma_start3A_66 : memref<626x16xf32, #tpu.memory_space<vmem_shared>>) target_semaphore(%run_scoped3A_64 : memref<!tpu.dma_semaphore, #tpu.memory_space<semaphore_mem>>)
      %dma_wait3A_69 = arith.constant 0 : i32
      %dma_wait3A_70 = tpu.memref_slice %arg11[%mul3A_2, %dma_wait3A_69] : memref<10016x16xf32, #tpu.memory_space<vmem_shared>> -> memref<626x16xf32, #tpu.memory_space<vmem_shared>>
      %dma_wait3A_71 = arith.constant 0 : i32
      %dma_wait3A_72 = tpu.memref_slice %arg5[%mul3A_2, %dma_wait3A_71] : memref<10016x16xf32, #tpu.memory_space<hbm>> -> memref<626x16xf32, #tpu.memory_space<hbm>>
      tpu.wait_dma2 semaphore(%run_scoped3A_64 : memref<!tpu.dma_semaphore, #tpu.memory_space<semaphore_mem>>) src(%dma_wait3A_72 : memref<626x16xf32, #tpu.memory_space<hbm>>) dst(%dma_wait3A_70 : memref<626x16xf32, #tpu.memory_space<vmem_shared>>)
      tpu.yield
    }) : () -> ()
    "tpu.region"() ({
      %run_scoped3A_64 = tpu.sem_alloc : memref<!tpu.dma_semaphore, #tpu.memory_space<semaphore_mem>>
      tpu.enqueue_dma source(%arg4 : memref<128x16xf32, #tpu.memory_space<hbm>>) target(%arg9 : memref<128x16xf32, #tpu.memory_space<vmem>>) target_semaphore(%run_scoped3A_64 : memref<!tpu.dma_semaphore, #tpu.memory_space<semaphore_mem>>)
      tpu.wait_dma2 semaphore(%run_scoped3A_64 : memref<!tpu.dma_semaphore, #tpu.memory_space<semaphore_mem>>) src(%arg4 : memref<128x16xf32, #tpu.memory_space<hbm>>) dst(%arg9 : memref<128x16xf32, #tpu.memory_space<vmem>>)
      tpu.yield
    }) : () -> ()
    "tpu.region"() ({
      %run_scoped3A_64 = tpu.sem_alloc : memref<!tpu.dma_semaphore, #tpu.memory_space<semaphore_mem>>
      %dma_start3A_65 = arith.constant 0 : i32
      %dma_start3A_66 = arith.constant 0 : i32
      %dma_start3A_67 = tpu.memref_slice %arg2[%add3A, %dma_start3A_65, %dma_start3A_66] : memref<32x80x128xi32, #tpu.memory_space<hbm>> -> memref<1x80x128xi32, #tpu.memory_space<hbm>>
      %dma_start3A_68 = tpu.memref_squeeze %dma_start3A_67 : memref<1x80x128xi32, #tpu.memory_space<hbm>> -> memref<80x128xi32, #tpu.memory_space<hbm>>
      %dma_start3A_69 = arith.constant 0 : i32
      %dma_start3A_70 = arith.constant 0 : i32
      %dma_start3A_71 = tpu.memref_slice %arg2[%add3A, %dma_start3A_69, %dma_start3A_70] : memref<32x80x128xi32, #tpu.memory_space<hbm>> -> memref<1x80x128xi32, #tpu.memory_space<hbm>>
      %dma_start3A_72 = tpu.memref_squeeze %dma_start3A_71 : memref<1x80x128xi32, #tpu.memory_space<hbm>> -> memref<80x128xi32, #tpu.memory_space<hbm>>
      tpu.enqueue_dma source(%dma_start3A_72 : memref<80x128xi32, #tpu.memory_space<hbm>>) target(%arg7 : memref<80x128xi32, #tpu.memory_space<vmem>>) target_semaphore(%run_scoped3A_64 : memref<!tpu.dma_semaphore, #tpu.memory_space<semaphore_mem>>)
      %dma_wait3A_73 = arith.constant 0 : i32
      %dma_wait3A_74 = arith.constant 0 : i32
      %dma_wait3A_75 = tpu.memref_slice %arg2[%add3A, %dma_wait3A_73, %dma_wait3A_74] : memref<32x80x128xi32, #tpu.memory_space<hbm>> -> memref<1x80x128xi32, #tpu.memory_space<hbm>>
      %dma_wait3A_76 = tpu.memref_squeeze %dma_wait3A_75 : memref<1x80x128xi32, #tpu.memory_space<hbm>> -> memref<80x128xi32, #tpu.memory_space<hbm>>
      %dma_wait3A_77 = arith.constant 0 : i32
      %dma_wait3A_78 = arith.constant 0 : i32
      %dma_wait3A_79 = tpu.memref_slice %arg2[%add3A, %dma_wait3A_77, %dma_wait3A_78] : memref<32x80x128xi32, #tpu.memory_space<hbm>> -> memref<1x80x128xi32, #tpu.memory_space<hbm>>
      %dma_wait3A_80 = tpu.memref_squeeze %dma_wait3A_79 : memref<1x80x128xi32, #tpu.memory_space<hbm>> -> memref<80x128xi32, #tpu.memory_space<hbm>>
      tpu.wait_dma2 semaphore(%run_scoped3A_64 : memref<!tpu.dma_semaphore, #tpu.memory_space<semaphore_mem>>) src(%dma_wait3A_80 : memref<80x128xi32, #tpu.memory_space<hbm>>) dst(%arg7 : memref<80x128xi32, #tpu.memory_space<vmem>>)
      tpu.yield
    }) : () -> ()
    "tpu.region"() ({
      %run_scoped3A_64 = tpu.sem_alloc : memref<!tpu.dma_semaphore, #tpu.memory_space<semaphore_mem>>
      %dma_start3A_65 = arith.constant 0 : i32
      %dma_start3A_66 = arith.constant 0 : i32
      %dma_start3A_67 = tpu.memref_slice %arg3[%add3A, %dma_start3A_65, %dma_start3A_66] : memref<32x80x128xi32, #tpu.memory_space<hbm>> -> memref<1x80x128xi32, #tpu.memory_space<hbm>>
      %dma_start3A_68 = tpu.memref_squeeze %dma_start3A_67 : memref<1x80x128xi32, #tpu.memory_space<hbm>> -> memref<80x128xi32, #tpu.memory_space<hbm>>
      %dma_start3A_69 = arith.constant 0 : i32
      %dma_start3A_70 = arith.constant 0 : i32
      %dma_start3A_71 = tpu.memref_slice %arg3[%add3A, %dma_start3A_69, %dma_start3A_70] : memref<32x80x128xi32, #tpu.memory_space<hbm>> -> memref<1x80x128xi32, #tpu.memory_space<hbm>>
      %dma_start3A_72 = tpu.memref_squeeze %dma_start3A_71 : memref<1x80x128xi32, #tpu.memory_space<hbm>> -> memref<80x128xi32, #tpu.memory_space<hbm>>
      tpu.enqueue_dma source(%dma_start3A_72 : memref<80x128xi32, #tpu.memory_space<hbm>>) target(%arg8 : memref<80x128xi32, #tpu.memory_space<vmem>>) target_semaphore(%run_scoped3A_64 : memref<!tpu.dma_semaphore, #tpu.memory_space<semaphore_mem>>)
      %dma_wait3A_73 = arith.constant 0 : i32
      %dma_wait3A_74 = arith.constant 0 : i32
      %dma_wait3A_75 = tpu.memref_slice %arg3[%add3A, %dma_wait3A_73, %dma_wait3A_74] : memref<32x80x128xi32, #tpu.memory_space<hbm>> -> memref<1x80x128xi32, #tpu.memory_space<hbm>>
      %dma_wait3A_76 = tpu.memref_squeeze %dma_wait3A_75 : memref<1x80x128xi32, #tpu.memory_space<hbm>> -> memref<80x128xi32, #tpu.memory_space<hbm>>
      %dma_wait3A_77 = arith.constant 0 : i32
      %dma_wait3A_78 = arith.constant 0 : i32
      %dma_wait3A_79 = tpu.memref_slice %arg3[%add3A, %dma_wait3A_77, %dma_wait3A_78] : memref<32x80x128xi32, #tpu.memory_space<hbm>> -> memref<1x80x128xi32, #tpu.memory_space<hbm>>
      %dma_wait3A_80 = tpu.memref_squeeze %dma_wait3A_79 : memref<1x80x128xi32, #tpu.memory_space<hbm>> -> memref<80x128xi32, #tpu.memory_space<hbm>>
      tpu.wait_dma2 semaphore(%run_scoped3A_64 : memref<!tpu.dma_semaphore, #tpu.memory_space<semaphore_mem>>) src(%dma_wait3A_80 : memref<80x128xi32, #tpu.memory_space<hbm>>) dst(%arg8 : memref<80x128xi32, #tpu.memory_space<vmem>>)
      tpu.yield
    }) : () -> ()
    %barrier3A = arith.constant 0 : index
    tpu.barrier barrier_id(%barrier3A)
    %dma_start3A = arith.constant 0 : i32
    %dma_start3A_3 = arith.constant 0 : i32
    %dma_start3A_4 = tpu.memref_slice %arg8[%dma_start3A, %dma_start3A_3] : memref<80x128xi32, #tpu.memory_space<vmem>> -> memref<1x128xi32, #tpu.memory_space<vmem>>
    %dma_start3A_5 = tpu.memref_squeeze %dma_start3A_4 : memref<1x128xi32, #tpu.memory_space<vmem>> -> memref<128xi32, #tpu.memory_space<vmem>>
    %dma_start3A_6 = arith.constant 0 : i32
    %dma_start3A_7 = arith.constant 0 : i32
    %dma_start3A_8 = tpu.memref_slice %arg10[%dma_start3A_6, %dma_start3A_7] : memref<10016x16xf32, #tpu.memory_space<vmem_shared>> -> memref<10016x16xf32, #tpu.memory_space<vmem_shared>>
    tpu.enqueue_indirect_dma source(%arg9 : memref<128x16xf32, #tpu.memory_space<vmem>>) target(%dma_start3A_8 : memref<10016x16xf32, #tpu.memory_space<vmem_shared>>) offsets(%dma_start3A_5 : memref<128xi32, #tpu.memory_space<vmem>>) semaphore(%arg12 : memref<!tpu.dma_semaphore, #tpu.memory_space<semaphore_mem>>) {add = true}
    %dma_start3A_9 = arith.constant 0 : i32
    %dma_start3A_10 = arith.constant 0 : i32
    %dma_start3A_11 = tpu.memref_slice %arg7[%dma_start3A_9, %dma_start3A_10] : memref<80x128xi32, #tpu.memory_space<vmem>> -> memref<1x128xi32, #tpu.memory_space<vmem>>
    %dma_start3A_12 = tpu.memref_squeeze %dma_start3A_11 : memref<1x128xi32, #tpu.memory_space<vmem>> -> memref<128xi32, #tpu.memory_space<vmem>>
    %dma_start3A_13 = arith.constant 0 : i32
    %dma_start3A_14 = arith.constant 0 : i32
    %dma_start3A_15 = tpu.memref_slice %arg11[%dma_start3A_13, %dma_start3A_14] : memref<10016x16xf32, #tpu.memory_space<vmem_shared>> -> memref<10016x16xf32, #tpu.memory_space<vmem_shared>>
    tpu.enqueue_indirect_dma source(%arg9 : memref<128x16xf32, #tpu.memory_space<vmem>>) target(%dma_start3A_15 : memref<10016x16xf32, #tpu.memory_space<vmem_shared>>) offsets(%dma_start3A_12 : memref<128xi32, #tpu.memory_space<vmem>>) semaphore(%arg14 : memref<!tpu.dma_semaphore, #tpu.memory_space<semaphore_mem>>) {add = true}
    %dma_start3A_16 = arith.constant 1 : i32
    %dma_start3A_17 = arith.constant 0 : i32
    %dma_start3A_18 = tpu.memref_slice %arg8[%dma_start3A_16, %dma_start3A_17] : memref<80x128xi32, #tpu.memory_space<vmem>> -> memref<1x128xi32, #tpu.memory_space<vmem>>
    %dma_start3A_19 = tpu.memref_squeeze %dma_start3A_18 : memref<1x128xi32, #tpu.memory_space<vmem>> -> memref<128xi32, #tpu.memory_space<vmem>>
    %dma_start3A_20 = arith.constant 0 : i32
    %dma_start3A_21 = arith.constant 0 : i32
    %dma_start3A_22 = tpu.memref_slice %arg10[%dma_start3A_20, %dma_start3A_21] : memref<10016x16xf32, #tpu.memory_space<vmem_shared>> -> memref<10016x16xf32, #tpu.memory_space<vmem_shared>>
    tpu.enqueue_indirect_dma source(%arg9 : memref<128x16xf32, #tpu.memory_space<vmem>>) target(%dma_start3A_22 : memref<10016x16xf32, #tpu.memory_space<vmem_shared>>) offsets(%dma_start3A_19 : memref<128xi32, #tpu.memory_space<vmem>>) semaphore(%arg13 : memref<!tpu.dma_semaphore, #tpu.memory_space<semaphore_mem>>) {add = true}
    %dma_start3A_23 = arith.constant 1 : i32
    %dma_start3A_24 = arith.constant 0 : i32
    %dma_start3A_25 = tpu.memref_slice %arg7[%dma_start3A_23, %dma_start3A_24] : memref<80x128xi32, #tpu.memory_space<vmem>> -> memref<1x128xi32, #tpu.memory_space<vmem>>
    %dma_start3A_26 = tpu.memref_squeeze %dma_start3A_25 : memref<1x128xi32, #tpu.memory_space<vmem>> -> memref<128xi32, #tpu.memory_space<vmem>>
    %dma_start3A_27 = arith.constant 0 : i32
    %dma_start3A_28 = arith.constant 0 : i32
    %dma_start3A_29 = tpu.memref_slice %arg11[%dma_start3A_27, %dma_start3A_28] : memref<10016x16xf32, #tpu.memory_space<vmem_shared>> -> memref<10016x16xf32, #tpu.memory_space<vmem_shared>>
    tpu.enqueue_indirect_dma source(%arg9 : memref<128x16xf32, #tpu.memory_space<vmem>>) target(%dma_start3A_29 : memref<10016x16xf32, #tpu.memory_space<vmem_shared>>) offsets(%dma_start3A_26 : memref<128xi32, #tpu.memory_space<vmem>>) semaphore(%arg15 : memref<!tpu.dma_semaphore, #tpu.memory_space<semaphore_mem>>) {add = true}
    %scan3A = arith.constant 0 : i32
    %scan3A_30 = arith.constant 1 : i32
    %scan3A_31 = arith.constant 39 : i32
    %scan3A_32 = arith.addi %scan3A_30, %scan3A_31 : i32
    %scan3A_33 = arith.constant 1 : i32
    scf.for %scan3A_64 = %scan3A_30 to %scan3A_32 step %scan3A_33  : i32 {
      %mul3A_65 = arith.constant 2 : i32
      %mul3A_66 = arith.muli %mul3A_65, %scan3A_64 : i32
      %sub3A = arith.constant 2 : i32
      %sub3A_67 = arith.subi %mul3A_66, %sub3A : i32
      %add3A_68 = arith.constant 0 : i32
      %add3A_69 = arith.addi %sub3A_67, %add3A_68 : i32
      %dma_wait3A_70 = arith.constant 0 : i32
      %dma_wait3A_71 = tpu.memref_slice %arg8[%add3A_69, %dma_wait3A_70] : memref<80x128xi32, #tpu.memory_space<vmem>> -> memref<1x128xi32, #tpu.memory_space<vmem>>
      %dma_wait3A_72 = tpu.memref_squeeze %dma_wait3A_71 : memref<1x128xi32, #tpu.memory_space<vmem>> -> memref<128xi32, #tpu.memory_space<vmem>>
      %dma_wait3A_73 = arith.constant 0 : i32
      %dma_wait3A_74 = arith.constant 0 : i32
      %dma_wait3A_75 = tpu.memref_slice %arg10[%dma_wait3A_73, %dma_wait3A_74] : memref<10016x16xf32, #tpu.memory_space<vmem_shared>> -> memref<10016x16xf32, #tpu.memory_space<vmem_shared>>
      tpu.wait_indirect_dma semaphore(%arg12 : memref<!tpu.dma_semaphore, #tpu.memory_space<semaphore_mem>>) src(%arg9 : memref<128x16xf32, #tpu.memory_space<vmem>>) dst(%dma_wait3A_75 : memref<10016x16xf32, #tpu.memory_space<vmem_shared>>)
      %sub3A_76 = arith.constant 2 : i32
      %sub3A_77 = arith.subi %mul3A_66, %sub3A_76 : i32
      %add3A_78 = arith.constant 0 : i32
      %add3A_79 = arith.addi %sub3A_77, %add3A_78 : i32
      %dma_wait3A_80 = arith.constant 0 : i32
      %dma_wait3A_81 = tpu.memref_slice %arg7[%add3A_79, %dma_wait3A_80] : memref<80x128xi32, #tpu.memory_space<vmem>> -> memref<1x128xi32, #tpu.memory_space<vmem>>
      %dma_wait3A_82 = tpu.memref_squeeze %dma_wait3A_81 : memref<1x128xi32, #tpu.memory_space<vmem>> -> memref<128xi32, #tpu.memory_space<vmem>>
      %dma_wait3A_83 = arith.constant 0 : i32
      %dma_wait3A_84 = arith.constant 0 : i32
      %dma_wait3A_85 = tpu.memref_slice %arg11[%dma_wait3A_83, %dma_wait3A_84] : memref<10016x16xf32, #tpu.memory_space<vmem_shared>> -> memref<10016x16xf32, #tpu.memory_space<vmem_shared>>
      tpu.wait_indirect_dma semaphore(%arg14 : memref<!tpu.dma_semaphore, #tpu.memory_space<semaphore_mem>>) src(%arg9 : memref<128x16xf32, #tpu.memory_space<vmem>>) dst(%dma_wait3A_85 : memref<10016x16xf32, #tpu.memory_space<vmem_shared>>)
      %add3A_86 = arith.constant 0 : i32
      %add3A_87 = arith.addi %mul3A_66, %add3A_86 : i32
      %dma_start3A_88 = arith.constant 0 : i32
      %dma_start3A_89 = tpu.memref_slice %arg8[%add3A_87, %dma_start3A_88] : memref<80x128xi32, #tpu.memory_space<vmem>> -> memref<1x128xi32, #tpu.memory_space<vmem>>
      %dma_start3A_90 = tpu.memref_squeeze %dma_start3A_89 : memref<1x128xi32, #tpu.memory_space<vmem>> -> memref<128xi32, #tpu.memory_space<vmem>>
      %dma_start3A_91 = arith.constant 0 : i32
      %dma_start3A_92 = arith.constant 0 : i32
      %dma_start3A_93 = tpu.memref_slice %arg10[%dma_start3A_91, %dma_start3A_92] : memref<10016x16xf32, #tpu.memory_space<vmem_shared>> -> memref<10016x16xf32, #tpu.memory_space<vmem_shared>>
      tpu.enqueue_indirect_dma source(%arg9 : memref<128x16xf32, #tpu.memory_space<vmem>>) target(%dma_start3A_93 : memref<10016x16xf32, #tpu.memory_space<vmem_shared>>) offsets(%dma_start3A_90 : memref<128xi32, #tpu.memory_space<vmem>>) semaphore(%arg12 : memref<!tpu.dma_semaphore, #tpu.memory_space<semaphore_mem>>) {add = true}
      %add3A_94 = arith.constant 0 : i32
      %add3A_95 = arith.addi %mul3A_66, %add3A_94 : i32
      %dma_start3A_96 = arith.constant 0 : i32
      %dma_start3A_97 = tpu.memref_slice %arg7[%add3A_95, %dma_start3A_96] : memref<80x128xi32, #tpu.memory_space<vmem>> -> memref<1x128xi32, #tpu.memory_space<vmem>>
      %dma_start3A_98 = tpu.memref_squeeze %dma_start3A_97 : memref<1x128xi32, #tpu.memory_space<vmem>> -> memref<128xi32, #tpu.memory_space<vmem>>
      %dma_start3A_99 = arith.constant 0 : i32
      %dma_start3A_100 = arith.constant 0 : i32
      %dma_start3A_101 = tpu.memref_slice %arg11[%dma_start3A_99, %dma_start3A_100] : memref<10016x16xf32, #tpu.memory_space<vmem_shared>> -> memref<10016x16xf32, #tpu.memory_space<vmem_shared>>
      tpu.enqueue_indirect_dma source(%arg9 : memref<128x16xf32, #tpu.memory_space<vmem>>) target(%dma_start3A_101 : memref<10016x16xf32, #tpu.memory_space<vmem_shared>>) offsets(%dma_start3A_98 : memref<128xi32, #tpu.memory_space<vmem>>) semaphore(%arg14 : memref<!tpu.dma_semaphore, #tpu.memory_space<semaphore_mem>>) {add = true}
      %sub3A_102 = arith.constant 2 : i32
      %sub3A_103 = arith.subi %mul3A_66, %sub3A_102 : i32
      %add3A_104 = arith.constant 1 : i32
      %add3A_105 = arith.addi %sub3A_103, %add3A_104 : i32
      %dma_wait3A_106 = arith.constant 0 : i32
      %dma_wait3A_107 = tpu.memref_slice %arg8[%add3A_105, %dma_wait3A_106] : memref<80x128xi32, #tpu.memory_space<vmem>> -> memref<1x128xi32, #tpu.memory_space<vmem>>
      %dma_wait3A_108 = tpu.memref_squeeze %dma_wait3A_107 : memref<1x128xi32, #tpu.memory_space<vmem>> -> memref<128xi32, #tpu.memory_space<vmem>>
      %dma_wait3A_109 = arith.constant 0 : i32
      %dma_wait3A_110 = arith.constant 0 : i32
      %dma_wait3A_111 = tpu.memref_slice %arg10[%dma_wait3A_109, %dma_wait3A_110] : memref<10016x16xf32, #tpu.memory_space<vmem_shared>> -> memref<10016x16xf32, #tpu.memory_space<vmem_shared>>
      tpu.wait_indirect_dma semaphore(%arg13 : memref<!tpu.dma_semaphore, #tpu.memory_space<semaphore_mem>>) src(%arg9 : memref<128x16xf32, #tpu.memory_space<vmem>>) dst(%dma_wait3A_111 : memref<10016x16xf32, #tpu.memory_space<vmem_shared>>)
      %sub3A_112 = arith.constant 2 : i32
      %sub3A_113 = arith.subi %mul3A_66, %sub3A_112 : i32
      %add3A_114 = arith.constant 1 : i32
      %add3A_115 = arith.addi %sub3A_113, %add3A_114 : i32
      %dma_wait3A_116 = arith.constant 0 : i32
      %dma_wait3A_117 = tpu.memref_slice %arg7[%add3A_115, %dma_wait3A_116] : memref<80x128xi32, #tpu.memory_space<vmem>> -> memref<1x128xi32, #tpu.memory_space<vmem>>
      %dma_wait3A_118 = tpu.memref_squeeze %dma_wait3A_117 : memref<1x128xi32, #tpu.memory_space<vmem>> -> memref<128xi32, #tpu.memory_space<vmem>>
      %dma_wait3A_119 = arith.constant 0 : i32
      %dma_wait3A_120 = arith.constant 0 : i32
      %dma_wait3A_121 = tpu.memref_slice %arg11[%dma_wait3A_119, %dma_wait3A_120] : memref<10016x16xf32, #tpu.memory_space<vmem_shared>> -> memref<10016x16xf32, #tpu.memory_space<vmem_shared>>
      tpu.wait_indirect_dma semaphore(%arg15 : memref<!tpu.dma_semaphore, #tpu.memory_space<semaphore_mem>>) src(%arg9 : memref<128x16xf32, #tpu.memory_space<vmem>>) dst(%dma_wait3A_121 : memref<10016x16xf32, #tpu.memory_space<vmem_shared>>)
      %add3A_122 = arith.constant 1 : i32
      %add3A_123 = arith.addi %mul3A_66, %add3A_122 : i32
      %dma_start3A_124 = arith.constant 0 : i32
      %dma_start3A_125 = tpu.memref_slice %arg8[%add3A_123, %dma_start3A_124] : memref<80x128xi32, #tpu.memory_space<vmem>> -> memref<1x128xi32, #tpu.memory_space<vmem>>
      %dma_start3A_126 = tpu.memref_squeeze %dma_start3A_125 : memref<1x128xi32, #tpu.memory_space<vmem>> -> memref<128xi32, #tpu.memory_space<vmem>>
      %dma_start3A_127 = arith.constant 0 : i32
      %dma_start3A_128 = arith.constant 0 : i32
      %dma_start3A_129 = tpu.memref_slice %arg10[%dma_start3A_127, %dma_start3A_128] : memref<10016x16xf32, #tpu.memory_space<vmem_shared>> -> memref<10016x16xf32, #tpu.memory_space<vmem_shared>>
      tpu.enqueue_indirect_dma source(%arg9 : memref<128x16xf32, #tpu.memory_space<vmem>>) target(%dma_start3A_129 : memref<10016x16xf32, #tpu.memory_space<vmem_shared>>) offsets(%dma_start3A_126 : memref<128xi32, #tpu.memory_space<vmem>>) semaphore(%arg13 : memref<!tpu.dma_semaphore, #tpu.memory_space<semaphore_mem>>) {add = true}
      %add3A_130 = arith.constant 1 : i32
      %add3A_131 = arith.addi %mul3A_66, %add3A_130 : i32
      %dma_start3A_132 = arith.constant 0 : i32
      %dma_start3A_133 = tpu.memref_slice %arg7[%add3A_131, %dma_start3A_132] : memref<80x128xi32, #tpu.memory_space<vmem>> -> memref<1x128xi32, #tpu.memory_space<vmem>>
      %dma_start3A_134 = tpu.memref_squeeze %dma_start3A_133 : memref<1x128xi32, #tpu.memory_space<vmem>> -> memref<128xi32, #tpu.memory_space<vmem>>
      %dma_start3A_135 = arith.constant 0 : i32
      %dma_start3A_136 = arith.constant 0 : i32
      %dma_start3A_137 = tpu.memref_slice %arg11[%dma_start3A_135, %dma_start3A_136] : memref<10016x16xf32, #tpu.memory_space<vmem_shared>> -> memref<10016x16xf32, #tpu.memory_space<vmem_shared>>
      tpu.enqueue_indirect_dma source(%arg9 : memref<128x16xf32, #tpu.memory_space<vmem>>) target(%dma_start3A_137 : memref<10016x16xf32, #tpu.memory_space<vmem_shared>>) offsets(%dma_start3A_134 : memref<128xi32, #tpu.memory_space<vmem>>) semaphore(%arg15 : memref<!tpu.dma_semaphore, #tpu.memory_space<semaphore_mem>>) {add = true}
    }
    %scan3A_34 = arith.constant 39 : i32
    %dma_wait3A = arith.constant 78 : i32
    %dma_wait3A_35 = arith.constant 0 : i32
    %dma_wait3A_36 = tpu.memref_slice %arg8[%dma_wait3A, %dma_wait3A_35] : memref<80x128xi32, #tpu.memory_space<vmem>> -> memref<1x128xi32, #tpu.memory_space<vmem>>
    %dma_wait3A_37 = tpu.memref_squeeze %dma_wait3A_36 : memref<1x128xi32, #tpu.memory_space<vmem>> -> memref<128xi32, #tpu.memory_space<vmem>>
    %dma_wait3A_38 = arith.constant 0 : i32
    %dma_wait3A_39 = arith.constant 0 : i32
    %dma_wait3A_40 = tpu.memref_slice %arg10[%dma_wait3A_38, %dma_wait3A_39] : memref<10016x16xf32, #tpu.memory_space<vmem_shared>> -> memref<10016x16xf32, #tpu.memory_space<vmem_shared>>
    tpu.wait_indirect_dma semaphore(%arg12 : memref<!tpu.dma_semaphore, #tpu.memory_space<semaphore_mem>>) src(%arg9 : memref<128x16xf32, #tpu.memory_space<vmem>>) dst(%dma_wait3A_40 : memref<10016x16xf32, #tpu.memory_space<vmem_shared>>)
    %dma_wait3A_41 = arith.constant 78 : i32
    %dma_wait3A_42 = arith.constant 0 : i32
    %dma_wait3A_43 = tpu.memref_slice %arg7[%dma_wait3A_41, %dma_wait3A_42] : memref<80x128xi32, #tpu.memory_space<vmem>> -> memref<1x128xi32, #tpu.memory_space<vmem>>
    %dma_wait3A_44 = tpu.memref_squeeze %dma_wait3A_43 : memref<1x128xi32, #tpu.memory_space<vmem>> -> memref<128xi32, #tpu.memory_space<vmem>>
    %dma_wait3A_45 = arith.constant 0 : i32
    %dma_wait3A_46 = arith.constant 0 : i32
    %dma_wait3A_47 = tpu.memref_slice %arg11[%dma_wait3A_45, %dma_wait3A_46] : memref<10016x16xf32, #tpu.memory_space<vmem_shared>> -> memref<10016x16xf32, #tpu.memory_space<vmem_shared>>
    tpu.wait_indirect_dma semaphore(%arg14 : memref<!tpu.dma_semaphore, #tpu.memory_space<semaphore_mem>>) src(%arg9 : memref<128x16xf32, #tpu.memory_space<vmem>>) dst(%dma_wait3A_47 : memref<10016x16xf32, #tpu.memory_space<vmem_shared>>)
    %dma_wait3A_48 = arith.constant 79 : i32
    %dma_wait3A_49 = arith.constant 0 : i32
    %dma_wait3A_50 = tpu.memref_slice %arg8[%dma_wait3A_48, %dma_wait3A_49] : memref<80x128xi32, #tpu.memory_space<vmem>> -> memref<1x128xi32, #tpu.memory_space<vmem>>
    %dma_wait3A_51 = tpu.memref_squeeze %dma_wait3A_50 : memref<1x128xi32, #tpu.memory_space<vmem>> -> memref<128xi32, #tpu.memory_space<vmem>>
    %dma_wait3A_52 = arith.constant 0 : i32
    %dma_wait3A_53 = arith.constant 0 : i32
    %dma_wait3A_54 = tpu.memref_slice %arg10[%dma_wait3A_52, %dma_wait3A_53] : memref<10016x16xf32, #tpu.memory_space<vmem_shared>> -> memref<10016x16xf32, #tpu.memory_space<vmem_shared>>
    tpu.wait_indirect_dma semaphore(%arg13 : memref<!tpu.dma_semaphore, #tpu.memory_space<semaphore_mem>>) src(%arg9 : memref<128x16xf32, #tpu.memory_space<vmem>>) dst(%dma_wait3A_54 : memref<10016x16xf32, #tpu.memory_space<vmem_shared>>)
    %dma_wait3A_55 = arith.constant 79 : i32
    %dma_wait3A_56 = arith.constant 0 : i32
    %dma_wait3A_57 = tpu.memref_slice %arg7[%dma_wait3A_55, %dma_wait3A_56] : memref<80x128xi32, #tpu.memory_space<vmem>> -> memref<1x128xi32, #tpu.memory_space<vmem>>
    %dma_wait3A_58 = tpu.memref_squeeze %dma_wait3A_57 : memref<1x128xi32, #tpu.memory_space<vmem>> -> memref<128xi32, #tpu.memory_space<vmem>>
    %dma_wait3A_59 = arith.constant 0 : i32
    %dma_wait3A_60 = arith.constant 0 : i32
    %dma_wait3A_61 = tpu.memref_slice %arg11[%dma_wait3A_59, %dma_wait3A_60] : memref<10016x16xf32, #tpu.memory_space<vmem_shared>> -> memref<10016x16xf32, #tpu.memory_space<vmem_shared>>
    tpu.wait_indirect_dma semaphore(%arg15 : memref<!tpu.dma_semaphore, #tpu.memory_space<semaphore_mem>>) src(%arg9 : memref<128x16xf32, #tpu.memory_space<vmem>>) dst(%dma_wait3A_61 : memref<10016x16xf32, #tpu.memory_space<vmem_shared>>)
    %barrier3A_62 = arith.constant 0 : index
    tpu.barrier barrier_id(%barrier3A_62)
    %run_scoped3A = arith.constant 0 : i32
    "tpu.region"() ({
      %run_scoped3A_64 = tpu.sem_alloc : memref<!tpu.dma_semaphore, #tpu.memory_space<semaphore_mem>>
      %dma_start3A_65 = arith.constant 0 : i32
      %dma_start3A_66 = tpu.memref_slice %arg6[%run_scoped3A, %arg0, %mul3A_2, %dma_start3A_65] : memref<2x2x10016x16xf32, #tpu.memory_space<hbm>> -> memref<1x1x626x16xf32, #tpu.memory_space<hbm>>
      %dma_start3A_67 = tpu.memref_squeeze %dma_start3A_66 : memref<1x1x626x16xf32, #tpu.memory_space<hbm>> -> memref<626x16xf32, #tpu.memory_space<hbm>>
      %dma_start3A_68 = arith.constant 0 : i32
      %dma_start3A_69 = tpu.memref_slice %arg10[%mul3A_2, %dma_start3A_68] : memref<10016x16xf32, #tpu.memory_space<vmem_shared>> -> memref<626x16xf32, #tpu.memory_space<vmem_shared>>
      tpu.enqueue_dma source(%dma_start3A_69 : memref<626x16xf32, #tpu.memory_space<vmem_shared>>) target(%dma_start3A_67 : memref<626x16xf32, #tpu.memory_space<hbm>>) target_semaphore(%run_scoped3A_64 : memref<!tpu.dma_semaphore, #tpu.memory_space<semaphore_mem>>)
      %dma_wait3A_70 = arith.constant 0 : i32
      %dma_wait3A_71 = tpu.memref_slice %arg6[%run_scoped3A, %arg0, %mul3A_2, %dma_wait3A_70] : memref<2x2x10016x16xf32, #tpu.memory_space<hbm>> -> memref<1x1x626x16xf32, #tpu.memory_space<hbm>>
      %dma_wait3A_72 = tpu.memref_squeeze %dma_wait3A_71 : memref<1x1x626x16xf32, #tpu.memory_space<hbm>> -> memref<626x16xf32, #tpu.memory_space<hbm>>
      %dma_wait3A_73 = arith.constant 0 : i32
      %dma_wait3A_74 = tpu.memref_slice %arg10[%mul3A_2, %dma_wait3A_73] : memref<10016x16xf32, #tpu.memory_space<vmem_shared>> -> memref<626x16xf32, #tpu.memory_space<vmem_shared>>
      tpu.wait_dma2 semaphore(%run_scoped3A_64 : memref<!tpu.dma_semaphore, #tpu.memory_space<semaphore_mem>>) src(%dma_wait3A_74 : memref<626x16xf32, #tpu.memory_space<vmem_shared>>) dst(%dma_wait3A_72 : memref<626x16xf32, #tpu.memory_space<hbm>>)
      tpu.yield
    }) : () -> ()
    %run_scoped3A_63 = arith.constant 1 : i32
    "tpu.region"() ({
      %run_scoped3A_64 = tpu.sem_alloc : memref<!tpu.dma_semaphore, #tpu.memory_space<semaphore_mem>>
      %dma_start3A_65 = arith.constant 0 : i32
      %dma_start3A_66 = tpu.memref_slice %arg6[%run_scoped3A_63, %arg0, %mul3A_2, %dma_start3A_65] : memref<2x2x10016x16xf32, #tpu.memory_space<hbm>> -> memref<1x1x626x16xf32, #tpu.memory_space<hbm>>
      %dma_start3A_67 = tpu.memref_squeeze %dma_start3A_66 : memref<1x1x626x16xf32, #tpu.memory_space<hbm>> -> memref<626x16xf32, #tpu.memory_space<hbm>>
      %dma_start3A_68 = arith.constant 0 : i32
      %dma_start3A_69 = tpu.memref_slice %arg11[%mul3A_2, %dma_start3A_68] : memref<10016x16xf32, #tpu.memory_space<vmem_shared>> -> memref<626x16xf32, #tpu.memory_space<vmem_shared>>
      tpu.enqueue_dma source(%dma_start3A_69 : memref<626x16xf32, #tpu.memory_space<vmem_shared>>) target(%dma_start3A_67 : memref<626x16xf32, #tpu.memory_space<hbm>>) target_semaphore(%run_scoped3A_64 : memref<!tpu.dma_semaphore, #tpu.memory_space<semaphore_mem>>)
      %dma_wait3A_70 = arith.constant 0 : i32
      %dma_wait3A_71 = tpu.memref_slice %arg6[%run_scoped3A_63, %arg0, %mul3A_2, %dma_wait3A_70] : memref<2x2x10016x16xf32, #tpu.memory_space<hbm>> -> memref<1x1x626x16xf32, #tpu.memory_space<hbm>>
      %dma_wait3A_72 = tpu.memref_squeeze %dma_wait3A_71 : memref<1x1x626x16xf32, #tpu.memory_space<hbm>> -> memref<626x16xf32, #tpu.memory_space<hbm>>
      %dma_wait3A_73 = arith.constant 0 : i32
      %dma_wait3A_74 = tpu.memref_slice %arg11[%mul3A_2, %dma_wait3A_73] : memref<10016x16xf32, #tpu.memory_space<vmem_shared>> -> memref<626x16xf32, #tpu.memory_space<vmem_shared>>
      tpu.wait_dma2 semaphore(%run_scoped3A_64 : memref<!tpu.dma_semaphore, #tpu.memory_space<semaphore_mem>>) src(%dma_wait3A_74 : memref<626x16xf32, #tpu.memory_space<vmem_shared>>) dst(%dma_wait3A_72 : memref<626x16xf32, #tpu.memory_space<hbm>>)
      tpu.yield
    }) : () -> ()
    return
  }
}

module attributes {stable_mosaic.version = 14 : i64} {
  func.func @body(%arg0: i32, %arg1: memref<400x64xf32, #tpu.memory_space<vmem>>, %arg2: memref<400x64xf32, #tpu.memory_space<vmem>>, %arg3: memref<400x16xf32, #tpu.memory_space<vmem>>, %arg4: memref<400x16xf32, #tpu.memory_space<vmem>>, %arg5: memref<400x128xf32, #tpu.memory_space<vmem>>) attributes {dimension_semantics = [#tpu.dimension_semantics<arbitrary>], iteration_bounds = array<i64: 25>, scalar_prefetch = 0 : i64, scratch_operands = 0 : i64, tpu.core_type = #tpu.core_type<tc>, window_params = [{transform_indices = @transform_0, window_bounds = array<i64: 400, 64>}, {transform_indices = @transform_1, window_bounds = array<i64: 400, 64>}, {transform_indices = @transform_2, window_bounds = array<i64: 400, 16>}, {transform_indices = @transform_3, window_bounds = array<i64: 400, 16>}, {transform_indices = @transform_4, window_bounds = array<i64: 400, 128>}]} {
    %get3A = arith.constant 0 : index
    %get3A_0 = arith.constant 0 : index
    %get3A_1 = vector.load %arg3[%get3A, %get3A_0] : memref<400x16xf32, #tpu.memory_space<vmem>>, vector<400x16xf32>
    %slice3A = vector.extract_strided_slice %get3A_1 {offsets = [0, 0], sizes = [400, 1], strides = [1, 1]} : vector<400x16xf32> to vector<400x1xf32>
    %get3A_2 = arith.constant 0 : index
    %get3A_3 = arith.constant 0 : index
    %get3A_4 = vector.load %arg4[%get3A_2, %get3A_3] : memref<400x16xf32, #tpu.memory_space<vmem>>, vector<400x16xf32>
    %slice3A_5 = vector.extract_strided_slice %get3A_4 {offsets = [0, 0], sizes = [400, 1], strides = [1, 1]} : vector<400x16xf32> to vector<400x1xf32>
    %add3A = arith.addf %slice3A, %slice3A_5 : vector<400x1xf32>
    %gt3A = arith.constant 0.000000e+00 : f32
    %gt3A_6 = vector.broadcast %gt3A : f32 to vector<400x1xf32>
    %gt3A_7 = arith.cmpf ogt, %add3A, %gt3A_6 : vector<400x1xf32>
    %div3A = arith.constant 1.000000e+00 : f32
    %div3A_8 = vector.broadcast %div3A : f32 to vector<400x1xf32>
    %div3A_9 = arith.divf %div3A_8, %add3A : vector<400x1xf32>
    %jit3A = arith.constant 0.000000e+00 : f32
    %broadcast_in_dim3A = vector.broadcast %jit3A : f32 to vector<400x1xf32>
    %select_n3A = arith.select %gt3A_7, %div3A_9, %broadcast_in_dim3A : vector<400x1xi1>, vector<400x1xf32>
    %get3A_10 = arith.constant 0 : index
    %get3A_11 = arith.constant 0 : index
    %get3A_12 = vector.load %arg1[%get3A_10, %get3A_11] : memref<400x64xf32, #tpu.memory_space<vmem>>, vector<400x64xf32>
    %mul3A = vector.broadcast %select_n3A : vector<400x1xf32> to vector<400x64xf32>
    %mul3A_13 = arith.mulf %get3A_12, %mul3A : vector<400x64xf32>
    %max3A = arith.constant 0.000000e+00 : f32
    %max3A_14 = vector.broadcast %max3A : f32 to vector<400x64xf32>
    %max3A_15 = arith.maximumf %mul3A_13, %max3A_14 : vector<400x64xf32>
    %get3A_16 = arith.constant 0 : index
    %get3A_17 = arith.constant 0 : index
    %get3A_18 = vector.load %arg2[%get3A_16, %get3A_17] : memref<400x64xf32, #tpu.memory_space<vmem>>, vector<400x64xf32>
    %mul3A_19 = vector.broadcast %select_n3A : vector<400x1xf32> to vector<400x64xf32>
    %mul3A_20 = arith.mulf %get3A_18, %mul3A_19 : vector<400x64xf32>
    %max3A_21 = arith.constant 0.000000e+00 : f32
    %max3A_22 = vector.broadcast %max3A_21 : f32 to vector<400x64xf32>
    %max3A_23 = arith.maximumf %mul3A_20, %max3A_22 : vector<400x64xf32>
    %mul3A_24 = arith.mulf %max3A_15, %max3A_15 : vector<400x64xf32>
    %reduce_sum3A = arith.constant dense<0.000000e+00> : vector<400xf32>
    %reduce_sum3A_25 = vector.multi_reduction <add>, %mul3A_24, %reduce_sum3A [1] : vector<400x64xf32> to vector<400xf32>
    %broadcast_in_dim3A_26 = vector.shape_cast %reduce_sum3A_25 : vector<400xf32> to vector<400x1xf32>
    %mul3A_27 = arith.mulf %max3A_23, %max3A_23 : vector<400x64xf32>
    %reduce_sum3A_28 = arith.constant dense<0.000000e+00> : vector<400xf32>
    %reduce_sum3A_29 = vector.multi_reduction <add>, %mul3A_27, %reduce_sum3A_28 [1] : vector<400x64xf32> to vector<400xf32>
    %broadcast_in_dim3A_30 = vector.shape_cast %reduce_sum3A_29 : vector<400xf32> to vector<400x1xf32>
    %add3A_31 = arith.addf %broadcast_in_dim3A_26, %broadcast_in_dim3A_30 : vector<400x1xf32>
    %sqrt3A = math.sqrt %add3A_31 : vector<400x1xf32>
    %max3A_32 = arith.constant 9.99999996E-13 : f32
    %max3A_33 = vector.broadcast %max3A_32 : f32 to vector<400x1xf32>
    %max3A_34 = arith.maximumf %sqrt3A, %max3A_33 : vector<400x1xf32>
    %div3A_35 = arith.constant 1.000000e+00 : f32
    %div3A_36 = vector.broadcast %div3A_35 : f32 to vector<400x1xf32>
    %div3A_37 = arith.divf %div3A_36, %max3A_34 : vector<400x1xf32>
    %mul3A_38 = vector.broadcast %div3A_37 : vector<400x1xf32> to vector<400x64xf32>
    %mul3A_39 = arith.mulf %max3A_15, %mul3A_38 : vector<400x64xf32>
    %swap3A = arith.constant 0 : index
    %swap3A_40 = arith.constant 0 : index
    %swap3A_41 = vector.load %arg5[%swap3A, %swap3A_40] : memref<400x128xf32, #tpu.memory_space<vmem>>, vector<400x64xf32>
    tpu.vector_store %arg5[%swap3A, %swap3A_40], %mul3A_39 {strides = array<i32>} : memref<400x128xf32, #tpu.memory_space<vmem>>, vector<400x64xf32>,
    %mul3A_42 = vector.broadcast %div3A_37 : vector<400x1xf32> to vector<400x64xf32>
    %mul3A_43 = arith.mulf %max3A_23, %mul3A_42 : vector<400x64xf32>
    %swap3A_44 = arith.constant 0 : index
    %swap3A_45 = arith.constant 64 : index
    %swap3A_46 = vector.load %arg5[%swap3A_44, %swap3A_45] : memref<400x128xf32, #tpu.memory_space<vmem>>, vector<400x64xf32>
    tpu.vector_store %arg5[%swap3A_44, %swap3A_45], %mul3A_43 {strides = array<i32>} : memref<400x128xf32, #tpu.memory_space<vmem>>, vector<400x64xf32>,
    return
  }
  func.func @transform_0(%arg0: i32) -> (i32, i32) {
    %c0_i32 = arith.constant 0 : i32
    %c0_i32_0 = arith.constant 0 : i32
    return %arg0, %c0_i32 : i32, i32
  }
  func.func @transform_1(%arg0: i32) -> (i32, i32) {
    %c0_i32 = arith.constant 0 : i32
    %c0_i32_0 = arith.constant 0 : i32
    return %arg0, %c0_i32 : i32, i32
  }
  func.func @transform_2(%arg0: i32) -> (i32, i32) {
    %c0_i32 = arith.constant 0 : i32
    %c0_i32_0 = arith.constant 0 : i32
    return %arg0, %c0_i32 : i32, i32
  }
  func.func @transform_3(%arg0: i32) -> (i32, i32) {
    %c0_i32 = arith.constant 0 : i32
    %c0_i32_0 = arith.constant 0 : i32
    return %arg0, %c0_i32 : i32, i32
  }
  func.func @transform_4(%arg0: i32) -> (i32, i32) {
    %c0_i32 = arith.constant 0 : i32
    %c0_i32_0 = arith.constant 0 : i32
    return %arg0, %c0_i32 : i32, i32
  }
}

</mosaic_0001>

<sc_bundles>
// kernel: kernel.5.cloned.1.call-start
scs
__scs_entry_jumppad:
0x0: {  	(pc) =	sbr.rel $0x88, $3  }
0x1: {  	(tag) =	ssettag $0x0;
	lr =	simm.s32 $0x1  }
0x2: {  	[smem:$0x3F9F] =	sst lr;
	_ =	strace $0xD0000000  }
0x3: {  	_ = 	snop  }
0x4: {  	_ = 	snop  }
0x5: {  	_ = 	snop  }
0x6: {  	_ = 	snop  }
0x7: {  	_ = 	snop  }
__scs_overlays_trampoline_lowered:
0x8: {  	[smem:$0x3FAE] =	sst s0  }
0x9: {  	[smem:$0x3FAF] =	sst s1  }
0xa: {  	[smem:$0x3FB0] =	sst s2  }
0xb: {  	[smem:$0x3FB1] =	sst s3  }
0xc: {  	[smem:$0x3FB2] =	sst s4  }
0xd: {  	[smem:$0x3FB3] =	sst s5  }
0xe: {  	[smem:$0x3FB4] =	sst s6  }
0xf: {  	[smem:$0x3FB5] =	sst s7  }
0x10: {  	[smem:$0x3FB6] =	sst s8  }
0x11: {  	[smem:$0x3FB7] =	sst s9;
	s0 =	simm.s32 @!p0 $0x0  }
0x12: {  	s1 =	sld [smem:$0x3F9D];
	s0 =	simm.s32 @p0 $0x1  }
0x13: {  	[smem:$0x3FB8] =	sst s0;
	s0 =	simm.s32 @!p1 $0x0  }
0x14: {  	s2 =	sld [smem:$0x3F9C];
	s0 =	simm.s32 @p1 $0x1  }
0x15: {  	[smem:$0x3FB9] =	sst s0;
	s0 =	simm.s32 @!p2 $0x0  }
0x16: {  	s3 =	sld [smem:$0x3FDB];
	s0 =	simm.s32 @p2 $0x1  }
0x17: {  	s4 =	simm.s32 $0x1BF5;
	[smem:$0x3FBB] =	sst s0  }
0x18: {  	s0 =	sld [smem:$0x3F9E];
	_ =	swait.ge [sflag:s4], $0x0  }
0x19: {  	s7 =	sld [smem:$0x3F9F]  }
0x1a: {  	s8 =	sadd.s32 $0xFFFFE003, lr  }
0x1b: {  	s9 =	sadd.s32 $0xFFFFFEF7, lr;
	s5 =	simm.s32 $0xFFFFFFFF;
	p2 =	slt.u32 s8, $0xFFFFF086  }
0x1c: {  	p1 =	slt.u32 s9, $0xF7A;
	s5 =	simm.s32 @!p2 $0x0  }
0x1d: {  	s5 =	simm.s32 @p1 $0x1;
	p0 =	seq.s32 s7, s2  }
0x1e: {  	s7 =	smul.u32 @!p0 $0xF7A, s2;
	p2 =	seq.s32 @!p0 s5, $0x0  }
0x1f: {  	s9 =	smul.u32 $0xF7A, s1;
	s8 =	simm.s32 @!p0 $0x1BF5;
	p2 =	por !p2, p0  }
0x20: {  	[sflag:s8] =	ssyncset.s32 @!p0 $0xFFFFF086;
	s6 =	sadd.s32 @!p0 s3, s7;
	s7 =	simm.s32 @!p0 $0x108  }
0x21: {  	s3 =	sadd.s32 s3, s9;
	s6 =	sadd.s32 @!p0 $0x88, s6;
	s7 =	simm.s32 @p2 $0x1082  }
0x22: {  	[simem:s7], [sflag:s8] =	dma.local @!p0 [hbm:s6], $0xF7A  }
0x23: {  	s9 =	sor.u32 $0xD0000000, s2;
	s6 =	simm.s32 $0x108;
	_ =	swait.ge @!p0 [sflag:s8], $0x0  }
0x24: {  	s3 =	sadd.s32 $0x88, s3;
	s6 =	simm.s32 @!p1 $0x1082;
	[sflag:s4] =	ssyncset.s32 $0xFFFFF086  }
0x25: {  	[simem:s6], [sflag:s4] =	dma.local [hbm:s3], $0xF7A  }
0x26: {  	[smem:$0x3F9F] =	sst s1;
	(tag) =	ssettag s2;
	_ =	strace s9  }
0x27: {  	s1 =	sld [smem:$0x3FAF]  }
0x28: {  	s2 =	sld [smem:$0x3FB0]  }
0x29: {  	s4 =	sld [smem:$0x3FB2]  }
0x2a: {  	p0 =	seq.s32 s5, $0x0;
	s5 =	sld [smem:$0x3FB3]  }
0x2b: {  	s6 =	sld [smem:$0x3FB4]  }
0x2c: {  	s7 =	sld [smem:$0x3FB5]  }
0x2d: {  	s3 =	simm.s32 $0x108;
	s8 =	sld [smem:$0x3FB6]  }
0x2e: {  	s3 =	simm.s32 @!p0 $0x1082;
	s9 =	sld [smem:$0x3FB7]  }
0x2f: {  	lr =	sadd.s32 s0, s3;
	s0 =	sld [smem:$0x3FAE]  }
0x30: {  	s3 =	sld [smem:$0x3FB1]  }
0x31: {  	[smem:$0x3FBA] =	sst s10  }
0x32: {  	s10 =	sld [smem:$0x3FB8];
	_ =	sdelay $0x3  }
0x33: {  	p0 =	seq.s32 s10, $0x1;
	s10 =	sld [smem:$0x3FBA];
	_ =	sdelay $0x3  }
0x34: {  	[smem:$0x3FBA] =	sst s10  }
0x35: {  	s10 =	sld [smem:$0x3FB9];
	_ =	sdelay $0x3  }
0x36: {  	p1 =	seq.s32 s10, $0x1;
	s10 =	sld [smem:$0x3FBA];
	_ =	sdelay $0x3  }
0x37: {  	[smem:$0x3FBA] =	sst s10  }
0x38: {  	s10 =	sld [smem:$0x3FBB]  }
0x39: {  	_ = 	snop;
	(pc) =	sbr.ind lr, $3  }
0x3a: {  	_ = 	snop  }
0x3b: {  	_ = 	snop  }
0x3c: {  	p2 =	seq.s32 s10, $0x1;
	s10 =	sld [smem:$0x3FBA]  }
0x3d: {  	_ =	shalt  }
0x3e: {  	_ =	shalt  }
0x3f: {  	_ =	shalt  }
0x40: {  	_ =	shalt  }
0x41: {  	_ =	shalt  }
0x42: {  	_ =	shalt  }
0x43: {  	_ =	shalt  }
0x44: {  	_ =	shalt  }
0x45: {  	_ =	shalt  }
0x46: {  	_ =	shalt  }
0x47: {  	_ =	shalt  }
0x48: {  	_ =	shalt  }
0x49: {  	_ =	shalt  }
0x4a: {  	_ =	shalt  }
0x4b: {  	_ =	shalt  }
0x4c: {  	_ =	shalt  }
0x4d: {  	_ =	shalt  }
0x4e: {  	_ =	shalt  }
0x4f: {  	_ =	shalt  }
0x50: {  	_ =	shalt  }
0x51: {  	_ =	shalt  }
0x52: {  	_ =	shalt  }
0x53: {  	_ =	shalt  }
0x54: {  	_ =	shalt  }
0x55: {  	_ =	shalt  }
0x56: {  	_ =	shalt  }
0x57: {  	_ =	shalt  }
0x58: {  	_ =	shalt  }
0x59: {  	_ =	shalt  }
0x5a: {  	_ =	shalt  }
0x5b: {  	_ =	shalt  }
0x5c: {  	_ =	shalt  }
0x5d: {  	_ =	shalt  }
0x5e: {  	_ =	shalt  }
0x5f: {  	_ =	shalt  }
0x60: {  	_ =	shalt  }
0x61: {  	_ =	shalt  }
0x62: {  	_ =	shalt  }
0x63: {  	_ =	shalt  }
0x64: {  	_ =	shalt  }
0x65: {  	_ =	shalt  }
0x66: {  	_ =	shalt  }
0x67: {  	_ =	shalt  }
0x68: {  	_ =	shalt  }
0x69: {  	_ =	shalt  }
0x6a: {  	_ =	shalt  }
0x6b: {  	_ =	shalt  }
0x6c: {  	_ =	shalt  }
0x6d: {  	_ =	shalt  }
0x6e: {  	_ =	shalt  }
0x6f: {  	_ =	shalt  }
0x70: {  	_ =	shalt  }
0x71: {  	_ =	shalt  }
0x72: {  	_ =	shalt  }
0x73: {  	_ =	shalt  }
0x74: {  	_ =	shalt  }
0x75: {  	_ =	shalt  }
0x76: {  	_ =	shalt  }
0x77: {  	_ =	shalt  }
0x78: {  	_ =	shalt  }
0x79: {  	_ =	shalt  }
0x7a: {  	_ =	shalt  }
0x7b: {  	_ =	shalt  }
0x7c: {  	_ =	shalt  }
0x7d: {  	_ =	shalt  }
0x7e: {  	_ =	shalt  }
0x7f: {  	_ =	shalt  }
0x80: {  	_ =	shalt  }
0x81: {  	_ =	shalt  }
0x82: {  	_ =	shalt  }
0x83: {  	_ =	shalt  }
0x84: {  	_ =	shalt  }
0x85: {  	_ =	shalt  }
0x86: {  	_ =	shalt  }
0x87: {  	_ =	shalt  }
.Lfunc_end0:
.L_simem_size_0:
called_computation_lowered:
.L_overlay_start_0:
0x88: {  	s2 =	sld [smem:$0x3FD9]  }
0x89: {  	s3 =	sld [smem:$0x3FFE];
	_ =	sdelay $0x1  }
0x8a: {  	s1 =	srdreg.scid  }
0x8b: {  	s0 =	sand.u32 $0x1, s1  }
0x8c: {  	s17 =	sshll.u32 s0, $0xA;
	s2 =	sadd.s32 s3, s2  }
0x8d: {  	s2 =	sadd.s32 s2, s17  }
0x8e: {  	[smem:$0x3FC6] =	sst s2  }
0x8f: {  	_ = 	snop  }
0x90: {  	s2 =	sld [smem:$0x3FD0];
	(tm) =	ssettm $0x1  }
0x91: {  	s18 =	sld [smem:$0x3FFB];
	_ =	sdelay $0x3  }
0x92: {  	_ =	strace s18  }
0x93: {  	s3 =	sld [smem:$0x3FFC];
	_ =	sdelay $0x3  }
0x94: {  	_ =	strace s3  }
0x95: {  	s3 =	sld [smem:$0x3FFD];
	_ =	sdelay $0x3  }
0x96: {  	_ =	strace s3  }
0x97: {  	_ =	strace $0x8FFFFFFF  }
0x98: {  	s19 =	sld [smem:$0x3FDB];
	_ =	sdelay $0x1  }
0x99: {  	s4 =	simm.s32 $_scs_section_size  }
0x9a: {  	s5 =	simm.s32 $_size__tile_overlayer_lowered;
	s6 =	simm.s32 $_tile_overlayer_lowered  }
0x9b: {  	s22 =	simm.s32 $0x1BFF;
	s21 =	sshll.u32 s6, $0x1;
	s3 =	sadd.s32 s4, s19  }
0x9c: {  	s7 =	simm.s32 $0x0;
	s20 =	sshll.u32 s5, $0x1;
	s5 =	sadd.s32 s21, s3  }
0x9d: {  	[timem:s7], [sflag:s22] =	dma.local [hbm:s5], s20  }
0x9e: {  	_ =	swait.ge [sflag:s22], s20  }
0x9f: {  	s4 =	ssub.s32 $0x0, s20;
	[sflag:s22] =	ssyncset.done $0x0  }
0xa0: {  	[sflag:s22] =	ssyncadd.s32 s4;
	_ =	sdelay $0x1  }
0xa1: {  	s23 =	simm.s32 $0x1B8B  }
0xa2: {  	_ =	swait.ge [sflag:s23], $0x1  }
0xa3: {  	[sflag:s23] =	ssyncset.done $0x0  }
0xa4: {  	s25 =	simm.s32 $0x1B8E;
	s24 =	sld [smem:$0x3FFE];
	[sflag:s23] =	ssyncadd.s32 $0xFFFFFFFF  }
0xa5: {  	s26 =	simm.s32 $execute0_lowered;
	[smem:$0x3FD2] =	sst s25  }
0xa6: {  	s5 =	sshll.u32 s26, $0x1;
	_ =	strace $0x80000046;
	[dreg:$0x1] =	wrdreg $0xFFFFFFFF  }
0xa7: {  	s28 =	simm.s32 $_size_execute0_lowered;
	s3 =	sadd.s32 s3, s5;
	[dreg:$0x0] =	wrdreg $0x0  }
0xa8: {  	s5 =	sshll.u32 s28, $0x1;
	[dreg:$0x2] =	wrdreg s3  }
0xa9: {  	[dreg:$0x3] =	wrdreg s5  }
0xaa: {  	[dreg:$0x4] =	wrdreg $0xC0  }
0xab: {  	_ =	task [dreg:s7], $0x5FFFF  }
0xac: {  	[dreg:$0x1] =	wrdreg $0xFFFFFFFF  }
0xad: {  	[dreg:$0x0] =	wrdreg $0x60  }
0xae: {  	[dreg:$0x2] =	wrdreg s24  }
0xaf: {  	[dreg:$0x3] =	wrdreg s2  }
0xb0: {  	[dreg:$0x4] =	wrdreg $0x58000  }
0xb1: {  	[dreg:$0x5] =	wrdreg $0x7F200  }
0xb2: {  	[dreg:$0x6] =	wrdreg $0x9  }
0xb3: {  	_ =	task.clear_ibuf [dreg:s7], $0x7FFFF;
	_ =	strace $0x90000046  }
0xb4: {  	s29 =	simm.s32 $0x9;
	_ =	strace $0x80000048  }
0xb5: {  	_ =	swait.ge [sflag:s29], $0x1  }
0xb6: {  	[sflag:s29] =	ssyncadd.s32 $0xFFFFFFFF  }
0xb7: {  	_ =	strace $0x90000048  }
0xb8: {  	_ =	sfence  }
0xb9: {  	s30 =	sld [smem:$0x0];
	_ =	sdelay $0x2  }
0xba: {  	s31 =	sshll.u32 s1, $0xD;
	s1 =	sshrl.u32 s1, $0x2  }
0xbb: {  	s3 =	sand.u32 $0x4000, s31;
	s1 =	sadd.s32 s1, s30  }
0xbc: {  	s0 =	sor.u32 s3, s0;
	s1 =	sshll.u32 s1, $0x11  }
0xbd: {  	s0 =	sor.u32 s1, s0  }
0xbe: {  	s0 =	sadd.s32 $0x8F2B, s0  }
0xbf: {  	[sflag:s0] =	ssyncadd.remote.s32 $0x1  }
0xc0: {  	_ =	sfence.sel $0xFFFF  }
0xc1: {  	[dreg:$0x0] =	wrdreg $0xFFFFFFFF;
	(pc) =	sbr.abs _section_cstart, $3  }
0xc2: {  	[dreg:$0x1] =	wrdreg $0xFFFFFFFF  }
0xc3: {  	_ =	task.clear_ibuf [dreg:s7], $0x2FFFF;
	_ =	strace $0x9FFFFFFF  }
0xc4: {  	(tm) =	ssettm $0x7FFFFFFF  }
0xc5: {  	_ =	shalt  }
tec
execute0_lowered:
.L_overlay_start_1:
0x0: {  	(tag) =	ssettag $0x1  }
0x1: {  	s6 =	rddreg [dreg:$0x0]  }
0x2: {  	s9 =	rddreg [dreg:$0x1];
	s1 =	srdreg.scid  }
0x3: {  	s0 =	stileid.u32;
	s2 =	rddreg [dreg:$0x2]  }
0x4: {  	s3 =	rddreg [dreg:$0x3];
	s4 =	simm.s32 $0x0;
	s16 =	simm.s32 $0x5000  }
0x5: {  	s17 =	simm.s32 $0x2800;
	s18 =	simm.s32 $0x80;
	s19 =	simm.s32 $0x2880  }
0x6: {  	s20 =	simm.s32 $0x1;
	s21 =	simm.s32 $0x3;
	s22 =	simm.s32 $0x2  }
0x7: {  	s23 =	simm.s32 $0x4;
	s5 =	sand.u32 $0x1, s1;
	s1 =	rddreg [dreg:$0x4]  }
0x8: {  	s24 =	simm.s32 $0x0;
	s28 =	sshll.u32 s0, $0x1;
	[smem:$0x7FF] =	sst s4  }
0x9: {  	s8 =	smul.u32 $0x2720, s0;
	s30 =	sshll.u32 s0, $0x6;
	s7 =	sor.u32 s5, s28  }
0xa: {  	_ =	strace $0x80000047;
	s29 =	ssub.s32 $0x2, s5;
	s13 =	smul.u32 $0x27200, s5  }
0xb: {  	s5 =	sadd.s32 $0x14600, s6;
	s7 =	smul.u32 $0x500, s7;
	s11 =	sshrl.u32 s8, $0x3  }
0xc: {  	s12 =	sshrl.u32 s29, $0x1;
	s14 =	sadd.s32 s8, s2;
	s15 =	sadd.s32 s8, s3  }
0xd: {  	s12 =	ssub.s32 s29, s12;
	s31 =	sadd.s32 s8, s13;
	s13 =	sshrl.u32 s14, $0x3  }
0xe: {  	s14 =	simm.s32 $0x5;
	s15 =	sshrl.u32 s15, $0x3;
	s10 =	sadd.s32 s7, s6  }
0xf: {  	s6 =	sadd.s32 s11, s6;
	s7 =	sor.u32 $0x1C05, s30;
	s11 =	sshrl.u32 s31, $0x3  }
0x10: {  	s12 =	smax.u32 s12, $0x1;
	s6 =	sadd.s32 $0x14800, s6;
	s9 =	sadd.s32 s9, s11  }
0x11: {  	s8 =	sadd.s32 $0xA600, s10;
	s10 =	sadd.s32 $0x600, s10;
	s11 =	sadd.s32 $0x9C80, s9  }
.LBB2_1:
0x12: {  	[spmem:s13], [sflag:s7] =	dma.local [hbm:s6], $0x4E4  }
0x13: {  	_ =	swait.ge [sflag:s14], $0x4E4  }
0x14: {  	[sflag:s14] =	ssyncset.done $0x0  }
0x15: {  	[sflag:s14] =	ssyncadd.s32 $0xFFFFFB1C  }
0x16: {  	[spmem:s15], [sflag:s7] =	dma.local [hbm:s6], $0x4E4  }
0x17: {  	_ =	swait.ge [sflag:s14], $0x4E4  }
0x18: {  	[sflag:s14] =	ssyncset.done $0x0  }
0x19: {  	[sflag:s14] =	ssyncadd.s32 $0xFFFFFB1C  }
0x1a: {  	[tilespmem:s16], [sflag:$0x5] =	stream.linear.gather [hbm4b:s5+s4], $0x800, $0x38;
	[tilespmem:$0xA640] =	vst v63  }
0x1b: {  	_ =	swait.ge [sflag:s14], $0x800  }
0x1c: {  	[sflag:s14] =	ssyncset.done $0x0  }
0x1d: {  	[sflag:s14] =	ssyncadd.s32 $0xFFFFF800  }
0x1e: {  	[tilespmem:s4], [sflag:$0x5] =	stream.linear.gather [hbm4b:s8+s4], $0x2800, $0x38;
	[tilespmem:$0xA640] =	vst v63  }
0x1f: {  	_ =	swait.ge [sflag:s14], $0x2800  }
0x20: {  	[sflag:s14] =	ssyncset.done $0x0  }
0x21: {  	[sflag:s14] =	ssyncadd.s32 $0xFFFFD800  }
0x22: {  	[tilespmem:s17], [sflag:$0x5] =	stream.linear.gather [hbm4b:s10+s4], $0x2800, $0x38;
	[tilespmem:$0xA640] =	vst v63  }
0x23: {  	_ =	swait.ge [sflag:s14], $0x2800  }
0x24: {  	[sflag:s14] =	ssyncset.done $0x0  }
0x25: {  	[sflag:s14] =	ssyncadd.s32 $0xFFFFD800  }
0x26: {  	[bflag:$0x0] =	sbarrier.arrive $0xFFFF  }
0x27: {  	[spmem:s2] =	stream.indirect.scatter.add.f32 [tilespmem:s16], [sflag:$0x1], $0x10, s17, s18, $0xb8;
	[tilespmem:$0xA640] =	vst v63  }
0x28: {  	_ = 	snop  }
0x29: {  	[spmem:s3] =	stream.indirect.scatter.add.f32 [tilespmem:s16], [sflag:$0x3], $0x10, s4, s18, $0xb8;
	[tilespmem:$0xA640] =	vst v63  }
0x2a: {  	_ = 	snop  }
0x2b: {  	[spmem:s2] =	stream.indirect.scatter.add.f32 [tilespmem:s16], [sflag:$0x2], $0x10, s19, s18, $0xb8;
	[tilespmem:$0xA640] =	vst v63  }
0x2c: {  	_ = 	snop  }
0x2d: {  	[spmem:s3] =	stream.indirect.scatter.add.f32 [tilespmem:s16], [sflag:$0x4], $0x10, s18, s18, $0xb8;
	[tilespmem:$0xA640] =	vst v63  }
0x2e: {  	_ =	swait.ge [sflag:s20], $0x800  }
0x2f: {  	[sflag:s20] =	ssyncset.done $0x0  }
0x30: {  	[sflag:s20] =	ssyncadd.s32 $0xFFFFF800  }
0x31: {  	_ =	swait.ge [sflag:s21], $0x800  }
0x32: {  	[sflag:s21] =	ssyncset.done $0x0  }
0x33: {  	s25 =	simm.s32 $0x2900;
	[sflag:s21] =	ssyncadd.s32 $0xFFFFF800  }
0x34: {  	[spmem:s2] =	stream.indirect.scatter.add.f32 [tilespmem:s16], [sflag:$0x1], $0x10, s25, s18, $0xb8;
	[tilespmem:$0xA640] =	vst v63  }
0x35: {  	s30 =	simm.s32 $0x100  }
0x36: {  	[spmem:s3] =	stream.indirect.scatter.add.f32 [tilespmem:s16], [sflag:$0x3], $0x10, s30, s18, $0xb8;
	[tilespmem:$0xA640] =	vst v63  }
0x37: {  	_ =	swait.ge [sflag:s22], $0x800  }
0x38: {  	[sflag:s22] =	ssyncset.done $0x0  }
0x39: {  	[sflag:s22] =	ssyncadd.s32 $0xFFFFF800  }
0x3a: {  	_ =	swait.ge [sflag:s23], $0x800  }
0x3b: {  	s31 =	simm.s32 $0x2980;
	[sflag:s23] =	ssyncset.done $0x0  }
0x3c: {  	s26 =	simm.s32 $0x180;
	s25 =	simm.s32 $0xFFFF6800;
	[sflag:s23] =	ssyncadd.s32 $0xFFFFF800  }
0x3d: {  	[spmem:s2] =	stream.indirect.scatter.add.f32 [tilespmem:s16], [sflag:$0x2], $0x10, s31, s18, $0xb8;
	[tilespmem:$0xA640] =	vst v63  }
.LBB2_2:
0x3e: {  	[spmem:s3] =	stream.indirect.scatter.add.f32 [tilespmem:s16], [sflag:$0x4], $0x10, s26, s18, $0xb8;
	[tilespmem:$0xA640] =	vst v63  }
0x3f: {  	s26 =	smov.u32 s25  }
0x40: {  	p0 =	sne.s32 s25, $0xFFFFFC00;
	s25 =	sadd.s32 $0x400, s25;
	_ =	swait.ge [sflag:s20], $0x800  }
0x41: {  	[sflag:s20] =	ssyncset.done $0x0  }
0x42: {  	[sflag:s20] =	ssyncadd.s32 $0xFFFFF800  }
0x43: {  	_ =	swait.ge [sflag:s21], $0x800  }
0x44: {  	s26 =	sshra.s32 s26, $0x2;
	[sflag:s21] =	ssyncset.done $0x0  }
0x45: {  	s28 =	sadd.s32 $0x5000, s26;
	[sflag:s21] =	ssyncadd.s32 $0xFFFFF800  }
0x46: {  	[spmem:s2] =	stream.indirect.scatter.add.f32 [tilespmem:s16], [sflag:$0x1], $0x10, s28, s18, $0xb8;
	[tilespmem:$0xA640] =	vst v63  }
0x47: {  	s28 =	sadd.s32 $0x2800, s26  }
0x48: {  	[spmem:s3] =	stream.indirect.scatter.add.f32 [tilespmem:s16], [sflag:$0x3], $0x10, s28, s18, $0xb8;
	[tilespmem:$0xA640] =	vst v63  }
0x49: {  	_ =	swait.ge [sflag:s22], $0x800  }
0x4a: {  	[sflag:s22] =	ssyncset.done $0x0  }
0x4b: {  	[sflag:s22] =	ssyncadd.s32 $0xFFFFF800  }
.Ltmp0:
0x4c: {  	_ =	swait.ge [sflag:s23], $0x800;
	(pc) =	sbr.rel @p0 .LBB2_2-.Ltmp0, $4  }
0x4d: {  	[sflag:s23] =	ssyncset.done $0x0  }
0x4e: {  	s28 =	sadd.s32 $0x5080, s26;
	[sflag:s23] =	ssyncadd.s32 $0xFFFFF800  }
0x4f: {  	[spmem:s2] =	stream.indirect.scatter.add.f32 [tilespmem:s16], [sflag:$0x2], $0x10, s28, s18, $0xb8;
	[tilespmem:$0xA640] =	vst v63  }
0x50: {  	s26 =	sadd.s32 $0x2880, s26  }
0x51: {  	[spmem:s3] =	stream.indirect.scatter.add.f32 [tilespmem:s16], [sflag:$0x4], $0x10, s26, s18, $0xb8;
	[tilespmem:$0xA640] =	vst v63  }
0x52: {  	_ =	swait.ge [sflag:s20], $0x800  }
0x53: {  	[sflag:s20] =	ssyncset.done $0x0  }
0x54: {  	[sflag:s20] =	ssyncadd.s32 $0xFFFFF800  }
0x55: {  	_ =	swait.ge [sflag:s21], $0x800  }
0x56: {  	[sflag:s21] =	ssyncset.done $0x0  }
0x57: {  	[sflag:s21] =	ssyncadd.s32 $0xFFFFF800  }
0x58: {  	_ =	swait.ge [sflag:s22], $0x800  }
0x59: {  	[sflag:s22] =	ssyncset.done $0x0  }
0x5a: {  	[sflag:s22] =	ssyncadd.s32 $0xFFFFF800  }
0x5b: {  	_ =	swait.ge [sflag:s23], $0x800  }
0x5c: {  	[sflag:s23] =	ssyncset.done $0x0  }
0x5d: {  	[sflag:s23] =	ssyncadd.s32 $0xFFFFF800  }
0x5e: {  	[bflag:$0x0] =	sbarrier.arrive $0xFFFF  }
0x5f: {  	[hbm:s9], [sflag:s7] =	dma.local [spmem:s13], $0x4E4  }
0x60: {  	s24 =	sadd.s32 $0x1, s24;
	_ =	swait.ge [sflag:s14], $0x4E4  }
0x61: {  	p0 =	sne.s32 s24, s12;
	[sflag:s14] =	ssyncset.done $0x0  }
.Ltmp1:
0x62: {  	[sflag:s14] =	ssyncadd.s32 $0xFFFFFB1C;
	(pc) =	sbr.rel @p0 .LBB2_1-.Ltmp1, $4  }
0x63: {  	[hbm:s11], [sflag:s7] =	dma.local [spmem:s15], $0x4E4  }
0x64: {  	_ =	swait.ge [sflag:s14], $0x4E4  }
0x65: {  	[sflag:s14] =	ssyncset.done $0x0  }
0x66: {  	[sflag:s14] =	ssyncadd.s32 $0xFFFFFB1C  }
0x67: {  	_ =	sfence.sel $0x180000  }
0x68: {  	[bflag:$0x0] =	sbarrier.arrive $0xFFFF  }
0x69: {  	p0 =	sne.s32 s0, $0x0;
	_ =	strace $0x90000047  }
0x6a: {  	s0 =	sadd.s32 @!p0 $0x100000, s1;
	[bflag:$0x2] =	sbarrier.arrive $0xFFFF  }
0x6b: {  	[sflag:s0] =	ssyncadd.tile.s32 @!p0 $0x1;
	_ =	shalt  }
.Lfunc_end2:
_tile_overlayer_lowered:
.L_overlay_start_2:
0x6c: {  	(tag) =	ssettag $0x2  }
0x6d: {  	s0 =	rddreg [dreg:$0x0];
	s2 =	stileid.u32  }
0x6e: {  	s1 =	rddreg [dreg:$0x1];
	p0 =	sne.s32 s2, $0x0  }
0x6f: {  	s3 =	rddreg [dreg:$0x2];
	[bflag:$0x3] =	sbarrier.arrive $0xFFFF;
	s2 =	simm.s32 @!p0 $0x1C05  }
0x70: {  	[timem:s3], [sflag:s2] =	dma.local @!p0 [hbm:s0], s1  }
0x71: {  	s0 =	simm.s32 @!p0 $0x5  }
0x72: {  	_ =	swait.ge @!p0 [sflag:s0], s1  }
0x73: {  	s1 =	ssub.s32 @!p0 $0x0, s1;
	[sflag:s0] =	ssyncset.done @!p0 $0x0  }
0x74: {  	[sflag:s0] =	ssyncadd.s32 @!p0 s1  }
0x75: {  	[bflag:$0x3] =	sbarrier.arrive $0xFFFF  }
0x76: {  	_ =	shalt  }

// kernel: kernel.8.cloned.1.call-start
scs
__scs_entry_jumppad:
0x0: {  	(pc) =	sbr.rel $0x88, $3  }
0x1: {  	(tag) =	ssettag $0x0;
	lr =	simm.s32 $0x1  }
0x2: {  	[smem:$0x3F9F] =	sst lr;
	_ =	strace $0xD0000000  }
0x3: {  	_ = 	snop  }
0x4: {  	_ = 	snop  }
0x5: {  	_ = 	snop  }
0x6: {  	_ = 	snop  }
0x7: {  	_ = 	snop  }
__scs_overlays_trampoline_lowered:
0x8: {  	[smem:$0x3FAE] =	sst s0  }
0x9: {  	[smem:$0x3FAF] =	sst s1  }
0xa: {  	[smem:$0x3FB0] =	sst s2  }
0xb: {  	[smem:$0x3FB1] =	sst s3  }
0xc: {  	[smem:$0x3FB2] =	sst s4  }
0xd: {  	[smem:$0x3FB3] =	sst s5  }
0xe: {  	[smem:$0x3FB4] =	sst s6  }
0xf: {  	[smem:$0x3FB5] =	sst s7  }
0x10: {  	[smem:$0x3FB6] =	sst s8  }
0x11: {  	[smem:$0x3FB7] =	sst s9;
	s0 =	simm.s32 @!p0 $0x0  }
0x12: {  	s1 =	sld [smem:$0x3F9D];
	s0 =	simm.s32 @p0 $0x1  }
0x13: {  	[smem:$0x3FB8] =	sst s0;
	s0 =	simm.s32 @!p1 $0x0  }
0x14: {  	s2 =	sld [smem:$0x3F9C];
	s0 =	simm.s32 @p1 $0x1  }
0x15: {  	[smem:$0x3FB9] =	sst s0;
	s0 =	simm.s32 @!p2 $0x0  }
0x16: {  	s3 =	sld [smem:$0x3FDB];
	s0 =	simm.s32 @p2 $0x1  }
0x17: {  	s4 =	simm.s32 $0x1BF5;
	[smem:$0x3FBB] =	sst s0  }
0x18: {  	s0 =	sld [smem:$0x3F9E];
	_ =	swait.ge [sflag:s4], $0x0  }
0x19: {  	s7 =	sld [smem:$0x3F9F]  }
0x1a: {  	s8 =	sadd.s32 $0xFFFFE003, lr  }
0x1b: {  	s9 =	sadd.s32 $0xFFFFFEF7, lr;
	s5 =	simm.s32 $0xFFFFFFFF;
	p2 =	slt.u32 s8, $0xFFFFF086  }
0x1c: {  	p1 =	slt.u32 s9, $0xF7A;
	s5 =	simm.s32 @!p2 $0x0  }
0x1d: {  	s5 =	simm.s32 @p1 $0x1;
	p0 =	seq.s32 s7, s2  }
0x1e: {  	s7 =	smul.u32 @!p0 $0xF7A, s2;
	p2 =	seq.s32 @!p0 s5, $0x0  }
0x1f: {  	s9 =	smul.u32 $0xF7A, s1;
	s8 =	simm.s32 @!p0 $0x1BF5;
	p2 =	por !p2, p0  }
0x20: {  	[sflag:s8] =	ssyncset.s32 @!p0 $0xFFFFF086;
	s6 =	sadd.s32 @!p0 s3, s7;
	s7 =	simm.s32 @!p0 $0x108  }
0x21: {  	s3 =	sadd.s32 s3, s9;
	s6 =	sadd.s32 @!p0 $0x88, s6;
	s7 =	simm.s32 @p2 $0x1082  }
0x22: {  	[simem:s7], [sflag:s8] =	dma.local @!p0 [hbm:s6], $0xF7A  }
0x23: {  	s9 =	sor.u32 $0xD0000000, s2;
	s6 =	simm.s32 $0x108;
	_ =	swait.ge @!p0 [sflag:s8], $0x0  }
0x24: {  	s3 =	sadd.s32 $0x88, s3;
	s6 =	simm.s32 @!p1 $0x1082;
	[sflag:s4] =	ssyncset.s32 $0xFFFFF086  }
0x25: {  	[simem:s6], [sflag:s4] =	dma.local [hbm:s3], $0xF7A  }
0x26: {  	[smem:$0x3F9F] =	sst s1;
	(tag) =	ssettag s2;
	_ =	strace s9  }
0x27: {  	s1 =	sld [smem:$0x3FAF]  }
0x28: {  	s2 =	sld [smem:$0x3FB0]  }
0x29: {  	s4 =	sld [smem:$0x3FB2]  }
0x2a: {  	p0 =	seq.s32 s5, $0x0;
	s5 =	sld [smem:$0x3FB3]  }
0x2b: {  	s6 =	sld [smem:$0x3FB4]  }
0x2c: {  	s7 =	sld [smem:$0x3FB5]  }
0x2d: {  	s3 =	simm.s32 $0x108;
	s8 =	sld [smem:$0x3FB6]  }
0x2e: {  	s3 =	simm.s32 @!p0 $0x1082;
	s9 =	sld [smem:$0x3FB7]  }
0x2f: {  	lr =	sadd.s32 s0, s3;
	s0 =	sld [smem:$0x3FAE]  }
0x30: {  	s3 =	sld [smem:$0x3FB1]  }
0x31: {  	[smem:$0x3FBA] =	sst s10  }
0x32: {  	s10 =	sld [smem:$0x3FB8];
	_ =	sdelay $0x3  }
0x33: {  	p0 =	seq.s32 s10, $0x1;
	s10 =	sld [smem:$0x3FBA];
	_ =	sdelay $0x3  }
0x34: {  	[smem:$0x3FBA] =	sst s10  }
0x35: {  	s10 =	sld [smem:$0x3FB9];
	_ =	sdelay $0x3  }
0x36: {  	p1 =	seq.s32 s10, $0x1;
	s10 =	sld [smem:$0x3FBA];
	_ =	sdelay $0x3  }
0x37: {  	[smem:$0x3FBA] =	sst s10  }
0x38: {  	s10 =	sld [smem:$0x3FBB]  }
0x39: {  	_ = 	snop;
	(pc) =	sbr.ind lr, $3  }
0x3a: {  	_ = 	snop  }
0x3b: {  	_ = 	snop  }
0x3c: {  	p2 =	seq.s32 s10, $0x1;
	s10 =	sld [smem:$0x3FBA]  }
0x3d: {  	_ =	shalt  }
0x3e: {  	_ =	shalt  }
0x3f: {  	_ =	shalt  }
0x40: {  	_ =	shalt  }
0x41: {  	_ =	shalt  }
0x42: {  	_ =	shalt  }
0x43: {  	_ =	shalt  }
0x44: {  	_ =	shalt  }
0x45: {  	_ =	shalt  }
0x46: {  	_ =	shalt  }
0x47: {  	_ =	shalt  }
0x48: {  	_ =	shalt  }
0x49: {  	_ =	shalt  }
0x4a: {  	_ =	shalt  }
0x4b: {  	_ =	shalt  }
0x4c: {  	_ =	shalt  }
0x4d: {  	_ =	shalt  }
0x4e: {  	_ =	shalt  }
0x4f: {  	_ =	shalt  }
0x50: {  	_ =	shalt  }
0x51: {  	_ =	shalt  }
0x52: {  	_ =	shalt  }
0x53: {  	_ =	shalt  }
0x54: {  	_ =	shalt  }
0x55: {  	_ =	shalt  }
0x56: {  	_ =	shalt  }
0x57: {  	_ =	shalt  }
0x58: {  	_ =	shalt  }
0x59: {  	_ =	shalt  }
0x5a: {  	_ =	shalt  }
0x5b: {  	_ =	shalt  }
0x5c: {  	_ =	shalt  }
0x5d: {  	_ =	shalt  }
0x5e: {  	_ =	shalt  }
0x5f: {  	_ =	shalt  }
0x60: {  	_ =	shalt  }
0x61: {  	_ =	shalt  }
0x62: {  	_ =	shalt  }
0x63: {  	_ =	shalt  }
0x64: {  	_ =	shalt  }
0x65: {  	_ =	shalt  }
0x66: {  	_ =	shalt  }
0x67: {  	_ =	shalt  }
0x68: {  	_ =	shalt  }
0x69: {  	_ =	shalt  }
0x6a: {  	_ =	shalt  }
0x6b: {  	_ =	shalt  }
0x6c: {  	_ =	shalt  }
0x6d: {  	_ =	shalt  }
0x6e: {  	_ =	shalt  }
0x6f: {  	_ =	shalt  }
0x70: {  	_ =	shalt  }
0x71: {  	_ =	shalt  }
0x72: {  	_ =	shalt  }
0x73: {  	_ =	shalt  }
0x74: {  	_ =	shalt  }
0x75: {  	_ =	shalt  }
0x76: {  	_ =	shalt  }
0x77: {  	_ =	shalt  }
0x78: {  	_ =	shalt  }
0x79: {  	_ =	shalt  }
0x7a: {  	_ =	shalt  }
0x7b: {  	_ =	shalt  }
0x7c: {  	_ =	shalt  }
0x7d: {  	_ =	shalt  }
0x7e: {  	_ =	shalt  }
0x7f: {  	_ =	shalt  }
0x80: {  	_ =	shalt  }
0x81: {  	_ =	shalt  }
0x82: {  	_ =	shalt  }
0x83: {  	_ =	shalt  }
0x84: {  	_ =	shalt  }
0x85: {  	_ =	shalt  }
0x86: {  	_ =	shalt  }
0x87: {  	_ =	shalt  }
.Lfunc_end0:
.L_simem_size_0:
called_computation.1_lowered:
.L_overlay_start_0:
0x88: {  	s2 =	sld [smem:$0x3FD9]  }
0x89: {  	s3 =	sld [smem:$0x3FFE];
	_ =	sdelay $0x1  }
0x8a: {  	s1 =	srdreg.scid  }
0x8b: {  	s0 =	sand.u32 $0x1, s1  }
0x8c: {  	s17 =	sshll.u32 s0, $0xA;
	s2 =	sadd.s32 s3, s2  }
0x8d: {  	s2 =	sadd.s32 s2, s17  }
0x8e: {  	[smem:$0x3FC6] =	sst s2  }
0x8f: {  	_ = 	snop  }
0x90: {  	s2 =	sld [smem:$0x3FD0];
	(tm) =	ssettm $0x1  }
0x91: {  	s18 =	sld [smem:$0x3FFB];
	_ =	sdelay $0x3  }
0x92: {  	_ =	strace s18  }
0x93: {  	s3 =	sld [smem:$0x3FFC];
	_ =	sdelay $0x3  }
0x94: {  	_ =	strace s3  }
0x95: {  	s3 =	sld [smem:$0x3FFD];
	_ =	sdelay $0x3  }
0x96: {  	_ =	strace s3  }
0x97: {  	_ =	strace $0x8FFFFFFF  }
0x98: {  	s19 =	sld [smem:$0x3FDB];
	_ =	sdelay $0x1  }
0x99: {  	s4 =	simm.s32 $_scs_section_size  }
0x9a: {  	s5 =	simm.s32 $_size__tile_overlayer_lowered;
	s6 =	simm.s32 $_tile_overlayer_lowered  }
0x9b: {  	s22 =	simm.s32 $0x1BFF;
	s21 =	sshll.u32 s6, $0x1;
	s3 =	sadd.s32 s4, s19  }
0x9c: {  	s7 =	simm.s32 $0x0;
	s20 =	sshll.u32 s5, $0x1;
	s5 =	sadd.s32 s21, s3  }
0x9d: {  	[timem:s7], [sflag:s22] =	dma.local [hbm:s5], s20  }
0x9e: {  	_ =	swait.ge [sflag:s22], s20  }
0x9f: {  	s4 =	ssub.s32 $0x0, s20;
	[sflag:s22] =	ssyncset.done $0x0  }
0xa0: {  	[sflag:s22] =	ssyncadd.s32 s4;
	_ =	sdelay $0x1  }
0xa1: {  	s23 =	simm.s32 $0x1B8B  }
0xa2: {  	_ =	swait.ge [sflag:s23], $0x1  }
0xa3: {  	[sflag:s23] =	ssyncset.done $0x0  }
0xa4: {  	s25 =	simm.s32 $0x1B8E;
	s24 =	sld [smem:$0x3FFE];
	[sflag:s23] =	ssyncadd.s32 $0xFFFFFFFF  }
0xa5: {  	s26 =	simm.s32 $execute0_lowered;
	[smem:$0x3FD2] =	sst s25  }
0xa6: {  	s5 =	sshll.u32 s26, $0x1;
	_ =	strace $0x80000049;
	[dreg:$0x1] =	wrdreg $0xFFFFFFFF  }
0xa7: {  	s28 =	simm.s32 $_size_execute0_lowered;
	s3 =	sadd.s32 s3, s5;
	[dreg:$0x0] =	wrdreg $0x0  }
0xa8: {  	s5 =	sshll.u32 s28, $0x1;
	[dreg:$0x2] =	wrdreg s3  }
0xa9: {  	[dreg:$0x3] =	wrdreg s5  }
0xaa: {  	[dreg:$0x4] =	wrdreg $0xC0  }
0xab: {  	_ =	task [dreg:s7], $0x5FFFF  }
0xac: {  	[dreg:$0x1] =	wrdreg $0xFFFFFFFF  }
0xad: {  	[dreg:$0x0] =	wrdreg $0x60  }
0xae: {  	[dreg:$0x2] =	wrdreg s24  }
0xaf: {  	[dreg:$0x3] =	wrdreg s2  }
0xb0: {  	[dreg:$0x4] =	wrdreg $0xC5000  }
0xb1: {  	[dreg:$0x5] =	wrdreg $0x161800  }
0xb2: {  	[dreg:$0x6] =	wrdreg $0x9  }
0xb3: {  	_ =	task.clear_ibuf [dreg:s7], $0x7FFFF;
	_ =	strace $0x90000049  }
0xb4: {  	s29 =	simm.s32 $0x9;
	_ =	strace $0x8000004B  }
0xb5: {  	_ =	swait.ge [sflag:s29], $0x1  }
0xb6: {  	[sflag:s29] =	ssyncadd.s32 $0xFFFFFFFF  }
0xb7: {  	_ =	strace $0x9000004B  }
0xb8: {  	_ =	sfence  }
0xb9: {  	s30 =	sld [smem:$0x0];
	_ =	sdelay $0x2  }
0xba: {  	s31 =	sshll.u32 s1, $0xD;
	s1 =	sshrl.u32 s1, $0x2  }
0xbb: {  	s3 =	sand.u32 $0x4000, s31;
	s1 =	sadd.s32 s1, s30  }
0xbc: {  	s0 =	sor.u32 s3, s0;
	s1 =	sshll.u32 s1, $0x11  }
0xbd: {  	s0 =	sor.u32 s1, s0  }
0xbe: {  	s0 =	sadd.s32 $0x8F2B, s0  }
0xbf: {  	[sflag:s0] =	ssyncadd.remote.s32 $0x1  }
0xc0: {  	_ =	sfence.sel $0xFFFF  }
0xc1: {  	[dreg:$0x0] =	wrdreg $0xFFFFFFFF;
	(pc) =	sbr.abs _section_cstart, $3  }
0xc2: {  	[dreg:$0x1] =	wrdreg $0xFFFFFFFF  }
0xc3: {  	_ =	task.clear_ibuf [dreg:s7], $0x2FFFF;
	_ =	strace $0x9FFFFFFF  }
0xc4: {  	(tm) =	ssettm $0x7FFFFFFF  }
0xc5: {  	_ =	shalt  }
tec
execute0_lowered:
.L_overlay_start_1:
0x0: {  	(tag) =	ssettag $0x1  }
0x1: {  	s22 =	stileid.u32  }
0x2: {  	s0 =	srdreg.scid;
	s2 =	smul.u32 $0x13900, s22  }
0x3: {  	s5 =	rddreg [dreg:$0x0];
	s7 =	smul.u32 $0x9D0, s22  }
0x4: {  	s6 =	rddreg [dreg:$0x1];
	s4 =	smul.u32 $0x9C80, s22  }
0x5: {  	s1 =	simm.s32 $0x0;
	s0 =	sand.u32 $0x1, s0;
	s10 =	smul.u32 $0x272, s22  }
0x6: {  	[smem:$0x7FF] =	sst s1;
	s9 =	sadd.s32 $0x600, s5;
	s11 =	smul.u32 $0x2720, s22  }
0x7: {  	s3 =	sshll.u32 s0, $0x6;
	s14 =	smul.u32 $0x9C800, s0;
	s16 =	ssub.s32 $0x2, s0  }
0x8: {  	s2 =	sor.u32 s3, s2;
	s7 =	sadd.s32 s7, s5;
	s18 =	sshrl.u32 s16, $0x1  }
0x9: {  	s19 =	sshrl.u32 s4, $0x3;
	s20 =	sshrl.u32 s11, $0x3;
	s11 =	sadd.s32 $0x40, s10  }
0xa: {  	s12 =	sadd.s32 $0x80, s10;
	s2 =	sshrl.u32 s2, $0x3;
	s15 =	sadd.s32 s4, s14  }
0xb: {  	s3 =	ssub.s32 s16, s18;
	s25 =	sadd.s32 s9, s20;
	s21 =	sshll.u32 s11, $0x1  }
0xc: {  	s23 =	sshll.u32 s12, $0x1;
	s14 =	sadd.s32 $0x100, s10;
	s16 =	sadd.s32 $0x140, s10  }
0xd: {  	s8 =	sadd.s32 s2, s5;
	s2 =	sadd.s32 s6, s19;
	s13 =	sadd.s32 s9, s21  }
0xe: {  	s24 =	sadd.s32 s9, s23;
	s19 =	sshll.u32 s16, $0x1;
	[dreg:$0x5] =	wrdreg s13  }
0xf: {  	s17 =	sshrl.u32 s15, $0x3;
	[dreg:$0x7] =	wrdreg s24;
	s20 =	sadd.s32 s9, s19  }
0x10: {  	s0 =	sadd.s32 s17, s5;
	s5 =	sadd.s32 $0x5440, s5;
	[dreg:$0xd] =	wrdreg s20  }
0x11: {  	s17 =	sshll.u32 s14, $0x1;
	s6 =	sadd.s32 s21, s5;
	s20 =	rddreg [dreg:$0x3]  }
0x12: {  	s13 =	sadd.s32 s23, s5;
	[dreg:$0x6] =	wrdreg s6;
	s6 =	sadd.s32 $0xC0, s10  }
0x13: {  	s18 =	sadd.s32 s9, s17;
	[dreg:$0x8] =	wrdreg s13;
	s26 =	sshll.u32 s6, $0x1  }
0x14: {  	[dreg:$0xb] =	wrdreg s18;
	s15 =	sadd.s32 s9, s26  }
0x15: {  	s30 =	simm.s32 $0x1;
	s13 =	sadd.s32 s26, s5;
	[dreg:$0x9] =	wrdreg s15  }
0x16: {  	s31 =	simm.s32 $0x5;
	s8 =	sadd.s32 $0x2D400, s8;
	[dreg:$0xa] =	wrdreg s13  }
0x17: {  	s15 =	sadd.s32 s17, s5;
	s13 =	sadd.s32 s19, s5;
	s17 =	sadd.s32 $0x1C0, s10  }
0x18: {  	[dreg:$0xc] =	wrdreg s15;
	s15 =	sadd.s32 $0x180, s10;
	s23 =	sshll.u32 s17, $0x1  }
0x19: {  	[dreg:$0xe] =	wrdreg s13;
	s21 =	sshll.u32 s15, $0x1;
	s24 =	sadd.s32 s9, s23  }
0x1a: {  	s29 =	sadd.s32 s4, s20;
	s13 =	sadd.s32 s21, s5;
	[dreg:$0x11] =	wrdreg s24  }
0x1b: {  	s17 =	sshll.u32 s17, $0x6;
	[dreg:$0x10] =	wrdreg s13;
	s13 =	sadd.s32 s23, s5  }
0x1c: {  	s18 =	sadd.s32 s9, s21;
	[dreg:$0x12] =	wrdreg s13;
	s13 =	sadd.s32 $0x200, s10  }
0x1d: {  	s15 =	sshll.u32 s15, $0x6;
	[dreg:$0xf] =	wrdreg s18;
	s19 =	sshll.u32 s13, $0x1  }
0x1e: {  	s18 =	rddreg [dreg:$0x2];
	s10 =	sadd.s32 $0x240, s10;
	s21 =	sadd.s32 s9, s19  }
0x1f: {  	s26 =	sshll.u32 s10, $0x1;
	s19 =	sadd.s32 s19, s5;
	[dreg:$0x13] =	wrdreg s21  }
0x20: {  	s23 =	sshll.u32 s12, $0x6;
	s9 =	sadd.s32 s9, s26;
	[dreg:$0x14] =	wrdreg s19  }
0x21: {  	s12 =	sshll.u32 s16, $0x6;
	s5 =	sadd.s32 s26, s5;
	[dreg:$0x15] =	wrdreg s9  }
0x22: {  	s28 =	sadd.s32 s4, s18;
	s16 =	sadd.s32 s12, s20;
	[dreg:$0x16] =	wrdreg s5  }
0x23: {  	s9 =	sshll.u32 s22, $0x6;
	s19 =	sshll.u32 s11, $0x6;
	s21 =	sadd.s32 $0x23600, s7  }
0x24: {  	s22 =	sadd.s32 $0x19800, s7;
	_ =	strace $0x8000004A;
	[dreg:$0x17] =	wrdreg s8  }
0x25: {  	s7 =	sshll.u32 s6, $0x6;
	s5 =	sadd.s32 s23, s18;
	[dreg:$0x18] =	wrdreg s21  }
0x26: {  	s6 =	simm.s32 $0xBD00;
	s26 =	sor.u32 $0x1C05, s9;
	[dreg:$0x19] =	wrdreg s22  }
0x27: {  	s24 =	sadd.s32 s19, s20;
	s4 =	sadd.s32 s19, s18;
	[dreg:$0x1d] =	wrdreg s5  }
0x28: {  	s8 =	sadd.s32 s23, s20;
	s9 =	sshll.u32 s14, $0x6;
	[smem:$0x7F7] =	sst s16  }
0x29: {  	s11 =	sadd.s32 s7, s20;
	s19 =	sadd.s32 s15, s20;
	[dreg:$0x1a] =	wrdreg s24  }
0x2a: {  	s21 =	sshll.u32 s13, $0x6;
	s22 =	sadd.s32 s17, s20;
	[dreg:$0x1b] =	wrdreg s4  }
0x2b: {  	s23 =	sshll.u32 s10, $0x6;
	s16 =	smov.u32 s25;
	[dreg:$0x1c] =	wrdreg s8  }
0x2c: {  	s25 =	sadd.s32 $0x4E40, s25;
	s10 =	simm.s32 $0x0;
	[dreg:$0x1e] =	wrdreg s11  }
0x2d: {  	s4 =	sadd.s32 s7, s18;
	s14 =	sadd.s32 s9, s20;
	[smem:$0x7F9] =	sst s19  }
0x2e: {  	s5 =	sadd.s32 s9, s18;
	[smem:$0x7FB] =	sst s22;
	s24 =	sadd.s32 s21, s20  }
0x2f: {  	s22 =	sadd.s32 s23, s18;
	s19 =	simm.s32 $0x4E80;
	[dreg:$0x1f] =	wrdreg s4  }
0x30: {  	s7 =	simm.s32 $0x3;
	s8 =	simm.s32 $0x4;
	[smem:$0x7F5] =	sst s14  }
0x31: {  	s9 =	simm.s32 $0xC100;
	[smem:$0x7F6] =	sst s5;
	s4 =	sadd.s32 s12, s18  }
0x32: {  	s5 =	sadd.s32 s15, s18;
	[smem:$0x7FD] =	sst s24;
	s24 =	smax.u32 s3, $0x1  }
0x33: {  	s3 =	simm.s32 $0x2;
	s15 =	simm.s32 $0x4EC0;
	[smem:$0x7F8] =	sst s4  }
0x34: {  	[smem:$0x7FA] =	sst s5;
	s4 =	sadd.s32 s17, s18;
	s17 =	sadd.s32 s21, s18  }
0x35: {  	s21 =	sadd.s32 s23, s20;
	s23 =	sadd.s32 $0x54600, s0;
	s0 =	simm.s32 $0x40  }
0x36: {  	s5 =	simm.s32 $0xAD00;
	[smem:$0x7FC] =	sst s4;
	s4 =	simm.s32 $0x9D00  }
.LBB2_1:
0x37: {  	s11 =	sshrl.u32 s28, $0x3  }
0x38: {  	s12 =	rddreg [dreg:$0x17];
	s13 =	simm.s32 $0x8;
	s14 =	simm.s32 $0x10  }
0x39: {  	[spmem:s11@s13], [sflag:s26] =	dma.strided [hbm:s12@s14], $0x1390, s30, $0x8   }
0x3a: {  	_ =	swait.ge [sflag:s31], $0x1390  }
0x3b: {  	[sflag:s31] =	ssyncset.done $0x0  }
0x3c: {  	s11 =	sshrl.u32 s29, $0x3;
	[sflag:s31] =	ssyncadd.s32 $0xFFFFEC70  }
0x3d: {  	[spmem:s11], [sflag:s26] =	dma.local [hbm:s2], $0x1390  }
0x3e: {  	_ =	swait.ge [sflag:s31], $0x1390  }
0x3f: {  	[sflag:s31] =	ssyncset.done $0x0  }
0x40: {  	s13 =	rddreg [dreg:$0x18];
	[sflag:s31] =	ssyncadd.s32 $0xFFFFEC70  }
0x41: {  	[tilespmem:s1], [sflag:$0x5] =	stream.linear.gather [hbm4b:s13+s1], $0x4E80, $0x38;
	[tilespmem:$0x1FE00] =	vst v63  }
0x42: {  	_ =	swait.ge [sflag:s31], $0x4E80  }
0x43: {  	[sflag:s31] =	ssyncset.done $0x0  }
0x44: {  	s14 =	rddreg [dreg:$0x19];
	[sflag:s31] =	ssyncadd.s32 $0xFFFFB180  }
0x45: {  	[tilespmem:s19], [sflag:$0x5] =	stream.linear.gather [hbm4b:s14+s1], $0x4E80, $0x38;
	[tilespmem:$0x1FE00] =	vst v63  }
0x46: {  	_ =	swait.ge [sflag:s31], $0x4E80  }
0x47: {  	[sflag:s31] =	ssyncset.done $0x0  }
0x48: {  	[sflag:s31] =	ssyncadd.s32 $0xFFFFB180  }
0x49: {  	[bflag:$0x0] =	sbarrier.arrive $0xFFFF  }
0x4a: {  	[tilespmem:s4], [sflag:$0x1] =	stream.indirect.gather [spmem:s18], $0x40, s1, s0, $0xb8;
	[tilespmem:$0x1FE00] =	vst v63  }
0x4b: {  	_ = 	snop  }
0x4c: {  	[tilespmem:s5], [sflag:$0x2] =	stream.indirect.gather [spmem:s18], $0x40, s0, s0, $0xb8;
	[tilespmem:$0x1FE00] =	vst v63  }
0x4d: {  	_ =	swait.ge [sflag:s30], $0x1000  }
0x4e: {  	[sflag:s30] =	ssyncset.done $0x0  }
0x4f: {  	[sflag:s30] =	ssyncadd.s32 $0xFFFFF000  }
0x50: {  	[spmem:s20] =	stream.indirect.scatter.add.f32 [tilespmem:s4], [sflag:$0x3], $0x40, s19, s0, $0xb8;
	[tilespmem:$0x1FE00] =	vst v63  }
0x51: {  	_ =	swait.ge [sflag:s3], $0x1000  }
0x52: {  	[sflag:s3] =	ssyncset.done $0x0  }
0x53: {  	[sflag:s3] =	ssyncadd.s32 $0xFFFFF000  }
0x54: {  	[spmem:s20] =	stream.indirect.scatter.add.f32 [tilespmem:s5], [sflag:$0x4], $0x40, s15, s0, $0xb8;
	[tilespmem:$0x1FE00] =	vst v63  }
0x55: {  	_ =	swait.ge [sflag:s7], $0x1000  }
0x56: {  	[sflag:s7] =	ssyncset.done $0x0  }
0x57: {  	s13 =	simm.s32 $0x80;
	[sflag:s7] =	ssyncadd.s32 $0xFFFFF000  }
0x58: {  	[tilespmem:s4], [sflag:$0x1] =	stream.indirect.gather [spmem:s18], $0x40, s13, s0, $0xb8;
	[tilespmem:$0x1FE00] =	vst v63  }
0x59: {  	_ =	swait.ge [sflag:s8], $0x1000  }
0x5a: {  	[sflag:s8] =	ssyncset.done $0x0  }
0x5b: {  	s14 =	simm.s32 $0xC0;
	[sflag:s8] =	ssyncadd.s32 $0xFFFFF000  }
0x5c: {  	[tilespmem:s5], [sflag:$0x2] =	stream.indirect.gather [spmem:s18], $0x40, s14, s0, $0xb8;
	[tilespmem:$0x1FE00] =	vst v63  }
0x5d: {  	_ =	swait.ge [sflag:s30], $0x1000  }
0x5e: {  	[sflag:s30] =	ssyncset.done $0x0  }
0x5f: {  	s15 =	simm.s32 $0x4F00;
	[sflag:s30] =	ssyncadd.s32 $0xFFFFF000  }
0x60: {  	[spmem:s20] =	stream.indirect.scatter.add.f32 [tilespmem:s4], [sflag:$0x3], $0x40, s15, s0, $0xb8;
	[tilespmem:$0x1FE00] =	vst v63  }
0x61: {  	_ =	swait.ge [sflag:s3], $0x1000  }
0x62: {  	[sflag:s3] =	ssyncset.done $0x0  }
0x63: {  	s12 =	simm.s32 $0xFFFECA00;
	s13 =	simm.s32 $0x4F40;
	[sflag:s3] =	ssyncadd.s32 $0xFFFFF000  }
.LBB2_2:
0x64: {  	[spmem:s20] =	stream.indirect.scatter.add.f32 [tilespmem:s5], [sflag:$0x4], $0x40, s13, s0, $0xb8;
	[tilespmem:$0x1FE00] =	vst v63  }
0x65: {  	s13 =	smov.u32 s12  }
0x66: {  	p0 =	sne.s32 s12, $0xFFFFFE00;
	s12 =	sadd.s32 $0x200, s12;
	_ =	swait.ge [sflag:s7], $0x1000  }
0x67: {  	s13 =	sshra.s32 s13, $0x2;
	[sflag:s7] =	ssyncset.done $0x0  }
0x68: {  	s14 =	sadd.s32 $0x4E80, s13;
	[sflag:s7] =	ssyncadd.s32 $0xFFFFF000  }
0x69: {  	[tilespmem:s4], [sflag:$0x1] =	stream.indirect.gather [spmem:s18], $0x40, s14, s0, $0xb8;
	[tilespmem:$0x1FE00] =	vst v63  }
0x6a: {  	_ =	swait.ge [sflag:s8], $0x1000  }
0x6b: {  	[sflag:s8] =	ssyncset.done $0x0  }
0x6c: {  	s14 =	sadd.s32 $0x4EC0, s13;
	[sflag:s8] =	ssyncadd.s32 $0xFFFFF000  }
0x6d: {  	[tilespmem:s5], [sflag:$0x2] =	stream.indirect.gather [spmem:s18], $0x40, s14, s0, $0xb8;
	[tilespmem:$0x1FE00] =	vst v63  }
0x6e: {  	_ =	swait.ge [sflag:s30], $0x1000  }
0x6f: {  	[sflag:s30] =	ssyncset.done $0x0  }
.Ltmp0:
0x70: {  	s14 =	sadd.s32 $0x9D00, s13;
	[sflag:s30] =	ssyncadd.s32 $0xFFFFF000;
	(pc) =	sbr.rel @p0 .LBB2_2-.Ltmp0, $4  }
0x71: {  	[spmem:s20] =	stream.indirect.scatter.add.f32 [tilespmem:s4], [sflag:$0x3], $0x40, s14, s0, $0xb8;
	[tilespmem:$0x1FE00] =	vst v63  }
0x72: {  	_ =	swait.ge [sflag:s3], $0x1000  }
0x73: {  	[sflag:s3] =	ssyncset.done $0x0  }
0x74: {  	s13 =	sadd.s32 $0x9D40, s13;
	[sflag:s3] =	ssyncadd.s32 $0xFFFFF000  }
0x75: {  	[spmem:s20] =	stream.indirect.scatter.add.f32 [tilespmem:s5], [sflag:$0x4], $0x40, s13, s0, $0xb8;
	[tilespmem:$0x1FE00] =	vst v63  }
0x76: {  	_ =	swait.ge [sflag:s7], $0x1000  }
0x77: {  	[sflag:s7] =	ssyncset.done $0x0  }
0x78: {  	[sflag:s7] =	ssyncadd.s32 $0xFFFFF000  }
0x79: {  	_ =	swait.ge [sflag:s8], $0x1000  }
0x7a: {  	[sflag:s8] =	ssyncset.done $0x0  }
0x7b: {  	[sflag:s8] =	ssyncadd.s32 $0xFFFFF000  }
0x7c: {  	[bflag:$0x0] =	sbarrier.arrive $0xFFFF  }
0x7d: {  	[tilespmem:s4], [sflag:$0x5] =	stream.linear.gather [spmem:s29], $0x1000, $0x38;
	[tilespmem:$0x1FE00] =	vst v63  }
0x7e: {  	_ =	swait.ge [sflag:s31], $0x1000  }
0x7f: {  	[sflag:s31] =	ssyncset.done $0x0  }
0x80: {  	s12 =	simm.s32 $0x0;
	[sflag:s31] =	ssyncadd.s32 $0xFFFFF000  }
0x81: {  	[tilespmem:s6], [sflag:$0x5] =	stream.linear.gather [hbm4b:s16+s12], $0x400, $0x38;
	[tilespmem:$0x1FE00] =	vst v63  }
0x82: {  	_ =	swait.ge [sflag:s31], $0x400  }
0x83: {  	[sflag:s31] =	ssyncset.done $0x0  }
0x84: {  	[sflag:s31] =	ssyncadd.s32 $0xFFFFFC00  }
0x85: {  	[tilespmem:s9], [sflag:$0x5] =	stream.linear.gather [hbm4b:s25+s12], $0x400, $0x38;
	[tilespmem:$0x1FE00] =	vst v63  }
0x86: {  	_ =	swait.ge [sflag:s31], $0x400  }
0x87: {  	[sflag:s31] =	ssyncset.done $0x0  }
0x88: {  	s15 =	simm.s32 $0x0;
	[sflag:s31] =	ssyncadd.s32 $0xFFFFFC00  }
0x89: {  	v0 =	vld [tilespmem:s15+$0xBD00]  }
0x8a: {  	v1 =	vld [tilespmem:s15+$0xC100];
	_ =	sdelay $0x4  }
0x8b: {  	v0 =	vadd.f32 v1, v0;
	_ =	sdelay $0x1  }
0x8c: {  	(erf) = vrcp.f32 v0;
	_ =	sdelay $0x6  }
0x8d: {  	s13 =	simm.s32 $0x9D20  }
0x8e: {  	v1 =	vld [tilespmem:s13+$0xFFFFFFE0]  }
0x8f: {  	vm0 =	vgt.f32 v0, $0.0e+00;
	v0 =	vpop (erf)  }
0x90: {  	v0 =	vnsel vm0, $0x0, v0  }
0x91: {  	v0 =	vbroadcast v0, $0x0;
	_ =	sdelay $0x1  }
0x92: {  	v1 =	vmul.f32 v0, v1;
	_ =	sdelay $0x1  }
0x93: {  	s12 =	simm.s32 $0xAD20;
	v1 =	vmax.f32 v1, $0.0e+00  }
0x94: {  	[tilespmem:s12+$0xFFFFFFE0] =	vst v1  }
0x95: {  	v1 =	vld [tilespmem:s13+$0xFFFFFFF0];
	_ =	sdelay $0x4  }
0x96: {  	v1 =	vmul.f32 v0, v1;
	_ =	sdelay $0x1  }
0x97: {  	v1 =	vmax.f32 v1, $0.0e+00  }
0x98: {  	[tilespmem:s12+$0xFFFFFFF0] =	vst v1  }
0x99: {  	v1 =	vld [tilespmem:s13+$0x0];
	_ =	sdelay $0x4  }
0x9a: {  	v1 =	vmul.f32 v1, v0;
	_ =	sdelay $0x1  }
0x9b: {  	v1 =	vmax.f32 v1, $0.0e+00  }
0x9c: {  	[tilespmem:s12+$0x0] =	vst v1  }
0x9d: {  	v1 =	vld [tilespmem:s13+$0x10];
	_ =	sdelay $0x4  }
0x9e: {  	v0 =	vmul.f32 v1, v0;
	_ =	sdelay $0x1  }
0x9f: {  	v0 =	vmax.f32 v0, $0.0e+00  }
0xa0: {  	s15 =	simm.s32 $0x10;
	[tilespmem:s12+$0x10] =	vst v0  }
0xa1: {  	s14 =	simm.s32 $0x80;
	v0 =	vld [tilespmem:s15+$0xBD00]  }
.LBB2_4:
0xa2: {  	p0 =	sne.s32 s14, $0xFC0;
	v1 =	vld [tilespmem:s15+$0xC100];
	s13 =	sadd.s32 $0x40, s13  }
0xa3: {  	v2 =	vld [tilespmem:s13+$0xFFFFFFE0];
	_ =	sdelay $0x3  }
0xa4: {  	v0 =	vadd.f32 v1, v0;
	_ =	sdelay $0x1  }
0xa5: {  	(erf) = vrcp.f32 v0;
	_ =	sdelay $0x8  }
0xa6: {  	vm0 =	vgt.f32 v0, $0.0e+00;
	v0 =	vpop (erf)  }
0xa7: {  	v0 =	vnsel vm0, $0x0, v0  }
0xa8: {  	v0 =	vbroadcast v0, $0x0;
	_ =	sdelay $0x1  }
0xa9: {  	v1 =	vmul.f32 v0, v2;
	_ =	sdelay $0x1  }
0xaa: {  	s12 =	sadd.s32 $0x40, s12;
	v1 =	vmax.f32 v1, $0.0e+00  }
0xab: {  	[tilespmem:s12+$0xFFFFFFE0] =	vst v1  }
0xac: {  	v1 =	vld [tilespmem:s13+$0xFFFFFFF0];
	_ =	sdelay $0x4  }
0xad: {  	v1 =	vmul.f32 v0, v1;
	_ =	sdelay $0x1  }
0xae: {  	v1 =	vmax.f32 v1, $0.0e+00  }
0xaf: {  	[tilespmem:s12+$0xFFFFFFF0] =	vst v1  }
0xb0: {  	v1 =	vld [tilespmem:s13+$0x0];
	_ =	sdelay $0x4  }
0xb1: {  	v1 =	vmul.f32 v1, v0;
	_ =	sdelay $0x1  }
0xb2: {  	v1 =	vmax.f32 v1, $0.0e+00  }
0xb3: {  	[tilespmem:s12+$0x0] =	vst v1  }
0xb4: {  	v1 =	vld [tilespmem:s13+$0x10];
	_ =	sdelay $0x4  }
.Ltmp1:
0xb5: {  	v0 =	vmul.f32 v1, v0;
	(pc) =	sbr.rel @p0 .LBB2_4-.Ltmp1, $4  }
0xb6: {  	_ = 	snop  }
0xb7: {  	v0 =	vmax.f32 v0, $0.0e+00  }
0xb8: {  	s15 =	sshra.s32 s14, $0x2;
	[tilespmem:s12+$0x10] =	vst v0  }
0xb9: {  	s14 =	sadd.s32 $0x40, s14;
	v0 =	vld [tilespmem:s15+$0xBD00]  }
0xba: {  	v1 =	vld [tilespmem:s15+$0xC100];
	_ =	sdelay $0x4  }
0xbb: {  	v0 =	vadd.f32 v1, v0;
	_ =	sdelay $0x1  }
0xbc: {  	(erf) = vrcp.f32 v0;
	_ =	sdelay $0x6  }
0xbd: {  	s13 =	sadd.s32 $0x40, s13  }
0xbe: {  	v1 =	vld [tilespmem:s13+$0xFFFFFFE0]  }
0xbf: {  	vm0 =	vgt.f32 v0, $0.0e+00;
	v0 =	vpop (erf)  }
0xc0: {  	v0 =	vnsel vm0, $0x0, v0  }
0xc1: {  	v0 =	vbroadcast v0, $0x0;
	_ =	sdelay $0x1  }
0xc2: {  	v1 =	vmul.f32 v0, v1;
	_ =	sdelay $0x1  }
0xc3: {  	s12 =	sadd.s32 $0x40, s12;
	v1 =	vmax.f32 v1, $0.0e+00  }
0xc4: {  	[tilespmem:s12+$0xFFFFFFE0] =	vst v1  }
0xc5: {  	v1 =	vld [tilespmem:s13+$0xFFFFFFF0];
	_ =	sdelay $0x4  }
0xc6: {  	v1 =	vmul.f32 v0, v1;
	_ =	sdelay $0x1  }
0xc7: {  	v1 =	vmax.f32 v1, $0.0e+00  }
0xc8: {  	[tilespmem:s12+$0xFFFFFFF0] =	vst v1  }
0xc9: {  	v1 =	vld [tilespmem:s13+$0x0];
	_ =	sdelay $0x4  }
0xca: {  	v1 =	vmul.f32 v1, v0;
	_ =	sdelay $0x1  }
0xcb: {  	v1 =	vmax.f32 v1, $0.0e+00  }
0xcc: {  	[tilespmem:s12+$0x0] =	vst v1  }
0xcd: {  	v1 =	vld [tilespmem:s13+$0x10];
	_ =	sdelay $0x4  }
0xce: {  	v0 =	vmul.f32 v1, v0;
	_ =	sdelay $0x1  }
0xcf: {  	v0 =	vmax.f32 v0, $0.0e+00  }
0xd0: {  	[tilespmem:s12+$0x10] =	vst v0  }
0xd1: {  	[spmem:s28] =	stream.linear.scatter [tilespmem:s5], [sflag:$0x5], $0x1000, $0x38;
	[tilespmem:$0x1FE00] =	vst v63  }
0xd2: {  	_ =	swait.ge [sflag:s31], $0x1000  }
0xd3: {  	[sflag:s31] =	ssyncset.done $0x0  }
0xd4: {  	s14 =	rddreg [dreg:$0x1a];
	[sflag:s31] =	ssyncadd.s32 $0xFFFFF000  }
0xd5: {  	[tilespmem:s4], [sflag:$0x5] =	stream.linear.gather [spmem:s14], $0x1000, $0x38;
	[tilespmem:$0x1FE00] =	vst v63  }
0xd6: {  	_ =	swait.ge [sflag:s31], $0x1000  }
0xd7: {  	[sflag:s31] =	ssyncset.done $0x0  }
0xd8: {  	s12 =	simm.s32 $0x0;
	s15 =	rddreg [dreg:$0x5];
	[sflag:s31] =	ssyncadd.s32 $0xFFFFF000  }
0xd9: {  	[tilespmem:s6], [sflag:$0x5] =	stream.linear.gather [hbm4b:s15+s12], $0x400, $0x38;
	[tilespmem:$0x1FE00] =	vst v63  }
0xda: {  	_ =	swait.ge [sflag:s31], $0x400  }
0xdb: {  	[sflag:s31] =	ssyncset.done $0x0  }
0xdc: {  	s14 =	rddreg [dreg:$0x6];
	[sflag:s31] =	ssyncadd.s32 $0xFFFFFC00  }
0xdd: {  	[tilespmem:s9], [sflag:$0x5] =	stream.linear.gather [hbm4b:s14+s12], $0x400, $0x38;
	[tilespmem:$0x1FE00] =	vst v63  }
0xde: {  	_ =	swait.ge [sflag:s31], $0x400  }
0xdf: {  	[sflag:s31] =	ssyncset.done $0x0  }
0xe0: {  	s15 =	simm.s32 $0x0;
	[sflag:s31] =	ssyncadd.s32 $0xFFFFFC00  }
0xe1: {  	v0 =	vld [tilespmem:s15+$0xBD00]  }
0xe2: {  	v1 =	vld [tilespmem:s15+$0xC100];
	_ =	sdelay $0x4  }
0xe3: {  	v0 =	vadd.f32 v1, v0;
	_ =	sdelay $0x1  }
0xe4: {  	(erf) = vrcp.f32 v0;
	_ =	sdelay $0x6  }
0xe5: {  	s13 =	simm.s32 $0x9D20  }
0xe6: {  	v1 =	vld [tilespmem:s13+$0xFFFFFFE0]  }
0xe7: {  	vm15 =	vgt.f32 v0, $0.0e+00;
	v0 =	vpop (erf)  }
0xe8: {  	v0 =	vnsel vm15, $0x0, v0  }
0xe9: {  	v0 =	vbroadcast v0, $0x0;
	_ =	sdelay $0x1  }
0xea: {  	v1 =	vmul.f32 v0, v1;
	_ =	sdelay $0x1  }
0xeb: {  	s12 =	simm.s32 $0xAD20;
	v1 =	vmax.f32 v1, $0.0e+00  }
0xec: {  	[tilespmem:s12+$0xFFFFFFE0] =	vst v1  }
0xed: {  	v1 =	vld [tilespmem:s13+$0xFFFFFFF0];
	_ =	sdelay $0x4  }
0xee: {  	v1 =	vmul.f32 v0, v1;
	_ =	sdelay $0x1  }
0xef: {  	v1 =	vmax.f32 v1, $0.0e+00  }
0xf0: {  	[tilespmem:s12+$0xFFFFFFF0] =	vst v1  }
0xf1: {  	v1 =	vld [tilespmem:s13+$0x0];
	_ =	sdelay $0x4  }
0xf2: {  	v1 =	vmul.f32 v1, v0;
	_ =	sdelay $0x1  }
0xf3: {  	v1 =	vmax.f32 v1, $0.0e+00  }
0xf4: {  	[tilespmem:s12+$0x0] =	vst v1  }
0xf5: {  	v1 =	vld [tilespmem:s13+$0x10];
	_ =	sdelay $0x4  }
0xf6: {  	v0 =	vmul.f32 v1, v0;
	_ =	sdelay $0x1  }
0xf7: {  	v0 =	vmax.f32 v0, $0.0e+00  }
0xf8: {  	s15 =	simm.s32 $0x10;
	[tilespmem:s12+$0x10] =	vst v0  }
0xf9: {  	s14 =	simm.s32 $0x80;
	v0 =	vld [tilespmem:s15+$0xBD00]  }
.LBB2_6:
0xfa: {  	p0 =	sne.s32 s14, $0xFC0;
	v1 =	vld [tilespmem:s15+$0xC100];
	s13 =	sadd.s32 $0x40, s13  }
0xfb: {  	v2 =	vld [tilespmem:s13+$0xFFFFFFE0];
	_ =	sdelay $0x3  }
0xfc: {  	v0 =	vadd.f32 v1, v0;
	_ =	sdelay $0x1  }
0xfd: {  	(erf) = vrcp.f32 v0;
	_ =	sdelay $0x8  }
0xfe: {  	vm0 =	vgt.f32 v0, $0.0e+00;
	v0 =	vpop (erf)  }
0xff: {  	v0 =	vnsel vm0, $0x0, v0  }
0x100: {  	v0 =	vbroadcast v0, $0x0;
	_ =	sdelay $0x1  }
0x101: {  	v1 =	vmul.f32 v0, v2;
	_ =	sdelay $0x1  }
0x102: {  	s12 =	sadd.s32 $0x40, s12;
	v1 =	vmax.f32 v1, $0.0e+00  }
0x103: {  	[tilespmem:s12+$0xFFFFFFE0] =	vst v1  }
0x104: {  	v1 =	vld [tilespmem:s13+$0xFFFFFFF0];
	_ =	sdelay $0x4  }
0x105: {  	v1 =	vmul.f32 v0, v1;
	_ =	sdelay $0x1  }
0x106: {  	v1 =	vmax.f32 v1, $0.0e+00  }
0x107: {  	[tilespmem:s12+$0xFFFFFFF0] =	vst v1  }
0x108: {  	v1 =	vld [tilespmem:s13+$0x0];
	_ =	sdelay $0x4  }
0x109: {  	v1 =	vmul.f32 v1, v0;
	_ =	sdelay $0x1  }
0x10a: {  	v1 =	vmax.f32 v1, $0.0e+00  }
0x10b: {  	[tilespmem:s12+$0x0] =	vst v1  }
0x10c: {  	v1 =	vld [tilespmem:s13+$0x10];
	_ =	sdelay $0x4  }
.Ltmp2:
0x10d: {  	v0 =	vmul.f32 v1, v0;
	(pc) =	sbr.rel @p0 .LBB2_6-.Ltmp2, $4  }
0x10e: {  	_ = 	snop  }
0x10f: {  	v0 =	vmax.f32 v0, $0.0e+00  }
0x110: {  	s15 =	sshra.s32 s14, $0x2;
	[tilespmem:s12+$0x10] =	vst v0  }
0x111: {  	s14 =	sadd.s32 $0x40, s14;
	v0 =	vld [tilespmem:s15+$0xBD00]  }
0x112: {  	v1 =	vld [tilespmem:s15+$0xC100];
	_ =	sdelay $0x4  }
0x113: {  	v0 =	vadd.f32 v1, v0;
	_ =	sdelay $0x1  }
0x114: {  	(erf) = vrcp.f32 v0;
	_ =	sdelay $0x6  }
0x115: {  	s13 =	sadd.s32 $0x40, s13  }
0x116: {  	v1 =	vld [tilespmem:s13+$0xFFFFFFE0]  }
0x117: {  	vm0 =	vgt.f32 v0, $0.0e+00;
	v0 =	vpop (erf)  }
0x118: {  	v0 =	vnsel vm0, $0x0, v0  }
0x119: {  	v0 =	vbroadcast v0, $0x0;
	_ =	sdelay $0x1  }
0x11a: {  	v1 =	vmul.f32 v0, v1;
	_ =	sdelay $0x1  }
0x11b: {  	s12 =	sadd.s32 $0x40, s12;
	v1 =	vmax.f32 v1, $0.0e+00  }
0x11c: {  	[tilespmem:s12+$0xFFFFFFE0] =	vst v1  }
0x11d: {  	v1 =	vld [tilespmem:s13+$0xFFFFFFF0];
	_ =	sdelay $0x4  }
0x11e: {  	v1 =	vmul.f32 v0, v1;
	_ =	sdelay $0x1  }
0x11f: {  	v1 =	vmax.f32 v1, $0.0e+00  }
0x120: {  	[tilespmem:s12+$0xFFFFFFF0] =	vst v1  }
0x121: {  	v1 =	vld [tilespmem:s13+$0x0];
	_ =	sdelay $0x4  }
0x122: {  	v1 =	vmul.f32 v1, v0;
	_ =	sdelay $0x1  }
0x123: {  	v1 =	vmax.f32 v1, $0.0e+00  }
0x124: {  	[tilespmem:s12+$0x0] =	vst v1  }
0x125: {  	v1 =	vld [tilespmem:s13+$0x10];
	_ =	sdelay $0x4  }
0x126: {  	v0 =	vmul.f32 v1, v0;
	_ =	sdelay $0x1  }
0x127: {  	v0 =	vmax.f32 v0, $0.0e+00  }
0x128: {  	s13 =	rddreg [dreg:$0x1b];
	[tilespmem:s12+$0x10] =	vst v0  }
0x129: {  	[spmem:s13] =	stream.linear.scatter [tilespmem:s5], [sflag:$0x5], $0x1000, $0x38;
	[tilespmem:$0x1FE00] =	vst v63  }
0x12a: {  	_ =	swait.ge [sflag:s31], $0x1000  }
0x12b: {  	[sflag:s31] =	ssyncset.done $0x0  }
0x12c: {  	s14 =	rddreg [dreg:$0x1c];
	[sflag:s31] =	ssyncadd.s32 $0xFFFFF000  }
0x12d: {  	[tilespmem:s4], [sflag:$0x5] =	stream.linear.gather [spmem:s14], $0x1000, $0x38;
	[tilespmem:$0x1FE00] =	vst v63  }
0x12e: {  	_ =	swait.ge [sflag:s31], $0x1000  }
0x12f: {  	[sflag:s31] =	ssyncset.done $0x0  }
0x130: {  	s12 =	simm.s32 $0x0;
	s15 =	rddreg [dreg:$0x7];
	[sflag:s31] =	ssyncadd.s32 $0xFFFFF000  }
0x131: {  	[tilespmem:s6], [sflag:$0x5] =	stream.linear.gather [hbm4b:s15+s12], $0x400, $0x38;
	[tilespmem:$0x1FE00] =	vst v63  }
0x132: {  	_ =	swait.ge [sflag:s31], $0x400  }
0x133: {  	[sflag:s31] =	ssyncset.done $0x0  }
0x134: {  	s14 =	rddreg [dreg:$0x8];
	[sflag:s31] =	ssyncadd.s32 $0xFFFFFC00  }
0x135: {  	[tilespmem:s9], [sflag:$0x5] =	stream.linear.gather [hbm4b:s14+s12], $0x400, $0x38;
	[tilespmem:$0x1FE00] =	vst v63  }
0x136: {  	_ =	swait.ge [sflag:s31], $0x400  }
0x137: {  	[sflag:s31] =	ssyncset.done $0x0  }
0x138: {  	s15 =	simm.s32 $0x0;
	[sflag:s31] =	ssyncadd.s32 $0xFFFFFC00  }
0x139: {  	v0 =	vld [tilespmem:s15+$0xBD00]  }
0x13a: {  	v1 =	vld [tilespmem:s15+$0xC100];
	_ =	sdelay $0x4  }
0x13b: {  	v0 =	vadd.f32 v1, v0;
	_ =	sdelay $0x1  }
0x13c: {  	(erf) = vrcp.f32 v0;
	_ =	sdelay $0x6  }
0x13d: {  	s13 =	simm.s32 $0x9D20  }
0x13e: {  	v1 =	vld [tilespmem:s13+$0xFFFFFFE0]  }
0x13f: {  	vm15 =	vgt.f32 v0, $0.0e+00;
	v0 =	vpop (erf)  }
0x140: {  	v0 =	vnsel vm15, $0x0, v0  }
0x141: {  	v0 =	vbroadcast v0, $0x0;
	_ =	sdelay $0x1  }
0x142: {  	v1 =	vmul.f32 v0, v1;
	_ =	sdelay $0x1  }
0x143: {  	s12 =	simm.s32 $0xAD20;
	v1 =	vmax.f32 v1, $0.0e+00  }
0x144: {  	[tilespmem:s12+$0xFFFFFFE0] =	vst v1  }
0x145: {  	v1 =	vld [tilespmem:s13+$0xFFFFFFF0];
	_ =	sdelay $0x4  }
0x146: {  	v1 =	vmul.f32 v0, v1;
	_ =	sdelay $0x1  }
0x147: {  	v1 =	vmax.f32 v1, $0.0e+00  }
0x148: {  	[tilespmem:s12+$0xFFFFFFF0] =	vst v1  }
0x149: {  	v1 =	vld [tilespmem:s13+$0x0];
	_ =	sdelay $0x4  }
0x14a: {  	v1 =	vmul.f32 v1, v0;
	_ =	sdelay $0x1  }
0x14b: {  	v1 =	vmax.f32 v1, $0.0e+00  }
0x14c: {  	[tilespmem:s12+$0x0] =	vst v1  }
0x14d: {  	v1 =	vld [tilespmem:s13+$0x10];
	_ =	sdelay $0x4  }
0x14e: {  	v0 =	vmul.f32 v1, v0;
	_ =	sdelay $0x1  }
0x14f: {  	v0 =	vmax.f32 v0, $0.0e+00  }
0x150: {  	s15 =	simm.s32 $0x10;
	[tilespmem:s12+$0x10] =	vst v0  }
0x151: {  	s14 =	simm.s32 $0x80;
	v0 =	vld [tilespmem:s15+$0xBD00]  }
.LBB2_8:
0x152: {  	p0 =	sne.s32 s14, $0xFC0;
	v1 =	vld [tilespmem:s15+$0xC100];
	s13 =	sadd.s32 $0x40, s13  }
0x153: {  	v2 =	vld [tilespmem:s13+$0xFFFFFFE0];
	_ =	sdelay $0x3  }
0x154: {  	v0 =	vadd.f32 v1, v0;
	_ =	sdelay $0x1  }
0x155: {  	(erf) = vrcp.f32 v0;
	_ =	sdelay $0x8  }
0x156: {  	vm0 =	vgt.f32 v0, $0.0e+00;
	v0 =	vpop (erf)  }
0x157: {  	v0 =	vnsel vm0, $0x0, v0  }
0x158: {  	v0 =	vbroadcast v0, $0x0;
	_ =	sdelay $0x1  }
0x159: {  	v1 =	vmul.f32 v0, v2;
	_ =	sdelay $0x1  }
0x15a: {  	s12 =	sadd.s32 $0x40, s12;
	v1 =	vmax.f32 v1, $0.0e+00  }
0x15b: {  	[tilespmem:s12+$0xFFFFFFE0] =	vst v1  }
0x15c: {  	v1 =	vld [tilespmem:s13+$0xFFFFFFF0];
	_ =	sdelay $0x4  }
0x15d: {  	v1 =	vmul.f32 v0, v1;
	_ =	sdelay $0x1  }
0x15e: {  	v1 =	vmax.f32 v1, $0.0e+00  }
0x15f: {  	[tilespmem:s12+$0xFFFFFFF0] =	vst v1  }
0x160: {  	v1 =	vld [tilespmem:s13+$0x0];
	_ =	sdelay $0x4  }
0x161: {  	v1 =	vmul.f32 v1, v0;
	_ =	sdelay $0x1  }
0x162: {  	v1 =	vmax.f32 v1, $0.0e+00  }
0x163: {  	[tilespmem:s12+$0x0] =	vst v1  }
0x164: {  	v1 =	vld [tilespmem:s13+$0x10];
	_ =	sdelay $0x4  }
.Ltmp3:
0x165: {  	v0 =	vmul.f32 v1, v0;
	(pc) =	sbr.rel @p0 .LBB2_8-.Ltmp3, $4  }
0x166: {  	_ = 	snop  }
0x167: {  	v0 =	vmax.f32 v0, $0.0e+00  }
0x168: {  	s15 =	sshra.s32 s14, $0x2;
	[tilespmem:s12+$0x10] =	vst v0  }
0x169: {  	s14 =	sadd.s32 $0x40, s14;
	v0 =	vld [tilespmem:s15+$0xBD00]  }
0x16a: {  	v1 =	vld [tilespmem:s15+$0xC100];
	_ =	sdelay $0x4  }
0x16b: {  	v0 =	vadd.f32 v1, v0;
	_ =	sdelay $0x1  }
0x16c: {  	(erf) = vrcp.f32 v0;
	_ =	sdelay $0x6  }
0x16d: {  	s13 =	sadd.s32 $0x40, s13  }
0x16e: {  	v1 =	vld [tilespmem:s13+$0xFFFFFFE0]  }
0x16f: {  	vm0 =	vgt.f32 v0, $0.0e+00;
	v0 =	vpop (erf)  }
0x170: {  	v0 =	vnsel vm0, $0x0, v0  }
0x171: {  	v0 =	vbroadcast v0, $0x0;
	_ =	sdelay $0x1  }
0x172: {  	v1 =	vmul.f32 v0, v1;
	_ =	sdelay $0x1  }
0x173: {  	s12 =	sadd.s32 $0x40, s12;
	v1 =	vmax.f32 v1, $0.0e+00  }
0x174: {  	[tilespmem:s12+$0xFFFFFFE0] =	vst v1  }
0x175: {  	v1 =	vld [tilespmem:s13+$0xFFFFFFF0];
	_ =	sdelay $0x4  }
0x176: {  	v1 =	vmul.f32 v0, v1;
	_ =	sdelay $0x1  }
0x177: {  	v1 =	vmax.f32 v1, $0.0e+00  }
0x178: {  	[tilespmem:s12+$0xFFFFFFF0] =	vst v1  }
0x179: {  	v1 =	vld [tilespmem:s13+$0x0];
	_ =	sdelay $0x4  }
0x17a: {  	v1 =	vmul.f32 v1, v0;
	_ =	sdelay $0x1  }
0x17b: {  	v1 =	vmax.f32 v1, $0.0e+00  }
0x17c: {  	[tilespmem:s12+$0x0] =	vst v1  }
0x17d: {  	v1 =	vld [tilespmem:s13+$0x10];
	_ =	sdelay $0x4  }
0x17e: {  	v0 =	vmul.f32 v1, v0;
	_ =	sdelay $0x1  }
0x17f: {  	v0 =	vmax.f32 v0, $0.0e+00  }
0x180: {  	s13 =	rddreg [dreg:$0x1d];
	[tilespmem:s12+$0x10] =	vst v0  }
0x181: {  	[spmem:s13] =	stream.linear.scatter [tilespmem:s5], [sflag:$0x5], $0x1000, $0x38;
	[tilespmem:$0x1FE00] =	vst v63  }
0x182: {  	_ =	swait.ge [sflag:s31], $0x1000  }
0x183: {  	[sflag:s31] =	ssyncset.done $0x0  }
0x184: {  	s14 =	rddreg [dreg:$0x1e];
	[sflag:s31] =	ssyncadd.s32 $0xFFFFF000  }
0x185: {  	[tilespmem:s4], [sflag:$0x5] =	stream.linear.gather [spmem:s14], $0x1000, $0x38;
	[tilespmem:$0x1FE00] =	vst v63  }
0x186: {  	_ =	swait.ge [sflag:s31], $0x1000  }
0x187: {  	[sflag:s31] =	ssyncset.done $0x0  }
0x188: {  	s12 =	simm.s32 $0x0;
	s15 =	rddreg [dreg:$0x9];
	[sflag:s31] =	ssyncadd.s32 $0xFFFFF000  }
0x189: {  	[tilespmem:s6], [sflag:$0x5] =	stream.linear.gather [hbm4b:s15+s12], $0x400, $0x38;
	[tilespmem:$0x1FE00] =	vst v63  }
0x18a: {  	_ =	swait.ge [sflag:s31], $0x400  }
0x18b: {  	[sflag:s31] =	ssyncset.done $0x0  }
0x18c: {  	s14 =	rddreg [dreg:$0xa];
	[sflag:s31] =	ssyncadd.s32 $0xFFFFFC00  }
0x18d: {  	[tilespmem:s9], [sflag:$0x5] =	stream.linear.gather [hbm4b:s14+s12], $0x400, $0x38;
	[tilespmem:$0x1FE00] =	vst v63  }
0x18e: {  	_ =	swait.ge [sflag:s31], $0x400  }
0x18f: {  	[sflag:s31] =	ssyncset.done $0x0  }
0x190: {  	s15 =	simm.s32 $0x0;
	[sflag:s31] =	ssyncadd.s32 $0xFFFFFC00  }
0x191: {  	v0 =	vld [tilespmem:s15+$0xBD00]  }
0x192: {  	v1 =	vld [tilespmem:s15+$0xC100];
	_ =	sdelay $0x4  }
0x193: {  	v0 =	vadd.f32 v1, v0;
	_ =	sdelay $0x1  }
0x194: {  	(erf) = vrcp.f32 v0;
	_ =	sdelay $0x6  }
0x195: {  	s13 =	simm.s32 $0x9D20  }
0x196: {  	v1 =	vld [tilespmem:s13+$0xFFFFFFE0]  }
0x197: {  	vm15 =	vgt.f32 v0, $0.0e+00;
	v0 =	vpop (erf)  }
0x198: {  	v0 =	vnsel vm15, $0x0, v0  }
0x199: {  	v0 =	vbroadcast v0, $0x0;
	_ =	sdelay $0x1  }
0x19a: {  	v1 =	vmul.f32 v0, v1;
	_ =	sdelay $0x1  }
0x19b: {  	s12 =	simm.s32 $0xAD20;
	v1 =	vmax.f32 v1, $0.0e+00  }
0x19c: {  	[tilespmem:s12+$0xFFFFFFE0] =	vst v1  }
0x19d: {  	v1 =	vld [tilespmem:s13+$0xFFFFFFF0];
	_ =	sdelay $0x4  }
0x19e: {  	v1 =	vmul.f32 v0, v1;
	_ =	sdelay $0x1  }
0x19f: {  	v1 =	vmax.f32 v1, $0.0e+00  }
0x1a0: {  	[tilespmem:s12+$0xFFFFFFF0] =	vst v1  }
0x1a1: {  	v1 =	vld [tilespmem:s13+$0x0];
	_ =	sdelay $0x4  }
0x1a2: {  	v1 =	vmul.f32 v1, v0;
	_ =	sdelay $0x1  }
0x1a3: {  	v1 =	vmax.f32 v1, $0.0e+00  }
0x1a4: {  	[tilespmem:s12+$0x0] =	vst v1  }
0x1a5: {  	v1 =	vld [tilespmem:s13+$0x10];
	_ =	sdelay $0x4  }
0x1a6: {  	v0 =	vmul.f32 v1, v0;
	_ =	sdelay $0x1  }
0x1a7: {  	v0 =	vmax.f32 v0, $0.0e+00  }
0x1a8: {  	s15 =	simm.s32 $0x10;
	[tilespmem:s12+$0x10] =	vst v0  }
0x1a9: {  	s14 =	simm.s32 $0x80;
	v0 =	vld [tilespmem:s15+$0xBD00]  }
.LBB2_10:
0x1aa: {  	p0 =	sne.s32 s14, $0xFC0;
	v1 =	vld [tilespmem:s15+$0xC100];
	s13 =	sadd.s32 $0x40, s13  }
0x1ab: {  	v2 =	vld [tilespmem:s13+$0xFFFFFFE0];
	_ =	sdelay $0x3  }
0x1ac: {  	v0 =	vadd.f32 v1, v0;
	_ =	sdelay $0x1  }
0x1ad: {  	(erf) = vrcp.f32 v0;
	_ =	sdelay $0x8  }
0x1ae: {  	vm0 =	vgt.f32 v0, $0.0e+00;
	v0 =	vpop (erf)  }
0x1af: {  	v0 =	vnsel vm0, $0x0, v0  }
0x1b0: {  	v0 =	vbroadcast v0, $0x0;
	_ =	sdelay $0x1  }
0x1b1: {  	v1 =	vmul.f32 v0, v2;
	_ =	sdelay $0x1  }
0x1b2: {  	s12 =	sadd.s32 $0x40, s12;
	v1 =	vmax.f32 v1, $0.0e+00  }
0x1b3: {  	[tilespmem:s12+$0xFFFFFFE0] =	vst v1  }
0x1b4: {  	v1 =	vld [tilespmem:s13+$0xFFFFFFF0];
	_ =	sdelay $0x4  }
0x1b5: {  	v1 =	vmul.f32 v0, v1;
	_ =	sdelay $0x1  }
0x1b6: {  	v1 =	vmax.f32 v1, $0.0e+00  }
0x1b7: {  	[tilespmem:s12+$0xFFFFFFF0] =	vst v1  }
0x1b8: {  	v1 =	vld [tilespmem:s13+$0x0];
	_ =	sdelay $0x4  }
0x1b9: {  	v1 =	vmul.f32 v1, v0;
	_ =	sdelay $0x1  }
0x1ba: {  	v1 =	vmax.f32 v1, $0.0e+00  }
0x1bb: {  	[tilespmem:s12+$0x0] =	vst v1  }
0x1bc: {  	v1 =	vld [tilespmem:s13+$0x10];
	_ =	sdelay $0x4  }
.Ltmp4:
0x1bd: {  	v0 =	vmul.f32 v1, v0;
	(pc) =	sbr.rel @p0 .LBB2_10-.Ltmp4, $4  }
0x1be: {  	_ = 	snop  }
0x1bf: {  	v0 =	vmax.f32 v0, $0.0e+00  }
0x1c0: {  	s15 =	sshra.s32 s14, $0x2;
	[tilespmem:s12+$0x10] =	vst v0  }
0x1c1: {  	s14 =	sadd.s32 $0x40, s14;
	v0 =	vld [tilespmem:s15+$0xBD00]  }
0x1c2: {  	v1 =	vld [tilespmem:s15+$0xC100];
	_ =	sdelay $0x4  }
0x1c3: {  	v0 =	vadd.f32 v1, v0;
	_ =	sdelay $0x1  }
0x1c4: {  	(erf) = vrcp.f32 v0;
	_ =	sdelay $0x6  }
0x1c5: {  	s13 =	sadd.s32 $0x40, s13  }
0x1c6: {  	v1 =	vld [tilespmem:s13+$0xFFFFFFE0]  }
0x1c7: {  	vm0 =	vgt.f32 v0, $0.0e+00;
	v0 =	vpop (erf)  }
0x1c8: {  	v0 =	vnsel vm0, $0x0, v0  }
0x1c9: {  	v0 =	vbroadcast v0, $0x0;
	_ =	sdelay $0x1  }
0x1ca: {  	v1 =	vmul.f32 v0, v1;
	_ =	sdelay $0x1  }
0x1cb: {  	s12 =	sadd.s32 $0x40, s12;
	v1 =	vmax.f32 v1, $0.0e+00  }
0x1cc: {  	[tilespmem:s12+$0xFFFFFFE0] =	vst v1  }
0x1cd: {  	v1 =	vld [tilespmem:s13+$0xFFFFFFF0];
	_ =	sdelay $0x4  }
0x1ce: {  	v1 =	vmul.f32 v0, v1;
	_ =	sdelay $0x1  }
0x1cf: {  	v1 =	vmax.f32 v1, $0.0e+00  }
0x1d0: {  	[tilespmem:s12+$0xFFFFFFF0] =	vst v1  }
0x1d1: {  	v1 =	vld [tilespmem:s13+$0x0];
	_ =	sdelay $0x4  }
0x1d2: {  	v1 =	vmul.f32 v1, v0;
	_ =	sdelay $0x1  }
0x1d3: {  	v1 =	vmax.f32 v1, $0.0e+00  }
0x1d4: {  	[tilespmem:s12+$0x0] =	vst v1  }
0x1d5: {  	v1 =	vld [tilespmem:s13+$0x10];
	_ =	sdelay $0x4  }
0x1d6: {  	v0 =	vmul.f32 v1, v0;
	_ =	sdelay $0x1  }
0x1d7: {  	v0 =	vmax.f32 v0, $0.0e+00  }
0x1d8: {  	s13 =	rddreg [dreg:$0x1f];
	[tilespmem:s12+$0x10] =	vst v0  }
0x1d9: {  	[spmem:s13] =	stream.linear.scatter [tilespmem:s5], [sflag:$0x5], $0x1000, $0x38;
	[tilespmem:$0x1FE00] =	vst v63  }
0x1da: {  	_ =	swait.ge [sflag:s31], $0x1000  }
0x1db: {  	s14 =	sld [smem:$0x7F5]  }
0x1dc: {  	[sflag:s31] =	ssyncset.done $0x0  }
0x1dd: {  	[sflag:s31] =	ssyncadd.s32 $0xFFFFF000  }
0x1de: {  	[tilespmem:s4], [sflag:$0x5] =	stream.linear.gather [spmem:s14], $0x1000, $0x38;
	[tilespmem:$0x1FE00] =	vst v63  }
0x1df: {  	_ =	swait.ge [sflag:s31], $0x1000  }
0x1e0: {  	[sflag:s31] =	ssyncset.done $0x0  }
0x1e1: {  	s12 =	simm.s32 $0x0;
	s15 =	rddreg [dreg:$0xb];
	[sflag:s31] =	ssyncadd.s32 $0xFFFFF000  }
0x1e2: {  	[tilespmem:s6], [sflag:$0x5] =	stream.linear.gather [hbm4b:s15+s12], $0x400, $0x38;
	[tilespmem:$0x1FE00] =	vst v63  }
0x1e3: {  	_ =	swait.ge [sflag:s31], $0x400  }
0x1e4: {  	[sflag:s31] =	ssyncset.done $0x0  }
0x1e5: {  	s14 =	rddreg [dreg:$0xc];
	[sflag:s31] =	ssyncadd.s32 $0xFFFFFC00  }
0x1e6: {  	[tilespmem:s9], [sflag:$0x5] =	stream.linear.gather [hbm4b:s14+s12], $0x400, $0x38;
	[tilespmem:$0x1FE00] =	vst v63  }
0x1e7: {  	_ =	swait.ge [sflag:s31], $0x400  }
0x1e8: {  	[sflag:s31] =	ssyncset.done $0x0  }
0x1e9: {  	s15 =	simm.s32 $0x0;
	[sflag:s31] =	ssyncadd.s32 $0xFFFFFC00  }
0x1ea: {  	v0 =	vld [tilespmem:s15+$0xBD00]  }
0x1eb: {  	v1 =	vld [tilespmem:s15+$0xC100];
	_ =	sdelay $0x4  }
0x1ec: {  	v0 =	vadd.f32 v1, v0;
	_ =	sdelay $0x1  }
0x1ed: {  	(erf) = vrcp.f32 v0;
	_ =	sdelay $0x6  }
0x1ee: {  	s13 =	simm.s32 $0x9D20  }
0x1ef: {  	v1 =	vld [tilespmem:s13+$0xFFFFFFE0]  }
0x1f0: {  	vm15 =	vgt.f32 v0, $0.0e+00;
	v0 =	vpop (erf)  }
0x1f1: {  	v0 =	vnsel vm15, $0x0, v0  }
0x1f2: {  	v0 =	vbroadcast v0, $0x0;
	_ =	sdelay $0x1  }
0x1f3: {  	v1 =	vmul.f32 v0, v1;
	_ =	sdelay $0x1  }
0x1f4: {  	s12 =	simm.s32 $0xAD20;
	v1 =	vmax.f32 v1, $0.0e+00  }
0x1f5: {  	[tilespmem:s12+$0xFFFFFFE0] =	vst v1  }
0x1f6: {  	v1 =	vld [tilespmem:s13+$0xFFFFFFF0];
	_ =	sdelay $0x4  }
0x1f7: {  	v1 =	vmul.f32 v0, v1;
	_ =	sdelay $0x1  }
0x1f8: {  	v1 =	vmax.f32 v1, $0.0e+00  }
0x1f9: {  	[tilespmem:s12+$0xFFFFFFF0] =	vst v1  }
0x1fa: {  	v1 =	vld [tilespmem:s13+$0x0];
	_ =	sdelay $0x4  }
0x1fb: {  	v1 =	vmul.f32 v1, v0;
	_ =	sdelay $0x1  }
0x1fc: {  	v1 =	vmax.f32 v1, $0.0e+00  }
0x1fd: {  	[tilespmem:s12+$0x0] =	vst v1  }
0x1fe: {  	v1 =	vld [tilespmem:s13+$0x10];
	_ =	sdelay $0x4  }
0x1ff: {  	v0 =	vmul.f32 v1, v0;
	_ =	sdelay $0x1  }
0x200: {  	v0 =	vmax.f32 v0, $0.0e+00  }
0x201: {  	s15 =	simm.s32 $0x10;
	[tilespmem:s12+$0x10] =	vst v0  }
0x202: {  	s14 =	simm.s32 $0x80;
	v0 =	vld [tilespmem:s15+$0xBD00]  }
.LBB2_12:
0x203: {  	p0 =	sne.s32 s14, $0xFC0;
	v1 =	vld [tilespmem:s15+$0xC100];
	s13 =	sadd.s32 $0x40, s13  }
0x204: {  	v2 =	vld [tilespmem:s13+$0xFFFFFFE0];
	_ =	sdelay $0x3  }
0x205: {  	v0 =	vadd.f32 v1, v0;
	_ =	sdelay $0x1  }
0x206: {  	(erf) = vrcp.f32 v0;
	_ =	sdelay $0x8  }
0x207: {  	vm0 =	vgt.f32 v0, $0.0e+00;
	v0 =	vpop (erf)  }
0x208: {  	v0 =	vnsel vm0, $0x0, v0  }
0x209: {  	v0 =	vbroadcast v0, $0x0;
	_ =	sdelay $0x1  }
0x20a: {  	v1 =	vmul.f32 v0, v2;
	_ =	sdelay $0x1  }
0x20b: {  	s12 =	sadd.s32 $0x40, s12;
	v1 =	vmax.f32 v1, $0.0e+00  }
0x20c: {  	[tilespmem:s12+$0xFFFFFFE0] =	vst v1  }
0x20d: {  	v1 =	vld [tilespmem:s13+$0xFFFFFFF0];
	_ =	sdelay $0x4  }
0x20e: {  	v1 =	vmul.f32 v0, v1;
	_ =	sdelay $0x1  }
0x20f: {  	v1 =	vmax.f32 v1, $0.0e+00  }
0x210: {  	[tilespmem:s12+$0xFFFFFFF0] =	vst v1  }
0x211: {  	v1 =	vld [tilespmem:s13+$0x0];
	_ =	sdelay $0x4  }
0x212: {  	v1 =	vmul.f32 v1, v0;
	_ =	sdelay $0x1  }
0x213: {  	v1 =	vmax.f32 v1, $0.0e+00  }
0x214: {  	[tilespmem:s12+$0x0] =	vst v1  }
0x215: {  	v1 =	vld [tilespmem:s13+$0x10];
	_ =	sdelay $0x4  }
.Ltmp5:
0x216: {  	v0 =	vmul.f32 v1, v0;
	(pc) =	sbr.rel @p0 .LBB2_12-.Ltmp5, $4  }
0x217: {  	_ = 	snop  }
0x218: {  	v0 =	vmax.f32 v0, $0.0e+00  }
0x219: {  	s15 =	sshra.s32 s14, $0x2;
	[tilespmem:s12+$0x10] =	vst v0  }
0x21a: {  	s14 =	sadd.s32 $0x40, s14;
	v0 =	vld [tilespmem:s15+$0xBD00]  }
0x21b: {  	v1 =	vld [tilespmem:s15+$0xC100];
	_ =	sdelay $0x4  }
0x21c: {  	v0 =	vadd.f32 v1, v0;
	_ =	sdelay $0x1  }
0x21d: {  	(erf) = vrcp.f32 v0;
	_ =	sdelay $0x6  }
0x21e: {  	s13 =	sadd.s32 $0x40, s13  }
0x21f: {  	v1 =	vld [tilespmem:s13+$0xFFFFFFE0]  }
0x220: {  	vm0 =	vgt.f32 v0, $0.0e+00;
	v0 =	vpop (erf)  }
0x221: {  	v0 =	vnsel vm0, $0x0, v0  }
0x222: {  	v0 =	vbroadcast v0, $0x0;
	_ =	sdelay $0x1  }
0x223: {  	v1 =	vmul.f32 v0, v1;
	_ =	sdelay $0x1  }
0x224: {  	s12 =	sadd.s32 $0x40, s12;
	v1 =	vmax.f32 v1, $0.0e+00  }
0x225: {  	[tilespmem:s12+$0xFFFFFFE0] =	vst v1  }
0x226: {  	v1 =	vld [tilespmem:s13+$0xFFFFFFF0];
	_ =	sdelay $0x4  }
0x227: {  	v1 =	vmul.f32 v0, v1;
	_ =	sdelay $0x1  }
0x228: {  	v1 =	vmax.f32 v1, $0.0e+00  }
0x229: {  	[tilespmem:s12+$0xFFFFFFF0] =	vst v1  }
0x22a: {  	v1 =	vld [tilespmem:s13+$0x0];
	_ =	sdelay $0x4  }
0x22b: {  	v1 =	vmul.f32 v1, v0;
	_ =	sdelay $0x1  }
0x22c: {  	v1 =	vmax.f32 v1, $0.0e+00  }
0x22d: {  	[tilespmem:s12+$0x0] =	vst v1  }
0x22e: {  	v1 =	vld [tilespmem:s13+$0x10];
	_ =	sdelay $0x4  }
0x22f: {  	v0 =	vmul.f32 v1, v0  }
0x230: {  	s13 =	sld [smem:$0x7F6]  }
0x231: {  	v0 =	vmax.f32 v0, $0.0e+00  }
0x232: {  	[tilespmem:s12+$0x10] =	vst v0  }
0x233: {  	[spmem:s13] =	stream.linear.scatter [tilespmem:s5], [sflag:$0x5], $0x1000, $0x38;
	[tilespmem:$0x1FE00] =	vst v63  }
0x234: {  	_ =	swait.ge [sflag:s31], $0x1000  }
0x235: {  	s14 =	sld [smem:$0x7F7]  }
0x236: {  	[sflag:s31] =	ssyncset.done $0x0  }
0x237: {  	[sflag:s31] =	ssyncadd.s32 $0xFFFFF000  }
0x238: {  	[tilespmem:s4], [sflag:$0x5] =	stream.linear.gather [spmem:s14], $0x1000, $0x38;
	[tilespmem:$0x1FE00] =	vst v63  }
0x239: {  	_ =	swait.ge [sflag:s31], $0x1000  }
0x23a: {  	[sflag:s31] =	ssyncset.done $0x0  }
0x23b: {  	s12 =	simm.s32 $0x0;
	s15 =	rddreg [dreg:$0xd];
	[sflag:s31] =	ssyncadd.s32 $0xFFFFF000  }
0x23c: {  	[tilespmem:s6], [sflag:$0x5] =	stream.linear.gather [hbm4b:s15+s12], $0x400, $0x38;
	[tilespmem:$0x1FE00] =	vst v63  }
0x23d: {  	_ =	swait.ge [sflag:s31], $0x400  }
0x23e: {  	[sflag:s31] =	ssyncset.done $0x0  }
0x23f: {  	s14 =	rddreg [dreg:$0xe];
	[sflag:s31] =	ssyncadd.s32 $0xFFFFFC00  }
0x240: {  	[tilespmem:s9], [sflag:$0x5] =	stream.linear.gather [hbm4b:s14+s12], $0x400, $0x38;
	[tilespmem:$0x1FE00] =	vst v63  }
0x241: {  	_ =	swait.ge [sflag:s31], $0x400  }
0x242: {  	[sflag:s31] =	ssyncset.done $0x0  }
0x243: {  	s15 =	simm.s32 $0x0;
	[sflag:s31] =	ssyncadd.s32 $0xFFFFFC00  }
0x244: {  	v0 =	vld [tilespmem:s15+$0xBD00]  }
0x245: {  	v1 =	vld [tilespmem:s15+$0xC100];
	_ =	sdelay $0x4  }
0x246: {  	v0 =	vadd.f32 v1, v0;
	_ =	sdelay $0x1  }
0x247: {  	(erf) = vrcp.f32 v0;
	_ =	sdelay $0x6  }
0x248: {  	s13 =	simm.s32 $0x9D20  }
0x249: {  	v1 =	vld [tilespmem:s13+$0xFFFFFFE0]  }
0x24a: {  	vm15 =	vgt.f32 v0, $0.0e+00;
	v0 =	vpop (erf)  }
0x24b: {  	v0 =	vnsel vm15, $0x0, v0  }
0x24c: {  	v0 =	vbroadcast v0, $0x0;
	_ =	sdelay $0x1  }
0x24d: {  	v1 =	vmul.f32 v0, v1;
	_ =	sdelay $0x1  }
0x24e: {  	s12 =	simm.s32 $0xAD20;
	v1 =	vmax.f32 v1, $0.0e+00  }
0x24f: {  	[tilespmem:s12+$0xFFFFFFE0] =	vst v1  }
0x250: {  	v1 =	vld [tilespmem:s13+$0xFFFFFFF0];
	_ =	sdelay $0x4  }
0x251: {  	v1 =	vmul.f32 v0, v1;
	_ =	sdelay $0x1  }
0x252: {  	v1 =	vmax.f32 v1, $0.0e+00  }
0x253: {  	[tilespmem:s12+$0xFFFFFFF0] =	vst v1  }
0x254: {  	v1 =	vld [tilespmem:s13+$0x0];
	_ =	sdelay $0x4  }
0x255: {  	v1 =	vmul.f32 v1, v0;
	_ =	sdelay $0x1  }
0x256: {  	v1 =	vmax.f32 v1, $0.0e+00  }
0x257: {  	[tilespmem:s12+$0x0] =	vst v1  }
0x258: {  	v1 =	vld [tilespmem:s13+$0x10];
	_ =	sdelay $0x4  }
0x259: {  	v0 =	vmul.f32 v1, v0;
	_ =	sdelay $0x1  }
0x25a: {  	v0 =	vmax.f32 v0, $0.0e+00  }
0x25b: {  	s15 =	simm.s32 $0x10;
	[tilespmem:s12+$0x10] =	vst v0  }
0x25c: {  	s14 =	simm.s32 $0x80;
	v0 =	vld [tilespmem:s15+$0xBD00]  }
.LBB2_14:
0x25d: {  	p0 =	sne.s32 s14, $0xFC0;
	v1 =	vld [tilespmem:s15+$0xC100];
	s13 =	sadd.s32 $0x40, s13  }
0x25e: {  	v2 =	vld [tilespmem:s13+$0xFFFFFFE0];
	_ =	sdelay $0x3  }
0x25f: {  	v0 =	vadd.f32 v1, v0;
	_ =	sdelay $0x1  }
0x260: {  	(erf) = vrcp.f32 v0;
	_ =	sdelay $0x8  }
0x261: {  	vm0 =	vgt.f32 v0, $0.0e+00;
	v0 =	vpop (erf)  }
0x262: {  	v0 =	vnsel vm0, $0x0, v0  }
0x263: {  	v0 =	vbroadcast v0, $0x0;
	_ =	sdelay $0x1  }
0x264: {  	v1 =	vmul.f32 v0, v2;
	_ =	sdelay $0x1  }
0x265: {  	s12 =	sadd.s32 $0x40, s12;
	v1 =	vmax.f32 v1, $0.0e+00  }
0x266: {  	[tilespmem:s12+$0xFFFFFFE0] =	vst v1  }
0x267: {  	v1 =	vld [tilespmem:s13+$0xFFFFFFF0];
	_ =	sdelay $0x4  }
0x268: {  	v1 =	vmul.f32 v0, v1;
	_ =	sdelay $0x1  }
0x269: {  	v1 =	vmax.f32 v1, $0.0e+00  }
0x26a: {  	[tilespmem:s12+$0xFFFFFFF0] =	vst v1  }
0x26b: {  	v1 =	vld [tilespmem:s13+$0x0];
	_ =	sdelay $0x4  }
0x26c: {  	v1 =	vmul.f32 v1, v0;
	_ =	sdelay $0x1  }
0x26d: {  	v1 =	vmax.f32 v1, $0.0e+00  }
0x26e: {  	[tilespmem:s12+$0x0] =	vst v1  }
0x26f: {  	v1 =	vld [tilespmem:s13+$0x10];
	_ =	sdelay $0x4  }
.Ltmp6:
0x270: {  	v0 =	vmul.f32 v1, v0;
	(pc) =	sbr.rel @p0 .LBB2_14-.Ltmp6, $4  }
0x271: {  	_ = 	snop  }
0x272: {  	v0 =	vmax.f32 v0, $0.0e+00  }
0x273: {  	s15 =	sshra.s32 s14, $0x2;
	[tilespmem:s12+$0x10] =	vst v0  }
0x274: {  	s14 =	sadd.s32 $0x40, s14;
	v0 =	vld [tilespmem:s15+$0xBD00]  }
0x275: {  	v1 =	vld [tilespmem:s15+$0xC100];
	_ =	sdelay $0x4  }
0x276: {  	v0 =	vadd.f32 v1, v0;
	_ =	sdelay $0x1  }
0x277: {  	(erf) = vrcp.f32 v0;
	_ =	sdelay $0x6  }
0x278: {  	s13 =	sadd.s32 $0x40, s13  }
0x279: {  	v1 =	vld [tilespmem:s13+$0xFFFFFFE0]  }
0x27a: {  	vm0 =	vgt.f32 v0, $0.0e+00;
	v0 =	vpop (erf)  }
0x27b: {  	v0 =	vnsel vm0, $0x0, v0  }
0x27c: {  	v0 =	vbroadcast v0, $0x0;
	_ =	sdelay $0x1  }
0x27d: {  	v1 =	vmul.f32 v0, v1;
	_ =	sdelay $0x1  }
0x27e: {  	s12 =	sadd.s32 $0x40, s12;
	v1 =	vmax.f32 v1, $0.0e+00  }
0x27f: {  	[tilespmem:s12+$0xFFFFFFE0] =	vst v1  }
0x280: {  	v1 =	vld [tilespmem:s13+$0xFFFFFFF0];
	_ =	sdelay $0x4  }
0x281: {  	v1 =	vmul.f32 v0, v1;
	_ =	sdelay $0x1  }
0x282: {  	v1 =	vmax.f32 v1, $0.0e+00  }
0x283: {  	[tilespmem:s12+$0xFFFFFFF0] =	vst v1  }
0x284: {  	v1 =	vld [tilespmem:s13+$0x0];
	_ =	sdelay $0x4  }
0x285: {  	v1 =	vmul.f32 v1, v0;
	_ =	sdelay $0x1  }
0x286: {  	v1 =	vmax.f32 v1, $0.0e+00  }
0x287: {  	[tilespmem:s12+$0x0] =	vst v1  }
0x288: {  	v1 =	vld [tilespmem:s13+$0x10];
	_ =	sdelay $0x4  }
0x289: {  	v0 =	vmul.f32 v1, v0  }
0x28a: {  	s13 =	sld [smem:$0x7F8]  }
0x28b: {  	v0 =	vmax.f32 v0, $0.0e+00  }
0x28c: {  	[tilespmem:s12+$0x10] =	vst v0  }
0x28d: {  	[spmem:s13] =	stream.linear.scatter [tilespmem:s5], [sflag:$0x5], $0x1000, $0x38;
	[tilespmem:$0x1FE00] =	vst v63  }
0x28e: {  	_ =	swait.ge [sflag:s31], $0x1000  }
0x28f: {  	s14 =	sld [smem:$0x7F9]  }
0x290: {  	[sflag:s31] =	ssyncset.done $0x0  }
0x291: {  	[sflag:s31] =	ssyncadd.s32 $0xFFFFF000  }
0x292: {  	[tilespmem:s4], [sflag:$0x5] =	stream.linear.gather [spmem:s14], $0x1000, $0x38;
	[tilespmem:$0x1FE00] =	vst v63  }
0x293: {  	_ =	swait.ge [sflag:s31], $0x1000  }
0x294: {  	[sflag:s31] =	ssyncset.done $0x0  }
0x295: {  	s12 =	simm.s32 $0x0;
	s15 =	rddreg [dreg:$0xf];
	[sflag:s31] =	ssyncadd.s32 $0xFFFFF000  }
0x296: {  	[tilespmem:s6], [sflag:$0x5] =	stream.linear.gather [hbm4b:s15+s12], $0x400, $0x38;
	[tilespmem:$0x1FE00] =	vst v63  }
0x297: {  	_ =	swait.ge [sflag:s31], $0x400  }
0x298: {  	[sflag:s31] =	ssyncset.done $0x0  }
0x299: {  	s14 =	rddreg [dreg:$0x10];
	[sflag:s31] =	ssyncadd.s32 $0xFFFFFC00  }
0x29a: {  	[tilespmem:s9], [sflag:$0x5] =	stream.linear.gather [hbm4b:s14+s12], $0x400, $0x38;
	[tilespmem:$0x1FE00] =	vst v63  }
0x29b: {  	_ =	swait.ge [sflag:s31], $0x400  }
0x29c: {  	[sflag:s31] =	ssyncset.done $0x0  }
0x29d: {  	s15 =	simm.s32 $0x0;
	[sflag:s31] =	ssyncadd.s32 $0xFFFFFC00  }
0x29e: {  	v0 =	vld [tilespmem:s15+$0xBD00]  }
0x29f: {  	v1 =	vld [tilespmem:s15+$0xC100];
	_ =	sdelay $0x4  }
0x2a0: {  	v0 =	vadd.f32 v1, v0;
	_ =	sdelay $0x1  }
0x2a1: {  	(erf) = vrcp.f32 v0;
	_ =	sdelay $0x6  }
0x2a2: {  	s13 =	simm.s32 $0x9D20  }
0x2a3: {  	v1 =	vld [tilespmem:s13+$0xFFFFFFE0]  }
0x2a4: {  	vm15 =	vgt.f32 v0, $0.0e+00;
	v0 =	vpop (erf)  }
0x2a5: {  	v0 =	vnsel vm15, $0x0, v0  }
0x2a6: {  	v0 =	vbroadcast v0, $0x0;
	_ =	sdelay $0x1  }
0x2a7: {  	v1 =	vmul.f32 v0, v1;
	_ =	sdelay $0x1  }
0x2a8: {  	s12 =	simm.s32 $0xAD20;
	v1 =	vmax.f32 v1, $0.0e+00  }
0x2a9: {  	[tilespmem:s12+$0xFFFFFFE0] =	vst v1  }
0x2aa: {  	v1 =	vld [tilespmem:s13+$0xFFFFFFF0];
	_ =	sdelay $0x4  }
0x2ab: {  	v1 =	vmul.f32 v0, v1;
	_ =	sdelay $0x1  }
0x2ac: {  	v1 =	vmax.f32 v1, $0.0e+00  }
0x2ad: {  	[tilespmem:s12+$0xFFFFFFF0] =	vst v1  }
0x2ae: {  	v1 =	vld [tilespmem:s13+$0x0];
	_ =	sdelay $0x4  }
0x2af: {  	v1 =	vmul.f32 v1, v0;
	_ =	sdelay $0x1  }
0x2b0: {  	v1 =	vmax.f32 v1, $0.0e+00  }
0x2b1: {  	[tilespmem:s12+$0x0] =	vst v1  }
0x2b2: {  	v1 =	vld [tilespmem:s13+$0x10];
	_ =	sdelay $0x4  }
0x2b3: {  	v0 =	vmul.f32 v1, v0;
	_ =	sdelay $0x1  }
0x2b4: {  	v0 =	vmax.f32 v0, $0.0e+00  }
0x2b5: {  	s15 =	simm.s32 $0x10;
	[tilespmem:s12+$0x10] =	vst v0  }
0x2b6: {  	s14 =	simm.s32 $0x80;
	v0 =	vld [tilespmem:s15+$0xBD00]  }
.LBB2_16:
0x2b7: {  	p0 =	sne.s32 s14, $0xFC0;
	v1 =	vld [tilespmem:s15+$0xC100];
	s13 =	sadd.s32 $0x40, s13  }
0x2b8: {  	v2 =	vld [tilespmem:s13+$0xFFFFFFE0];
	_ =	sdelay $0x3  }
0x2b9: {  	v0 =	vadd.f32 v1, v0;
	_ =	sdelay $0x1  }
0x2ba: {  	(erf) = vrcp.f32 v0;
	_ =	sdelay $0x8  }
0x2bb: {  	vm0 =	vgt.f32 v0, $0.0e+00;
	v0 =	vpop (erf)  }
0x2bc: {  	v0 =	vnsel vm0, $0x0, v0  }
0x2bd: {  	v0 =	vbroadcast v0, $0x0;
	_ =	sdelay $0x1  }
0x2be: {  	v1 =	vmul.f32 v0, v2;
	_ =	sdelay $0x1  }
0x2bf: {  	s12 =	sadd.s32 $0x40, s12;
	v1 =	vmax.f32 v1, $0.0e+00  }
0x2c0: {  	[tilespmem:s12+$0xFFFFFFE0] =	vst v1  }
0x2c1: {  	v1 =	vld [tilespmem:s13+$0xFFFFFFF0];
	_ =	sdelay $0x4  }
0x2c2: {  	v1 =	vmul.f32 v0, v1;
	_ =	sdelay $0x1  }
0x2c3: {  	v1 =	vmax.f32 v1, $0.0e+00  }
0x2c4: {  	[tilespmem:s12+$0xFFFFFFF0] =	vst v1  }
0x2c5: {  	v1 =	vld [tilespmem:s13+$0x0];
	_ =	sdelay $0x4  }
0x2c6: {  	v1 =	vmul.f32 v1, v0;
	_ =	sdelay $0x1  }
0x2c7: {  	v1 =	vmax.f32 v1, $0.0e+00  }
0x2c8: {  	[tilespmem:s12+$0x0] =	vst v1  }
0x2c9: {  	v1 =	vld [tilespmem:s13+$0x10];
	_ =	sdelay $0x4  }
.Ltmp7:
0x2ca: {  	v0 =	vmul.f32 v1, v0;
	(pc) =	sbr.rel @p0 .LBB2_16-.Ltmp7, $4  }
0x2cb: {  	_ = 	snop  }
0x2cc: {  	v0 =	vmax.f32 v0, $0.0e+00  }
0x2cd: {  	s15 =	sshra.s32 s14, $0x2;
	[tilespmem:s12+$0x10] =	vst v0  }
0x2ce: {  	s14 =	sadd.s32 $0x40, s14;
	v0 =	vld [tilespmem:s15+$0xBD00]  }
0x2cf: {  	v1 =	vld [tilespmem:s15+$0xC100];
	_ =	sdelay $0x4  }
0x2d0: {  	v0 =	vadd.f32 v1, v0;
	_ =	sdelay $0x1  }
0x2d1: {  	(erf) = vrcp.f32 v0;
	_ =	sdelay $0x6  }
0x2d2: {  	s13 =	sadd.s32 $0x40, s13  }
0x2d3: {  	v1 =	vld [tilespmem:s13+$0xFFFFFFE0]  }
0x2d4: {  	vm0 =	vgt.f32 v0, $0.0e+00;
	v0 =	vpop (erf)  }
0x2d5: {  	v0 =	vnsel vm0, $0x0, v0  }
0x2d6: {  	v0 =	vbroadcast v0, $0x0;
	_ =	sdelay $0x1  }
0x2d7: {  	v1 =	vmul.f32 v0, v1;
	_ =	sdelay $0x1  }
0x2d8: {  	s12 =	sadd.s32 $0x40, s12;
	v1 =	vmax.f32 v1, $0.0e+00  }
0x2d9: {  	[tilespmem:s12+$0xFFFFFFE0] =	vst v1  }
0x2da: {  	v1 =	vld [tilespmem:s13+$0xFFFFFFF0];
	_ =	sdelay $0x4  }
0x2db: {  	v1 =	vmul.f32 v0, v1;
	_ =	sdelay $0x1  }
0x2dc: {  	v1 =	vmax.f32 v1, $0.0e+00  }
0x2dd: {  	[tilespmem:s12+$0xFFFFFFF0] =	vst v1  }
0x2de: {  	v1 =	vld [tilespmem:s13+$0x0];
	_ =	sdelay $0x4  }
0x2df: {  	v1 =	vmul.f32 v1, v0;
	_ =	sdelay $0x1  }
0x2e0: {  	v1 =	vmax.f32 v1, $0.0e+00  }
0x2e1: {  	[tilespmem:s12+$0x0] =	vst v1  }
0x2e2: {  	v1 =	vld [tilespmem:s13+$0x10];
	_ =	sdelay $0x4  }
0x2e3: {  	v0 =	vmul.f32 v1, v0  }
0x2e4: {  	s13 =	sld [smem:$0x7FA]  }
0x2e5: {  	v0 =	vmax.f32 v0, $0.0e+00  }
0x2e6: {  	[tilespmem:s12+$0x10] =	vst v0  }
0x2e7: {  	[spmem:s13] =	stream.linear.scatter [tilespmem:s5], [sflag:$0x5], $0x1000, $0x38;
	[tilespmem:$0x1FE00] =	vst v63  }
0x2e8: {  	_ =	swait.ge [sflag:s31], $0x1000  }
0x2e9: {  	s14 =	sld [smem:$0x7FB]  }
0x2ea: {  	[sflag:s31] =	ssyncset.done $0x0  }
0x2eb: {  	[sflag:s31] =	ssyncadd.s32 $0xFFFFF000  }
0x2ec: {  	[tilespmem:s4], [sflag:$0x5] =	stream.linear.gather [spmem:s14], $0x1000, $0x38;
	[tilespmem:$0x1FE00] =	vst v63  }
0x2ed: {  	_ =	swait.ge [sflag:s31], $0x1000  }
0x2ee: {  	[sflag:s31] =	ssyncset.done $0x0  }
0x2ef: {  	s12 =	simm.s32 $0x0;
	s15 =	rddreg [dreg:$0x11];
	[sflag:s31] =	ssyncadd.s32 $0xFFFFF000  }
0x2f0: {  	[tilespmem:s6], [sflag:$0x5] =	stream.linear.gather [hbm4b:s15+s12], $0x400, $0x38;
	[tilespmem:$0x1FE00] =	vst v63  }
0x2f1: {  	_ =	swait.ge [sflag:s31], $0x400  }
0x2f2: {  	[sflag:s31] =	ssyncset.done $0x0  }
0x2f3: {  	s14 =	rddreg [dreg:$0x12];
	[sflag:s31] =	ssyncadd.s32 $0xFFFFFC00  }
0x2f4: {  	[tilespmem:s9], [sflag:$0x5] =	stream.linear.gather [hbm4b:s14+s12], $0x400, $0x38;
	[tilespmem:$0x1FE00] =	vst v63  }
0x2f5: {  	_ =	swait.ge [sflag:s31], $0x400  }
0x2f6: {  	[sflag:s31] =	ssyncset.done $0x0  }
0x2f7: {  	s15 =	simm.s32 $0x0;
	[sflag:s31] =	ssyncadd.s32 $0xFFFFFC00  }
0x2f8: {  	v0 =	vld [tilespmem:s15+$0xBD00]  }
0x2f9: {  	v1 =	vld [tilespmem:s15+$0xC100];
	_ =	sdelay $0x4  }
0x2fa: {  	v0 =	vadd.f32 v1, v0;
	_ =	sdelay $0x1  }
0x2fb: {  	(erf) = vrcp.f32 v0;
	_ =	sdelay $0x6  }
0x2fc: {  	s13 =	simm.s32 $0x9D20  }
0x2fd: {  	v1 =	vld [tilespmem:s13+$0xFFFFFFE0]  }
0x2fe: {  	vm15 =	vgt.f32 v0, $0.0e+00;
	v0 =	vpop (erf)  }
0x2ff: {  	v0 =	vnsel vm15, $0x0, v0  }
0x300: {  	v0 =	vbroadcast v0, $0x0;
	_ =	sdelay $0x1  }
0x301: {  	v1 =	vmul.f32 v0, v1;
	_ =	sdelay $0x1  }
0x302: {  	s12 =	simm.s32 $0xAD20;
	v1 =	vmax.f32 v1, $0.0e+00  }
0x303: {  	[tilespmem:s12+$0xFFFFFFE0] =	vst v1  }
0x304: {  	v1 =	vld [tilespmem:s13+$0xFFFFFFF0];
	_ =	sdelay $0x4  }
0x305: {  	v1 =	vmul.f32 v0, v1;
	_ =	sdelay $0x1  }
0x306: {  	v1 =	vmax.f32 v1, $0.0e+00  }
0x307: {  	[tilespmem:s12+$0xFFFFFFF0] =	vst v1  }
0x308: {  	v1 =	vld [tilespmem:s13+$0x0];
	_ =	sdelay $0x4  }
0x309: {  	v1 =	vmul.f32 v1, v0;
	_ =	sdelay $0x1  }
0x30a: {  	v1 =	vmax.f32 v1, $0.0e+00  }
0x30b: {  	[tilespmem:s12+$0x0] =	vst v1  }
0x30c: {  	v1 =	vld [tilespmem:s13+$0x10];
	_ =	sdelay $0x4  }
0x30d: {  	v0 =	vmul.f32 v1, v0;
	_ =	sdelay $0x1  }
0x30e: {  	v0 =	vmax.f32 v0, $0.0e+00  }
0x30f: {  	s15 =	simm.s32 $0x10;
	[tilespmem:s12+$0x10] =	vst v0  }
0x310: {  	s14 =	simm.s32 $0x80;
	v0 =	vld [tilespmem:s15+$0xBD00]  }
.LBB2_18:
0x311: {  	p0 =	sne.s32 s14, $0xFC0;
	v1 =	vld [tilespmem:s15+$0xC100];
	s13 =	sadd.s32 $0x40, s13  }
0x312: {  	v2 =	vld [tilespmem:s13+$0xFFFFFFE0];
	_ =	sdelay $0x3  }
0x313: {  	v0 =	vadd.f32 v1, v0;
	_ =	sdelay $0x1  }
0x314: {  	(erf) = vrcp.f32 v0;
	_ =	sdelay $0x8  }
0x315: {  	vm0 =	vgt.f32 v0, $0.0e+00;
	v0 =	vpop (erf)  }
0x316: {  	v0 =	vnsel vm0, $0x0, v0  }
0x317: {  	v0 =	vbroadcast v0, $0x0;
	_ =	sdelay $0x1  }
0x318: {  	v1 =	vmul.f32 v0, v2;
	_ =	sdelay $0x1  }
0x319: {  	s12 =	sadd.s32 $0x40, s12;
	v1 =	vmax.f32 v1, $0.0e+00  }
0x31a: {  	[tilespmem:s12+$0xFFFFFFE0] =	vst v1  }
0x31b: {  	v1 =	vld [tilespmem:s13+$0xFFFFFFF0];
	_ =	sdelay $0x4  }
0x31c: {  	v1 =	vmul.f32 v0, v1;
	_ =	sdelay $0x1  }
0x31d: {  	v1 =	vmax.f32 v1, $0.0e+00  }
0x31e: {  	[tilespmem:s12+$0xFFFFFFF0] =	vst v1  }
0x31f: {  	v1 =	vld [tilespmem:s13+$0x0];
	_ =	sdelay $0x4  }
0x320: {  	v1 =	vmul.f32 v1, v0;
	_ =	sdelay $0x1  }
0x321: {  	v1 =	vmax.f32 v1, $0.0e+00  }
0x322: {  	[tilespmem:s12+$0x0] =	vst v1  }
0x323: {  	v1 =	vld [tilespmem:s13+$0x10];
	_ =	sdelay $0x4  }
.Ltmp8:
0x324: {  	v0 =	vmul.f32 v1, v0;
	(pc) =	sbr.rel @p0 .LBB2_18-.Ltmp8, $4  }
0x325: {  	_ = 	snop  }
0x326: {  	v0 =	vmax.f32 v0, $0.0e+00  }
0x327: {  	s15 =	sshra.s32 s14, $0x2;
	[tilespmem:s12+$0x10] =	vst v0  }
0x328: {  	s14 =	sadd.s32 $0x40, s14;
	v0 =	vld [tilespmem:s15+$0xBD00]  }
0x329: {  	v1 =	vld [tilespmem:s15+$0xC100];
	_ =	sdelay $0x4  }
0x32a: {  	v0 =	vadd.f32 v1, v0;
	_ =	sdelay $0x1  }
0x32b: {  	(erf) = vrcp.f32 v0;
	_ =	sdelay $0x6  }
0x32c: {  	s13 =	sadd.s32 $0x40, s13  }
0x32d: {  	v1 =	vld [tilespmem:s13+$0xFFFFFFE0]  }
0x32e: {  	vm0 =	vgt.f32 v0, $0.0e+00;
	v0 =	vpop (erf)  }
0x32f: {  	v0 =	vnsel vm0, $0x0, v0  }
0x330: {  	v0 =	vbroadcast v0, $0x0;
	_ =	sdelay $0x1  }
0x331: {  	v1 =	vmul.f32 v0, v1;
	_ =	sdelay $0x1  }
0x332: {  	s12 =	sadd.s32 $0x40, s12;
	v1 =	vmax.f32 v1, $0.0e+00  }
0x333: {  	[tilespmem:s12+$0xFFFFFFE0] =	vst v1  }
0x334: {  	v1 =	vld [tilespmem:s13+$0xFFFFFFF0];
	_ =	sdelay $0x4  }
0x335: {  	v1 =	vmul.f32 v0, v1;
	_ =	sdelay $0x1  }
0x336: {  	v1 =	vmax.f32 v1, $0.0e+00  }
0x337: {  	[tilespmem:s12+$0xFFFFFFF0] =	vst v1  }
0x338: {  	v1 =	vld [tilespmem:s13+$0x0];
	_ =	sdelay $0x4  }
0x339: {  	v1 =	vmul.f32 v1, v0;
	_ =	sdelay $0x1  }
0x33a: {  	v1 =	vmax.f32 v1, $0.0e+00  }
0x33b: {  	[tilespmem:s12+$0x0] =	vst v1  }
0x33c: {  	v1 =	vld [tilespmem:s13+$0x10];
	_ =	sdelay $0x4  }
0x33d: {  	v0 =	vmul.f32 v1, v0  }
0x33e: {  	s13 =	sld [smem:$0x7FC]  }
0x33f: {  	v0 =	vmax.f32 v0, $0.0e+00  }
0x340: {  	[tilespmem:s12+$0x10] =	vst v0  }
0x341: {  	[spmem:s13] =	stream.linear.scatter [tilespmem:s5], [sflag:$0x5], $0x1000, $0x38;
	[tilespmem:$0x1FE00] =	vst v63  }
0x342: {  	_ =	swait.ge [sflag:s31], $0x1000  }
0x343: {  	s14 =	sld [smem:$0x7FD]  }
0x344: {  	[sflag:s31] =	ssyncset.done $0x0  }
0x345: {  	[sflag:s31] =	ssyncadd.s32 $0xFFFFF000  }
0x346: {  	[tilespmem:s4], [sflag:$0x5] =	stream.linear.gather [spmem:s14], $0x1000, $0x38;
	[tilespmem:$0x1FE00] =	vst v63  }
0x347: {  	_ =	swait.ge [sflag:s31], $0x1000  }
0x348: {  	[sflag:s31] =	ssyncset.done $0x0  }
0x349: {  	s12 =	simm.s32 $0x0;
	s15 =	rddreg [dreg:$0x13];
	[sflag:s31] =	ssyncadd.s32 $0xFFFFF000  }
0x34a: {  	[tilespmem:s6], [sflag:$0x5] =	stream.linear.gather [hbm4b:s15+s12], $0x400, $0x38;
	[tilespmem:$0x1FE00] =	vst v63  }
0x34b: {  	_ =	swait.ge [sflag:s31], $0x400  }
0x34c: {  	[sflag:s31] =	ssyncset.done $0x0  }
0x34d: {  	s14 =	rddreg [dreg:$0x14];
	[sflag:s31] =	ssyncadd.s32 $0xFFFFFC00  }
0x34e: {  	[tilespmem:s9], [sflag:$0x5] =	stream.linear.gather [hbm4b:s14+s12], $0x400, $0x38;
	[tilespmem:$0x1FE00] =	vst v63  }
0x34f: {  	_ =	swait.ge [sflag:s31], $0x400  }
0x350: {  	[sflag:s31] =	ssyncset.done $0x0  }
0x351: {  	s15 =	simm.s32 $0x0;
	[sflag:s31] =	ssyncadd.s32 $0xFFFFFC00  }
0x352: {  	v0 =	vld [tilespmem:s15+$0xBD00]  }
0x353: {  	v1 =	vld [tilespmem:s15+$0xC100];
	_ =	sdelay $0x4  }
0x354: {  	v0 =	vadd.f32 v1, v0;
	_ =	sdelay $0x1  }
0x355: {  	(erf) = vrcp.f32 v0;
	_ =	sdelay $0x6  }
0x356: {  	s13 =	simm.s32 $0x9D20  }
0x357: {  	v1 =	vld [tilespmem:s13+$0xFFFFFFE0]  }
0x358: {  	vm15 =	vgt.f32 v0, $0.0e+00;
	v0 =	vpop (erf)  }
0x359: {  	v0 =	vnsel vm15, $0x0, v0  }
0x35a: {  	v0 =	vbroadcast v0, $0x0;
	_ =	sdelay $0x1  }
0x35b: {  	v1 =	vmul.f32 v0, v1;
	_ =	sdelay $0x1  }
0x35c: {  	s12 =	simm.s32 $0xAD20;
	v1 =	vmax.f32 v1, $0.0e+00  }
0x35d: {  	[tilespmem:s12+$0xFFFFFFE0] =	vst v1  }
0x35e: {  	v1 =	vld [tilespmem:s13+$0xFFFFFFF0];
	_ =	sdelay $0x4  }
0x35f: {  	v1 =	vmul.f32 v0, v1;
	_ =	sdelay $0x1  }
0x360: {  	v1 =	vmax.f32 v1, $0.0e+00  }
0x361: {  	[tilespmem:s12+$0xFFFFFFF0] =	vst v1  }
0x362: {  	v1 =	vld [tilespmem:s13+$0x0];
	_ =	sdelay $0x4  }
0x363: {  	v1 =	vmul.f32 v1, v0;
	_ =	sdelay $0x1  }
0x364: {  	v1 =	vmax.f32 v1, $0.0e+00  }
0x365: {  	[tilespmem:s12+$0x0] =	vst v1  }
0x366: {  	v1 =	vld [tilespmem:s13+$0x10];
	_ =	sdelay $0x4  }
0x367: {  	v0 =	vmul.f32 v1, v0;
	_ =	sdelay $0x1  }
0x368: {  	v0 =	vmax.f32 v0, $0.0e+00  }
0x369: {  	s15 =	simm.s32 $0x10;
	[tilespmem:s12+$0x10] =	vst v0  }
0x36a: {  	s14 =	simm.s32 $0x80;
	v0 =	vld [tilespmem:s15+$0xBD00]  }
.LBB2_20:
0x36b: {  	p0 =	sne.s32 s14, $0xFC0;
	v1 =	vld [tilespmem:s15+$0xC100];
	s13 =	sadd.s32 $0x40, s13  }
0x36c: {  	v2 =	vld [tilespmem:s13+$0xFFFFFFE0];
	_ =	sdelay $0x3  }
0x36d: {  	v0 =	vadd.f32 v1, v0;
	_ =	sdelay $0x1  }
0x36e: {  	(erf) = vrcp.f32 v0;
	_ =	sdelay $0x8  }
0x36f: {  	vm0 =	vgt.f32 v0, $0.0e+00;
	v0 =	vpop (erf)  }
0x370: {  	v0 =	vnsel vm0, $0x0, v0  }
0x371: {  	v0 =	vbroadcast v0, $0x0;
	_ =	sdelay $0x1  }
0x372: {  	v1 =	vmul.f32 v0, v2;
	_ =	sdelay $0x1  }
0x373: {  	s12 =	sadd.s32 $0x40, s12;
	v1 =	vmax.f32 v1, $0.0e+00  }
0x374: {  	[tilespmem:s12+$0xFFFFFFE0] =	vst v1  }
0x375: {  	v1 =	vld [tilespmem:s13+$0xFFFFFFF0];
	_ =	sdelay $0x4  }
0x376: {  	v1 =	vmul.f32 v0, v1;
	_ =	sdelay $0x1  }
0x377: {  	v1 =	vmax.f32 v1, $0.0e+00  }
0x378: {  	[tilespmem:s12+$0xFFFFFFF0] =	vst v1  }
0x379: {  	v1 =	vld [tilespmem:s13+$0x0];
	_ =	sdelay $0x4  }
0x37a: {  	v1 =	vmul.f32 v1, v0;
	_ =	sdelay $0x1  }
0x37b: {  	v1 =	vmax.f32 v1, $0.0e+00  }
0x37c: {  	[tilespmem:s12+$0x0] =	vst v1  }
0x37d: {  	v1 =	vld [tilespmem:s13+$0x10];
	_ =	sdelay $0x4  }
.Ltmp9:
0x37e: {  	v0 =	vmul.f32 v1, v0;
	(pc) =	sbr.rel @p0 .LBB2_20-.Ltmp9, $4  }
0x37f: {  	_ = 	snop  }
0x380: {  	v0 =	vmax.f32 v0, $0.0e+00  }
0x381: {  	s15 =	sshra.s32 s14, $0x2;
	[tilespmem:s12+$0x10] =	vst v0  }
0x382: {  	s14 =	sadd.s32 $0x40, s14;
	v0 =	vld [tilespmem:s15+$0xBD00]  }
0x383: {  	v1 =	vld [tilespmem:s15+$0xC100];
	_ =	sdelay $0x4  }
0x384: {  	v0 =	vadd.f32 v1, v0;
	_ =	sdelay $0x1  }
0x385: {  	(erf) = vrcp.f32 v0;
	_ =	sdelay $0x6  }
0x386: {  	s13 =	sadd.s32 $0x40, s13  }
0x387: {  	v1 =	vld [tilespmem:s13+$0xFFFFFFE0]  }
0x388: {  	vm0 =	vgt.f32 v0, $0.0e+00;
	v0 =	vpop (erf)  }
0x389: {  	v0 =	vnsel vm0, $0x0, v0  }
0x38a: {  	v0 =	vbroadcast v0, $0x0;
	_ =	sdelay $0x1  }
0x38b: {  	v1 =	vmul.f32 v0, v1;
	_ =	sdelay $0x1  }
0x38c: {  	s12 =	sadd.s32 $0x40, s12;
	v1 =	vmax.f32 v1, $0.0e+00  }
0x38d: {  	[tilespmem:s12+$0xFFFFFFE0] =	vst v1  }
0x38e: {  	v1 =	vld [tilespmem:s13+$0xFFFFFFF0];
	_ =	sdelay $0x4  }
0x38f: {  	v1 =	vmul.f32 v0, v1;
	_ =	sdelay $0x1  }
0x390: {  	v1 =	vmax.f32 v1, $0.0e+00  }
0x391: {  	[tilespmem:s12+$0xFFFFFFF0] =	vst v1  }
0x392: {  	v1 =	vld [tilespmem:s13+$0x0];
	_ =	sdelay $0x4  }
0x393: {  	v1 =	vmul.f32 v1, v0;
	_ =	sdelay $0x1  }
0x394: {  	v1 =	vmax.f32 v1, $0.0e+00  }
0x395: {  	[tilespmem:s12+$0x0] =	vst v1  }
0x396: {  	v1 =	vld [tilespmem:s13+$0x10];
	_ =	sdelay $0x4  }
0x397: {  	v0 =	vmul.f32 v1, v0;
	_ =	sdelay $0x1  }
0x398: {  	v0 =	vmax.f32 v0, $0.0e+00  }
0x399: {  	[tilespmem:s12+$0x10] =	vst v0  }
0x39a: {  	[spmem:s17] =	stream.linear.scatter [tilespmem:s5], [sflag:$0x5], $0x1000, $0x38;
	[tilespmem:$0x1FE00] =	vst v63  }
0x39b: {  	_ =	swait.ge [sflag:s31], $0x1000  }
0x39c: {  	[sflag:s31] =	ssyncset.done $0x0  }
0x39d: {  	[sflag:s31] =	ssyncadd.s32 $0xFFFFF000  }
0x39e: {  	[tilespmem:s4], [sflag:$0x5] =	stream.linear.gather [spmem:s21], $0xC80, $0x38;
	[tilespmem:$0x1FE00] =	vst v63  }
0x39f: {  	_ =	swait.ge [sflag:s31], $0xC80  }
0x3a0: {  	[sflag:s31] =	ssyncset.done $0x0  }
0x3a1: {  	s12 =	simm.s32 $0x0;
	s15 =	rddreg [dreg:$0x15];
	[sflag:s31] =	ssyncadd.s32 $0xFFFFF380  }
0x3a2: {  	[tilespmem:s6], [sflag:$0x5] =	stream.linear.gather [hbm4b:s15+s12], $0x320, $0x38;
	[tilespmem:$0x1FE00] =	vst v63  }
0x3a3: {  	_ =	swait.ge [sflag:s31], $0x320  }
0x3a4: {  	[sflag:s31] =	ssyncset.done $0x0  }
0x3a5: {  	s14 =	rddreg [dreg:$0x16];
	[sflag:s31] =	ssyncadd.s32 $0xFFFFFCE0  }
0x3a6: {  	[tilespmem:s9], [sflag:$0x5] =	stream.linear.gather [hbm4b:s14+s12], $0x320, $0x38;
	[tilespmem:$0x1FE00] =	vst v63  }
0x3a7: {  	_ =	swait.ge [sflag:s31], $0x320  }
0x3a8: {  	[sflag:s31] =	ssyncset.done $0x0  }
0x3a9: {  	s15 =	simm.s32 $0x0;
	[sflag:s31] =	ssyncadd.s32 $0xFFFFFCE0  }
0x3aa: {  	v0 =	vld [tilespmem:s15+$0xBD00]  }
0x3ab: {  	v1 =	vld [tilespmem:s15+$0xC100];
	_ =	sdelay $0x4  }
0x3ac: {  	v0 =	vadd.f32 v1, v0;
	_ =	sdelay $0x1  }
0x3ad: {  	(erf) = vrcp.f32 v0;
	_ =	sdelay $0x6  }
0x3ae: {  	s13 =	simm.s32 $0x9D20  }
0x3af: {  	v1 =	vld [tilespmem:s13+$0xFFFFFFE0]  }
0x3b0: {  	vm15 =	vgt.f32 v0, $0.0e+00;
	v0 =	vpop (erf)  }
0x3b1: {  	v0 =	vnsel vm15, $0x0, v0  }
0x3b2: {  	v0 =	vbroadcast v0, $0x0;
	_ =	sdelay $0x1  }
0x3b3: {  	v1 =	vmul.f32 v0, v1;
	_ =	sdelay $0x1  }
0x3b4: {  	s12 =	simm.s32 $0xAD20;
	v1 =	vmax.f32 v1, $0.0e+00  }
0x3b5: {  	[tilespmem:s12+$0xFFFFFFE0] =	vst v1  }
0x3b6: {  	v1 =	vld [tilespmem:s13+$0xFFFFFFF0];
	_ =	sdelay $0x4  }
0x3b7: {  	v1 =	vmul.f32 v0, v1;
	_ =	sdelay $0x1  }
0x3b8: {  	v1 =	vmax.f32 v1, $0.0e+00  }
0x3b9: {  	[tilespmem:s12+$0xFFFFFFF0] =	vst v1  }
0x3ba: {  	v1 =	vld [tilespmem:s13+$0x0];
	_ =	sdelay $0x4  }
0x3bb: {  	v1 =	vmul.f32 v1, v0;
	_ =	sdelay $0x1  }
0x3bc: {  	v1 =	vmax.f32 v1, $0.0e+00  }
0x3bd: {  	[tilespmem:s12+$0x0] =	vst v1  }
0x3be: {  	v1 =	vld [tilespmem:s13+$0x10];
	_ =	sdelay $0x4  }
0x3bf: {  	v0 =	vmul.f32 v1, v0;
	_ =	sdelay $0x1  }
0x3c0: {  	v0 =	vmax.f32 v0, $0.0e+00  }
0x3c1: {  	s15 =	simm.s32 $0x10;
	[tilespmem:s12+$0x10] =	vst v0  }
0x3c2: {  	s14 =	simm.s32 $0x80;
	v0 =	vld [tilespmem:s15+$0xBD00]  }
.LBB2_22:
0x3c3: {  	p0 =	sne.s32 s14, $0xC40;
	v1 =	vld [tilespmem:s15+$0xC100];
	s13 =	sadd.s32 $0x40, s13  }
0x3c4: {  	v2 =	vld [tilespmem:s13+$0xFFFFFFE0];
	_ =	sdelay $0x3  }
0x3c5: {  	v0 =	vadd.f32 v1, v0;
	_ =	sdelay $0x1  }
0x3c6: {  	(erf) = vrcp.f32 v0;
	_ =	sdelay $0x8  }
0x3c7: {  	vm0 =	vgt.f32 v0, $0.0e+00;
	v0 =	vpop (erf)  }
0x3c8: {  	v0 =	vnsel vm0, $0x0, v0  }
0x3c9: {  	v0 =	vbroadcast v0, $0x0;
	_ =	sdelay $0x1  }
0x3ca: {  	v1 =	vmul.f32 v0, v2;
	_ =	sdelay $0x1  }
0x3cb: {  	s12 =	sadd.s32 $0x40, s12;
	v1 =	vmax.f32 v1, $0.0e+00  }
0x3cc: {  	[tilespmem:s12+$0xFFFFFFE0] =	vst v1  }
0x3cd: {  	v1 =	vld [tilespmem:s13+$0xFFFFFFF0];
	_ =	sdelay $0x4  }
0x3ce: {  	v1 =	vmul.f32 v0, v1;
	_ =	sdelay $0x1  }
0x3cf: {  	v1 =	vmax.f32 v1, $0.0e+00  }
0x3d0: {  	[tilespmem:s12+$0xFFFFFFF0] =	vst v1  }
0x3d1: {  	v1 =	vld [tilespmem:s13+$0x0];
	_ =	sdelay $0x4  }
0x3d2: {  	v1 =	vmul.f32 v1, v0;
	_ =	sdelay $0x1  }
0x3d3: {  	v1 =	vmax.f32 v1, $0.0e+00  }
0x3d4: {  	[tilespmem:s12+$0x0] =	vst v1  }
0x3d5: {  	v1 =	vld [tilespmem:s13+$0x10];
	_ =	sdelay $0x4  }
.Ltmp10:
0x3d6: {  	v0 =	vmul.f32 v1, v0;
	(pc) =	sbr.rel @p0 .LBB2_22-.Ltmp10, $4  }
0x3d7: {  	_ = 	snop  }
0x3d8: {  	v0 =	vmax.f32 v0, $0.0e+00  }
0x3d9: {  	s15 =	sshra.s32 s14, $0x2;
	[tilespmem:s12+$0x10] =	vst v0  }
0x3da: {  	s14 =	sadd.s32 $0x40, s14;
	v0 =	vld [tilespmem:s15+$0xBD00]  }
0x3db: {  	v1 =	vld [tilespmem:s15+$0xC100];
	_ =	sdelay $0x4  }
0x3dc: {  	v0 =	vadd.f32 v1, v0;
	_ =	sdelay $0x1  }
0x3dd: {  	(erf) = vrcp.f32 v0;
	_ =	sdelay $0x6  }
0x3de: {  	s13 =	sadd.s32 $0x40, s13  }
0x3df: {  	v62 =	vld [tilespmem:s13+$0xFFFFFFE0]  }
0x3e0: {  	vm0 =	vgt.f32 v0, $0.0e+00;
	v63 =	vpop (erf)  }
0x3e1: {  	v0 =	vnsel vm0, $0x0, v63  }
0x3e2: {  	v0 =	vbroadcast v0, $0x0;
	_ =	sdelay $0x1  }
0x3e3: {  	v1 =	vmul.f32 v0, v62;
	_ =	sdelay $0x1  }
0x3e4: {  	s12 =	sadd.s32 $0x40, s12;
	v1 =	vmax.f32 v1, $0.0e+00  }
0x3e5: {  	[tilespmem:s12+$0xFFFFFFE0] =	vst v1  }
0x3e6: {  	v1 =	vld [tilespmem:s13+$0xFFFFFFF0];
	_ =	sdelay $0x4  }
0x3e7: {  	v1 =	vmul.f32 v0, v1;
	_ =	sdelay $0x1  }
0x3e8: {  	v1 =	vmax.f32 v1, $0.0e+00  }
0x3e9: {  	[tilespmem:s12+$0xFFFFFFF0] =	vst v1  }
0x3ea: {  	v1 =	vld [tilespmem:s13+$0x0];
	_ =	sdelay $0x4  }
0x3eb: {  	v1 =	vmul.f32 v1, v0;
	_ =	sdelay $0x1  }
0x3ec: {  	v1 =	vmax.f32 v1, $0.0e+00  }
0x3ed: {  	[tilespmem:s12+$0x0] =	vst v1  }
0x3ee: {  	v1 =	vld [tilespmem:s13+$0x10];
	_ =	sdelay $0x4  }
0x3ef: {  	v0 =	vmul.f32 v1, v0;
	_ =	sdelay $0x1  }
0x3f0: {  	v0 =	vmax.f32 v0, $0.0e+00  }
0x3f1: {  	[tilespmem:s12+$0x10] =	vst v0  }
0x3f2: {  	[spmem:s22] =	stream.linear.scatter [tilespmem:s5], [sflag:$0x5], $0xC80, $0x38;
	[tilespmem:$0x1FE00] =	vst v63  }
0x3f3: {  	_ =	swait.ge [sflag:s31], $0xC80  }
0x3f4: {  	[sflag:s31] =	ssyncset.done $0x0  }
0x3f5: {  	[sflag:s31] =	ssyncadd.s32 $0xFFFFF380  }
0x3f6: {  	[spmem:s11], [sflag:s26] =	dma.local [hbm:s2], $0x1390  }
0x3f7: {  	_ =	swait.ge [sflag:s31], $0x1390  }
0x3f8: {  	[sflag:s31] =	ssyncset.done $0x0  }
0x3f9: {  	[sflag:s31] =	ssyncadd.s32 $0xFFFFEC70  }
0x3fa: {  	[bflag:$0x0] =	sbarrier.arrive $0xFFFF  }
0x3fb: {  	[tilespmem:s4], [sflag:$0x1] =	stream.indirect.gather [spmem:s18], $0x40, s19, s0, $0xb8;
	[tilespmem:$0x1FE00] =	vst v63  }
0x3fc: {  	s15 =	simm.s32 $0x4EC0  }
0x3fd: {  	[tilespmem:s5], [sflag:$0x2] =	stream.indirect.gather [spmem:s18], $0x40, s15, s0, $0xb8;
	[tilespmem:$0x1FE00] =	vst v63  }
0x3fe: {  	_ =	swait.ge [sflag:s30], $0x1000  }
0x3ff: {  	[sflag:s30] =	ssyncset.done $0x0  }
0x400: {  	[sflag:s30] =	ssyncadd.s32 $0xFFFFF000  }
0x401: {  	[spmem:s20] =	stream.indirect.scatter.add.f32 [tilespmem:s4], [sflag:$0x3], $0x40, s1, s0, $0xb8;
	[tilespmem:$0x1FE00] =	vst v63  }
0x402: {  	_ =	swait.ge [sflag:s3], $0x1000  }
0x403: {  	[sflag:s3] =	ssyncset.done $0x0  }
0x404: {  	[sflag:s3] =	ssyncadd.s32 $0xFFFFF000  }
0x405: {  	[spmem:s20] =	stream.indirect.scatter.add.f32 [tilespmem:s5], [sflag:$0x4], $0x40, s0, s0, $0xb8;
	[tilespmem:$0x1FE00] =	vst v63  }
0x406: {  	_ =	swait.ge [sflag:s7], $0x1000  }
0x407: {  	[sflag:s7] =	ssyncset.done $0x0  }
0x408: {  	s14 =	simm.s32 $0x4F00;
	[sflag:s7] =	ssyncadd.s32 $0xFFFFF000  }
0x409: {  	[tilespmem:s4], [sflag:$0x1] =	stream.indirect.gather [spmem:s18], $0x40, s14, s0, $0xb8;
	[tilespmem:$0x1FE00] =	vst v63  }
0x40a: {  	_ =	swait.ge [sflag:s8], $0x1000  }
0x40b: {  	[sflag:s8] =	ssyncset.done $0x0  }
0x40c: {  	s13 =	simm.s32 $0x4F40;
	[sflag:s8] =	ssyncadd.s32 $0xFFFFF000  }
0x40d: {  	[tilespmem:s5], [sflag:$0x2] =	stream.indirect.gather [spmem:s18], $0x40, s13, s0, $0xb8;
	[tilespmem:$0x1FE00] =	vst v63  }
0x40e: {  	_ =	swait.ge [sflag:s30], $0x1000  }
0x40f: {  	[sflag:s30] =	ssyncset.done $0x0  }
0x410: {  	s14 =	simm.s32 $0x80;
	[sflag:s30] =	ssyncadd.s32 $0xFFFFF000  }
0x411: {  	[spmem:s20] =	stream.indirect.scatter.add.f32 [tilespmem:s4], [sflag:$0x3], $0x40, s14, s0, $0xb8;
	[tilespmem:$0x1FE00] =	vst v63  }
0x412: {  	_ =	swait.ge [sflag:s3], $0x1000  }
0x413: {  	[sflag:s3] =	ssyncset.done $0x0  }
0x414: {  	s12 =	simm.s32 $0xFFFECA00;
	s13 =	simm.s32 $0xC0;
	[sflag:s3] =	ssyncadd.s32 $0xFFFFF000  }
.LBB2_24:
0x415: {  	[spmem:s20] =	stream.indirect.scatter.add.f32 [tilespmem:s5], [sflag:$0x4], $0x40, s13, s0, $0xb8;
	[tilespmem:$0x1FE00] =	vst v63  }
0x416: {  	s13 =	smov.u32 s12  }
0x417: {  	p0 =	sne.s32 s12, $0xFFFFFE00;
	s12 =	sadd.s32 $0x200, s12;
	_ =	swait.ge [sflag:s7], $0x1000  }
0x418: {  	s13 =	sshra.s32 s13, $0x2;
	[sflag:s7] =	ssyncset.done $0x0  }
0x419: {  	s14 =	sadd.s32 $0x9D00, s13;
	[sflag:s7] =	ssyncadd.s32 $0xFFFFF000  }
0x41a: {  	[tilespmem:s4], [sflag:$0x1] =	stream.indirect.gather [spmem:s18], $0x40, s14, s0, $0xb8;
	[tilespmem:$0x1FE00] =	vst v63  }
0x41b: {  	_ =	swait.ge [sflag:s8], $0x1000  }
0x41c: {  	[sflag:s8] =	ssyncset.done $0x0  }
0x41d: {  	s14 =	sadd.s32 $0x9D40, s13;
	[sflag:s8] =	ssyncadd.s32 $0xFFFFF000  }
0x41e: {  	[tilespmem:s5], [sflag:$0x2] =	stream.indirect.gather [spmem:s18], $0x40, s14, s0, $0xb8;
	[tilespmem:$0x1FE00] =	vst v63  }
0x41f: {  	_ =	swait.ge [sflag:s30], $0x1000  }
0x420: {  	[sflag:s30] =	ssyncset.done $0x0  }
.Ltmp11:
0x421: {  	s14 =	sadd.s32 $0x4E80, s13;
	[sflag:s30] =	ssyncadd.s32 $0xFFFFF000;
	(pc) =	sbr.rel @p0 .LBB2_24-.Ltmp11, $4  }
0x422: {  	[spmem:s20] =	stream.indirect.scatter.add.f32 [tilespmem:s4], [sflag:$0x3], $0x40, s14, s0, $0xb8;
	[tilespmem:$0x1FE00] =	vst v63  }
0x423: {  	_ =	swait.ge [sflag:s3], $0x1000  }
0x424: {  	[sflag:s3] =	ssyncset.done $0x0  }
0x425: {  	s13 =	sadd.s32 $0x4EC0, s13;
	[sflag:s3] =	ssyncadd.s32 $0xFFFFF000  }
0x426: {  	[spmem:s20] =	stream.indirect.scatter.add.f32 [tilespmem:s5], [sflag:$0x4], $0x40, s13, s0, $0xb8;
	[tilespmem:$0x1FE00] =	vst v63  }
0x427: {  	_ =	swait.ge [sflag:s7], $0x1000  }
0x428: {  	[sflag:s7] =	ssyncset.done $0x0  }
0x429: {  	[sflag:s7] =	ssyncadd.s32 $0xFFFFF000  }
0x42a: {  	_ =	swait.ge [sflag:s8], $0x1000  }
0x42b: {  	s10 =	sadd.s32 $0x1, s10;
	[sflag:s8] =	ssyncset.done $0x0  }
0x42c: {  	p0 =	sne.s32 s10, s24;
	[sflag:s8] =	ssyncadd.s32 $0xFFFFF000  }
.Ltmp12:
0x42d: {  	[bflag:$0x0] =	sbarrier.arrive $0xFFFF;
	(pc) =	sbr.rel @p0 .LBB2_1-.Ltmp12, $4  }
0x42e: {  	[hbm:s23], [sflag:s26] =	dma.local [spmem:s11], $0x1390  }
0x42f: {  	_ =	swait.ge [sflag:s31], $0x1390  }
0x430: {  	[sflag:s31] =	ssyncset.done $0x0  }
0x431: {  	[sflag:s31] =	ssyncadd.s32 $0xFFFFEC70  }
0x432: {  	_ =	sfence.sel $0x180000  }
0x433: {  	[bflag:$0x0] =	sbarrier.arrive $0xFFFF  }
0x434: {  	_ =	strace $0x9000004A  }
0x435: {  	s0 =	stileid.u32;
	[bflag:$0x2] =	sbarrier.arrive $0xFFFF  }
0x436: {  	p0 =	sne.s32 s0, $0x0;
	s0 =	rddreg [dreg:$0x4]  }
0x437: {  	s0 =	sadd.s32 @!p0 $0x100000, s0  }
0x438: {  	[sflag:s0] =	ssyncadd.tile.s32 @!p0 $0x1;
	_ =	shalt  }
.Lfunc_end2:
_tile_overlayer_lowered:
.L_overlay_start_2:
0x439: {  	(tag) =	ssettag $0x2  }
0x43a: {  	s0 =	rddreg [dreg:$0x0];
	s2 =	stileid.u32  }
0x43b: {  	s1 =	rddreg [dreg:$0x1];
	p0 =	sne.s32 s2, $0x0  }
0x43c: {  	s3 =	rddreg [dreg:$0x2];
	[bflag:$0x3] =	sbarrier.arrive $0xFFFF;
	s2 =	simm.s32 @!p0 $0x1C05  }
0x43d: {  	[timem:s3], [sflag:s2] =	dma.local @!p0 [hbm:s0], s1  }
0x43e: {  	s0 =	simm.s32 @!p0 $0x5  }
0x43f: {  	_ =	swait.ge @!p0 [sflag:s0], s1  }
0x440: {  	s1 =	ssub.s32 @!p0 $0x0, s1;
	[sflag:s0] =	ssyncset.done @!p0 $0x0  }
0x441: {  	[sflag:s0] =	ssyncadd.s32 @!p0 s1  }
0x442: {  	[bflag:$0x3] =	sbarrier.arrive $0xFFFF  }
0x443: {  	_ =	shalt  }

</sc_bundles>
